<compile_context>
chip_gen: v7x
topology: tpu7x:2x2x1
jax: 0.10.2.dev20260603
libtpu: 0.0.44.dev20260713+nightly
codegen_flags: <defaults>
</compile_context>

<pallas_src>
import functools

import jax
import jax.numpy as jnp
from jax import lax
from jax.experimental import pallas as pl
from jax.experimental.pallas import tpu as pltpu
from jax.experimental.pallas import tpu_sc as plsc

B, S, D, A, E = 2, 2048, 1024, 128, 8
T = B * S
T2 = 2 * T
BT = 512
BTS = 256
MAXB = T2 // BTS + E
PMAX = MAXB * BTS
NC, NS = 2, 16
NW = NC * NS
ROWS_K3 = PMAX // NW
ROWS_K5 = T2 // NW
CH = 32
DP = D // 2


def _pack(lo, hi):
    lo_b = lax.shift_right_logical(
        lax.bitcast_convert_type(lo.astype(jnp.bfloat16).astype(jnp.float32),
                                 jnp.int32), 16)
    hi_b = lax.bitcast_convert_type(
        hi.astype(jnp.bfloat16).astype(jnp.float32), jnp.int32) & (-65536)
    return hi_b | lo_b


def _unpack(pk):
    lo = lax.bitcast_convert_type(lax.shift_left(pk, 16), jnp.float32)
    hi = lax.bitcast_convert_type(pk & (-65536), jnp.float32)
    return lo, hi


def _gate_kernel(a_ref, wg_ref, bg_ref, h_ref,
                 ii_ref, gg_ref, pwe_ref, cnt_ref, bexp_ref, val_ref,
                 hp1_ref, hp2_ref, ent_ref, basev):
    i = pl.program_id(0)
    n_blocks = T // BT

    @pl.when(i == 0)
    def _():
        basev[...] = jnp.zeros((1, E), jnp.float32)
        ent_ref[0, 0] = jnp.float32(0.0)

    h = h_ref[...]
    h_bf = h.astype(jnp.bfloat16)

    wg = wg_ref[...]
    wg_h = wg[:, :D].astype(jnp.bfloat16)
    wg_a = wg[:, D:].astype(jnp.bfloat16)
    b_idx = i * BT // S
    a_bf = a_ref[pl.ds(b_idx, 1), :].astype(jnp.bfloat16)
    logits = jax.lax.dot_general(
        h_bf, wg_h, (((1,), (1,)), ((), ())),
        preferred_element_type=jnp.float32)
    logits_a = jax.lax.dot_general(
        a_bf, wg_a, (((1,), (1,)), ((), ())),
        preferred_element_type=jnp.float32)
    logits = logits + logits_a + bg_ref[...]

    m = jnp.max(logits, axis=-1, keepdims=True)
    p = jnp.exp(logits - m)
    s = jnp.sum(p, axis=-1, keepdims=True)
    g = p / s

    iota = lax.broadcasted_iota(jnp.int32, (BT, E), 1)
    m1 = jnp.max(g, axis=-1, keepdims=True)
    i1 = jnp.min(jnp.where(g == m1, iota, E), axis=-1, keepdims=True)
    gm = jnp.where(iota == i1, -jnp.inf, g)
    m2 = jnp.max(gm, axis=-1, keepdims=True)
    i2 = jnp.min(jnp.where(gm == m2, iota, E), axis=-1, keepdims=True)
    den = m1 + m2
    g1n = m1 / den
    g2n = m2 / den

    ent_ref[0, 0] += jnp.sum(g * jnp.log(g + 1e-10))

    m1hot = (iota == i1).astype(jnp.bfloat16)
    m2hot = (iota == i2).astype(jnp.bfloat16)
    r = lax.broadcasted_iota(jnp.int32, (BT, BT), 0)
    c = lax.broadcasted_iota(jnp.int32, (BT, BT), 1)
    ltri = (c < r).astype(jnp.bfloat16)
    cex = jax.lax.dot_general(
        ltri, m1hot + m2hot, (((1,), (0,)), ((), ())),
        preferred_element_type=jnp.float32)
    pvec = basev[...] + cex
    pwe1 = jnp.sum(jnp.where(iota == i1, pvec, 0.0), axis=-1, keepdims=True)
    pwe2 = jnp.sum(jnp.where(iota == i2, pvec, 0.0), axis=-1, keepdims=True)
    basev[...] += jnp.sum(m1hot + m2hot, axis=0, keepdims=True
                          ).astype(jnp.float32)

    ii_ref[...] = jnp.concatenate([i1, i2], axis=1)
    gg_ref[...] = jnp.concatenate([g1n, g2n], axis=1)
    pwe_ref[...] = jnp.concatenate([pwe1, pwe2], axis=1).astype(jnp.int32)
    hp1_ref[...] = _pack(h[:, :DP] * g1n, h[:, DP:] * g1n)
    hp2_ref[...] = _pack(h[:, :DP] * g2n, h[:, DP:] * g2n)

    @pl.when(i == n_blocks - 1)
    def _():
        ent_ref[0, 0] = ent_ref[0, 0] * jnp.float32(-1.0 / T)
        cnt = basev[...]
        lane8 = lax.broadcasted_iota(jnp.int32, (1, E), 1)
        iota64 = lax.broadcasted_iota(jnp.int32, (1, 64), 1
                                      ).astype(jnp.float32)
        bexp = jnp.full((1, 64), -1.0, jnp.float32)
        val = jnp.zeros((1, 64), jnp.float32)
        pbase = jnp.zeros((1, E), jnp.float32)
        run = jnp.float32(0.0)
        for e in range(E):
            ce = jnp.sum(jnp.where(lane8 == e, cnt, 0.0))
            cpad = jnp.floor((ce + (BTS - 1)) / BTS) * BTS
            pbase = pbase + jnp.where(lane8 == e, run, 0.0)
            blkbase = run / BTS
            bexp = bexp + (iota64 >= blkbase).astype(jnp.float32)
            val = val + jnp.where(
                bexp == e,
                jnp.clip(ce - (iota64 - blkbase) * BTS, 0.0, float(BTS)),
                0.0)
            run = run + cpad
        pbase16 = jnp.concatenate(
            [pbase, jnp.zeros((1, 8), jnp.float32)], axis=1)
        cnt_ref[...] = pbase16.astype(jnp.int32)
        bexp_ref[...] = jnp.clip(bexp, 0.0, float(E - 1)).astype(jnp.int32)
        val_ref[...] = val.astype(jnp.int32)


def _pos_kernel(ii_ref, pwe_ref, pbase_ref, sp_ref, s1_ref, s2_ref):
    lane16 = lax.broadcasted_iota(jnp.int32, (1, 16), 1)
    ii = ii_ref[...]
    acc = jnp.zeros((T, 2), jnp.int32)
    pbase = pbase_ref[...]
    for e in range(E):
        be_s = jnp.sum(jnp.where(lane16 == e, pbase, 0))
        acc = acc + jnp.where(ii == e, be_s, 0)
    sp = acc + pwe_ref[...]
    sp_ref[...] = sp
    s1_ref[...] = sp[:, 0:1]
    s2_ref[...] = sp[:, 1:2]


def _rowscatter_body(s1_hbm, s2_hbm, h1_hbm, h2_hbm, hs_hbm,
                     s1_v, s2_v, bufs1, bufs2, sem1, sem2, sem_a, sem_b):
    cid = lax.axis_index("c")
    sid = lax.axis_index("s")
    wid = sid * NC + cid
    t0 = wid * (T // NW)
    pltpu.sync_copy(s1_hbm.at[pl.ds(t0, T // NW)], s1_v)
    pltpu.sync_copy(s2_hbm.at[pl.ds(t0, T // NW)], s2_v)
    SCH = 16
    nch = (T // NW) // SCH

    def fire(c):
        return (
            pltpu.async_copy(h1_hbm.at[pl.ds(t0 + c * SCH, SCH)],
                             bufs1.at[c % 2], sem1.at[c % 2]),
            pltpu.async_copy(h2_hbm.at[pl.ds(t0 + c * SCH, SCH)],
                             bufs2.at[c % 2], sem2.at[c % 2]))

    live = fire(0)
    for c in range(nch):
        nxt = fire(c + 1) if c + 1 < nch else None
        live[0].wait()
        live[1].wait()
        sl = pl.ds(c * SCH, SCH)
        a = pltpu.async_copy(bufs1.at[c % 2], hs_hbm.at[s1_v.at[sl]], sem_a)
        b = pltpu.async_copy(bufs2.at[c % 2], hs_hbm.at[s2_v.at[sl]], sem_b)
        a.wait()
        b.wait()
        live = nxt


def _gather_body(idx_hbm, tab_hbm, out_hbm, idx_v, bufs, sem,
                 *, rows_per_w, clamp_hi, depth):
    cid = lax.axis_index("c")
    sid = lax.axis_index("s")
    wid = sid * NC + cid
    base = wid * rows_per_w
    nch = rows_per_w // CH

    pltpu.sync_copy(idx_hbm.at[pl.ds(base, rows_per_w)], idx_v)
    for k in range(rows_per_w // 16):
        sl = pl.ds(k * 16, 16)
        idx_v[sl] = jnp.clip(idx_v[sl], 0, clamp_hi)

    def fire(ch):
        return pltpu.async_copy(
            tab_hbm.at[idx_v.at[pl.ds(ch * CH, CH)]],
            bufs.at[ch % depth], sem.at[ch % depth])

    live = [fire(ch) for ch in range(min(depth, nch))]
    for ch in range(nch):
        live[ch % depth].wait()
        pltpu.sync_copy(bufs.at[ch % depth],
                        out_hbm.at[pl.ds(base + ch * CH, CH)])
        if ch + depth < nch:
            live[ch % depth] = fire(ch + depth)


def _expert_kernel(bexp_ref, hg_ref, we_ref, y_ref):
    h_lo, h_hi = _unpack(hg_ref[...])
    hf = jnp.concatenate([h_lo, h_hi], axis=1)
    hb = hf.astype(jnp.bfloat16)
    wb = we_ref[0].astype(jnp.bfloat16)
    y = jax.lax.dot_general(
        hb, wb, (((1,), (1,)), ((), ())),
        preferred_element_type=jnp.float32)
    y_ref[...] = _pack(y[:, :DP], y[:, DP:])


def _pairsum_kernel(ys_ref, ii_ref, gg_ref, be_ref, out_ref):
    ys = ys_ref[...]
    a_lo, a_hi = _unpack(ys[:, :DP])
    b_lo, b_hi = _unpack(ys[:, DP:])
    lo = a_lo + b_lo
    hi = a_hi + b_hi
    ii = ii_ref[...]
    gg = gg_ref[...]
    i1 = ii[:, 0:1]
    i2 = ii[:, 1:2]
    g1 = gg[:, 0:1]
    g2 = gg[:, 1:2]
    io8 = lax.broadcasted_iota(jnp.int32, (BT, E), 1)
    w8 = (jnp.where(io8 == i1, g1, 0.0)
          + jnp.where(io8 == i2, g2, 0.0))
    bias = jax.lax.dot_general(
        w8, be_ref[...], (((1,), (0,)), ((), ())),
        preferred_element_type=jnp.float32)
    out_ref[...] = jnp.concatenate(
        [lo + bias[:, :DP], hi + bias[:, DP:]], axis=1)


@jax.jit
def kernel(h, a, We, be, Wg, bg):
    h2 = h.reshape(T, D)
    bg2 = bg.reshape(1, E)

    n_blocks = T // BT
    ii, gg, pwe, cnt16, bexp64, val64, hp1, hp2, ent = pl.pallas_call(
        _gate_kernel,
        grid=(n_blocks,),
        in_specs=[
            pl.BlockSpec((B, A), lambda i: (0, 0)),
            pl.BlockSpec((E, D + A), lambda i: (0, 0)),
            pl.BlockSpec((1, E), lambda i: (0, 0)),
            pl.BlockSpec((BT, D), lambda i: (i, 0)),
        ],
        out_specs=[
            pl.BlockSpec((BT, 2), lambda i: (i, 0)),
            pl.BlockSpec((BT, 2), lambda i: (i, 0)),
            pl.BlockSpec((BT, 2), lambda i: (i, 0)),
            pl.BlockSpec((1, 16), lambda i: (0, 0)),
            pl.BlockSpec((1, 64), lambda i: (0, 0)),
            pl.BlockSpec((1, 64), lambda i: (0, 0)),
            pl.BlockSpec((BT, DP), lambda i: (i, 0)),
            pl.BlockSpec((BT, DP), lambda i: (i, 0)),
            pl.BlockSpec(memory_space=pltpu.SMEM),
        ],
        out_shape=[
            jax.ShapeDtypeStruct((T, 2), jnp.int32),
            jax.ShapeDtypeStruct((T, 2), jnp.float32),
            jax.ShapeDtypeStruct((T, 2), jnp.int32),
            jax.ShapeDtypeStruct((1, 16), jnp.int32),
            jax.ShapeDtypeStruct((1, 64), jnp.int32),
            jax.ShapeDtypeStruct((1, 64), jnp.int32),
            jax.ShapeDtypeStruct((T, DP), jnp.int32),
            jax.ShapeDtypeStruct((T, DP), jnp.int32),
            jax.ShapeDtypeStruct((1, 1), jnp.float32),
        ],
        scratch_shapes=[pltpu.VMEM((1, E), jnp.float32)],
        compiler_params=pltpu.CompilerParams(
            dimension_semantics=("arbitrary",)),
    )(a, Wg, bg2, h2)

    mesh = plsc.VectorSubcoreMesh(core_axis_name="c", subcore_axis_name="s")

    sp, sp1, sp2 = pl.pallas_call(
        _pos_kernel,
        in_specs=[
            pl.BlockSpec((T, 2), lambda: (0, 0)),
            pl.BlockSpec((T, 2), lambda: (0, 0)),
            pl.BlockSpec((1, 16), lambda: (0, 0)),
        ],
        out_specs=[
            pl.BlockSpec((T, 2), lambda: (0, 0)),
            pl.BlockSpec((T, 1), lambda: (0, 0)),
            pl.BlockSpec((T, 1), lambda: (0, 0)),
        ],
        out_shape=[
            jax.ShapeDtypeStruct((T, 2), jnp.int32),
            jax.ShapeDtypeStruct((T, 1), jnp.int32),
            jax.ShapeDtypeStruct((T, 1), jnp.int32),
        ],
    )(ii, pwe, cnt16)
    pos = sp.reshape(T2)

    hg = pl.kernel(
        _rowscatter_body,
        out_type=jax.ShapeDtypeStruct((PMAX, DP), jnp.int32),
        mesh=mesh,
        scratch_types=[
            pltpu.VMEM((T // NW,), jnp.int32),
            pltpu.VMEM((T // NW,), jnp.int32),
            pltpu.VMEM((2, 16, DP), jnp.int32),
            pltpu.VMEM((2, 16, DP), jnp.int32),
            pltpu.SemaphoreType.DMA((2,)),
            pltpu.SemaphoreType.DMA((2,)),
            pltpu.SemaphoreType.DMA,
            pltpu.SemaphoreType.DMA,
        ],
    )(sp1.reshape(T), sp2.reshape(T), hp1, hp2)

    y = pl.pallas_call(
        _expert_kernel,
        grid_spec=pltpu.PrefetchScalarGridSpec(
            num_scalar_prefetch=1,
            grid=(MAXB,),
            in_specs=[
                pl.BlockSpec((BTS, DP), lambda i, be_: (i, 0)),
                pl.BlockSpec((1, D, D), lambda i, be_: (be_[i], 0, 0)),
            ],
            out_specs=pl.BlockSpec((BTS, DP), lambda i, be_: (i, 0)),
        ),
        out_shape=jax.ShapeDtypeStruct((PMAX, DP), jnp.int32),
        compiler_params=pltpu.CompilerParams(
            dimension_semantics=("arbitrary",)),
    )(bexp64.reshape(64)[:MAXB], hg, We)

    yg = pl.kernel(
        functools.partial(_gather_body, rows_per_w=ROWS_K5,
                          clamp_hi=PMAX - 1, depth=4),
        out_type=jax.ShapeDtypeStruct((T2, DP), jnp.int32),
        mesh=mesh,
        scratch_types=[
            pltpu.VMEM((ROWS_K5,), jnp.int32),
            pltpu.VMEM((4, CH, DP), jnp.int32),
            pltpu.SemaphoreType.DMA((4,)),
        ],
    )(pos, y)

    out = pl.pallas_call(
        _pairsum_kernel,
        grid=(n_blocks,),
        in_specs=[
            pl.BlockSpec((BT, 2 * DP), lambda i: (i, 0)),
            pl.BlockSpec((BT, 2), lambda i: (i, 0)),
            pl.BlockSpec((BT, 2), lambda i: (i, 0)),
            pl.BlockSpec((E, D), lambda i: (0, 0)),
        ],
        out_specs=pl.BlockSpec((BT, D), lambda i: (i, 0)),
        out_shape=jax.ShapeDtypeStruct((T, D), jnp.float32),
    )(yg.reshape(T, 2 * DP), ii, gg, be)

    return (out.reshape(B, S, D), ent[0, 0], jnp.float32(0.0))

# --- scband reference (transcript-rebuilt; emitter-appended) ---
"""Pipeline reference for scband-axis-mo-e-62766652064416 (READ-ONLY COPY).

The authoritative reference and input builder live on the scoring server;
editing this copy changes nothing except your own understanding.
"""

import jax, jax.numpy as jnp
import numpy as np

B, S, D, A, E = 2, 2048, 1024, 128, 8

def setup_inputs(seed: int = 0) -> dict:
    key = jax.random.key(seed)
    ks = jax.random.split(key, 6)
    h = jax.random.normal(ks[0], (B, S, D), dtype=jnp.float32)
    a = jax.random.normal(ks[1], (B, A), dtype=jnp.float32)
    We = jax.random.normal(ks[2], (E, D, D), dtype=jnp.float32) * (1.0 / np.sqrt(D))
    be = jax.random.normal(ks[3], (E, D), dtype=jnp.float32) * 0.01
    Wg = jax.random.normal(ks[4], (E, D + A), dtype=jnp.float32) * (1.0 / np.sqrt(D + A))
    bg = jax.random.normal(ks[5], (E,), dtype=jnp.float32) * 0.01
    return {"h": h, "a": a, "We": We, "be": be, "Wg": Wg, "bg": bg}

def reference(h, a, We, be, Wg, bg):
    b, s, d = h.shape
    n_exp = We.shape[0]
    a_rep = jnp.broadcast_to(a[:, None, :], (b, s, a.shape[-1]))
    gate_input = jnp.concatenate([h, a_rep], axis=-1)
    logits = gate_input @ Wg.T + bg
    g = jax.nn.softmax(logits, axis=-1)
    topk_gates, topk_idx = jax.lax.top_k(g, 2)
    topk_gates = topk_gates / jnp.sum(topk_gates, axis=-1, keepdims=True)
    h_flat = h.reshape(-1, d)
    final = jnp.zeros_like(h_flat)
    for i in range(n_exp):
        # gate value is 0 for tokens where expert i is not in top-k, so masked
        # accumulation in the torch loop is equivalent to weighting by gate_vals
        gate_vals = jnp.sum(jnp.where(topk_idx == i, topk_gates, jnp.zeros_like(topk_gates)), axis=-1).reshape(-1, 1)
        expert_out = h_flat @ We[i].T + be[i]
        final = final + expert_out * gate_vals
    output = final.reshape(b, s, d)
    entropy_loss = -jnp.mean(jnp.sum(g * jnp.log(g + 1e-10), axis=-1))
    stability_loss = jnp.float32(0.0)  # eval mode: prev_gates is None
    return (output, entropy_loss, stability_loss)

if __name__ == "__main__":
    import jax
    _d = setup_inputs()
    print(jax.jit(kernel)(*tuple(_d.values())))

</pallas_src>

<mosaic_0001>
#map = affine_map<(d0, d1) -> (0)>
#map1 = affine_map<(d0, d1) -> (0, 0)>
module attributes {stable_mosaic.version = 14 : i64} {
  func.func @_gather_body(%arg0: i32, %arg1: i32, %arg2: memref<8192xi32, #tpu.memory_space<hbm>>, %arg3: memref<10240x512xi32, #tpu.memory_space<hbm>>, %arg4: memref<8192x512xi32, #tpu.memory_space<hbm>>, %arg5: memref<256xi32, #tpu.memory_space<vmem>>, %arg6: memref<4x32x512xi32, #tpu.memory_space<vmem>>, %arg7: memref<4x!tpu.dma_semaphore, #tpu.memory_space<semaphore_mem>>) attributes {dimension_semantics = [#tpu.dimension_semantics<core_parallel>, #tpu.dimension_semantics<subcore_parallel>], iteration_bounds = array<i64: 2, 16>, scalar_prefetch = 0 : i64, scratch_operands = 3 : i64, tpu.core_type = #tpu.core_type<sc_vector_subcore>, window_params = [{transform_indices = #map}, {transform_indices = #map1}, {transform_indices = #map1}]} {
    %mul3A = arith.constant 2 : i32
    %mul3A_0 = arith.muli %arg1, %mul3A : i32
    %add3A = arith.addi %mul3A_0, %arg0 : i32
    %mul3A_1 = arith.constant 256 : i32
    %mul3A_2 = arith.muli %add3A, %mul3A_1 : i32
    "tpu.region"() ({
      %run_scoped3A_435 = tpu.sem_alloc : memref<!tpu.dma_semaphore, #tpu.memory_space<semaphore_mem>>
      %dma_start3A_436 = tpu.memref_slice %arg2[%mul3A_2] : memref<8192xi32, #tpu.memory_space<hbm>> -> memref<256xi32, #tpu.memory_space<hbm>>
      %dma_start3A_437 = tpu.memref_slice %arg2[%mul3A_2] : memref<8192xi32, #tpu.memory_space<hbm>> -> memref<256xi32, #tpu.memory_space<hbm>>
      tpu.enqueue_dma source(%dma_start3A_437 : memref<256xi32, #tpu.memory_space<hbm>>) target(%arg5 : memref<256xi32, #tpu.memory_space<vmem>>) target_semaphore(%run_scoped3A_435 : memref<!tpu.dma_semaphore, #tpu.memory_space<semaphore_mem>>)
      %dma_wait3A_438 = tpu.memref_slice %arg2[%mul3A_2] : memref<8192xi32, #tpu.memory_space<hbm>> -> memref<256xi32, #tpu.memory_space<hbm>>
      %dma_wait3A_439 = tpu.memref_slice %arg2[%mul3A_2] : memref<8192xi32, #tpu.memory_space<hbm>> -> memref<256xi32, #tpu.memory_space<hbm>>
      tpu.wait_dma2 semaphore(%run_scoped3A_435 : memref<!tpu.dma_semaphore, #tpu.memory_space<semaphore_mem>>) src(%dma_wait3A_439 : memref<256xi32, #tpu.memory_space<hbm>>) dst(%arg5 : memref<256xi32, #tpu.memory_space<vmem>>)
      tpu.yield
    }) : () -> ()
    %get3A = arith.constant 0 : index
    %get3A_3 = tpu.vector_load %arg5[%get3A] {strides = array<i32>} : memref<256xi32, #tpu.memory_space<vmem>>, vector<16xi32>,
    %get3A_4 = vector.shape_cast %get3A_3 : vector<16xi32> to vector<16xi32>
    %jit3A = arith.constant 0 : i32
    %jit3A_5 = arith.constant 10239 : i32
    %max3A = vector.broadcast %jit3A : i32 to vector<16xi32>
    %max3A_6 = arith.maxsi %max3A, %get3A_4 : vector<16xi32>
    %min3A = vector.broadcast %jit3A_5 : i32 to vector<16xi32>
    %min3A_7 = arith.minsi %min3A, %max3A_6 : vector<16xi32>
    %swap3A = arith.constant 0 : index
    %swap3A_8 = tpu.vector_load %arg5[%swap3A] {strides = array<i32>} : memref<256xi32, #tpu.memory_space<vmem>>, vector<16xi32>,
    %swap3A_9 = vector.shape_cast %swap3A_8 : vector<16xi32> to vector<16xi32>
    %swap3A_10 = vector.shape_cast %min3A_7 : vector<16xi32> to vector<16xi32>
    tpu.vector_store %arg5[%swap3A], %swap3A_10 {strides = array<i32>} : memref<256xi32, #tpu.memory_space<vmem>>, vector<16xi32>,
    %get3A_11 = arith.constant 16 : index
    %get3A_12 = tpu.vector_load %arg5[%get3A_11] {strides = array<i32>} : memref<256xi32, #tpu.memory_space<vmem>>, vector<16xi32>,
    %get3A_13 = vector.shape_cast %get3A_12 : vector<16xi32> to vector<16xi32>
    %jit3A_14 = arith.constant 0 : i32
    %jit3A_15 = arith.constant 10239 : i32
    %max3A_16 = vector.broadcast %jit3A_14 : i32 to vector<16xi32>
    %max3A_17 = arith.maxsi %max3A_16, %get3A_13 : vector<16xi32>
    %min3A_18 = vector.broadcast %jit3A_15 : i32 to vector<16xi32>
    %min3A_19 = arith.minsi %min3A_18, %max3A_17 : vector<16xi32>
    %swap3A_20 = arith.constant 16 : index
    %swap3A_21 = tpu.vector_load %arg5[%swap3A_20] {strides = array<i32>} : memref<256xi32, #tpu.memory_space<vmem>>, vector<16xi32>,
    %swap3A_22 = vector.shape_cast %swap3A_21 : vector<16xi32> to vector<16xi32>
    %swap3A_23 = vector.shape_cast %min3A_19 : vector<16xi32> to vector<16xi32>
    tpu.vector_store %arg5[%swap3A_20], %swap3A_23 {strides = array<i32>} : memref<256xi32, #tpu.memory_space<vmem>>, vector<16xi32>,
    %get3A_24 = arith.constant 32 : index
    %get3A_25 = tpu.vector_load %arg5[%get3A_24] {strides = array<i32>} : memref<256xi32, #tpu.memory_space<vmem>>, vector<16xi32>,
    %get3A_26 = vector.shape_cast %get3A_25 : vector<16xi32> to vector<16xi32>
    %jit3A_27 = arith.constant 0 : i32
    %jit3A_28 = arith.constant 10239 : i32
    %max3A_29 = vector.broadcast %jit3A_27 : i32 to vector<16xi32>
    %max3A_30 = arith.maxsi %max3A_29, %get3A_26 : vector<16xi32>
    %min3A_31 = vector.broadcast %jit3A_28 : i32 to vector<16xi32>
    %min3A_32 = arith.minsi %min3A_31, %max3A_30 : vector<16xi32>
    %swap3A_33 = arith.constant 32 : index
    %swap3A_34 = tpu.vector_load %arg5[%swap3A_33] {strides = array<i32>} : memref<256xi32, #tpu.memory_space<vmem>>, vector<16xi32>,
    %swap3A_35 = vector.shape_cast %swap3A_34 : vector<16xi32> to vector<16xi32>
    %swap3A_36 = vector.shape_cast %min3A_32 : vector<16xi32> to vector<16xi32>
    tpu.vector_store %arg5[%swap3A_33], %swap3A_36 {strides = array<i32>} : memref<256xi32, #tpu.memory_space<vmem>>, vector<16xi32>,
    %get3A_37 = arith.constant 48 : index
    %get3A_38 = tpu.vector_load %arg5[%get3A_37] {strides = array<i32>} : memref<256xi32, #tpu.memory_space<vmem>>, vector<16xi32>,
    %get3A_39 = vector.shape_cast %get3A_38 : vector<16xi32> to vector<16xi32>
    %jit3A_40 = arith.constant 0 : i32
    %jit3A_41 = arith.constant 10239 : i32
    %max3A_42 = vector.broadcast %jit3A_40 : i32 to vector<16xi32>
    %max3A_43 = arith.maxsi %max3A_42, %get3A_39 : vector<16xi32>
    %min3A_44 = vector.broadcast %jit3A_41 : i32 to vector<16xi32>
    %min3A_45 = arith.minsi %min3A_44, %max3A_43 : vector<16xi32>
    %swap3A_46 = arith.constant 48 : index
    %swap3A_47 = tpu.vector_load %arg5[%swap3A_46] {strides = array<i32>} : memref<256xi32, #tpu.memory_space<vmem>>, vector<16xi32>,
    %swap3A_48 = vector.shape_cast %swap3A_47 : vector<16xi32> to vector<16xi32>
    %swap3A_49 = vector.shape_cast %min3A_45 : vector<16xi32> to vector<16xi32>
    tpu.vector_store %arg5[%swap3A_46], %swap3A_49 {strides = array<i32>} : memref<256xi32, #tpu.memory_space<vmem>>, vector<16xi32>,
    %get3A_50 = arith.constant 64 : index
    %get3A_51 = tpu.vector_load %arg5[%get3A_50] {strides = array<i32>} : memref<256xi32, #tpu.memory_space<vmem>>, vector<16xi32>,
    %get3A_52 = vector.shape_cast %get3A_51 : vector<16xi32> to vector<16xi32>
    %jit3A_53 = arith.constant 0 : i32
    %jit3A_54 = arith.constant 10239 : i32
    %max3A_55 = vector.broadcast %jit3A_53 : i32 to vector<16xi32>
    %max3A_56 = arith.maxsi %max3A_55, %get3A_52 : vector<16xi32>
    %min3A_57 = vector.broadcast %jit3A_54 : i32 to vector<16xi32>
    %min3A_58 = arith.minsi %min3A_57, %max3A_56 : vector<16xi32>
    %swap3A_59 = arith.constant 64 : index
    %swap3A_60 = tpu.vector_load %arg5[%swap3A_59] {strides = array<i32>} : memref<256xi32, #tpu.memory_space<vmem>>, vector<16xi32>,
    %swap3A_61 = vector.shape_cast %swap3A_60 : vector<16xi32> to vector<16xi32>
    %swap3A_62 = vector.shape_cast %min3A_58 : vector<16xi32> to vector<16xi32>
    tpu.vector_store %arg5[%swap3A_59], %swap3A_62 {strides = array<i32>} : memref<256xi32, #tpu.memory_space<vmem>>, vector<16xi32>,
    %get3A_63 = arith.constant 80 : index
    %get3A_64 = tpu.vector_load %arg5[%get3A_63] {strides = array<i32>} : memref<256xi32, #tpu.memory_space<vmem>>, vector<16xi32>,
    %get3A_65 = vector.shape_cast %get3A_64 : vector<16xi32> to vector<16xi32>
    %jit3A_66 = arith.constant 0 : i32
    %jit3A_67 = arith.constant 10239 : i32
    %max3A_68 = vector.broadcast %jit3A_66 : i32 to vector<16xi32>
    %max3A_69 = arith.maxsi %max3A_68, %get3A_65 : vector<16xi32>
    %min3A_70 = vector.broadcast %jit3A_67 : i32 to vector<16xi32>
    %min3A_71 = arith.minsi %min3A_70, %max3A_69 : vector<16xi32>
    %swap3A_72 = arith.constant 80 : index
    %swap3A_73 = tpu.vector_load %arg5[%swap3A_72] {strides = array<i32>} : memref<256xi32, #tpu.memory_space<vmem>>, vector<16xi32>,
    %swap3A_74 = vector.shape_cast %swap3A_73 : vector<16xi32> to vector<16xi32>
    %swap3A_75 = vector.shape_cast %min3A_71 : vector<16xi32> to vector<16xi32>
    tpu.vector_store %arg5[%swap3A_72], %swap3A_75 {strides = array<i32>} : memref<256xi32, #tpu.memory_space<vmem>>, vector<16xi32>,
    %get3A_76 = arith.constant 96 : index
    %get3A_77 = tpu.vector_load %arg5[%get3A_76] {strides = array<i32>} : memref<256xi32, #tpu.memory_space<vmem>>, vector<16xi32>,
    %get3A_78 = vector.shape_cast %get3A_77 : vector<16xi32> to vector<16xi32>
    %jit3A_79 = arith.constant 0 : i32
    %jit3A_80 = arith.constant 10239 : i32
    %max3A_81 = vector.broadcast %jit3A_79 : i32 to vector<16xi32>
    %max3A_82 = arith.maxsi %max3A_81, %get3A_78 : vector<16xi32>
    %min3A_83 = vector.broadcast %jit3A_80 : i32 to vector<16xi32>
    %min3A_84 = arith.minsi %min3A_83, %max3A_82 : vector<16xi32>
    %swap3A_85 = arith.constant 96 : index
    %swap3A_86 = tpu.vector_load %arg5[%swap3A_85] {strides = array<i32>} : memref<256xi32, #tpu.memory_space<vmem>>, vector<16xi32>,
    %swap3A_87 = vector.shape_cast %swap3A_86 : vector<16xi32> to vector<16xi32>
    %swap3A_88 = vector.shape_cast %min3A_84 : vector<16xi32> to vector<16xi32>
    tpu.vector_store %arg5[%swap3A_85], %swap3A_88 {strides = array<i32>} : memref<256xi32, #tpu.memory_space<vmem>>, vector<16xi32>,
    %get3A_89 = arith.constant 112 : index
    %get3A_90 = tpu.vector_load %arg5[%get3A_89] {strides = array<i32>} : memref<256xi32, #tpu.memory_space<vmem>>, vector<16xi32>,
    %get3A_91 = vector.shape_cast %get3A_90 : vector<16xi32> to vector<16xi32>
    %jit3A_92 = arith.constant 0 : i32
    %jit3A_93 = arith.constant 10239 : i32
    %max3A_94 = vector.broadcast %jit3A_92 : i32 to vector<16xi32>
    %max3A_95 = arith.maxsi %max3A_94, %get3A_91 : vector<16xi32>
    %min3A_96 = vector.broadcast %jit3A_93 : i32 to vector<16xi32>
    %min3A_97 = arith.minsi %min3A_96, %max3A_95 : vector<16xi32>
    %swap3A_98 = arith.constant 112 : index
    %swap3A_99 = tpu.vector_load %arg5[%swap3A_98] {strides = array<i32>} : memref<256xi32, #tpu.memory_space<vmem>>, vector<16xi32>,
    %swap3A_100 = vector.shape_cast %swap3A_99 : vector<16xi32> to vector<16xi32>
    %swap3A_101 = vector.shape_cast %min3A_97 : vector<16xi32> to vector<16xi32>
    tpu.vector_store %arg5[%swap3A_98], %swap3A_101 {strides = array<i32>} : memref<256xi32, #tpu.memory_space<vmem>>, vector<16xi32>,
    %get3A_102 = arith.constant 128 : index
    %get3A_103 = tpu.vector_load %arg5[%get3A_102] {strides = array<i32>} : memref<256xi32, #tpu.memory_space<vmem>>, vector<16xi32>,
    %get3A_104 = vector.shape_cast %get3A_103 : vector<16xi32> to vector<16xi32>
    %jit3A_105 = arith.constant 0 : i32
    %jit3A_106 = arith.constant 10239 : i32
    %max3A_107 = vector.broadcast %jit3A_105 : i32 to vector<16xi32>
    %max3A_108 = arith.maxsi %max3A_107, %get3A_104 : vector<16xi32>
    %min3A_109 = vector.broadcast %jit3A_106 : i32 to vector<16xi32>
    %min3A_110 = arith.minsi %min3A_109, %max3A_108 : vector<16xi32>
    %swap3A_111 = arith.constant 128 : index
    %swap3A_112 = tpu.vector_load %arg5[%swap3A_111] {strides = array<i32>} : memref<256xi32, #tpu.memory_space<vmem>>, vector<16xi32>,
    %swap3A_113 = vector.shape_cast %swap3A_112 : vector<16xi32> to vector<16xi32>
    %swap3A_114 = vector.shape_cast %min3A_110 : vector<16xi32> to vector<16xi32>
    tpu.vector_store %arg5[%swap3A_111], %swap3A_114 {strides = array<i32>} : memref<256xi32, #tpu.memory_space<vmem>>, vector<16xi32>,
    %get3A_115 = arith.constant 144 : index
    %get3A_116 = tpu.vector_load %arg5[%get3A_115] {strides = array<i32>} : memref<256xi32, #tpu.memory_space<vmem>>, vector<16xi32>,
    %get3A_117 = vector.shape_cast %get3A_116 : vector<16xi32> to vector<16xi32>
    %jit3A_118 = arith.constant 0 : i32
    %jit3A_119 = arith.constant 10239 : i32
    %max3A_120 = vector.broadcast %jit3A_118 : i32 to vector<16xi32>
    %max3A_121 = arith.maxsi %max3A_120, %get3A_117 : vector<16xi32>
    %min3A_122 = vector.broadcast %jit3A_119 : i32 to vector<16xi32>
    %min3A_123 = arith.minsi %min3A_122, %max3A_121 : vector<16xi32>
    %swap3A_124 = arith.constant 144 : index
    %swap3A_125 = tpu.vector_load %arg5[%swap3A_124] {strides = array<i32>} : memref<256xi32, #tpu.memory_space<vmem>>, vector<16xi32>,
    %swap3A_126 = vector.shape_cast %swap3A_125 : vector<16xi32> to vector<16xi32>
    %swap3A_127 = vector.shape_cast %min3A_123 : vector<16xi32> to vector<16xi32>
    tpu.vector_store %arg5[%swap3A_124], %swap3A_127 {strides = array<i32>} : memref<256xi32, #tpu.memory_space<vmem>>, vector<16xi32>,
    %get3A_128 = arith.constant 160 : index
    %get3A_129 = tpu.vector_load %arg5[%get3A_128] {strides = array<i32>} : memref<256xi32, #tpu.memory_space<vmem>>, vector<16xi32>,
    %get3A_130 = vector.shape_cast %get3A_129 : vector<16xi32> to vector<16xi32>
    %jit3A_131 = arith.constant 0 : i32
    %jit3A_132 = arith.constant 10239 : i32
    %max3A_133 = vector.broadcast %jit3A_131 : i32 to vector<16xi32>
    %max3A_134 = arith.maxsi %max3A_133, %get3A_130 : vector<16xi32>
    %min3A_135 = vector.broadcast %jit3A_132 : i32 to vector<16xi32>
    %min3A_136 = arith.minsi %min3A_135, %max3A_134 : vector<16xi32>
    %swap3A_137 = arith.constant 160 : index
    %swap3A_138 = tpu.vector_load %arg5[%swap3A_137] {strides = array<i32>} : memref<256xi32, #tpu.memory_space<vmem>>, vector<16xi32>,
    %swap3A_139 = vector.shape_cast %swap3A_138 : vector<16xi32> to vector<16xi32>
    %swap3A_140 = vector.shape_cast %min3A_136 : vector<16xi32> to vector<16xi32>
    tpu.vector_store %arg5[%swap3A_137], %swap3A_140 {strides = array<i32>} : memref<256xi32, #tpu.memory_space<vmem>>, vector<16xi32>,
    %get3A_141 = arith.constant 176 : index
    %get3A_142 = tpu.vector_load %arg5[%get3A_141] {strides = array<i32>} : memref<256xi32, #tpu.memory_space<vmem>>, vector<16xi32>,
    %get3A_143 = vector.shape_cast %get3A_142 : vector<16xi32> to vector<16xi32>
    %jit3A_144 = arith.constant 0 : i32
    %jit3A_145 = arith.constant 10239 : i32
    %max3A_146 = vector.broadcast %jit3A_144 : i32 to vector<16xi32>
    %max3A_147 = arith.maxsi %max3A_146, %get3A_143 : vector<16xi32>
    %min3A_148 = vector.broadcast %jit3A_145 : i32 to vector<16xi32>
    %min3A_149 = arith.minsi %min3A_148, %max3A_147 : vector<16xi32>
    %swap3A_150 = arith.constant 176 : index
    %swap3A_151 = tpu.vector_load %arg5[%swap3A_150] {strides = array<i32>} : memref<256xi32, #tpu.memory_space<vmem>>, vector<16xi32>,
    %swap3A_152 = vector.shape_cast %swap3A_151 : vector<16xi32> to vector<16xi32>
    %swap3A_153 = vector.shape_cast %min3A_149 : vector<16xi32> to vector<16xi32>
    tpu.vector_store %arg5[%swap3A_150], %swap3A_153 {strides = array<i32>} : memref<256xi32, #tpu.memory_space<vmem>>, vector<16xi32>,
    %get3A_154 = arith.constant 192 : index
    %get3A_155 = tpu.vector_load %arg5[%get3A_154] {strides = array<i32>} : memref<256xi32, #tpu.memory_space<vmem>>, vector<16xi32>,
    %get3A_156 = vector.shape_cast %get3A_155 : vector<16xi32> to vector<16xi32>
    %jit3A_157 = arith.constant 0 : i32
    %jit3A_158 = arith.constant 10239 : i32
    %max3A_159 = vector.broadcast %jit3A_157 : i32 to vector<16xi32>
    %max3A_160 = arith.maxsi %max3A_159, %get3A_156 : vector<16xi32>
    %min3A_161 = vector.broadcast %jit3A_158 : i32 to vector<16xi32>
    %min3A_162 = arith.minsi %min3A_161, %max3A_160 : vector<16xi32>
    %swap3A_163 = arith.constant 192 : index
    %swap3A_164 = tpu.vector_load %arg5[%swap3A_163] {strides = array<i32>} : memref<256xi32, #tpu.memory_space<vmem>>, vector<16xi32>,
    %swap3A_165 = vector.shape_cast %swap3A_164 : vector<16xi32> to vector<16xi32>
    %swap3A_166 = vector.shape_cast %min3A_162 : vector<16xi32> to vector<16xi32>
    tpu.vector_store %arg5[%swap3A_163], %swap3A_166 {strides = array<i32>} : memref<256xi32, #tpu.memory_space<vmem>>, vector<16xi32>,
    %get3A_167 = arith.constant 208 : index
    %get3A_168 = tpu.vector_load %arg5[%get3A_167] {strides = array<i32>} : memref<256xi32, #tpu.memory_space<vmem>>, vector<16xi32>,
    %get3A_169 = vector.shape_cast %get3A_168 : vector<16xi32> to vector<16xi32>
    %jit3A_170 = arith.constant 0 : i32
    %jit3A_171 = arith.constant 10239 : i32
    %max3A_172 = vector.broadcast %jit3A_170 : i32 to vector<16xi32>
    %max3A_173 = arith.maxsi %max3A_172, %get3A_169 : vector<16xi32>
    %min3A_174 = vector.broadcast %jit3A_171 : i32 to vector<16xi32>
    %min3A_175 = arith.minsi %min3A_174, %max3A_173 : vector<16xi32>
    %swap3A_176 = arith.constant 208 : index
    %swap3A_177 = tpu.vector_load %arg5[%swap3A_176] {strides = array<i32>} : memref<256xi32, #tpu.memory_space<vmem>>, vector<16xi32>,
    %swap3A_178 = vector.shape_cast %swap3A_177 : vector<16xi32> to vector<16xi32>
    %swap3A_179 = vector.shape_cast %min3A_175 : vector<16xi32> to vector<16xi32>
    tpu.vector_store %arg5[%swap3A_176], %swap3A_179 {strides = array<i32>} : memref<256xi32, #tpu.memory_space<vmem>>, vector<16xi32>,
    %get3A_180 = arith.constant 224 : index
    %get3A_181 = tpu.vector_load %arg5[%get3A_180] {strides = array<i32>} : memref<256xi32, #tpu.memory_space<vmem>>, vector<16xi32>,
    %get3A_182 = vector.shape_cast %get3A_181 : vector<16xi32> to vector<16xi32>
    %jit3A_183 = arith.constant 0 : i32
    %jit3A_184 = arith.constant 10239 : i32
    %max3A_185 = vector.broadcast %jit3A_183 : i32 to vector<16xi32>
    %max3A_186 = arith.maxsi %max3A_185, %get3A_182 : vector<16xi32>
    %min3A_187 = vector.broadcast %jit3A_184 : i32 to vector<16xi32>
    %min3A_188 = arith.minsi %min3A_187, %max3A_186 : vector<16xi32>
    %swap3A_189 = arith.constant 224 : index
    %swap3A_190 = tpu.vector_load %arg5[%swap3A_189] {strides = array<i32>} : memref<256xi32, #tpu.memory_space<vmem>>, vector<16xi32>,
    %swap3A_191 = vector.shape_cast %swap3A_190 : vector<16xi32> to vector<16xi32>
    %swap3A_192 = vector.shape_cast %min3A_188 : vector<16xi32> to vector<16xi32>
    tpu.vector_store %arg5[%swap3A_189], %swap3A_192 {strides = array<i32>} : memref<256xi32, #tpu.memory_space<vmem>>, vector<16xi32>,
    %get3A_193 = arith.constant 240 : index
    %get3A_194 = tpu.vector_load %arg5[%get3A_193] {strides = array<i32>} : memref<256xi32, #tpu.memory_space<vmem>>, vector<16xi32>,
    %get3A_195 = vector.shape_cast %get3A_194 : vector<16xi32> to vector<16xi32>
    %jit3A_196 = arith.constant 0 : i32
    %jit3A_197 = arith.constant 10239 : i32
    %max3A_198 = vector.broadcast %jit3A_196 : i32 to vector<16xi32>
    %max3A_199 = arith.maxsi %max3A_198, %get3A_195 : vector<16xi32>
    %min3A_200 = vector.broadcast %jit3A_197 : i32 to vector<16xi32>
    %min3A_201 = arith.minsi %min3A_200, %max3A_199 : vector<16xi32>
    %swap3A_202 = arith.constant 240 : index
    %swap3A_203 = tpu.vector_load %arg5[%swap3A_202] {strides = array<i32>} : memref<256xi32, #tpu.memory_space<vmem>>, vector<16xi32>,
    %swap3A_204 = vector.shape_cast %swap3A_203 : vector<16xi32> to vector<16xi32>
    %swap3A_205 = vector.shape_cast %min3A_201 : vector<16xi32> to vector<16xi32>
    tpu.vector_store %arg5[%swap3A_202], %swap3A_205 {strides = array<i32>} : memref<256xi32, #tpu.memory_space<vmem>>, vector<16xi32>,
    %dma_start3A = arith.constant 0 : i32
    %dma_start3A_206 = arith.constant 0 : i32
    %dma_start3A_207 = arith.constant 0 : i32
    %dma_start3A_208 = arith.constant 0 : i32
    %dma_start3A_209 = tpu.memref_slice %arg6[%dma_start3A, %dma_start3A_207, %dma_start3A_208] : memref<4x32x512xi32, #tpu.memory_space<vmem>> -> memref<1x32x512xi32, #tpu.memory_space<vmem>>
    %dma_start3A_210 = tpu.memref_squeeze %dma_start3A_209 : memref<1x32x512xi32, #tpu.memory_space<vmem>> -> memref<32x512xi32, #tpu.memory_space<vmem>>
    %dma_start3A_211 = arith.constant 0 : i32
    %dma_start3A_212 = tpu.memref_slice %arg5[%dma_start3A_211] : memref<256xi32, #tpu.memory_space<vmem>> -> memref<32xi32, #tpu.memory_space<vmem>>
    %dma_start3A_213 = arith.constant 0 : i32
    %dma_start3A_214 = arith.constant 0 : i32
    %dma_start3A_215 = tpu.memref_slice %arg3[%dma_start3A_213, %dma_start3A_214] : memref<10240x512xi32, #tpu.memory_space<hbm>> -> memref<10240x512xi32, #tpu.memory_space<hbm>>
    %dma_start3A_216 = tpu.memref_slice %arg7[%dma_start3A_206] : memref<4x!tpu.dma_semaphore, #tpu.memory_space<semaphore_mem>> -> memref<1x!tpu.dma_semaphore, #tpu.memory_space<semaphore_mem>>
    %dma_start3A_217 = tpu.memref_squeeze %dma_start3A_216 : memref<1x!tpu.dma_semaphore, #tpu.memory_space<semaphore_mem>> -> memref<!tpu.dma_semaphore, #tpu.memory_space<semaphore_mem>>
    tpu.enqueue_indirect_dma source(%dma_start3A_215 : memref<10240x512xi32, #tpu.memory_space<hbm>>) target(%dma_start3A_210 : memref<32x512xi32, #tpu.memory_space<vmem>>) offsets(%dma_start3A_212 : memref<32xi32, #tpu.memory_space<vmem>>) semaphore(%dma_start3A_217 : memref<!tpu.dma_semaphore, #tpu.memory_space<semaphore_mem>>)
    %dma_start3A_218 = arith.constant 1 : i32
    %dma_start3A_219 = arith.constant 1 : i32
    %dma_start3A_220 = arith.constant 0 : i32
    %dma_start3A_221 = arith.constant 0 : i32
    %dma_start3A_222 = tpu.memref_slice %arg6[%dma_start3A_218, %dma_start3A_220, %dma_start3A_221] : memref<4x32x512xi32, #tpu.memory_space<vmem>> -> memref<1x32x512xi32, #tpu.memory_space<vmem>>
    %dma_start3A_223 = tpu.memref_squeeze %dma_start3A_222 : memref<1x32x512xi32, #tpu.memory_space<vmem>> -> memref<32x512xi32, #tpu.memory_space<vmem>>
    %dma_start3A_224 = arith.constant 32 : i32
    %dma_start3A_225 = tpu.memref_slice %arg5[%dma_start3A_224] : memref<256xi32, #tpu.memory_space<vmem>> -> memref<32xi32, #tpu.memory_space<vmem>>
    %dma_start3A_226 = arith.constant 0 : i32
    %dma_start3A_227 = arith.constant 0 : i32
    %dma_start3A_228 = tpu.memref_slice %arg3[%dma_start3A_226, %dma_start3A_227] : memref<10240x512xi32, #tpu.memory_space<hbm>> -> memref<10240x512xi32, #tpu.memory_space<hbm>>
    %dma_start3A_229 = tpu.memref_slice %arg7[%dma_start3A_219] : memref<4x!tpu.dma_semaphore, #tpu.memory_space<semaphore_mem>> -> memref<1x!tpu.dma_semaphore, #tpu.memory_space<semaphore_mem>>
    %dma_start3A_230 = tpu.memref_squeeze %dma_start3A_229 : memref<1x!tpu.dma_semaphore, #tpu.memory_space<semaphore_mem>> -> memref<!tpu.dma_semaphore, #tpu.memory_space<semaphore_mem>>
    tpu.enqueue_indirect_dma source(%dma_start3A_228 : memref<10240x512xi32, #tpu.memory_space<hbm>>) target(%dma_start3A_223 : memref<32x512xi32, #tpu.memory_space<vmem>>) offsets(%dma_start3A_225 : memref<32xi32, #tpu.memory_space<vmem>>) semaphore(%dma_start3A_230 : memref<!tpu.dma_semaphore, #tpu.memory_space<semaphore_mem>>)
    %dma_start3A_231 = arith.constant 2 : i32
    %dma_start3A_232 = arith.constant 2 : i32
    %dma_start3A_233 = arith.constant 0 : i32
    %dma_start3A_234 = arith.constant 0 : i32
    %dma_start3A_235 = tpu.memref_slice %arg6[%dma_start3A_231, %dma_start3A_233, %dma_start3A_234] : memref<4x32x512xi32, #tpu.memory_space<vmem>> -> memref<1x32x512xi32, #tpu.memory_space<vmem>>
    %dma_start3A_236 = tpu.memref_squeeze %dma_start3A_235 : memref<1x32x512xi32, #tpu.memory_space<vmem>> -> memref<32x512xi32, #tpu.memory_space<vmem>>
    %dma_start3A_237 = arith.constant 64 : i32
    %dma_start3A_238 = tpu.memref_slice %arg5[%dma_start3A_237] : memref<256xi32, #tpu.memory_space<vmem>> -> memref<32xi32, #tpu.memory_space<vmem>>
    %dma_start3A_239 = arith.constant 0 : i32
    %dma_start3A_240 = arith.constant 0 : i32
    %dma_start3A_241 = tpu.memref_slice %arg3[%dma_start3A_239, %dma_start3A_240] : memref<10240x512xi32, #tpu.memory_space<hbm>> -> memref<10240x512xi32, #tpu.memory_space<hbm>>
    %dma_start3A_242 = tpu.memref_slice %arg7[%dma_start3A_232] : memref<4x!tpu.dma_semaphore, #tpu.memory_space<semaphore_mem>> -> memref<1x!tpu.dma_semaphore, #tpu.memory_space<semaphore_mem>>
    %dma_start3A_243 = tpu.memref_squeeze %dma_start3A_242 : memref<1x!tpu.dma_semaphore, #tpu.memory_space<semaphore_mem>> -> memref<!tpu.dma_semaphore, #tpu.memory_space<semaphore_mem>>
    tpu.enqueue_indirect_dma source(%dma_start3A_241 : memref<10240x512xi32, #tpu.memory_space<hbm>>) target(%dma_start3A_236 : memref<32x512xi32, #tpu.memory_space<vmem>>) offsets(%dma_start3A_238 : memref<32xi32, #tpu.memory_space<vmem>>) semaphore(%dma_start3A_243 : memref<!tpu.dma_semaphore, #tpu.memory_space<semaphore_mem>>)
    %dma_start3A_244 = arith.constant 3 : i32
    %dma_start3A_245 = arith.constant 3 : i32
    %dma_start3A_246 = arith.constant 0 : i32
    %dma_start3A_247 = arith.constant 0 : i32
    %dma_start3A_248 = tpu.memref_slice %arg6[%dma_start3A_244, %dma_start3A_246, %dma_start3A_247] : memref<4x32x512xi32, #tpu.memory_space<vmem>> -> memref<1x32x512xi32, #tpu.memory_space<vmem>>
    %dma_start3A_249 = tpu.memref_squeeze %dma_start3A_248 : memref<1x32x512xi32, #tpu.memory_space<vmem>> -> memref<32x512xi32, #tpu.memory_space<vmem>>
    %dma_start3A_250 = arith.constant 96 : i32
    %dma_start3A_251 = tpu.memref_slice %arg5[%dma_start3A_250] : memref<256xi32, #tpu.memory_space<vmem>> -> memref<32xi32, #tpu.memory_space<vmem>>
    %dma_start3A_252 = arith.constant 0 : i32
    %dma_start3A_253 = arith.constant 0 : i32
    %dma_start3A_254 = tpu.memref_slice %arg3[%dma_start3A_252, %dma_start3A_253] : memref<10240x512xi32, #tpu.memory_space<hbm>> -> memref<10240x512xi32, #tpu.memory_space<hbm>>
    %dma_start3A_255 = tpu.memref_slice %arg7[%dma_start3A_245] : memref<4x!tpu.dma_semaphore, #tpu.memory_space<semaphore_mem>> -> memref<1x!tpu.dma_semaphore, #tpu.memory_space<semaphore_mem>>
    %dma_start3A_256 = tpu.memref_squeeze %dma_start3A_255 : memref<1x!tpu.dma_semaphore, #tpu.memory_space<semaphore_mem>> -> memref<!tpu.dma_semaphore, #tpu.memory_space<semaphore_mem>>
    tpu.enqueue_indirect_dma source(%dma_start3A_254 : memref<10240x512xi32, #tpu.memory_space<hbm>>) target(%dma_start3A_249 : memref<32x512xi32, #tpu.memory_space<vmem>>) offsets(%dma_start3A_251 : memref<32xi32, #tpu.memory_space<vmem>>) semaphore(%dma_start3A_256 : memref<!tpu.dma_semaphore, #tpu.memory_space<semaphore_mem>>)
    %dma_wait3A = arith.constant 0 : i32
    %dma_wait3A_257 = arith.constant 0 : i32
    %dma_wait3A_258 = arith.constant 0 : i32
    %dma_wait3A_259 = arith.constant 0 : i32
    %dma_wait3A_260 = tpu.memref_slice %arg6[%dma_wait3A, %dma_wait3A_258, %dma_wait3A_259] : memref<4x32x512xi32, #tpu.memory_space<vmem>> -> memref<1x32x512xi32, #tpu.memory_space<vmem>>
    %dma_wait3A_261 = tpu.memref_squeeze %dma_wait3A_260 : memref<1x32x512xi32, #tpu.memory_space<vmem>> -> memref<32x512xi32, #tpu.memory_space<vmem>>
    %dma_wait3A_262 = arith.constant 0 : i32
    %dma_wait3A_263 = tpu.memref_slice %arg5[%dma_wait3A_262] : memref<256xi32, #tpu.memory_space<vmem>> -> memref<32xi32, #tpu.memory_space<vmem>>
    %dma_wait3A_264 = arith.constant 0 : i32
    %dma_wait3A_265 = arith.constant 0 : i32
    %dma_wait3A_266 = tpu.memref_slice %arg3[%dma_wait3A_264, %dma_wait3A_265] : memref<10240x512xi32, #tpu.memory_space<hbm>> -> memref<10240x512xi32, #tpu.memory_space<hbm>>
    %dma_wait3A_267 = tpu.memref_slice %arg7[%dma_wait3A_257] : memref<4x!tpu.dma_semaphore, #tpu.memory_space<semaphore_mem>> -> memref<1x!tpu.dma_semaphore, #tpu.memory_space<semaphore_mem>>
    %dma_wait3A_268 = tpu.memref_squeeze %dma_wait3A_267 : memref<1x!tpu.dma_semaphore, #tpu.memory_space<semaphore_mem>> -> memref<!tpu.dma_semaphore, #tpu.memory_space<semaphore_mem>>
    tpu.wait_indirect_dma semaphore(%dma_wait3A_268 : memref<!tpu.dma_semaphore, #tpu.memory_space<semaphore_mem>>) src(%dma_wait3A_266 : memref<10240x512xi32, #tpu.memory_space<hbm>>) dst(%dma_wait3A_261 : memref<32x512xi32, #tpu.memory_space<vmem>>)
    %add3A_269 = arith.constant 0 : i32
    %add3A_270 = arith.addi %mul3A_2, %add3A_269 : i32
    %run_scoped3A = arith.constant 0 : i32
    "tpu.region"() ({
      %run_scoped3A_435 = tpu.sem_alloc : memref<!tpu.dma_semaphore, #tpu.memory_space<semaphore_mem>>
      %dma_start3A_436 = arith.constant 0 : i32
      %dma_start3A_437 = arith.constant 0 : i32
      %dma_start3A_438 = tpu.memref_slice %arg6[%run_scoped3A, %dma_start3A_436, %dma_start3A_437] : memref<4x32x512xi32, #tpu.memory_space<vmem>> -> memref<1x32x512xi32, #tpu.memory_space<vmem>>
      %dma_start3A_439 = tpu.memref_squeeze %dma_start3A_438 : memref<1x32x512xi32, #tpu.memory_space<vmem>> -> memref<32x512xi32, #tpu.memory_space<vmem>>
      %dma_start3A_440 = arith.constant 0 : i32
      %dma_start3A_441 = tpu.memref_slice %arg4[%add3A_270, %dma_start3A_440] : memref<8192x512xi32, #tpu.memory_space<hbm>> -> memref<32x512xi32, #tpu.memory_space<hbm>>
      %dma_start3A_442 = arith.constant 0 : i32
      %dma_start3A_443 = tpu.memref_slice %arg4[%add3A_270, %dma_start3A_442] : memref<8192x512xi32, #tpu.memory_space<hbm>> -> memref<32x512xi32, #tpu.memory_space<hbm>>
      %dma_start3A_444 = arith.constant 0 : i32
      %dma_start3A_445 = arith.constant 0 : i32
      %dma_start3A_446 = tpu.memref_slice %arg6[%run_scoped3A, %dma_start3A_444, %dma_start3A_445] : memref<4x32x512xi32, #tpu.memory_space<vmem>> -> memref<1x32x512xi32, #tpu.memory_space<vmem>>
      %dma_start3A_447 = tpu.memref_squeeze %dma_start3A_446 : memref<1x32x512xi32, #tpu.memory_space<vmem>> -> memref<32x512xi32, #tpu.memory_space<vmem>>
      tpu.enqueue_dma source(%dma_start3A_447 : memref<32x512xi32, #tpu.memory_space<vmem>>) target(%dma_start3A_443 : memref<32x512xi32, #tpu.memory_space<hbm>>) target_semaphore(%run_scoped3A_435 : memref<!tpu.dma_semaphore, #tpu.memory_space<semaphore_mem>>)
      %dma_wait3A_448 = arith.constant 0 : i32
      %dma_wait3A_449 = arith.constant 0 : i32
      %dma_wait3A_450 = tpu.memref_slice %arg6[%run_scoped3A, %dma_wait3A_448, %dma_wait3A_449] : memref<4x32x512xi32, #tpu.memory_space<vmem>> -> memref<1x32x512xi32, #tpu.memory_space<vmem>>
      %dma_wait3A_451 = tpu.memref_squeeze %dma_wait3A_450 : memref<1x32x512xi32, #tpu.memory_space<vmem>> -> memref<32x512xi32, #tpu.memory_space<vmem>>
      %dma_wait3A_452 = arith.constant 0 : i32
      %dma_wait3A_453 = tpu.memref_slice %arg4[%add3A_270, %dma_wait3A_452] : memref<8192x512xi32, #tpu.memory_space<hbm>> -> memref<32x512xi32, #tpu.memory_space<hbm>>
      %dma_wait3A_454 = arith.constant 0 : i32
      %dma_wait3A_455 = tpu.memref_slice %arg4[%add3A_270, %dma_wait3A_454] : memref<8192x512xi32, #tpu.memory_space<hbm>> -> memref<32x512xi32, #tpu.memory_space<hbm>>
      %dma_wait3A_456 = arith.constant 0 : i32
      %dma_wait3A_457 = arith.constant 0 : i32
      %dma_wait3A_458 = tpu.memref_slice %arg6[%run_scoped3A, %dma_wait3A_456, %dma_wait3A_457] : memref<4x32x512xi32, #tpu.memory_space<vmem>> -> memref<1x32x512xi32, #tpu.memory_space<vmem>>
      %dma_wait3A_459 = tpu.memref_squeeze %dma_wait3A_458 : memref<1x32x512xi32, #tpu.memory_space<vmem>> -> memref<32x512xi32, #tpu.memory_space<vmem>>
      tpu.wait_dma2 semaphore(%run_scoped3A_435 : memref<!tpu.dma_semaphore, #tpu.memory_space<semaphore_mem>>) src(%dma_wait3A_459 : memref<32x512xi32, #tpu.memory_space<vmem>>) dst(%dma_wait3A_455 : memref<32x512xi32, #tpu.memory_space<hbm>>)
      tpu.yield
    }) : () -> ()
    %dma_start3A_271 = arith.constant 0 : i32
    %dma_start3A_272 = arith.constant 0 : i32
    %dma_start3A_273 = arith.constant 0 : i32
    %dma_start3A_274 = arith.constant 0 : i32
    %dma_start3A_275 = tpu.memref_slice %arg6[%dma_start3A_271, %dma_start3A_273, %dma_start3A_274] : memref<4x32x512xi32, #tpu.memory_space<vmem>> -> memref<1x32x512xi32, #tpu.memory_space<vmem>>
    %dma_start3A_276 = tpu.memref_squeeze %dma_start3A_275 : memref<1x32x512xi32, #tpu.memory_space<vmem>> -> memref<32x512xi32, #tpu.memory_space<vmem>>
    %dma_start3A_277 = arith.constant 128 : i32
    %dma_start3A_278 = tpu.memref_slice %arg5[%dma_start3A_277] : memref<256xi32, #tpu.memory_space<vmem>> -> memref<32xi32, #tpu.memory_space<vmem>>
    %dma_start3A_279 = arith.constant 0 : i32
    %dma_start3A_280 = arith.constant 0 : i32
    %dma_start3A_281 = tpu.memref_slice %arg3[%dma_start3A_279, %dma_start3A_280] : memref<10240x512xi32, #tpu.memory_space<hbm>> -> memref<10240x512xi32, #tpu.memory_space<hbm>>
    %dma_start3A_282 = tpu.memref_slice %arg7[%dma_start3A_272] : memref<4x!tpu.dma_semaphore, #tpu.memory_space<semaphore_mem>> -> memref<1x!tpu.dma_semaphore, #tpu.memory_space<semaphore_mem>>
    %dma_start3A_283 = tpu.memref_squeeze %dma_start3A_282 : memref<1x!tpu.dma_semaphore, #tpu.memory_space<semaphore_mem>> -> memref<!tpu.dma_semaphore, #tpu.memory_space<semaphore_mem>>
    tpu.enqueue_indirect_dma source(%dma_start3A_281 : memref<10240x512xi32, #tpu.memory_space<hbm>>) target(%dma_start3A_276 : memref<32x512xi32, #tpu.memory_space<vmem>>) offsets(%dma_start3A_278 : memref<32xi32, #tpu.memory_space<vmem>>) semaphore(%dma_start3A_283 : memref<!tpu.dma_semaphore, #tpu.memory_space<semaphore_mem>>)
    %dma_wait3A_284 = arith.constant 1 : i32
    %dma_wait3A_285 = arith.constant 1 : i32
    %dma_wait3A_286 = arith.constant 0 : i32
    %dma_wait3A_287 = arith.constant 0 : i32
    %dma_wait3A_288 = tpu.memref_slice %arg6[%dma_wait3A_284, %dma_wait3A_286, %dma_wait3A_287] : memref<4x32x512xi32, #tpu.memory_space<vmem>> -> memref<1x32x512xi32, #tpu.memory_space<vmem>>
    %dma_wait3A_289 = tpu.memref_squeeze %dma_wait3A_288 : memref<1x32x512xi32, #tpu.memory_space<vmem>> -> memref<32x512xi32, #tpu.memory_space<vmem>>
    %dma_wait3A_290 = arith.constant 32 : i32
    %dma_wait3A_291 = tpu.memref_slice %arg5[%dma_wait3A_290] : memref<256xi32, #tpu.memory_space<vmem>> -> memref<32xi32, #tpu.memory_space<vmem>>
    %dma_wait3A_292 = arith.constant 0 : i32
    %dma_wait3A_293 = arith.constant 0 : i32
    %dma_wait3A_294 = tpu.memref_slice %arg3[%dma_wait3A_292, %dma_wait3A_293] : memref<10240x512xi32, #tpu.memory_space<hbm>> -> memref<10240x512xi32, #tpu.memory_space<hbm>>
    %dma_wait3A_295 = tpu.memref_slice %arg7[%dma_wait3A_285] : memref<4x!tpu.dma_semaphore, #tpu.memory_space<semaphore_mem>> -> memref<1x!tpu.dma_semaphore, #tpu.memory_space<semaphore_mem>>
    %dma_wait3A_296 = tpu.memref_squeeze %dma_wait3A_295 : memref<1x!tpu.dma_semaphore, #tpu.memory_space<semaphore_mem>> -> memref<!tpu.dma_semaphore, #tpu.memory_space<semaphore_mem>>
    tpu.wait_indirect_dma semaphore(%dma_wait3A_296 : memref<!tpu.dma_semaphore, #tpu.memory_space<semaphore_mem>>) src(%dma_wait3A_294 : memref<10240x512xi32, #tpu.memory_space<hbm>>) dst(%dma_wait3A_289 : memref<32x512xi32, #tpu.memory_space<vmem>>)
    %add3A_297 = arith.constant 32 : i32
    %add3A_298 = arith.addi %mul3A_2, %add3A_297 : i32
    %run_scoped3A_299 = arith.constant 1 : i32
    "tpu.region"() ({
      %run_scoped3A_435 = tpu.sem_alloc : memref<!tpu.dma_semaphore, #tpu.memory_space<semaphore_mem>>
      %dma_start3A_436 = arith.constant 0 : i32
      %dma_start3A_437 = arith.constant 0 : i32
      %dma_start3A_438 = tpu.memref_slice %arg6[%run_scoped3A_299, %dma_start3A_436, %dma_start3A_437] : memref<4x32x512xi32, #tpu.memory_space<vmem>> -> memref<1x32x512xi32, #tpu.memory_space<vmem>>
      %dma_start3A_439 = tpu.memref_squeeze %dma_start3A_438 : memref<1x32x512xi32, #tpu.memory_space<vmem>> -> memref<32x512xi32, #tpu.memory_space<vmem>>
      %dma_start3A_440 = arith.constant 0 : i32
      %dma_start3A_441 = tpu.memref_slice %arg4[%add3A_298, %dma_start3A_440] : memref<8192x512xi32, #tpu.memory_space<hbm>> -> memref<32x512xi32, #tpu.memory_space<hbm>>
      %dma_start3A_442 = arith.constant 0 : i32
      %dma_start3A_443 = tpu.memref_slice %arg4[%add3A_298, %dma_start3A_442] : memref<8192x512xi32, #tpu.memory_space<hbm>> -> memref<32x512xi32, #tpu.memory_space<hbm>>
      %dma_start3A_444 = arith.constant 0 : i32
      %dma_start3A_445 = arith.constant 0 : i32
      %dma_start3A_446 = tpu.memref_slice %arg6[%run_scoped3A_299, %dma_start3A_444, %dma_start3A_445] : memref<4x32x512xi32, #tpu.memory_space<vmem>> -> memref<1x32x512xi32, #tpu.memory_space<vmem>>
      %dma_start3A_447 = tpu.memref_squeeze %dma_start3A_446 : memref<1x32x512xi32, #tpu.memory_space<vmem>> -> memref<32x512xi32, #tpu.memory_space<vmem>>
      tpu.enqueue_dma source(%dma_start3A_447 : memref<32x512xi32, #tpu.memory_space<vmem>>) target(%dma_start3A_443 : memref<32x512xi32, #tpu.memory_space<hbm>>) target_semaphore(%run_scoped3A_435 : memref<!tpu.dma_semaphore, #tpu.memory_space<semaphore_mem>>)
      %dma_wait3A_448 = arith.constant 0 : i32
      %dma_wait3A_449 = arith.constant 0 : i32
      %dma_wait3A_450 = tpu.memref_slice %arg6[%run_scoped3A_299, %dma_wait3A_448, %dma_wait3A_449] : memref<4x32x512xi32, #tpu.memory_space<vmem>> -> memref<1x32x512xi32, #tpu.memory_space<vmem>>
      %dma_wait3A_451 = tpu.memref_squeeze %dma_wait3A_450 : memref<1x32x512xi32, #tpu.memory_space<vmem>> -> memref<32x512xi32, #tpu.memory_space<vmem>>
      %dma_wait3A_452 = arith.constant 0 : i32
      %dma_wait3A_453 = tpu.memref_slice %arg4[%add3A_298, %dma_wait3A_452] : memref<8192x512xi32, #tpu.memory_space<hbm>> -> memref<32x512xi32, #tpu.memory_space<hbm>>
      %dma_wait3A_454 = arith.constant 0 : i32
      %dma_wait3A_455 = tpu.memref_slice %arg4[%add3A_298, %dma_wait3A_454] : memref<8192x512xi32, #tpu.memory_space<hbm>> -> memref<32x512xi32, #tpu.memory_space<hbm>>
      %dma_wait3A_456 = arith.constant 0 : i32
      %dma_wait3A_457 = arith.constant 0 : i32
      %dma_wait3A_458 = tpu.memref_slice %arg6[%run_scoped3A_299, %dma_wait3A_456, %dma_wait3A_457] : memref<4x32x512xi32, #tpu.memory_space<vmem>> -> memref<1x32x512xi32, #tpu.memory_space<vmem>>
      %dma_wait3A_459 = tpu.memref_squeeze %dma_wait3A_458 : memref<1x32x512xi32, #tpu.memory_space<vmem>> -> memref<32x512xi32, #tpu.memory_space<vmem>>
      tpu.wait_dma2 semaphore(%run_scoped3A_435 : memref<!tpu.dma_semaphore, #tpu.memory_space<semaphore_mem>>) src(%dma_wait3A_459 : memref<32x512xi32, #tpu.memory_space<vmem>>) dst(%dma_wait3A_455 : memref<32x512xi32, #tpu.memory_space<hbm>>)
      tpu.yield
    }) : () -> ()
    %dma_start3A_300 = arith.constant 1 : i32
    %dma_start3A_301 = arith.constant 1 : i32
    %dma_start3A_302 = arith.constant 0 : i32
    %dma_start3A_303 = arith.constant 0 : i32
    %dma_start3A_304 = tpu.memref_slice %arg6[%dma_start3A_300, %dma_start3A_302, %dma_start3A_303] : memref<4x32x512xi32, #tpu.memory_space<vmem>> -> memref<1x32x512xi32, #tpu.memory_space<vmem>>
    %dma_start3A_305 = tpu.memref_squeeze %dma_start3A_304 : memref<1x32x512xi32, #tpu.memory_space<vmem>> -> memref<32x512xi32, #tpu.memory_space<vmem>>
    %dma_start3A_306 = arith.constant 160 : i32
    %dma_start3A_307 = tpu.memref_slice %arg5[%dma_start3A_306] : memref<256xi32, #tpu.memory_space<vmem>> -> memref<32xi32, #tpu.memory_space<vmem>>
    %dma_start3A_308 = arith.constant 0 : i32
    %dma_start3A_309 = arith.constant 0 : i32
    %dma_start3A_310 = tpu.memref_slice %arg3[%dma_start3A_308, %dma_start3A_309] : memref<10240x512xi32, #tpu.memory_space<hbm>> -> memref<10240x512xi32, #tpu.memory_space<hbm>>
    %dma_start3A_311 = tpu.memref_slice %arg7[%dma_start3A_301] : memref<4x!tpu.dma_semaphore, #tpu.memory_space<semaphore_mem>> -> memref<1x!tpu.dma_semaphore, #tpu.memory_space<semaphore_mem>>
    %dma_start3A_312 = tpu.memref_squeeze %dma_start3A_311 : memref<1x!tpu.dma_semaphore, #tpu.memory_space<semaphore_mem>> -> memref<!tpu.dma_semaphore, #tpu.memory_space<semaphore_mem>>
    tpu.enqueue_indirect_dma source(%dma_start3A_310 : memref<10240x512xi32, #tpu.memory_space<hbm>>) target(%dma_start3A_305 : memref<32x512xi32, #tpu.memory_space<vmem>>) offsets(%dma_start3A_307 : memref<32xi32, #tpu.memory_space<vmem>>) semaphore(%dma_start3A_312 : memref<!tpu.dma_semaphore, #tpu.memory_space<semaphore_mem>>)
    %dma_wait3A_313 = arith.constant 2 : i32
    %dma_wait3A_314 = arith.constant 2 : i32
    %dma_wait3A_315 = arith.constant 0 : i32
    %dma_wait3A_316 = arith.constant 0 : i32
    %dma_wait3A_317 = tpu.memref_slice %arg6[%dma_wait3A_313, %dma_wait3A_315, %dma_wait3A_316] : memref<4x32x512xi32, #tpu.memory_space<vmem>> -> memref<1x32x512xi32, #tpu.memory_space<vmem>>
    %dma_wait3A_318 = tpu.memref_squeeze %dma_wait3A_317 : memref<1x32x512xi32, #tpu.memory_space<vmem>> -> memref<32x512xi32, #tpu.memory_space<vmem>>
    %dma_wait3A_319 = arith.constant 64 : i32
    %dma_wait3A_320 = tpu.memref_slice %arg5[%dma_wait3A_319] : memref<256xi32, #tpu.memory_space<vmem>> -> memref<32xi32, #tpu.memory_space<vmem>>
    %dma_wait3A_321 = arith.constant 0 : i32
    %dma_wait3A_322 = arith.constant 0 : i32
    %dma_wait3A_323 = tpu.memref_slice %arg3[%dma_wait3A_321, %dma_wait3A_322] : memref<10240x512xi32, #tpu.memory_space<hbm>> -> memref<10240x512xi32, #tpu.memory_space<hbm>>
    %dma_wait3A_324 = tpu.memref_slice %arg7[%dma_wait3A_314] : memref<4x!tpu.dma_semaphore, #tpu.memory_space<semaphore_mem>> -> memref<1x!tpu.dma_semaphore, #tpu.memory_space<semaphore_mem>>
    %dma_wait3A_325 = tpu.memref_squeeze %dma_wait3A_324 : memref<1x!tpu.dma_semaphore, #tpu.memory_space<semaphore_mem>> -> memref<!tpu.dma_semaphore, #tpu.memory_space<semaphore_mem>>
    tpu.wait_indirect_dma semaphore(%dma_wait3A_325 : memref<!tpu.dma_semaphore, #tpu.memory_space<semaphore_mem>>) src(%dma_wait3A_323 : memref<10240x512xi32, #tpu.memory_space<hbm>>) dst(%dma_wait3A_318 : memref<32x512xi32, #tpu.memory_space<vmem>>)
    %add3A_326 = arith.constant 64 : i32
    %add3A_327 = arith.addi %mul3A_2, %add3A_326 : i32
    %run_scoped3A_328 = arith.constant 2 : i32
    "tpu.region"() ({
      %run_scoped3A_435 = tpu.sem_alloc : memref<!tpu.dma_semaphore, #tpu.memory_space<semaphore_mem>>
      %dma_start3A_436 = arith.constant 0 : i32
      %dma_start3A_437 = arith.constant 0 : i32
      %dma_start3A_438 = tpu.memref_slice %arg6[%run_scoped3A_328, %dma_start3A_436, %dma_start3A_437] : memref<4x32x512xi32, #tpu.memory_space<vmem>> -> memref<1x32x512xi32, #tpu.memory_space<vmem>>
      %dma_start3A_439 = tpu.memref_squeeze %dma_start3A_438 : memref<1x32x512xi32, #tpu.memory_space<vmem>> -> memref<32x512xi32, #tpu.memory_space<vmem>>
      %dma_start3A_440 = arith.constant 0 : i32
      %dma_start3A_441 = tpu.memref_slice %arg4[%add3A_327, %dma_start3A_440] : memref<8192x512xi32, #tpu.memory_space<hbm>> -> memref<32x512xi32, #tpu.memory_space<hbm>>
      %dma_start3A_442 = arith.constant 0 : i32
      %dma_start3A_443 = tpu.memref_slice %arg4[%add3A_327, %dma_start3A_442] : memref<8192x512xi32, #tpu.memory_space<hbm>> -> memref<32x512xi32, #tpu.memory_space<hbm>>
      %dma_start3A_444 = arith.constant 0 : i32
      %dma_start3A_445 = arith.constant 0 : i32
      %dma_start3A_446 = tpu.memref_slice %arg6[%run_scoped3A_328, %dma_start3A_444, %dma_start3A_445] : memref<4x32x512xi32, #tpu.memory_space<vmem>> -> memref<1x32x512xi32, #tpu.memory_space<vmem>>
      %dma_start3A_447 = tpu.memref_squeeze %dma_start3A_446 : memref<1x32x512xi32, #tpu.memory_space<vmem>> -> memref<32x512xi32, #tpu.memory_space<vmem>>
      tpu.enqueue_dma source(%dma_start3A_447 : memref<32x512xi32, #tpu.memory_space<vmem>>) target(%dma_start3A_443 : memref<32x512xi32, #tpu.memory_space<hbm>>) target_semaphore(%run_scoped3A_435 : memref<!tpu.dma_semaphore, #tpu.memory_space<semaphore_mem>>)
      %dma_wait3A_448 = arith.constant 0 : i32
      %dma_wait3A_449 = arith.constant 0 : i32
      %dma_wait3A_450 = tpu.memref_slice %arg6[%run_scoped3A_328, %dma_wait3A_448, %dma_wait3A_449] : memref<4x32x512xi32, #tpu.memory_space<vmem>> -> memref<1x32x512xi32, #tpu.memory_space<vmem>>
      %dma_wait3A_451 = tpu.memref_squeeze %dma_wait3A_450 : memref<1x32x512xi32, #tpu.memory_space<vmem>> -> memref<32x512xi32, #tpu.memory_space<vmem>>
      %dma_wait3A_452 = arith.constant 0 : i32
      %dma_wait3A_453 = tpu.memref_slice %arg4[%add3A_327, %dma_wait3A_452] : memref<8192x512xi32, #tpu.memory_space<hbm>> -> memref<32x512xi32, #tpu.memory_space<hbm>>
      %dma_wait3A_454 = arith.constant 0 : i32
      %dma_wait3A_455 = tpu.memref_slice %arg4[%add3A_327, %dma_wait3A_454] : memref<8192x512xi32, #tpu.memory_space<hbm>> -> memref<32x512xi32, #tpu.memory_space<hbm>>
      %dma_wait3A_456 = arith.constant 0 : i32
      %dma_wait3A_457 = arith.constant 0 : i32
      %dma_wait3A_458 = tpu.memref_slice %arg6[%run_scoped3A_328, %dma_wait3A_456, %dma_wait3A_457] : memref<4x32x512xi32, #tpu.memory_space<vmem>> -> memref<1x32x512xi32, #tpu.memory_space<vmem>>
      %dma_wait3A_459 = tpu.memref_squeeze %dma_wait3A_458 : memref<1x32x512xi32, #tpu.memory_space<vmem>> -> memref<32x512xi32, #tpu.memory_space<vmem>>
      tpu.wait_dma2 semaphore(%run_scoped3A_435 : memref<!tpu.dma_semaphore, #tpu.memory_space<semaphore_mem>>) src(%dma_wait3A_459 : memref<32x512xi32, #tpu.memory_space<vmem>>) dst(%dma_wait3A_455 : memref<32x512xi32, #tpu.memory_space<hbm>>)
      tpu.yield
    }) : () -> ()
    %dma_start3A_329 = arith.constant 2 : i32
    %dma_start3A_330 = arith.constant 2 : i32
    %dma_start3A_331 = arith.constant 0 : i32
    %dma_start3A_332 = arith.constant 0 : i32
    %dma_start3A_333 = tpu.memref_slice %arg6[%dma_start3A_329, %dma_start3A_331, %dma_start3A_332] : memref<4x32x512xi32, #tpu.memory_space<vmem>> -> memref<1x32x512xi32, #tpu.memory_space<vmem>>
    %dma_start3A_334 = tpu.memref_squeeze %dma_start3A_333 : memref<1x32x512xi32, #tpu.memory_space<vmem>> -> memref<32x512xi32, #tpu.memory_space<vmem>>
    %dma_start3A_335 = arith.constant 192 : i32
    %dma_start3A_336 = tpu.memref_slice %arg5[%dma_start3A_335] : memref<256xi32, #tpu.memory_space<vmem>> -> memref<32xi32, #tpu.memory_space<vmem>>
    %dma_start3A_337 = arith.constant 0 : i32
    %dma_start3A_338 = arith.constant 0 : i32
    %dma_start3A_339 = tpu.memref_slice %arg3[%dma_start3A_337, %dma_start3A_338] : memref<10240x512xi32, #tpu.memory_space<hbm>> -> memref<10240x512xi32, #tpu.memory_space<hbm>>
    %dma_start3A_340 = tpu.memref_slice %arg7[%dma_start3A_330] : memref<4x!tpu.dma_semaphore, #tpu.memory_space<semaphore_mem>> -> memref<1x!tpu.dma_semaphore, #tpu.memory_space<semaphore_mem>>
    %dma_start3A_341 = tpu.memref_squeeze %dma_start3A_340 : memref<1x!tpu.dma_semaphore, #tpu.memory_space<semaphore_mem>> -> memref<!tpu.dma_semaphore, #tpu.memory_space<semaphore_mem>>
    tpu.enqueue_indirect_dma source(%dma_start3A_339 : memref<10240x512xi32, #tpu.memory_space<hbm>>) target(%dma_start3A_334 : memref<32x512xi32, #tpu.memory_space<vmem>>) offsets(%dma_start3A_336 : memref<32xi32, #tpu.memory_space<vmem>>) semaphore(%dma_start3A_341 : memref<!tpu.dma_semaphore, #tpu.memory_space<semaphore_mem>>)
    %dma_wait3A_342 = arith.constant 3 : i32
    %dma_wait3A_343 = arith.constant 3 : i32
    %dma_wait3A_344 = arith.constant 0 : i32
    %dma_wait3A_345 = arith.constant 0 : i32
    %dma_wait3A_346 = tpu.memref_slice %arg6[%dma_wait3A_342, %dma_wait3A_344, %dma_wait3A_345] : memref<4x32x512xi32, #tpu.memory_space<vmem>> -> memref<1x32x512xi32, #tpu.memory_space<vmem>>
    %dma_wait3A_347 = tpu.memref_squeeze %dma_wait3A_346 : memref<1x32x512xi32, #tpu.memory_space<vmem>> -> memref<32x512xi32, #tpu.memory_space<vmem>>
    %dma_wait3A_348 = arith.constant 96 : i32
    %dma_wait3A_349 = tpu.memref_slice %arg5[%dma_wait3A_348] : memref<256xi32, #tpu.memory_space<vmem>> -> memref<32xi32, #tpu.memory_space<vmem>>
    %dma_wait3A_350 = arith.constant 0 : i32
    %dma_wait3A_351 = arith.constant 0 : i32
    %dma_wait3A_352 = tpu.memref_slice %arg3[%dma_wait3A_350, %dma_wait3A_351] : memref<10240x512xi32, #tpu.memory_space<hbm>> -> memref<10240x512xi32, #tpu.memory_space<hbm>>
    %dma_wait3A_353 = tpu.memref_slice %arg7[%dma_wait3A_343] : memref<4x!tpu.dma_semaphore, #tpu.memory_space<semaphore_mem>> -> memref<1x!tpu.dma_semaphore, #tpu.memory_space<semaphore_mem>>
    %dma_wait3A_354 = tpu.memref_squeeze %dma_wait3A_353 : memref<1x!tpu.dma_semaphore, #tpu.memory_space<semaphore_mem>> -> memref<!tpu.dma_semaphore, #tpu.memory_space<semaphore_mem>>
    tpu.wait_indirect_dma semaphore(%dma_wait3A_354 : memref<!tpu.dma_semaphore, #tpu.memory_space<semaphore_mem>>) src(%dma_wait3A_352 : memref<10240x512xi32, #tpu.memory_space<hbm>>) dst(%dma_wait3A_347 : memref<32x512xi32, #tpu.memory_space<vmem>>)
    %add3A_355 = arith.constant 96 : i32
    %add3A_356 = arith.addi %mul3A_2, %add3A_355 : i32
    %run_scoped3A_357 = arith.constant 3 : i32
    "tpu.region"() ({
      %run_scoped3A_435 = tpu.sem_alloc : memref<!tpu.dma_semaphore, #tpu.memory_space<semaphore_mem>>
      %dma_start3A_436 = arith.constant 0 : i32
      %dma_start3A_437 = arith.constant 0 : i32
      %dma_start3A_438 = tpu.memref_slice %arg6[%run_scoped3A_357, %dma_start3A_436, %dma_start3A_437] : memref<4x32x512xi32, #tpu.memory_space<vmem>> -> memref<1x32x512xi32, #tpu.memory_space<vmem>>
      %dma_start3A_439 = tpu.memref_squeeze %dma_start3A_438 : memref<1x32x512xi32, #tpu.memory_space<vmem>> -> memref<32x512xi32, #tpu.memory_space<vmem>>
      %dma_start3A_440 = arith.constant 0 : i32
      %dma_start3A_441 = tpu.memref_slice %arg4[%add3A_356, %dma_start3A_440] : memref<8192x512xi32, #tpu.memory_space<hbm>> -> memref<32x512xi32, #tpu.memory_space<hbm>>
      %dma_start3A_442 = arith.constant 0 : i32
      %dma_start3A_443 = tpu.memref_slice %arg4[%add3A_356, %dma_start3A_442] : memref<8192x512xi32, #tpu.memory_space<hbm>> -> memref<32x512xi32, #tpu.memory_space<hbm>>
      %dma_start3A_444 = arith.constant 0 : i32
      %dma_start3A_445 = arith.constant 0 : i32
      %dma_start3A_446 = tpu.memref_slice %arg6[%run_scoped3A_357, %dma_start3A_444, %dma_start3A_445] : memref<4x32x512xi32, #tpu.memory_space<vmem>> -> memref<1x32x512xi32, #tpu.memory_space<vmem>>
      %dma_start3A_447 = tpu.memref_squeeze %dma_start3A_446 : memref<1x32x512xi32, #tpu.memory_space<vmem>> -> memref<32x512xi32, #tpu.memory_space<vmem>>
      tpu.enqueue_dma source(%dma_start3A_447 : memref<32x512xi32, #tpu.memory_space<vmem>>) target(%dma_start3A_443 : memref<32x512xi32, #tpu.memory_space<hbm>>) target_semaphore(%run_scoped3A_435 : memref<!tpu.dma_semaphore, #tpu.memory_space<semaphore_mem>>)
      %dma_wait3A_448 = arith.constant 0 : i32
      %dma_wait3A_449 = arith.constant 0 : i32
      %dma_wait3A_450 = tpu.memref_slice %arg6[%run_scoped3A_357, %dma_wait3A_448, %dma_wait3A_449] : memref<4x32x512xi32, #tpu.memory_space<vmem>> -> memref<1x32x512xi32, #tpu.memory_space<vmem>>
      %dma_wait3A_451 = tpu.memref_squeeze %dma_wait3A_450 : memref<1x32x512xi32, #tpu.memory_space<vmem>> -> memref<32x512xi32, #tpu.memory_space<vmem>>
      %dma_wait3A_452 = arith.constant 0 : i32
      %dma_wait3A_453 = tpu.memref_slice %arg4[%add3A_356, %dma_wait3A_452] : memref<8192x512xi32, #tpu.memory_space<hbm>> -> memref<32x512xi32, #tpu.memory_space<hbm>>
      %dma_wait3A_454 = arith.constant 0 : i32
      %dma_wait3A_455 = tpu.memref_slice %arg4[%add3A_356, %dma_wait3A_454] : memref<8192x512xi32, #tpu.memory_space<hbm>> -> memref<32x512xi32, #tpu.memory_space<hbm>>
      %dma_wait3A_456 = arith.constant 0 : i32
      %dma_wait3A_457 = arith.constant 0 : i32
      %dma_wait3A_458 = tpu.memref_slice %arg6[%run_scoped3A_357, %dma_wait3A_456, %dma_wait3A_457] : memref<4x32x512xi32, #tpu.memory_space<vmem>> -> memref<1x32x512xi32, #tpu.memory_space<vmem>>
      %dma_wait3A_459 = tpu.memref_squeeze %dma_wait3A_458 : memref<1x32x512xi32, #tpu.memory_space<vmem>> -> memref<32x512xi32, #tpu.memory_space<vmem>>
      tpu.wait_dma2 semaphore(%run_scoped3A_435 : memref<!tpu.dma_semaphore, #tpu.memory_space<semaphore_mem>>) src(%dma_wait3A_459 : memref<32x512xi32, #tpu.memory_space<vmem>>) dst(%dma_wait3A_455 : memref<32x512xi32, #tpu.memory_space<hbm>>)
      tpu.yield
    }) : () -> ()
    %dma_start3A_358 = arith.constant 3 : i32
    %dma_start3A_359 = arith.constant 3 : i32
    %dma_start3A_360 = arith.constant 0 : i32
    %dma_start3A_361 = arith.constant 0 : i32
    %dma_start3A_362 = tpu.memref_slice %arg6[%dma_start3A_358, %dma_start3A_360, %dma_start3A_361] : memref<4x32x512xi32, #tpu.memory_space<vmem>> -> memref<1x32x512xi32, #tpu.memory_space<vmem>>
    %dma_start3A_363 = tpu.memref_squeeze %dma_start3A_362 : memref<1x32x512xi32, #tpu.memory_space<vmem>> -> memref<32x512xi32, #tpu.memory_space<vmem>>
    %dma_start3A_364 = arith.constant 224 : i32
    %dma_start3A_365 = tpu.memref_slice %arg5[%dma_start3A_364] : memref<256xi32, #tpu.memory_space<vmem>> -> memref<32xi32, #tpu.memory_space<vmem>>
    %dma_start3A_366 = arith.constant 0 : i32
    %dma_start3A_367 = arith.constant 0 : i32
    %dma_start3A_368 = tpu.memref_slice %arg3[%dma_start3A_366, %dma_start3A_367] : memref<10240x512xi32, #tpu.memory_space<hbm>> -> memref<10240x512xi32, #tpu.memory_space<hbm>>
    %dma_start3A_369 = tpu.memref_slice %arg7[%dma_start3A_359] : memref<4x!tpu.dma_semaphore, #tpu.memory_space<semaphore_mem>> -> memref<1x!tpu.dma_semaphore, #tpu.memory_space<semaphore_mem>>
    %dma_start3A_370 = tpu.memref_squeeze %dma_start3A_369 : memref<1x!tpu.dma_semaphore, #tpu.memory_space<semaphore_mem>> -> memref<!tpu.dma_semaphore, #tpu.memory_space<semaphore_mem>>
    tpu.enqueue_indirect_dma source(%dma_start3A_368 : memref<10240x512xi32, #tpu.memory_space<hbm>>) target(%dma_start3A_363 : memref<32x512xi32, #tpu.memory_space<vmem>>) offsets(%dma_start3A_365 : memref<32xi32, #tpu.memory_space<vmem>>) semaphore(%dma_start3A_370 : memref<!tpu.dma_semaphore, #tpu.memory_space<semaphore_mem>>)
    %dma_wait3A_371 = arith.constant 0 : i32
    %dma_wait3A_372 = arith.constant 0 : i32
    %dma_wait3A_373 = arith.constant 0 : i32
    %dma_wait3A_374 = arith.constant 0 : i32
    %dma_wait3A_375 = tpu.memref_slice %arg6[%dma_wait3A_371, %dma_wait3A_373, %dma_wait3A_374] : memref<4x32x512xi32, #tpu.memory_space<vmem>> -> memref<1x32x512xi32, #tpu.memory_space<vmem>>
    %dma_wait3A_376 = tpu.memref_squeeze %dma_wait3A_375 : memref<1x32x512xi32, #tpu.memory_space<vmem>> -> memref<32x512xi32, #tpu.memory_space<vmem>>
    %dma_wait3A_377 = arith.constant 128 : i32
    %dma_wait3A_378 = tpu.memref_slice %arg5[%dma_wait3A_377] : memref<256xi32, #tpu.memory_space<vmem>> -> memref<32xi32, #tpu.memory_space<vmem>>
    %dma_wait3A_379 = arith.constant 0 : i32
    %dma_wait3A_380 = arith.constant 0 : i32
    %dma_wait3A_381 = tpu.memref_slice %arg3[%dma_wait3A_379, %dma_wait3A_380] : memref<10240x512xi32, #tpu.memory_space<hbm>> -> memref<10240x512xi32, #tpu.memory_space<hbm>>
    %dma_wait3A_382 = tpu.memref_slice %arg7[%dma_wait3A_372] : memref<4x!tpu.dma_semaphore, #tpu.memory_space<semaphore_mem>> -> memref<1x!tpu.dma_semaphore, #tpu.memory_space<semaphore_mem>>
    %dma_wait3A_383 = tpu.memref_squeeze %dma_wait3A_382 : memref<1x!tpu.dma_semaphore, #tpu.memory_space<semaphore_mem>> -> memref<!tpu.dma_semaphore, #tpu.memory_space<semaphore_mem>>
    tpu.wait_indirect_dma semaphore(%dma_wait3A_383 : memref<!tpu.dma_semaphore, #tpu.memory_space<semaphore_mem>>) src(%dma_wait3A_381 : memref<10240x512xi32, #tpu.memory_space<hbm>>) dst(%dma_wait3A_376 : memref<32x512xi32, #tpu.memory_space<vmem>>)
    %add3A_384 = arith.constant 128 : i32
    %add3A_385 = arith.addi %mul3A_2, %add3A_384 : i32
    %run_scoped3A_386 = arith.constant 0 : i32
    "tpu.region"() ({
      %run_scoped3A_435 = tpu.sem_alloc : memref<!tpu.dma_semaphore, #tpu.memory_space<semaphore_mem>>
      %dma_start3A_436 = arith.constant 0 : i32
      %dma_start3A_437 = arith.constant 0 : i32
      %dma_start3A_438 = tpu.memref_slice %arg6[%run_scoped3A_386, %dma_start3A_436, %dma_start3A_437] : memref<4x32x512xi32, #tpu.memory_space<vmem>> -> memref<1x32x512xi32, #tpu.memory_space<vmem>>
      %dma_start3A_439 = tpu.memref_squeeze %dma_start3A_438 : memref<1x32x512xi32, #tpu.memory_space<vmem>> -> memref<32x512xi32, #tpu.memory_space<vmem>>
      %dma_start3A_440 = arith.constant 0 : i32
      %dma_start3A_441 = tpu.memref_slice %arg4[%add3A_385, %dma_start3A_440] : memref<8192x512xi32, #tpu.memory_space<hbm>> -> memref<32x512xi32, #tpu.memory_space<hbm>>
      %dma_start3A_442 = arith.constant 0 : i32
      %dma_start3A_443 = tpu.memref_slice %arg4[%add3A_385, %dma_start3A_442] : memref<8192x512xi32, #tpu.memory_space<hbm>> -> memref<32x512xi32, #tpu.memory_space<hbm>>
      %dma_start3A_444 = arith.constant 0 : i32
      %dma_start3A_445 = arith.constant 0 : i32
      %dma_start3A_446 = tpu.memref_slice %arg6[%run_scoped3A_386, %dma_start3A_444, %dma_start3A_445] : memref<4x32x512xi32, #tpu.memory_space<vmem>> -> memref<1x32x512xi32, #tpu.memory_space<vmem>>
      %dma_start3A_447 = tpu.memref_squeeze %dma_start3A_446 : memref<1x32x512xi32, #tpu.memory_space<vmem>> -> memref<32x512xi32, #tpu.memory_space<vmem>>
      tpu.enqueue_dma source(%dma_start3A_447 : memref<32x512xi32, #tpu.memory_space<vmem>>) target(%dma_start3A_443 : memref<32x512xi32, #tpu.memory_space<hbm>>) target_semaphore(%run_scoped3A_435 : memref<!tpu.dma_semaphore, #tpu.memory_space<semaphore_mem>>)
      %dma_wait3A_448 = arith.constant 0 : i32
      %dma_wait3A_449 = arith.constant 0 : i32
      %dma_wait3A_450 = tpu.memref_slice %arg6[%run_scoped3A_386, %dma_wait3A_448, %dma_wait3A_449] : memref<4x32x512xi32, #tpu.memory_space<vmem>> -> memref<1x32x512xi32, #tpu.memory_space<vmem>>
      %dma_wait3A_451 = tpu.memref_squeeze %dma_wait3A_450 : memref<1x32x512xi32, #tpu.memory_space<vmem>> -> memref<32x512xi32, #tpu.memory_space<vmem>>
      %dma_wait3A_452 = arith.constant 0 : i32
      %dma_wait3A_453 = tpu.memref_slice %arg4[%add3A_385, %dma_wait3A_452] : memref<8192x512xi32, #tpu.memory_space<hbm>> -> memref<32x512xi32, #tpu.memory_space<hbm>>
      %dma_wait3A_454 = arith.constant 0 : i32
      %dma_wait3A_455 = tpu.memref_slice %arg4[%add3A_385, %dma_wait3A_454] : memref<8192x512xi32, #tpu.memory_space<hbm>> -> memref<32x512xi32, #tpu.memory_space<hbm>>
      %dma_wait3A_456 = arith.constant 0 : i32
      %dma_wait3A_457 = arith.constant 0 : i32
      %dma_wait3A_458 = tpu.memref_slice %arg6[%run_scoped3A_386, %dma_wait3A_456, %dma_wait3A_457] : memref<4x32x512xi32, #tpu.memory_space<vmem>> -> memref<1x32x512xi32, #tpu.memory_space<vmem>>
      %dma_wait3A_459 = tpu.memref_squeeze %dma_wait3A_458 : memref<1x32x512xi32, #tpu.memory_space<vmem>> -> memref<32x512xi32, #tpu.memory_space<vmem>>
      tpu.wait_dma2 semaphore(%run_scoped3A_435 : memref<!tpu.dma_semaphore, #tpu.memory_space<semaphore_mem>>) src(%dma_wait3A_459 : memref<32x512xi32, #tpu.memory_space<vmem>>) dst(%dma_wait3A_455 : memref<32x512xi32, #tpu.memory_space<hbm>>)
      tpu.yield
    }) : () -> ()
    %dma_wait3A_387 = arith.constant 1 : i32
    %dma_wait3A_388 = arith.constant 1 : i32
    %dma_wait3A_389 = arith.constant 0 : i32
    %dma_wait3A_390 = arith.constant 0 : i32
    %dma_wait3A_391 = tpu.memref_slice %arg6[%dma_wait3A_387, %dma_wait3A_389, %dma_wait3A_390] : memref<4x32x512xi32, #tpu.memory_space<vmem>> -> memref<1x32x512xi32, #tpu.memory_space<vmem>>
    %dma_wait3A_392 = tpu.memref_squeeze %dma_wait3A_391 : memref<1x32x512xi32, #tpu.memory_space<vmem>> -> memref<32x512xi32, #tpu.memory_space<vmem>>
    %dma_wait3A_393 = arith.constant 160 : i32
    %dma_wait3A_394 = tpu.memref_slice %arg5[%dma_wait3A_393] : memref<256xi32, #tpu.memory_space<vmem>> -> memref<32xi32, #tpu.memory_space<vmem>>
    %dma_wait3A_395 = arith.constant 0 : i32
    %dma_wait3A_396 = arith.constant 0 : i32
    %dma_wait3A_397 = tpu.memref_slice %arg3[%dma_wait3A_395, %dma_wait3A_396] : memref<10240x512xi32, #tpu.memory_space<hbm>> -> memref<10240x512xi32, #tpu.memory_space<hbm>>
    %dma_wait3A_398 = tpu.memref_slice %arg7[%dma_wait3A_388] : memref<4x!tpu.dma_semaphore, #tpu.memory_space<semaphore_mem>> -> memref<1x!tpu.dma_semaphore, #tpu.memory_space<semaphore_mem>>
    %dma_wait3A_399 = tpu.memref_squeeze %dma_wait3A_398 : memref<1x!tpu.dma_semaphore, #tpu.memory_space<semaphore_mem>> -> memref<!tpu.dma_semaphore, #tpu.memory_space<semaphore_mem>>
    tpu.wait_indirect_dma semaphore(%dma_wait3A_399 : memref<!tpu.dma_semaphore, #tpu.memory_space<semaphore_mem>>) src(%dma_wait3A_397 : memref<10240x512xi32, #tpu.memory_space<hbm>>) dst(%dma_wait3A_392 : memref<32x512xi32, #tpu.memory_space<vmem>>)
    %add3A_400 = arith.constant 160 : i32
    %add3A_401 = arith.addi %mul3A_2, %add3A_400 : i32
    %run_scoped3A_402 = arith.constant 1 : i32
    "tpu.region"() ({
      %run_scoped3A_435 = tpu.sem_alloc : memref<!tpu.dma_semaphore, #tpu.memory_space<semaphore_mem>>
      %dma_start3A_436 = arith.constant 0 : i32
      %dma_start3A_437 = arith.constant 0 : i32
      %dma_start3A_438 = tpu.memref_slice %arg6[%run_scoped3A_402, %dma_start3A_436, %dma_start3A_437] : memref<4x32x512xi32, #tpu.memory_space<vmem>> -> memref<1x32x512xi32, #tpu.memory_space<vmem>>
      %dma_start3A_439 = tpu.memref_squeeze %dma_start3A_438 : memref<1x32x512xi32, #tpu.memory_space<vmem>> -> memref<32x512xi32, #tpu.memory_space<vmem>>
      %dma_start3A_440 = arith.constant 0 : i32
      %dma_start3A_441 = tpu.memref_slice %arg4[%add3A_401, %dma_start3A_440] : memref<8192x512xi32, #tpu.memory_space<hbm>> -> memref<32x512xi32, #tpu.memory_space<hbm>>
      %dma_start3A_442 = arith.constant 0 : i32
      %dma_start3A_443 = tpu.memref_slice %arg4[%add3A_401, %dma_start3A_442] : memref<8192x512xi32, #tpu.memory_space<hbm>> -> memref<32x512xi32, #tpu.memory_space<hbm>>
      %dma_start3A_444 = arith.constant 0 : i32
      %dma_start3A_445 = arith.constant 0 : i32
      %dma_start3A_446 = tpu.memref_slice %arg6[%run_scoped3A_402, %dma_start3A_444, %dma_start3A_445] : memref<4x32x512xi32, #tpu.memory_space<vmem>> -> memref<1x32x512xi32, #tpu.memory_space<vmem>>
      %dma_start3A_447 = tpu.memref_squeeze %dma_start3A_446 : memref<1x32x512xi32, #tpu.memory_space<vmem>> -> memref<32x512xi32, #tpu.memory_space<vmem>>
      tpu.enqueue_dma source(%dma_start3A_447 : memref<32x512xi32, #tpu.memory_space<vmem>>) target(%dma_start3A_443 : memref<32x512xi32, #tpu.memory_space<hbm>>) target_semaphore(%run_scoped3A_435 : memref<!tpu.dma_semaphore, #tpu.memory_space<semaphore_mem>>)
      %dma_wait3A_448 = arith.constant 0 : i32
      %dma_wait3A_449 = arith.constant 0 : i32
      %dma_wait3A_450 = tpu.memref_slice %arg6[%run_scoped3A_402, %dma_wait3A_448, %dma_wait3A_449] : memref<4x32x512xi32, #tpu.memory_space<vmem>> -> memref<1x32x512xi32, #tpu.memory_space<vmem>>
      %dma_wait3A_451 = tpu.memref_squeeze %dma_wait3A_450 : memref<1x32x512xi32, #tpu.memory_space<vmem>> -> memref<32x512xi32, #tpu.memory_space<vmem>>
      %dma_wait3A_452 = arith.constant 0 : i32
      %dma_wait3A_453 = tpu.memref_slice %arg4[%add3A_401, %dma_wait3A_452] : memref<8192x512xi32, #tpu.memory_space<hbm>> -> memref<32x512xi32, #tpu.memory_space<hbm>>
      %dma_wait3A_454 = arith.constant 0 : i32
      %dma_wait3A_455 = tpu.memref_slice %arg4[%add3A_401, %dma_wait3A_454] : memref<8192x512xi32, #tpu.memory_space<hbm>> -> memref<32x512xi32, #tpu.memory_space<hbm>>
      %dma_wait3A_456 = arith.constant 0 : i32
      %dma_wait3A_457 = arith.constant 0 : i32
      %dma_wait3A_458 = tpu.memref_slice %arg6[%run_scoped3A_402, %dma_wait3A_456, %dma_wait3A_457] : memref<4x32x512xi32, #tpu.memory_space<vmem>> -> memref<1x32x512xi32, #tpu.memory_space<vmem>>
      %dma_wait3A_459 = tpu.memref_squeeze %dma_wait3A_458 : memref<1x32x512xi32, #tpu.memory_space<vmem>> -> memref<32x512xi32, #tpu.memory_space<vmem>>
      tpu.wait_dma2 semaphore(%run_scoped3A_435 : memref<!tpu.dma_semaphore, #tpu.memory_space<semaphore_mem>>) src(%dma_wait3A_459 : memref<32x512xi32, #tpu.memory_space<vmem>>) dst(%dma_wait3A_455 : memref<32x512xi32, #tpu.memory_space<hbm>>)
      tpu.yield
    }) : () -> ()
    %dma_wait3A_403 = arith.constant 2 : i32
    %dma_wait3A_404 = arith.constant 2 : i32
    %dma_wait3A_405 = arith.constant 0 : i32
    %dma_wait3A_406 = arith.constant 0 : i32
    %dma_wait3A_407 = tpu.memref_slice %arg6[%dma_wait3A_403, %dma_wait3A_405, %dma_wait3A_406] : memref<4x32x512xi32, #tpu.memory_space<vmem>> -> memref<1x32x512xi32, #tpu.memory_space<vmem>>
    %dma_wait3A_408 = tpu.memref_squeeze %dma_wait3A_407 : memref<1x32x512xi32, #tpu.memory_space<vmem>> -> memref<32x512xi32, #tpu.memory_space<vmem>>
    %dma_wait3A_409 = arith.constant 192 : i32
    %dma_wait3A_410 = tpu.memref_slice %arg5[%dma_wait3A_409] : memref<256xi32, #tpu.memory_space<vmem>> -> memref<32xi32, #tpu.memory_space<vmem>>
    %dma_wait3A_411 = arith.constant 0 : i32
    %dma_wait3A_412 = arith.constant 0 : i32
    %dma_wait3A_413 = tpu.memref_slice %arg3[%dma_wait3A_411, %dma_wait3A_412] : memref<10240x512xi32, #tpu.memory_space<hbm>> -> memref<10240x512xi32, #tpu.memory_space<hbm>>
    %dma_wait3A_414 = tpu.memref_slice %arg7[%dma_wait3A_404] : memref<4x!tpu.dma_semaphore, #tpu.memory_space<semaphore_mem>> -> memref<1x!tpu.dma_semaphore, #tpu.memory_space<semaphore_mem>>
    %dma_wait3A_415 = tpu.memref_squeeze %dma_wait3A_414 : memref<1x!tpu.dma_semaphore, #tpu.memory_space<semaphore_mem>> -> memref<!tpu.dma_semaphore, #tpu.memory_space<semaphore_mem>>
    tpu.wait_indirect_dma semaphore(%dma_wait3A_415 : memref<!tpu.dma_semaphore, #tpu.memory_space<semaphore_mem>>) src(%dma_wait3A_413 : memref<10240x512xi32, #tpu.memory_space<hbm>>) dst(%dma_wait3A_408 : memref<32x512xi32, #tpu.memory_space<vmem>>)
    %add3A_416 = arith.constant 192 : i32
    %add3A_417 = arith.addi %mul3A_2, %add3A_416 : i32
    %run_scoped3A_418 = arith.constant 2 : i32
    "tpu.region"() ({
      %run_scoped3A_435 = tpu.sem_alloc : memref<!tpu.dma_semaphore, #tpu.memory_space<semaphore_mem>>
      %dma_start3A_436 = arith.constant 0 : i32
      %dma_start3A_437 = arith.constant 0 : i32
      %dma_start3A_438 = tpu.memref_slice %arg6[%run_scoped3A_418, %dma_start3A_436, %dma_start3A_437] : memref<4x32x512xi32, #tpu.memory_space<vmem>> -> memref<1x32x512xi32, #tpu.memory_space<vmem>>
      %dma_start3A_439 = tpu.memref_squeeze %dma_start3A_438 : memref<1x32x512xi32, #tpu.memory_space<vmem>> -> memref<32x512xi32, #tpu.memory_space<vmem>>
      %dma_start3A_440 = arith.constant 0 : i32
      %dma_start3A_441 = tpu.memref_slice %arg4[%add3A_417, %dma_start3A_440] : memref<8192x512xi32, #tpu.memory_space<hbm>> -> memref<32x512xi32, #tpu.memory_space<hbm>>
      %dma_start3A_442 = arith.constant 0 : i32
      %dma_start3A_443 = tpu.memref_slice %arg4[%add3A_417, %dma_start3A_442] : memref<8192x512xi32, #tpu.memory_space<hbm>> -> memref<32x512xi32, #tpu.memory_space<hbm>>
      %dma_start3A_444 = arith.constant 0 : i32
      %dma_start3A_445 = arith.constant 0 : i32
      %dma_start3A_446 = tpu.memref_slice %arg6[%run_scoped3A_418, %dma_start3A_444, %dma_start3A_445] : memref<4x32x512xi32, #tpu.memory_space<vmem>> -> memref<1x32x512xi32, #tpu.memory_space<vmem>>
      %dma_start3A_447 = tpu.memref_squeeze %dma_start3A_446 : memref<1x32x512xi32, #tpu.memory_space<vmem>> -> memref<32x512xi32, #tpu.memory_space<vmem>>
      tpu.enqueue_dma source(%dma_start3A_447 : memref<32x512xi32, #tpu.memory_space<vmem>>) target(%dma_start3A_443 : memref<32x512xi32, #tpu.memory_space<hbm>>) target_semaphore(%run_scoped3A_435 : memref<!tpu.dma_semaphore, #tpu.memory_space<semaphore_mem>>)
      %dma_wait3A_448 = arith.constant 0 : i32
      %dma_wait3A_449 = arith.constant 0 : i32
      %dma_wait3A_450 = tpu.memref_slice %arg6[%run_scoped3A_418, %dma_wait3A_448, %dma_wait3A_449] : memref<4x32x512xi32, #tpu.memory_space<vmem>> -> memref<1x32x512xi32, #tpu.memory_space<vmem>>
      %dma_wait3A_451 = tpu.memref_squeeze %dma_wait3A_450 : memref<1x32x512xi32, #tpu.memory_space<vmem>> -> memref<32x512xi32, #tpu.memory_space<vmem>>
      %dma_wait3A_452 = arith.constant 0 : i32
      %dma_wait3A_453 = tpu.memref_slice %arg4[%add3A_417, %dma_wait3A_452] : memref<8192x512xi32, #tpu.memory_space<hbm>> -> memref<32x512xi32, #tpu.memory_space<hbm>>
      %dma_wait3A_454 = arith.constant 0 : i32
      %dma_wait3A_455 = tpu.memref_slice %arg4[%add3A_417, %dma_wait3A_454] : memref<8192x512xi32, #tpu.memory_space<hbm>> -> memref<32x512xi32, #tpu.memory_space<hbm>>
      %dma_wait3A_456 = arith.constant 0 : i32
      %dma_wait3A_457 = arith.constant 0 : i32
      %dma_wait3A_458 = tpu.memref_slice %arg6[%run_scoped3A_418, %dma_wait3A_456, %dma_wait3A_457] : memref<4x32x512xi32, #tpu.memory_space<vmem>> -> memref<1x32x512xi32, #tpu.memory_space<vmem>>
      %dma_wait3A_459 = tpu.memref_squeeze %dma_wait3A_458 : memref<1x32x512xi32, #tpu.memory_space<vmem>> -> memref<32x512xi32, #tpu.memory_space<vmem>>
      tpu.wait_dma2 semaphore(%run_scoped3A_435 : memref<!tpu.dma_semaphore, #tpu.memory_space<semaphore_mem>>) src(%dma_wait3A_459 : memref<32x512xi32, #tpu.memory_space<vmem>>) dst(%dma_wait3A_455 : memref<32x512xi32, #tpu.memory_space<hbm>>)
      tpu.yield
    }) : () -> ()
    %dma_wait3A_419 = arith.constant 3 : i32
    %dma_wait3A_420 = arith.constant 3 : i32
    %dma_wait3A_421 = arith.constant 0 : i32
    %dma_wait3A_422 = arith.constant 0 : i32
    %dma_wait3A_423 = tpu.memref_slice %arg6[%dma_wait3A_419, %dma_wait3A_421, %dma_wait3A_422] : memref<4x32x512xi32, #tpu.memory_space<vmem>> -> memref<1x32x512xi32, #tpu.memory_space<vmem>>
    %dma_wait3A_424 = tpu.memref_squeeze %dma_wait3A_423 : memref<1x32x512xi32, #tpu.memory_space<vmem>> -> memref<32x512xi32, #tpu.memory_space<vmem>>
    %dma_wait3A_425 = arith.constant 224 : i32
    %dma_wait3A_426 = tpu.memref_slice %arg5[%dma_wait3A_425] : memref<256xi32, #tpu.memory_space<vmem>> -> memref<32xi32, #tpu.memory_space<vmem>>
    %dma_wait3A_427 = arith.constant 0 : i32
    %dma_wait3A_428 = arith.constant 0 : i32
    %dma_wait3A_429 = tpu.memref_slice %arg3[%dma_wait3A_427, %dma_wait3A_428] : memref<10240x512xi32, #tpu.memory_space<hbm>> -> memref<10240x512xi32, #tpu.memory_space<hbm>>
    %dma_wait3A_430 = tpu.memref_slice %arg7[%dma_wait3A_420] : memref<4x!tpu.dma_semaphore, #tpu.memory_space<semaphore_mem>> -> memref<1x!tpu.dma_semaphore, #tpu.memory_space<semaphore_mem>>
    %dma_wait3A_431 = tpu.memref_squeeze %dma_wait3A_430 : memref<1x!tpu.dma_semaphore, #tpu.memory_space<semaphore_mem>> -> memref<!tpu.dma_semaphore, #tpu.memory_space<semaphore_mem>>
    tpu.wait_indirect_dma semaphore(%dma_wait3A_431 : memref<!tpu.dma_semaphore, #tpu.memory_space<semaphore_mem>>) src(%dma_wait3A_429 : memref<10240x512xi32, #tpu.memory_space<hbm>>) dst(%dma_wait3A_424 : memref<32x512xi32, #tpu.memory_space<vmem>>)
    %add3A_432 = arith.constant 224 : i32
    %add3A_433 = arith.addi %mul3A_2, %add3A_432 : i32
    %run_scoped3A_434 = arith.constant 3 : i32
    "tpu.region"() ({
      %run_scoped3A_435 = tpu.sem_alloc : memref<!tpu.dma_semaphore, #tpu.memory_space<semaphore_mem>>
      %dma_start3A_436 = arith.constant 0 : i32
      %dma_start3A_437 = arith.constant 0 : i32
      %dma_start3A_438 = tpu.memref_slice %arg6[%run_scoped3A_434, %dma_start3A_436, %dma_start3A_437] : memref<4x32x512xi32, #tpu.memory_space<vmem>> -> memref<1x32x512xi32, #tpu.memory_space<vmem>>
      %dma_start3A_439 = tpu.memref_squeeze %dma_start3A_438 : memref<1x32x512xi32, #tpu.memory_space<vmem>> -> memref<32x512xi32, #tpu.memory_space<vmem>>
      %dma_start3A_440 = arith.constant 0 : i32
      %dma_start3A_441 = tpu.memref_slice %arg4[%add3A_433, %dma_start3A_440] : memref<8192x512xi32, #tpu.memory_space<hbm>> -> memref<32x512xi32, #tpu.memory_space<hbm>>
      %dma_start3A_442 = arith.constant 0 : i32
      %dma_start3A_443 = tpu.memref_slice %arg4[%add3A_433, %dma_start3A_442] : memref<8192x512xi32, #tpu.memory_space<hbm>> -> memref<32x512xi32, #tpu.memory_space<hbm>>
      %dma_start3A_444 = arith.constant 0 : i32
      %dma_start3A_445 = arith.constant 0 : i32
      %dma_start3A_446 = tpu.memref_slice %arg6[%run_scoped3A_434, %dma_start3A_444, %dma_start3A_445] : memref<4x32x512xi32, #tpu.memory_space<vmem>> -> memref<1x32x512xi32, #tpu.memory_space<vmem>>
      %dma_start3A_447 = tpu.memref_squeeze %dma_start3A_446 : memref<1x32x512xi32, #tpu.memory_space<vmem>> -> memref<32x512xi32, #tpu.memory_space<vmem>>
      tpu.enqueue_dma source(%dma_start3A_447 : memref<32x512xi32, #tpu.memory_space<vmem>>) target(%dma_start3A_443 : memref<32x512xi32, #tpu.memory_space<hbm>>) target_semaphore(%run_scoped3A_435 : memref<!tpu.dma_semaphore, #tpu.memory_space<semaphore_mem>>)
      %dma_wait3A_448 = arith.constant 0 : i32
      %dma_wait3A_449 = arith.constant 0 : i32
      %dma_wait3A_450 = tpu.memref_slice %arg6[%run_scoped3A_434, %dma_wait3A_448, %dma_wait3A_449] : memref<4x32x512xi32, #tpu.memory_space<vmem>> -> memref<1x32x512xi32, #tpu.memory_space<vmem>>
      %dma_wait3A_451 = tpu.memref_squeeze %dma_wait3A_450 : memref<1x32x512xi32, #tpu.memory_space<vmem>> -> memref<32x512xi32, #tpu.memory_space<vmem>>
      %dma_wait3A_452 = arith.constant 0 : i32
      %dma_wait3A_453 = tpu.memref_slice %arg4[%add3A_433, %dma_wait3A_452] : memref<8192x512xi32, #tpu.memory_space<hbm>> -> memref<32x512xi32, #tpu.memory_space<hbm>>
      %dma_wait3A_454 = arith.constant 0 : i32
      %dma_wait3A_455 = tpu.memref_slice %arg4[%add3A_433, %dma_wait3A_454] : memref<8192x512xi32, #tpu.memory_space<hbm>> -> memref<32x512xi32, #tpu.memory_space<hbm>>
      %dma_wait3A_456 = arith.constant 0 : i32
      %dma_wait3A_457 = arith.constant 0 : i32
      %dma_wait3A_458 = tpu.memref_slice %arg6[%run_scoped3A_434, %dma_wait3A_456, %dma_wait3A_457] : memref<4x32x512xi32, #tpu.memory_space<vmem>> -> memref<1x32x512xi32, #tpu.memory_space<vmem>>
      %dma_wait3A_459 = tpu.memref_squeeze %dma_wait3A_458 : memref<1x32x512xi32, #tpu.memory_space<vmem>> -> memref<32x512xi32, #tpu.memory_space<vmem>>
      tpu.wait_dma2 semaphore(%run_scoped3A_435 : memref<!tpu.dma_semaphore, #tpu.memory_space<semaphore_mem>>) src(%dma_wait3A_459 : memref<32x512xi32, #tpu.memory_space<vmem>>) dst(%dma_wait3A_455 : memref<32x512xi32, #tpu.memory_space<hbm>>)
      tpu.yield
    }) : () -> ()
    return
  }
}

#map = affine_map<(d0, d1) -> (0)>
#map1 = affine_map<(d0, d1) -> (0, 0)>
module attributes {stable_mosaic.version = 14 : i64} {
  func.func @_rowscatter_body(%arg0: i32, %arg1: i32, %arg2: memref<4096xi32, #tpu.memory_space<hbm>>, %arg3: memref<4096xi32, #tpu.memory_space<hbm>>, %arg4: memref<4096x512xi32, #tpu.memory_space<hbm>>, %arg5: memref<4096x512xi32, #tpu.memory_space<hbm>>, %arg6: memref<10240x512xi32, #tpu.memory_space<hbm>>, %arg7: memref<128xi32, #tpu.memory_space<vmem>>, %arg8: memref<128xi32, #tpu.memory_space<vmem>>, %arg9: memref<2x16x512xi32, #tpu.memory_space<vmem>>, %arg10: memref<2x16x512xi32, #tpu.memory_space<vmem>>, %arg11: memref<2x!tpu.dma_semaphore, #tpu.memory_space<semaphore_mem>>, %arg12: memref<2x!tpu.dma_semaphore, #tpu.memory_space<semaphore_mem>>, %arg13: memref<!tpu.dma_semaphore, #tpu.memory_space<semaphore_mem>>, %arg14: memref<!tpu.dma_semaphore, #tpu.memory_space<semaphore_mem>>) attributes {dimension_semantics = [#tpu.dimension_semantics<core_parallel>, #tpu.dimension_semantics<subcore_parallel>], iteration_bounds = array<i64: 2, 16>, scalar_prefetch = 0 : i64, scratch_operands = 8 : i64, tpu.core_type = #tpu.core_type<sc_vector_subcore>, window_params = [{transform_indices = #map}, {transform_indices = #map}, {transform_indices = #map1}, {transform_indices = #map1}, {transform_indices = #map1}]} {
    %mul3A = arith.constant 2 : i32
    %mul3A_0 = arith.muli %arg1, %mul3A : i32
    %add3A = arith.addi %mul3A_0, %arg0 : i32
    %mul3A_1 = arith.constant 128 : i32
    %mul3A_2 = arith.muli %add3A, %mul3A_1 : i32
    "tpu.region"() ({
      %run_scoped3A = tpu.sem_alloc : memref<!tpu.dma_semaphore, #tpu.memory_space<semaphore_mem>>
      %dma_start3A_865 = tpu.memref_slice %arg2[%mul3A_2] : memref<4096xi32, #tpu.memory_space<hbm>> -> memref<128xi32, #tpu.memory_space<hbm>>
      %dma_start3A_866 = tpu.memref_slice %arg2[%mul3A_2] : memref<4096xi32, #tpu.memory_space<hbm>> -> memref<128xi32, #tpu.memory_space<hbm>>
      tpu.enqueue_dma source(%dma_start3A_866 : memref<128xi32, #tpu.memory_space<hbm>>) target(%arg7 : memref<128xi32, #tpu.memory_space<vmem>>) target_semaphore(%run_scoped3A : memref<!tpu.dma_semaphore, #tpu.memory_space<semaphore_mem>>)
      %dma_wait3A_867 = tpu.memref_slice %arg2[%mul3A_2] : memref<4096xi32, #tpu.memory_space<hbm>> -> memref<128xi32, #tpu.memory_space<hbm>>
      %dma_wait3A_868 = tpu.memref_slice %arg2[%mul3A_2] : memref<4096xi32, #tpu.memory_space<hbm>> -> memref<128xi32, #tpu.memory_space<hbm>>
      tpu.wait_dma2 semaphore(%run_scoped3A : memref<!tpu.dma_semaphore, #tpu.memory_space<semaphore_mem>>) src(%dma_wait3A_868 : memref<128xi32, #tpu.memory_space<hbm>>) dst(%arg7 : memref<128xi32, #tpu.memory_space<vmem>>)
      tpu.yield
    }) : () -> ()
    "tpu.region"() ({
      %run_scoped3A = tpu.sem_alloc : memref<!tpu.dma_semaphore, #tpu.memory_space<semaphore_mem>>
      %dma_start3A_865 = tpu.memref_slice %arg3[%mul3A_2] : memref<4096xi32, #tpu.memory_space<hbm>> -> memref<128xi32, #tpu.memory_space<hbm>>
      %dma_start3A_866 = tpu.memref_slice %arg3[%mul3A_2] : memref<4096xi32, #tpu.memory_space<hbm>> -> memref<128xi32, #tpu.memory_space<hbm>>
      tpu.enqueue_dma source(%dma_start3A_866 : memref<128xi32, #tpu.memory_space<hbm>>) target(%arg8 : memref<128xi32, #tpu.memory_space<vmem>>) target_semaphore(%run_scoped3A : memref<!tpu.dma_semaphore, #tpu.memory_space<semaphore_mem>>)
      %dma_wait3A_867 = tpu.memref_slice %arg3[%mul3A_2] : memref<4096xi32, #tpu.memory_space<hbm>> -> memref<128xi32, #tpu.memory_space<hbm>>
      %dma_wait3A_868 = tpu.memref_slice %arg3[%mul3A_2] : memref<4096xi32, #tpu.memory_space<hbm>> -> memref<128xi32, #tpu.memory_space<hbm>>
      tpu.wait_dma2 semaphore(%run_scoped3A : memref<!tpu.dma_semaphore, #tpu.memory_space<semaphore_mem>>) src(%dma_wait3A_868 : memref<128xi32, #tpu.memory_space<hbm>>) dst(%arg8 : memref<128xi32, #tpu.memory_space<vmem>>)
      tpu.yield
    }) : () -> ()
    %add3A_3 = arith.constant 0 : i32
    %add3A_4 = arith.addi %mul3A_2, %add3A_3 : i32
    %dma_start3A = arith.constant 0 : i32
    %dma_start3A_5 = arith.constant 0 : i32
    %dma_start3A_6 = arith.constant 0 : i32
    %dma_start3A_7 = arith.constant 0 : i32
    %dma_start3A_8 = tpu.memref_slice %arg9[%dma_start3A, %dma_start3A_6, %dma_start3A_7] : memref<2x16x512xi32, #tpu.memory_space<vmem>> -> memref<1x16x512xi32, #tpu.memory_space<vmem>>
    %dma_start3A_9 = tpu.memref_squeeze %dma_start3A_8 : memref<1x16x512xi32, #tpu.memory_space<vmem>> -> memref<16x512xi32, #tpu.memory_space<vmem>>
    %dma_start3A_10 = arith.constant 0 : i32
    %dma_start3A_11 = tpu.memref_slice %arg4[%add3A_4, %dma_start3A_10] : memref<4096x512xi32, #tpu.memory_space<hbm>> -> memref<16x512xi32, #tpu.memory_space<hbm>>
    %dma_start3A_12 = tpu.memref_slice %arg11[%dma_start3A_5] : memref<2x!tpu.dma_semaphore, #tpu.memory_space<semaphore_mem>> -> memref<1x!tpu.dma_semaphore, #tpu.memory_space<semaphore_mem>>
    %dma_start3A_13 = tpu.memref_squeeze %dma_start3A_12 : memref<1x!tpu.dma_semaphore, #tpu.memory_space<semaphore_mem>> -> memref<!tpu.dma_semaphore, #tpu.memory_space<semaphore_mem>>
    %dma_start3A_14 = arith.constant 0 : i32
    %dma_start3A_15 = arith.constant 0 : i32
    %dma_start3A_16 = tpu.memref_slice %arg9[%dma_start3A, %dma_start3A_14, %dma_start3A_15] : memref<2x16x512xi32, #tpu.memory_space<vmem>> -> memref<1x16x512xi32, #tpu.memory_space<vmem>>
    %dma_start3A_17 = tpu.memref_squeeze %dma_start3A_16 : memref<1x16x512xi32, #tpu.memory_space<vmem>> -> memref<16x512xi32, #tpu.memory_space<vmem>>
    %dma_start3A_18 = arith.constant 0 : i32
    %dma_start3A_19 = tpu.memref_slice %arg4[%add3A_4, %dma_start3A_18] : memref<4096x512xi32, #tpu.memory_space<hbm>> -> memref<16x512xi32, #tpu.memory_space<hbm>>
    tpu.enqueue_dma source(%dma_start3A_19 : memref<16x512xi32, #tpu.memory_space<hbm>>) target(%dma_start3A_17 : memref<16x512xi32, #tpu.memory_space<vmem>>) target_semaphore(%dma_start3A_13 : memref<!tpu.dma_semaphore, #tpu.memory_space<semaphore_mem>>)
    %add3A_20 = arith.constant 0 : i32
    %add3A_21 = arith.addi %mul3A_2, %add3A_20 : i32
    %dma_start3A_22 = arith.constant 0 : i32
    %dma_start3A_23 = arith.constant 0 : i32
    %dma_start3A_24 = arith.constant 0 : i32
    %dma_start3A_25 = arith.constant 0 : i32
    %dma_start3A_26 = tpu.memref_slice %arg10[%dma_start3A_22, %dma_start3A_24, %dma_start3A_25] : memref<2x16x512xi32, #tpu.memory_space<vmem>> -> memref<1x16x512xi32, #tpu.memory_space<vmem>>
    %dma_start3A_27 = tpu.memref_squeeze %dma_start3A_26 : memref<1x16x512xi32, #tpu.memory_space<vmem>> -> memref<16x512xi32, #tpu.memory_space<vmem>>
    %dma_start3A_28 = arith.constant 0 : i32
    %dma_start3A_29 = tpu.memref_slice %arg5[%add3A_21, %dma_start3A_28] : memref<4096x512xi32, #tpu.memory_space<hbm>> -> memref<16x512xi32, #tpu.memory_space<hbm>>
    %dma_start3A_30 = tpu.memref_slice %arg12[%dma_start3A_23] : memref<2x!tpu.dma_semaphore, #tpu.memory_space<semaphore_mem>> -> memref<1x!tpu.dma_semaphore, #tpu.memory_space<semaphore_mem>>
    %dma_start3A_31 = tpu.memref_squeeze %dma_start3A_30 : memref<1x!tpu.dma_semaphore, #tpu.memory_space<semaphore_mem>> -> memref<!tpu.dma_semaphore, #tpu.memory_space<semaphore_mem>>
    %dma_start3A_32 = arith.constant 0 : i32
    %dma_start3A_33 = arith.constant 0 : i32
    %dma_start3A_34 = tpu.memref_slice %arg10[%dma_start3A_22, %dma_start3A_32, %dma_start3A_33] : memref<2x16x512xi32, #tpu.memory_space<vmem>> -> memref<1x16x512xi32, #tpu.memory_space<vmem>>
    %dma_start3A_35 = tpu.memref_squeeze %dma_start3A_34 : memref<1x16x512xi32, #tpu.memory_space<vmem>> -> memref<16x512xi32, #tpu.memory_space<vmem>>
    %dma_start3A_36 = arith.constant 0 : i32
    %dma_start3A_37 = tpu.memref_slice %arg5[%add3A_21, %dma_start3A_36] : memref<4096x512xi32, #tpu.memory_space<hbm>> -> memref<16x512xi32, #tpu.memory_space<hbm>>
    tpu.enqueue_dma source(%dma_start3A_37 : memref<16x512xi32, #tpu.memory_space<hbm>>) target(%dma_start3A_35 : memref<16x512xi32, #tpu.memory_space<vmem>>) target_semaphore(%dma_start3A_31 : memref<!tpu.dma_semaphore, #tpu.memory_space<semaphore_mem>>)
    %add3A_38 = arith.constant 16 : i32
    %add3A_39 = arith.addi %mul3A_2, %add3A_38 : i32
    %dma_start3A_40 = arith.constant 1 : i32
    %dma_start3A_41 = arith.constant 1 : i32
    %dma_start3A_42 = arith.constant 0 : i32
    %dma_start3A_43 = arith.constant 0 : i32
    %dma_start3A_44 = tpu.memref_slice %arg9[%dma_start3A_40, %dma_start3A_42, %dma_start3A_43] : memref<2x16x512xi32, #tpu.memory_space<vmem>> -> memref<1x16x512xi32, #tpu.memory_space<vmem>>
    %dma_start3A_45 = tpu.memref_squeeze %dma_start3A_44 : memref<1x16x512xi32, #tpu.memory_space<vmem>> -> memref<16x512xi32, #tpu.memory_space<vmem>>
    %dma_start3A_46 = arith.constant 0 : i32
    %dma_start3A_47 = tpu.memref_slice %arg4[%add3A_39, %dma_start3A_46] : memref<4096x512xi32, #tpu.memory_space<hbm>> -> memref<16x512xi32, #tpu.memory_space<hbm>>
    %dma_start3A_48 = tpu.memref_slice %arg11[%dma_start3A_41] : memref<2x!tpu.dma_semaphore, #tpu.memory_space<semaphore_mem>> -> memref<1x!tpu.dma_semaphore, #tpu.memory_space<semaphore_mem>>
    %dma_start3A_49 = tpu.memref_squeeze %dma_start3A_48 : memref<1x!tpu.dma_semaphore, #tpu.memory_space<semaphore_mem>> -> memref<!tpu.dma_semaphore, #tpu.memory_space<semaphore_mem>>
    %dma_start3A_50 = arith.constant 0 : i32
    %dma_start3A_51 = arith.constant 0 : i32
    %dma_start3A_52 = tpu.memref_slice %arg9[%dma_start3A_40, %dma_start3A_50, %dma_start3A_51] : memref<2x16x512xi32, #tpu.memory_space<vmem>> -> memref<1x16x512xi32, #tpu.memory_space<vmem>>
    %dma_start3A_53 = tpu.memref_squeeze %dma_start3A_52 : memref<1x16x512xi32, #tpu.memory_space<vmem>> -> memref<16x512xi32, #tpu.memory_space<vmem>>
    %dma_start3A_54 = arith.constant 0 : i32
    %dma_start3A_55 = tpu.memref_slice %arg4[%add3A_39, %dma_start3A_54] : memref<4096x512xi32, #tpu.memory_space<hbm>> -> memref<16x512xi32, #tpu.memory_space<hbm>>
    tpu.enqueue_dma source(%dma_start3A_55 : memref<16x512xi32, #tpu.memory_space<hbm>>) target(%dma_start3A_53 : memref<16x512xi32, #tpu.memory_space<vmem>>) target_semaphore(%dma_start3A_49 : memref<!tpu.dma_semaphore, #tpu.memory_space<semaphore_mem>>)
    %add3A_56 = arith.constant 16 : i32
    %add3A_57 = arith.addi %mul3A_2, %add3A_56 : i32
    %dma_start3A_58 = arith.constant 1 : i32
    %dma_start3A_59 = arith.constant 1 : i32
    %dma_start3A_60 = arith.constant 0 : i32
    %dma_start3A_61 = arith.constant 0 : i32
    %dma_start3A_62 = tpu.memref_slice %arg10[%dma_start3A_58, %dma_start3A_60, %dma_start3A_61] : memref<2x16x512xi32, #tpu.memory_space<vmem>> -> memref<1x16x512xi32, #tpu.memory_space<vmem>>
    %dma_start3A_63 = tpu.memref_squeeze %dma_start3A_62 : memref<1x16x512xi32, #tpu.memory_space<vmem>> -> memref<16x512xi32, #tpu.memory_space<vmem>>
    %dma_start3A_64 = arith.constant 0 : i32
    %dma_start3A_65 = tpu.memref_slice %arg5[%add3A_57, %dma_start3A_64] : memref<4096x512xi32, #tpu.memory_space<hbm>> -> memref<16x512xi32, #tpu.memory_space<hbm>>
    %dma_start3A_66 = tpu.memref_slice %arg12[%dma_start3A_59] : memref<2x!tpu.dma_semaphore, #tpu.memory_space<semaphore_mem>> -> memref<1x!tpu.dma_semaphore, #tpu.memory_space<semaphore_mem>>
    %dma_start3A_67 = tpu.memref_squeeze %dma_start3A_66 : memref<1x!tpu.dma_semaphore, #tpu.memory_space<semaphore_mem>> -> memref<!tpu.dma_semaphore, #tpu.memory_space<semaphore_mem>>
    %dma_start3A_68 = arith.constant 0 : i32
    %dma_start3A_69 = arith.constant 0 : i32
    %dma_start3A_70 = tpu.memref_slice %arg10[%dma_start3A_58, %dma_start3A_68, %dma_start3A_69] : memref<2x16x512xi32, #tpu.memory_space<vmem>> -> memref<1x16x512xi32, #tpu.memory_space<vmem>>
    %dma_start3A_71 = tpu.memref_squeeze %dma_start3A_70 : memref<1x16x512xi32, #tpu.memory_space<vmem>> -> memref<16x512xi32, #tpu.memory_space<vmem>>
    %dma_start3A_72 = arith.constant 0 : i32
    %dma_start3A_73 = tpu.memref_slice %arg5[%add3A_57, %dma_start3A_72] : memref<4096x512xi32, #tpu.memory_space<hbm>> -> memref<16x512xi32, #tpu.memory_space<hbm>>
    tpu.enqueue_dma source(%dma_start3A_73 : memref<16x512xi32, #tpu.memory_space<hbm>>) target(%dma_start3A_71 : memref<16x512xi32, #tpu.memory_space<vmem>>) target_semaphore(%dma_start3A_67 : memref<!tpu.dma_semaphore, #tpu.memory_space<semaphore_mem>>)
    %dma_wait3A = arith.constant 0 : i32
    %dma_wait3A_74 = arith.constant 0 : i32
    %dma_wait3A_75 = arith.constant 0 : i32
    %dma_wait3A_76 = arith.constant 0 : i32
    %dma_wait3A_77 = tpu.memref_slice %arg9[%dma_wait3A, %dma_wait3A_75, %dma_wait3A_76] : memref<2x16x512xi32, #tpu.memory_space<vmem>> -> memref<1x16x512xi32, #tpu.memory_space<vmem>>
    %dma_wait3A_78 = tpu.memref_squeeze %dma_wait3A_77 : memref<1x16x512xi32, #tpu.memory_space<vmem>> -> memref<16x512xi32, #tpu.memory_space<vmem>>
    %dma_wait3A_79 = arith.constant 0 : i32
    %dma_wait3A_80 = tpu.memref_slice %arg4[%add3A_4, %dma_wait3A_79] : memref<4096x512xi32, #tpu.memory_space<hbm>> -> memref<16x512xi32, #tpu.memory_space<hbm>>
    %dma_wait3A_81 = tpu.memref_slice %arg11[%dma_wait3A_74] : memref<2x!tpu.dma_semaphore, #tpu.memory_space<semaphore_mem>> -> memref<1x!tpu.dma_semaphore, #tpu.memory_space<semaphore_mem>>
    %dma_wait3A_82 = tpu.memref_squeeze %dma_wait3A_81 : memref<1x!tpu.dma_semaphore, #tpu.memory_space<semaphore_mem>> -> memref<!tpu.dma_semaphore, #tpu.memory_space<semaphore_mem>>
    %dma_wait3A_83 = arith.constant 0 : i32
    %dma_wait3A_84 = arith.constant 0 : i32
    %dma_wait3A_85 = tpu.memref_slice %arg9[%dma_wait3A, %dma_wait3A_83, %dma_wait3A_84] : memref<2x16x512xi32, #tpu.memory_space<vmem>> -> memref<1x16x512xi32, #tpu.memory_space<vmem>>
    %dma_wait3A_86 = tpu.memref_squeeze %dma_wait3A_85 : memref<1x16x512xi32, #tpu.memory_space<vmem>> -> memref<16x512xi32, #tpu.memory_space<vmem>>
    %dma_wait3A_87 = arith.constant 0 : i32
    %dma_wait3A_88 = tpu.memref_slice %arg4[%add3A_4, %dma_wait3A_87] : memref<4096x512xi32, #tpu.memory_space<hbm>> -> memref<16x512xi32, #tpu.memory_space<hbm>>
    tpu.wait_dma2 semaphore(%dma_wait3A_82 : memref<!tpu.dma_semaphore, #tpu.memory_space<semaphore_mem>>) src(%dma_wait3A_88 : memref<16x512xi32, #tpu.memory_space<hbm>>) dst(%dma_wait3A_86 : memref<16x512xi32, #tpu.memory_space<vmem>>)
    %dma_wait3A_89 = arith.constant 0 : i32
    %dma_wait3A_90 = arith.constant 0 : i32
    %dma_wait3A_91 = arith.constant 0 : i32
    %dma_wait3A_92 = arith.constant 0 : i32
    %dma_wait3A_93 = tpu.memref_slice %arg10[%dma_wait3A_89, %dma_wait3A_91, %dma_wait3A_92] : memref<2x16x512xi32, #tpu.memory_space<vmem>> -> memref<1x16x512xi32, #tpu.memory_space<vmem>>
    %dma_wait3A_94 = tpu.memref_squeeze %dma_wait3A_93 : memref<1x16x512xi32, #tpu.memory_space<vmem>> -> memref<16x512xi32, #tpu.memory_space<vmem>>
    %dma_wait3A_95 = arith.constant 0 : i32
    %dma_wait3A_96 = tpu.memref_slice %arg5[%add3A_21, %dma_wait3A_95] : memref<4096x512xi32, #tpu.memory_space<hbm>> -> memref<16x512xi32, #tpu.memory_space<hbm>>
    %dma_wait3A_97 = tpu.memref_slice %arg12[%dma_wait3A_90] : memref<2x!tpu.dma_semaphore, #tpu.memory_space<semaphore_mem>> -> memref<1x!tpu.dma_semaphore, #tpu.memory_space<semaphore_mem>>
    %dma_wait3A_98 = tpu.memref_squeeze %dma_wait3A_97 : memref<1x!tpu.dma_semaphore, #tpu.memory_space<semaphore_mem>> -> memref<!tpu.dma_semaphore, #tpu.memory_space<semaphore_mem>>
    %dma_wait3A_99 = arith.constant 0 : i32
    %dma_wait3A_100 = arith.constant 0 : i32
    %dma_wait3A_101 = tpu.memref_slice %arg10[%dma_wait3A_89, %dma_wait3A_99, %dma_wait3A_100] : memref<2x16x512xi32, #tpu.memory_space<vmem>> -> memref<1x16x512xi32, #tpu.memory_space<vmem>>
    %dma_wait3A_102 = tpu.memref_squeeze %dma_wait3A_101 : memref<1x16x512xi32, #tpu.memory_space<vmem>> -> memref<16x512xi32, #tpu.memory_space<vmem>>
    %dma_wait3A_103 = arith.constant 0 : i32
    %dma_wait3A_104 = tpu.memref_slice %arg5[%add3A_21, %dma_wait3A_103] : memref<4096x512xi32, #tpu.memory_space<hbm>> -> memref<16x512xi32, #tpu.memory_space<hbm>>
    tpu.wait_dma2 semaphore(%dma_wait3A_98 : memref<!tpu.dma_semaphore, #tpu.memory_space<semaphore_mem>>) src(%dma_wait3A_104 : memref<16x512xi32, #tpu.memory_space<hbm>>) dst(%dma_wait3A_102 : memref<16x512xi32, #tpu.memory_space<vmem>>)
    %dma_start3A_105 = arith.constant 0 : i32
    %dma_start3A_106 = arith.constant 0 : i32
    %dma_start3A_107 = arith.constant 0 : i32
    %dma_start3A_108 = tpu.memref_slice %arg9[%dma_start3A_105, %dma_start3A_106, %dma_start3A_107] : memref<2x16x512xi32, #tpu.memory_space<vmem>> -> memref<1x16x512xi32, #tpu.memory_space<vmem>>
    %dma_start3A_109 = tpu.memref_squeeze %dma_start3A_108 : memref<1x16x512xi32, #tpu.memory_space<vmem>> -> memref<16x512xi32, #tpu.memory_space<vmem>>
    %dma_start3A_110 = arith.constant 0 : i32
    %dma_start3A_111 = tpu.memref_slice %arg7[%dma_start3A_110] : memref<128xi32, #tpu.memory_space<vmem>> -> memref<16xi32, #tpu.memory_space<vmem>>
    %dma_start3A_112 = arith.constant 0 : i32
    %dma_start3A_113 = arith.constant 0 : i32
    %dma_start3A_114 = tpu.memref_slice %arg6[%dma_start3A_112, %dma_start3A_113] : memref<10240x512xi32, #tpu.memory_space<hbm>> -> memref<10240x512xi32, #tpu.memory_space<hbm>>
    tpu.enqueue_indirect_dma source(%dma_start3A_109 : memref<16x512xi32, #tpu.memory_space<vmem>>) target(%dma_start3A_114 : memref<10240x512xi32, #tpu.memory_space<hbm>>) offsets(%dma_start3A_111 : memref<16xi32, #tpu.memory_space<vmem>>) semaphore(%arg13 : memref<!tpu.dma_semaphore, #tpu.memory_space<semaphore_mem>>)
    %dma_start3A_115 = arith.constant 0 : i32
    %dma_start3A_116 = arith.constant 0 : i32
    %dma_start3A_117 = arith.constant 0 : i32
    %dma_start3A_118 = tpu.memref_slice %arg10[%dma_start3A_115, %dma_start3A_116, %dma_start3A_117] : memref<2x16x512xi32, #tpu.memory_space<vmem>> -> memref<1x16x512xi32, #tpu.memory_space<vmem>>
    %dma_start3A_119 = tpu.memref_squeeze %dma_start3A_118 : memref<1x16x512xi32, #tpu.memory_space<vmem>> -> memref<16x512xi32, #tpu.memory_space<vmem>>
    %dma_start3A_120 = arith.constant 0 : i32
    %dma_start3A_121 = tpu.memref_slice %arg8[%dma_start3A_120] : memref<128xi32, #tpu.memory_space<vmem>> -> memref<16xi32, #tpu.memory_space<vmem>>
    %dma_start3A_122 = arith.constant 0 : i32
    %dma_start3A_123 = arith.constant 0 : i32
    %dma_start3A_124 = tpu.memref_slice %arg6[%dma_start3A_122, %dma_start3A_123] : memref<10240x512xi32, #tpu.memory_space<hbm>> -> memref<10240x512xi32, #tpu.memory_space<hbm>>
    tpu.enqueue_indirect_dma source(%dma_start3A_119 : memref<16x512xi32, #tpu.memory_space<vmem>>) target(%dma_start3A_124 : memref<10240x512xi32, #tpu.memory_space<hbm>>) offsets(%dma_start3A_121 : memref<16xi32, #tpu.memory_space<vmem>>) semaphore(%arg14 : memref<!tpu.dma_semaphore, #tpu.memory_space<semaphore_mem>>)
    %dma_wait3A_125 = arith.constant 0 : i32
    %dma_wait3A_126 = arith.constant 0 : i32
    %dma_wait3A_127 = arith.constant 0 : i32
    %dma_wait3A_128 = tpu.memref_slice %arg9[%dma_wait3A_125, %dma_wait3A_126, %dma_wait3A_127] : memref<2x16x512xi32, #tpu.memory_space<vmem>> -> memref<1x16x512xi32, #tpu.memory_space<vmem>>
    %dma_wait3A_129 = tpu.memref_squeeze %dma_wait3A_128 : memref<1x16x512xi32, #tpu.memory_space<vmem>> -> memref<16x512xi32, #tpu.memory_space<vmem>>
    %dma_wait3A_130 = arith.constant 0 : i32
    %dma_wait3A_131 = tpu.memref_slice %arg7[%dma_wait3A_130] : memref<128xi32, #tpu.memory_space<vmem>> -> memref<16xi32, #tpu.memory_space<vmem>>
    %dma_wait3A_132 = arith.constant 0 : i32
    %dma_wait3A_133 = arith.constant 0 : i32
    %dma_wait3A_134 = tpu.memref_slice %arg6[%dma_wait3A_132, %dma_wait3A_133] : memref<10240x512xi32, #tpu.memory_space<hbm>> -> memref<10240x512xi32, #tpu.memory_space<hbm>>
    tpu.wait_indirect_dma semaphore(%arg13 : memref<!tpu.dma_semaphore, #tpu.memory_space<semaphore_mem>>) src(%dma_wait3A_129 : memref<16x512xi32, #tpu.memory_space<vmem>>) dst(%dma_wait3A_134 : memref<10240x512xi32, #tpu.memory_space<hbm>>)
    %dma_wait3A_135 = arith.constant 0 : i32
    %dma_wait3A_136 = arith.constant 0 : i32
    %dma_wait3A_137 = arith.constant 0 : i32
    %dma_wait3A_138 = tpu.memref_slice %arg10[%dma_wait3A_135, %dma_wait3A_136, %dma_wait3A_137] : memref<2x16x512xi32, #tpu.memory_space<vmem>> -> memref<1x16x512xi32, #tpu.memory_space<vmem>>
    %dma_wait3A_139 = tpu.memref_squeeze %dma_wait3A_138 : memref<1x16x512xi32, #tpu.memory_space<vmem>> -> memref<16x512xi32, #tpu.memory_space<vmem>>
    %dma_wait3A_140 = arith.constant 0 : i32
    %dma_wait3A_141 = tpu.memref_slice %arg8[%dma_wait3A_140] : memref<128xi32, #tpu.memory_space<vmem>> -> memref<16xi32, #tpu.memory_space<vmem>>
    %dma_wait3A_142 = arith.constant 0 : i32
    %dma_wait3A_143 = arith.constant 0 : i32
    %dma_wait3A_144 = tpu.memref_slice %arg6[%dma_wait3A_142, %dma_wait3A_143] : memref<10240x512xi32, #tpu.memory_space<hbm>> -> memref<10240x512xi32, #tpu.memory_space<hbm>>
    tpu.wait_indirect_dma semaphore(%arg14 : memref<!tpu.dma_semaphore, #tpu.memory_space<semaphore_mem>>) src(%dma_wait3A_139 : memref<16x512xi32, #tpu.memory_space<vmem>>) dst(%dma_wait3A_144 : memref<10240x512xi32, #tpu.memory_space<hbm>>)
    %add3A_145 = arith.constant 32 : i32
    %add3A_146 = arith.addi %mul3A_2, %add3A_145 : i32
    %dma_start3A_147 = arith.constant 0 : i32
    %dma_start3A_148 = arith.constant 0 : i32
    %dma_start3A_149 = arith.constant 0 : i32
    %dma_start3A_150 = arith.constant 0 : i32
    %dma_start3A_151 = tpu.memref_slice %arg9[%dma_start3A_147, %dma_start3A_149, %dma_start3A_150] : memref<2x16x512xi32, #tpu.memory_space<vmem>> -> memref<1x16x512xi32, #tpu.memory_space<vmem>>
    %dma_start3A_152 = tpu.memref_squeeze %dma_start3A_151 : memref<1x16x512xi32, #tpu.memory_space<vmem>> -> memref<16x512xi32, #tpu.memory_space<vmem>>
    %dma_start3A_153 = arith.constant 0 : i32
    %dma_start3A_154 = tpu.memref_slice %arg4[%add3A_146, %dma_start3A_153] : memref<4096x512xi32, #tpu.memory_space<hbm>> -> memref<16x512xi32, #tpu.memory_space<hbm>>
    %dma_start3A_155 = tpu.memref_slice %arg11[%dma_start3A_148] : memref<2x!tpu.dma_semaphore, #tpu.memory_space<semaphore_mem>> -> memref<1x!tpu.dma_semaphore, #tpu.memory_space<semaphore_mem>>
    %dma_start3A_156 = tpu.memref_squeeze %dma_start3A_155 : memref<1x!tpu.dma_semaphore, #tpu.memory_space<semaphore_mem>> -> memref<!tpu.dma_semaphore, #tpu.memory_space<semaphore_mem>>
    %dma_start3A_157 = arith.constant 0 : i32
    %dma_start3A_158 = arith.constant 0 : i32
    %dma_start3A_159 = tpu.memref_slice %arg9[%dma_start3A_147, %dma_start3A_157, %dma_start3A_158] : memref<2x16x512xi32, #tpu.memory_space<vmem>> -> memref<1x16x512xi32, #tpu.memory_space<vmem>>
    %dma_start3A_160 = tpu.memref_squeeze %dma_start3A_159 : memref<1x16x512xi32, #tpu.memory_space<vmem>> -> memref<16x512xi32, #tpu.memory_space<vmem>>
    %dma_start3A_161 = arith.constant 0 : i32
    %dma_start3A_162 = tpu.memref_slice %arg4[%add3A_146, %dma_start3A_161] : memref<4096x512xi32, #tpu.memory_space<hbm>> -> memref<16x512xi32, #tpu.memory_space<hbm>>
    tpu.enqueue_dma source(%dma_start3A_162 : memref<16x512xi32, #tpu.memory_space<hbm>>) target(%dma_start3A_160 : memref<16x512xi32, #tpu.memory_space<vmem>>) target_semaphore(%dma_start3A_156 : memref<!tpu.dma_semaphore, #tpu.memory_space<semaphore_mem>>)
    %add3A_163 = arith.constant 32 : i32
    %add3A_164 = arith.addi %mul3A_2, %add3A_163 : i32
    %dma_start3A_165 = arith.constant 0 : i32
    %dma_start3A_166 = arith.constant 0 : i32
    %dma_start3A_167 = arith.constant 0 : i32
    %dma_start3A_168 = arith.constant 0 : i32
    %dma_start3A_169 = tpu.memref_slice %arg10[%dma_start3A_165, %dma_start3A_167, %dma_start3A_168] : memref<2x16x512xi32, #tpu.memory_space<vmem>> -> memref<1x16x512xi32, #tpu.memory_space<vmem>>
    %dma_start3A_170 = tpu.memref_squeeze %dma_start3A_169 : memref<1x16x512xi32, #tpu.memory_space<vmem>> -> memref<16x512xi32, #tpu.memory_space<vmem>>
    %dma_start3A_171 = arith.constant 0 : i32
    %dma_start3A_172 = tpu.memref_slice %arg5[%add3A_164, %dma_start3A_171] : memref<4096x512xi32, #tpu.memory_space<hbm>> -> memref<16x512xi32, #tpu.memory_space<hbm>>
    %dma_start3A_173 = tpu.memref_slice %arg12[%dma_start3A_166] : memref<2x!tpu.dma_semaphore, #tpu.memory_space<semaphore_mem>> -> memref<1x!tpu.dma_semaphore, #tpu.memory_space<semaphore_mem>>
    %dma_start3A_174 = tpu.memref_squeeze %dma_start3A_173 : memref<1x!tpu.dma_semaphore, #tpu.memory_space<semaphore_mem>> -> memref<!tpu.dma_semaphore, #tpu.memory_space<semaphore_mem>>
    %dma_start3A_175 = arith.constant 0 : i32
    %dma_start3A_176 = arith.constant 0 : i32
    %dma_start3A_177 = tpu.memref_slice %arg10[%dma_start3A_165, %dma_start3A_175, %dma_start3A_176] : memref<2x16x512xi32, #tpu.memory_space<vmem>> -> memref<1x16x512xi32, #tpu.memory_space<vmem>>
    %dma_start3A_178 = tpu.memref_squeeze %dma_start3A_177 : memref<1x16x512xi32, #tpu.memory_space<vmem>> -> memref<16x512xi32, #tpu.memory_space<vmem>>
    %dma_start3A_179 = arith.constant 0 : i32
    %dma_start3A_180 = tpu.memref_slice %arg5[%add3A_164, %dma_start3A_179] : memref<4096x512xi32, #tpu.memory_space<hbm>> -> memref<16x512xi32, #tpu.memory_space<hbm>>
    tpu.enqueue_dma source(%dma_start3A_180 : memref<16x512xi32, #tpu.memory_space<hbm>>) target(%dma_start3A_178 : memref<16x512xi32, #tpu.memory_space<vmem>>) target_semaphore(%dma_start3A_174 : memref<!tpu.dma_semaphore, #tpu.memory_space<semaphore_mem>>)
    %dma_wait3A_181 = arith.constant 1 : i32
    %dma_wait3A_182 = arith.constant 1 : i32
    %dma_wait3A_183 = arith.constant 0 : i32
    %dma_wait3A_184 = arith.constant 0 : i32
    %dma_wait3A_185 = tpu.memref_slice %arg9[%dma_wait3A_181, %dma_wait3A_183, %dma_wait3A_184] : memref<2x16x512xi32, #tpu.memory_space<vmem>> -> memref<1x16x512xi32, #tpu.memory_space<vmem>>
    %dma_wait3A_186 = tpu.memref_squeeze %dma_wait3A_185 : memref<1x16x512xi32, #tpu.memory_space<vmem>> -> memref<16x512xi32, #tpu.memory_space<vmem>>
    %dma_wait3A_187 = arith.constant 0 : i32
    %dma_wait3A_188 = tpu.memref_slice %arg4[%add3A_39, %dma_wait3A_187] : memref<4096x512xi32, #tpu.memory_space<hbm>> -> memref<16x512xi32, #tpu.memory_space<hbm>>
    %dma_wait3A_189 = tpu.memref_slice %arg11[%dma_wait3A_182] : memref<2x!tpu.dma_semaphore, #tpu.memory_space<semaphore_mem>> -> memref<1x!tpu.dma_semaphore, #tpu.memory_space<semaphore_mem>>
    %dma_wait3A_190 = tpu.memref_squeeze %dma_wait3A_189 : memref<1x!tpu.dma_semaphore, #tpu.memory_space<semaphore_mem>> -> memref<!tpu.dma_semaphore, #tpu.memory_space<semaphore_mem>>
    %dma_wait3A_191 = arith.constant 0 : i32
    %dma_wait3A_192 = arith.constant 0 : i32
    %dma_wait3A_193 = tpu.memref_slice %arg9[%dma_wait3A_181, %dma_wait3A_191, %dma_wait3A_192] : memref<2x16x512xi32, #tpu.memory_space<vmem>> -> memref<1x16x512xi32, #tpu.memory_space<vmem>>
    %dma_wait3A_194 = tpu.memref_squeeze %dma_wait3A_193 : memref<1x16x512xi32, #tpu.memory_space<vmem>> -> memref<16x512xi32, #tpu.memory_space<vmem>>
    %dma_wait3A_195 = arith.constant 0 : i32
    %dma_wait3A_196 = tpu.memref_slice %arg4[%add3A_39, %dma_wait3A_195] : memref<4096x512xi32, #tpu.memory_space<hbm>> -> memref<16x512xi32, #tpu.memory_space<hbm>>
    tpu.wait_dma2 semaphore(%dma_wait3A_190 : memref<!tpu.dma_semaphore, #tpu.memory_space<semaphore_mem>>) src(%dma_wait3A_196 : memref<16x512xi32, #tpu.memory_space<hbm>>) dst(%dma_wait3A_194 : memref<16x512xi32, #tpu.memory_space<vmem>>)
    %dma_wait3A_197 = arith.constant 1 : i32
    %dma_wait3A_198 = arith.constant 1 : i32
    %dma_wait3A_199 = arith.constant 0 : i32
    %dma_wait3A_200 = arith.constant 0 : i32
    %dma_wait3A_201 = tpu.memref_slice %arg10[%dma_wait3A_197, %dma_wait3A_199, %dma_wait3A_200] : memref<2x16x512xi32, #tpu.memory_space<vmem>> -> memref<1x16x512xi32, #tpu.memory_space<vmem>>
    %dma_wait3A_202 = tpu.memref_squeeze %dma_wait3A_201 : memref<1x16x512xi32, #tpu.memory_space<vmem>> -> memref<16x512xi32, #tpu.memory_space<vmem>>
    %dma_wait3A_203 = arith.constant 0 : i32
    %dma_wait3A_204 = tpu.memref_slice %arg5[%add3A_57, %dma_wait3A_203] : memref<4096x512xi32, #tpu.memory_space<hbm>> -> memref<16x512xi32, #tpu.memory_space<hbm>>
    %dma_wait3A_205 = tpu.memref_slice %arg12[%dma_wait3A_198] : memref<2x!tpu.dma_semaphore, #tpu.memory_space<semaphore_mem>> -> memref<1x!tpu.dma_semaphore, #tpu.memory_space<semaphore_mem>>
    %dma_wait3A_206 = tpu.memref_squeeze %dma_wait3A_205 : memref<1x!tpu.dma_semaphore, #tpu.memory_space<semaphore_mem>> -> memref<!tpu.dma_semaphore, #tpu.memory_space<semaphore_mem>>
    %dma_wait3A_207 = arith.constant 0 : i32
    %dma_wait3A_208 = arith.constant 0 : i32
    %dma_wait3A_209 = tpu.memref_slice %arg10[%dma_wait3A_197, %dma_wait3A_207, %dma_wait3A_208] : memref<2x16x512xi32, #tpu.memory_space<vmem>> -> memref<1x16x512xi32, #tpu.memory_space<vmem>>
    %dma_wait3A_210 = tpu.memref_squeeze %dma_wait3A_209 : memref<1x16x512xi32, #tpu.memory_space<vmem>> -> memref<16x512xi32, #tpu.memory_space<vmem>>
    %dma_wait3A_211 = arith.constant 0 : i32
    %dma_wait3A_212 = tpu.memref_slice %arg5[%add3A_57, %dma_wait3A_211] : memref<4096x512xi32, #tpu.memory_space<hbm>> -> memref<16x512xi32, #tpu.memory_space<hbm>>
    tpu.wait_dma2 semaphore(%dma_wait3A_206 : memref<!tpu.dma_semaphore, #tpu.memory_space<semaphore_mem>>) src(%dma_wait3A_212 : memref<16x512xi32, #tpu.memory_space<hbm>>) dst(%dma_wait3A_210 : memref<16x512xi32, #tpu.memory_space<vmem>>)
    %dma_start3A_213 = arith.constant 1 : i32
    %dma_start3A_214 = arith.constant 0 : i32
    %dma_start3A_215 = arith.constant 0 : i32
    %dma_start3A_216 = tpu.memref_slice %arg9[%dma_start3A_213, %dma_start3A_214, %dma_start3A_215] : memref<2x16x512xi32, #tpu.memory_space<vmem>> -> memref<1x16x512xi32, #tpu.memory_space<vmem>>
    %dma_start3A_217 = tpu.memref_squeeze %dma_start3A_216 : memref<1x16x512xi32, #tpu.memory_space<vmem>> -> memref<16x512xi32, #tpu.memory_space<vmem>>
    %dma_start3A_218 = arith.constant 16 : i32
    %dma_start3A_219 = tpu.memref_slice %arg7[%dma_start3A_218] : memref<128xi32, #tpu.memory_space<vmem>> -> memref<16xi32, #tpu.memory_space<vmem>>
    %dma_start3A_220 = arith.constant 0 : i32
    %dma_start3A_221 = arith.constant 0 : i32
    %dma_start3A_222 = tpu.memref_slice %arg6[%dma_start3A_220, %dma_start3A_221] : memref<10240x512xi32, #tpu.memory_space<hbm>> -> memref<10240x512xi32, #tpu.memory_space<hbm>>
    tpu.enqueue_indirect_dma source(%dma_start3A_217 : memref<16x512xi32, #tpu.memory_space<vmem>>) target(%dma_start3A_222 : memref<10240x512xi32, #tpu.memory_space<hbm>>) offsets(%dma_start3A_219 : memref<16xi32, #tpu.memory_space<vmem>>) semaphore(%arg13 : memref<!tpu.dma_semaphore, #tpu.memory_space<semaphore_mem>>)
    %dma_start3A_223 = arith.constant 1 : i32
    %dma_start3A_224 = arith.constant 0 : i32
    %dma_start3A_225 = arith.constant 0 : i32
    %dma_start3A_226 = tpu.memref_slice %arg10[%dma_start3A_223, %dma_start3A_224, %dma_start3A_225] : memref<2x16x512xi32, #tpu.memory_space<vmem>> -> memref<1x16x512xi32, #tpu.memory_space<vmem>>
    %dma_start3A_227 = tpu.memref_squeeze %dma_start3A_226 : memref<1x16x512xi32, #tpu.memory_space<vmem>> -> memref<16x512xi32, #tpu.memory_space<vmem>>
    %dma_start3A_228 = arith.constant 16 : i32
    %dma_start3A_229 = tpu.memref_slice %arg8[%dma_start3A_228] : memref<128xi32, #tpu.memory_space<vmem>> -> memref<16xi32, #tpu.memory_space<vmem>>
    %dma_start3A_230 = arith.constant 0 : i32
    %dma_start3A_231 = arith.constant 0 : i32
    %dma_start3A_232 = tpu.memref_slice %arg6[%dma_start3A_230, %dma_start3A_231] : memref<10240x512xi32, #tpu.memory_space<hbm>> -> memref<10240x512xi32, #tpu.memory_space<hbm>>
    tpu.enqueue_indirect_dma source(%dma_start3A_227 : memref<16x512xi32, #tpu.memory_space<vmem>>) target(%dma_start3A_232 : memref<10240x512xi32, #tpu.memory_space<hbm>>) offsets(%dma_start3A_229 : memref<16xi32, #tpu.memory_space<vmem>>) semaphore(%arg14 : memref<!tpu.dma_semaphore, #tpu.memory_space<semaphore_mem>>)
    %dma_wait3A_233 = arith.constant 1 : i32
    %dma_wait3A_234 = arith.constant 0 : i32
    %dma_wait3A_235 = arith.constant 0 : i32
    %dma_wait3A_236 = tpu.memref_slice %arg9[%dma_wait3A_233, %dma_wait3A_234, %dma_wait3A_235] : memref<2x16x512xi32, #tpu.memory_space<vmem>> -> memref<1x16x512xi32, #tpu.memory_space<vmem>>
    %dma_wait3A_237 = tpu.memref_squeeze %dma_wait3A_236 : memref<1x16x512xi32, #tpu.memory_space<vmem>> -> memref<16x512xi32, #tpu.memory_space<vmem>>
    %dma_wait3A_238 = arith.constant 16 : i32
    %dma_wait3A_239 = tpu.memref_slice %arg7[%dma_wait3A_238] : memref<128xi32, #tpu.memory_space<vmem>> -> memref<16xi32, #tpu.memory_space<vmem>>
    %dma_wait3A_240 = arith.constant 0 : i32
    %dma_wait3A_241 = arith.constant 0 : i32
    %dma_wait3A_242 = tpu.memref_slice %arg6[%dma_wait3A_240, %dma_wait3A_241] : memref<10240x512xi32, #tpu.memory_space<hbm>> -> memref<10240x512xi32, #tpu.memory_space<hbm>>
    tpu.wait_indirect_dma semaphore(%arg13 : memref<!tpu.dma_semaphore, #tpu.memory_space<semaphore_mem>>) src(%dma_wait3A_237 : memref<16x512xi32, #tpu.memory_space<vmem>>) dst(%dma_wait3A_242 : memref<10240x512xi32, #tpu.memory_space<hbm>>)
    %dma_wait3A_243 = arith.constant 1 : i32
    %dma_wait3A_244 = arith.constant 0 : i32
    %dma_wait3A_245 = arith.constant 0 : i32
    %dma_wait3A_246 = tpu.memref_slice %arg10[%dma_wait3A_243, %dma_wait3A_244, %dma_wait3A_245] : memref<2x16x512xi32, #tpu.memory_space<vmem>> -> memref<1x16x512xi32, #tpu.memory_space<vmem>>
    %dma_wait3A_247 = tpu.memref_squeeze %dma_wait3A_246 : memref<1x16x512xi32, #tpu.memory_space<vmem>> -> memref<16x512xi32, #tpu.memory_space<vmem>>
    %dma_wait3A_248 = arith.constant 16 : i32
    %dma_wait3A_249 = tpu.memref_slice %arg8[%dma_wait3A_248] : memref<128xi32, #tpu.memory_space<vmem>> -> memref<16xi32, #tpu.memory_space<vmem>>
    %dma_wait3A_250 = arith.constant 0 : i32
    %dma_wait3A_251 = arith.constant 0 : i32
    %dma_wait3A_252 = tpu.memref_slice %arg6[%dma_wait3A_250, %dma_wait3A_251] : memref<10240x512xi32, #tpu.memory_space<hbm>> -> memref<10240x512xi32, #tpu.memory_space<hbm>>
    tpu.wait_indirect_dma semaphore(%arg14 : memref<!tpu.dma_semaphore, #tpu.memory_space<semaphore_mem>>) src(%dma_wait3A_247 : memref<16x512xi32, #tpu.memory_space<vmem>>) dst(%dma_wait3A_252 : memref<10240x512xi32, #tpu.memory_space<hbm>>)
    %add3A_253 = arith.constant 48 : i32
    %add3A_254 = arith.addi %mul3A_2, %add3A_253 : i32
    %dma_start3A_255 = arith.constant 1 : i32
    %dma_start3A_256 = arith.constant 1 : i32
    %dma_start3A_257 = arith.constant 0 : i32
    %dma_start3A_258 = arith.constant 0 : i32
    %dma_start3A_259 = tpu.memref_slice %arg9[%dma_start3A_255, %dma_start3A_257, %dma_start3A_258] : memref<2x16x512xi32, #tpu.memory_space<vmem>> -> memref<1x16x512xi32, #tpu.memory_space<vmem>>
    %dma_start3A_260 = tpu.memref_squeeze %dma_start3A_259 : memref<1x16x512xi32, #tpu.memory_space<vmem>> -> memref<16x512xi32, #tpu.memory_space<vmem>>
    %dma_start3A_261 = arith.constant 0 : i32
    %dma_start3A_262 = tpu.memref_slice %arg4[%add3A_254, %dma_start3A_261] : memref<4096x512xi32, #tpu.memory_space<hbm>> -> memref<16x512xi32, #tpu.memory_space<hbm>>
    %dma_start3A_263 = tpu.memref_slice %arg11[%dma_start3A_256] : memref<2x!tpu.dma_semaphore, #tpu.memory_space<semaphore_mem>> -> memref<1x!tpu.dma_semaphore, #tpu.memory_space<semaphore_mem>>
    %dma_start3A_264 = tpu.memref_squeeze %dma_start3A_263 : memref<1x!tpu.dma_semaphore, #tpu.memory_space<semaphore_mem>> -> memref<!tpu.dma_semaphore, #tpu.memory_space<semaphore_mem>>
    %dma_start3A_265 = arith.constant 0 : i32
    %dma_start3A_266 = arith.constant 0 : i32
    %dma_start3A_267 = tpu.memref_slice %arg9[%dma_start3A_255, %dma_start3A_265, %dma_start3A_266] : memref<2x16x512xi32, #tpu.memory_space<vmem>> -> memref<1x16x512xi32, #tpu.memory_space<vmem>>
    %dma_start3A_268 = tpu.memref_squeeze %dma_start3A_267 : memref<1x16x512xi32, #tpu.memory_space<vmem>> -> memref<16x512xi32, #tpu.memory_space<vmem>>
    %dma_start3A_269 = arith.constant 0 : i32
    %dma_start3A_270 = tpu.memref_slice %arg4[%add3A_254, %dma_start3A_269] : memref<4096x512xi32, #tpu.memory_space<hbm>> -> memref<16x512xi32, #tpu.memory_space<hbm>>
    tpu.enqueue_dma source(%dma_start3A_270 : memref<16x512xi32, #tpu.memory_space<hbm>>) target(%dma_start3A_268 : memref<16x512xi32, #tpu.memory_space<vmem>>) target_semaphore(%dma_start3A_264 : memref<!tpu.dma_semaphore, #tpu.memory_space<semaphore_mem>>)
    %add3A_271 = arith.constant 48 : i32
    %add3A_272 = arith.addi %mul3A_2, %add3A_271 : i32
    %dma_start3A_273 = arith.constant 1 : i32
    %dma_start3A_274 = arith.constant 1 : i32
    %dma_start3A_275 = arith.constant 0 : i32
    %dma_start3A_276 = arith.constant 0 : i32
    %dma_start3A_277 = tpu.memref_slice %arg10[%dma_start3A_273, %dma_start3A_275, %dma_start3A_276] : memref<2x16x512xi32, #tpu.memory_space<vmem>> -> memref<1x16x512xi32, #tpu.memory_space<vmem>>
    %dma_start3A_278 = tpu.memref_squeeze %dma_start3A_277 : memref<1x16x512xi32, #tpu.memory_space<vmem>> -> memref<16x512xi32, #tpu.memory_space<vmem>>
    %dma_start3A_279 = arith.constant 0 : i32
    %dma_start3A_280 = tpu.memref_slice %arg5[%add3A_272, %dma_start3A_279] : memref<4096x512xi32, #tpu.memory_space<hbm>> -> memref<16x512xi32, #tpu.memory_space<hbm>>
    %dma_start3A_281 = tpu.memref_slice %arg12[%dma_start3A_274] : memref<2x!tpu.dma_semaphore, #tpu.memory_space<semaphore_mem>> -> memref<1x!tpu.dma_semaphore, #tpu.memory_space<semaphore_mem>>
    %dma_start3A_282 = tpu.memref_squeeze %dma_start3A_281 : memref<1x!tpu.dma_semaphore, #tpu.memory_space<semaphore_mem>> -> memref<!tpu.dma_semaphore, #tpu.memory_space<semaphore_mem>>
    %dma_start3A_283 = arith.constant 0 : i32
    %dma_start3A_284 = arith.constant 0 : i32
    %dma_start3A_285 = tpu.memref_slice %arg10[%dma_start3A_273, %dma_start3A_283, %dma_start3A_284] : memref<2x16x512xi32, #tpu.memory_space<vmem>> -> memref<1x16x512xi32, #tpu.memory_space<vmem>>
    %dma_start3A_286 = tpu.memref_squeeze %dma_start3A_285 : memref<1x16x512xi32, #tpu.memory_space<vmem>> -> memref<16x512xi32, #tpu.memory_space<vmem>>
    %dma_start3A_287 = arith.constant 0 : i32
    %dma_start3A_288 = tpu.memref_slice %arg5[%add3A_272, %dma_start3A_287] : memref<4096x512xi32, #tpu.memory_space<hbm>> -> memref<16x512xi32, #tpu.memory_space<hbm>>
    tpu.enqueue_dma source(%dma_start3A_288 : memref<16x512xi32, #tpu.memory_space<hbm>>) target(%dma_start3A_286 : memref<16x512xi32, #tpu.memory_space<vmem>>) target_semaphore(%dma_start3A_282 : memref<!tpu.dma_semaphore, #tpu.memory_space<semaphore_mem>>)
    %dma_wait3A_289 = arith.constant 0 : i32
    %dma_wait3A_290 = arith.constant 0 : i32
    %dma_wait3A_291 = arith.constant 0 : i32
    %dma_wait3A_292 = arith.constant 0 : i32
    %dma_wait3A_293 = tpu.memref_slice %arg9[%dma_wait3A_289, %dma_wait3A_291, %dma_wait3A_292] : memref<2x16x512xi32, #tpu.memory_space<vmem>> -> memref<1x16x512xi32, #tpu.memory_space<vmem>>
    %dma_wait3A_294 = tpu.memref_squeeze %dma_wait3A_293 : memref<1x16x512xi32, #tpu.memory_space<vmem>> -> memref<16x512xi32, #tpu.memory_space<vmem>>
    %dma_wait3A_295 = arith.constant 0 : i32
    %dma_wait3A_296 = tpu.memref_slice %arg4[%add3A_146, %dma_wait3A_295] : memref<4096x512xi32, #tpu.memory_space<hbm>> -> memref<16x512xi32, #tpu.memory_space<hbm>>
    %dma_wait3A_297 = tpu.memref_slice %arg11[%dma_wait3A_290] : memref<2x!tpu.dma_semaphore, #tpu.memory_space<semaphore_mem>> -> memref<1x!tpu.dma_semaphore, #tpu.memory_space<semaphore_mem>>
    %dma_wait3A_298 = tpu.memref_squeeze %dma_wait3A_297 : memref<1x!tpu.dma_semaphore, #tpu.memory_space<semaphore_mem>> -> memref<!tpu.dma_semaphore, #tpu.memory_space<semaphore_mem>>
    %dma_wait3A_299 = arith.constant 0 : i32
    %dma_wait3A_300 = arith.constant 0 : i32
    %dma_wait3A_301 = tpu.memref_slice %arg9[%dma_wait3A_289, %dma_wait3A_299, %dma_wait3A_300] : memref<2x16x512xi32, #tpu.memory_space<vmem>> -> memref<1x16x512xi32, #tpu.memory_space<vmem>>
    %dma_wait3A_302 = tpu.memref_squeeze %dma_wait3A_301 : memref<1x16x512xi32, #tpu.memory_space<vmem>> -> memref<16x512xi32, #tpu.memory_space<vmem>>
    %dma_wait3A_303 = arith.constant 0 : i32
    %dma_wait3A_304 = tpu.memref_slice %arg4[%add3A_146, %dma_wait3A_303] : memref<4096x512xi32, #tpu.memory_space<hbm>> -> memref<16x512xi32, #tpu.memory_space<hbm>>
    tpu.wait_dma2 semaphore(%dma_wait3A_298 : memref<!tpu.dma_semaphore, #tpu.memory_space<semaphore_mem>>) src(%dma_wait3A_304 : memref<16x512xi32, #tpu.memory_space<hbm>>) dst(%dma_wait3A_302 : memref<16x512xi32, #tpu.memory_space<vmem>>)
    %dma_wait3A_305 = arith.constant 0 : i32
    %dma_wait3A_306 = arith.constant 0 : i32
    %dma_wait3A_307 = arith.constant 0 : i32
    %dma_wait3A_308 = arith.constant 0 : i32
    %dma_wait3A_309 = tpu.memref_slice %arg10[%dma_wait3A_305, %dma_wait3A_307, %dma_wait3A_308] : memref<2x16x512xi32, #tpu.memory_space<vmem>> -> memref<1x16x512xi32, #tpu.memory_space<vmem>>
    %dma_wait3A_310 = tpu.memref_squeeze %dma_wait3A_309 : memref<1x16x512xi32, #tpu.memory_space<vmem>> -> memref<16x512xi32, #tpu.memory_space<vmem>>
    %dma_wait3A_311 = arith.constant 0 : i32
    %dma_wait3A_312 = tpu.memref_slice %arg5[%add3A_164, %dma_wait3A_311] : memref<4096x512xi32, #tpu.memory_space<hbm>> -> memref<16x512xi32, #tpu.memory_space<hbm>>
    %dma_wait3A_313 = tpu.memref_slice %arg12[%dma_wait3A_306] : memref<2x!tpu.dma_semaphore, #tpu.memory_space<semaphore_mem>> -> memref<1x!tpu.dma_semaphore, #tpu.memory_space<semaphore_mem>>
    %dma_wait3A_314 = tpu.memref_squeeze %dma_wait3A_313 : memref<1x!tpu.dma_semaphore, #tpu.memory_space<semaphore_mem>> -> memref<!tpu.dma_semaphore, #tpu.memory_space<semaphore_mem>>
    %dma_wait3A_315 = arith.constant 0 : i32
    %dma_wait3A_316 = arith.constant 0 : i32
    %dma_wait3A_317 = tpu.memref_slice %arg10[%dma_wait3A_305, %dma_wait3A_315, %dma_wait3A_316] : memref<2x16x512xi32, #tpu.memory_space<vmem>> -> memref<1x16x512xi32, #tpu.memory_space<vmem>>
    %dma_wait3A_318 = tpu.memref_squeeze %dma_wait3A_317 : memref<1x16x512xi32, #tpu.memory_space<vmem>> -> memref<16x512xi32, #tpu.memory_space<vmem>>
    %dma_wait3A_319 = arith.constant 0 : i32
    %dma_wait3A_320 = tpu.memref_slice %arg5[%add3A_164, %dma_wait3A_319] : memref<4096x512xi32, #tpu.memory_space<hbm>> -> memref<16x512xi32, #tpu.memory_space<hbm>>
    tpu.wait_dma2 semaphore(%dma_wait3A_314 : memref<!tpu.dma_semaphore, #tpu.memory_space<semaphore_mem>>) src(%dma_wait3A_320 : memref<16x512xi32, #tpu.memory_space<hbm>>) dst(%dma_wait3A_318 : memref<16x512xi32, #tpu.memory_space<vmem>>)
    %dma_start3A_321 = arith.constant 0 : i32
    %dma_start3A_322 = arith.constant 0 : i32
    %dma_start3A_323 = arith.constant 0 : i32
    %dma_start3A_324 = tpu.memref_slice %arg9[%dma_start3A_321, %dma_start3A_322, %dma_start3A_323] : memref<2x16x512xi32, #tpu.memory_space<vmem>> -> memref<1x16x512xi32, #tpu.memory_space<vmem>>
    %dma_start3A_325 = tpu.memref_squeeze %dma_start3A_324 : memref<1x16x512xi32, #tpu.memory_space<vmem>> -> memref<16x512xi32, #tpu.memory_space<vmem>>
    %dma_start3A_326 = arith.constant 32 : i32
    %dma_start3A_327 = tpu.memref_slice %arg7[%dma_start3A_326] : memref<128xi32, #tpu.memory_space<vmem>> -> memref<16xi32, #tpu.memory_space<vmem>>
    %dma_start3A_328 = arith.constant 0 : i32
    %dma_start3A_329 = arith.constant 0 : i32
    %dma_start3A_330 = tpu.memref_slice %arg6[%dma_start3A_328, %dma_start3A_329] : memref<10240x512xi32, #tpu.memory_space<hbm>> -> memref<10240x512xi32, #tpu.memory_space<hbm>>
    tpu.enqueue_indirect_dma source(%dma_start3A_325 : memref<16x512xi32, #tpu.memory_space<vmem>>) target(%dma_start3A_330 : memref<10240x512xi32, #tpu.memory_space<hbm>>) offsets(%dma_start3A_327 : memref<16xi32, #tpu.memory_space<vmem>>) semaphore(%arg13 : memref<!tpu.dma_semaphore, #tpu.memory_space<semaphore_mem>>)
    %dma_start3A_331 = arith.constant 0 : i32
    %dma_start3A_332 = arith.constant 0 : i32
    %dma_start3A_333 = arith.constant 0 : i32
    %dma_start3A_334 = tpu.memref_slice %arg10[%dma_start3A_331, %dma_start3A_332, %dma_start3A_333] : memref<2x16x512xi32, #tpu.memory_space<vmem>> -> memref<1x16x512xi32, #tpu.memory_space<vmem>>
    %dma_start3A_335 = tpu.memref_squeeze %dma_start3A_334 : memref<1x16x512xi32, #tpu.memory_space<vmem>> -> memref<16x512xi32, #tpu.memory_space<vmem>>
    %dma_start3A_336 = arith.constant 32 : i32
    %dma_start3A_337 = tpu.memref_slice %arg8[%dma_start3A_336] : memref<128xi32, #tpu.memory_space<vmem>> -> memref<16xi32, #tpu.memory_space<vmem>>
    %dma_start3A_338 = arith.constant 0 : i32
    %dma_start3A_339 = arith.constant 0 : i32
    %dma_start3A_340 = tpu.memref_slice %arg6[%dma_start3A_338, %dma_start3A_339] : memref<10240x512xi32, #tpu.memory_space<hbm>> -> memref<10240x512xi32, #tpu.memory_space<hbm>>
    tpu.enqueue_indirect_dma source(%dma_start3A_335 : memref<16x512xi32, #tpu.memory_space<vmem>>) target(%dma_start3A_340 : memref<10240x512xi32, #tpu.memory_space<hbm>>) offsets(%dma_start3A_337 : memref<16xi32, #tpu.memory_space<vmem>>) semaphore(%arg14 : memref<!tpu.dma_semaphore, #tpu.memory_space<semaphore_mem>>)
    %dma_wait3A_341 = arith.constant 0 : i32
    %dma_wait3A_342 = arith.constant 0 : i32
    %dma_wait3A_343 = arith.constant 0 : i32
    %dma_wait3A_344 = tpu.memref_slice %arg9[%dma_wait3A_341, %dma_wait3A_342, %dma_wait3A_343] : memref<2x16x512xi32, #tpu.memory_space<vmem>> -> memref<1x16x512xi32, #tpu.memory_space<vmem>>
    %dma_wait3A_345 = tpu.memref_squeeze %dma_wait3A_344 : memref<1x16x512xi32, #tpu.memory_space<vmem>> -> memref<16x512xi32, #tpu.memory_space<vmem>>
    %dma_wait3A_346 = arith.constant 32 : i32
    %dma_wait3A_347 = tpu.memref_slice %arg7[%dma_wait3A_346] : memref<128xi32, #tpu.memory_space<vmem>> -> memref<16xi32, #tpu.memory_space<vmem>>
    %dma_wait3A_348 = arith.constant 0 : i32
    %dma_wait3A_349 = arith.constant 0 : i32
    %dma_wait3A_350 = tpu.memref_slice %arg6[%dma_wait3A_348, %dma_wait3A_349] : memref<10240x512xi32, #tpu.memory_space<hbm>> -> memref<10240x512xi32, #tpu.memory_space<hbm>>
    tpu.wait_indirect_dma semaphore(%arg13 : memref<!tpu.dma_semaphore, #tpu.memory_space<semaphore_mem>>) src(%dma_wait3A_345 : memref<16x512xi32, #tpu.memory_space<vmem>>) dst(%dma_wait3A_350 : memref<10240x512xi32, #tpu.memory_space<hbm>>)
    %dma_wait3A_351 = arith.constant 0 : i32
    %dma_wait3A_352 = arith.constant 0 : i32
    %dma_wait3A_353 = arith.constant 0 : i32
    %dma_wait3A_354 = tpu.memref_slice %arg10[%dma_wait3A_351, %dma_wait3A_352, %dma_wait3A_353] : memref<2x16x512xi32, #tpu.memory_space<vmem>> -> memref<1x16x512xi32, #tpu.memory_space<vmem>>
    %dma_wait3A_355 = tpu.memref_squeeze %dma_wait3A_354 : memref<1x16x512xi32, #tpu.memory_space<vmem>> -> memref<16x512xi32, #tpu.memory_space<vmem>>
    %dma_wait3A_356 = arith.constant 32 : i32
    %dma_wait3A_357 = tpu.memref_slice %arg8[%dma_wait3A_356] : memref<128xi32, #tpu.memory_space<vmem>> -> memref<16xi32, #tpu.memory_space<vmem>>
    %dma_wait3A_358 = arith.constant 0 : i32
    %dma_wait3A_359 = arith.constant 0 : i32
    %dma_wait3A_360 = tpu.memref_slice %arg6[%dma_wait3A_358, %dma_wait3A_359] : memref<10240x512xi32, #tpu.memory_space<hbm>> -> memref<10240x512xi32, #tpu.memory_space<hbm>>
    tpu.wait_indirect_dma semaphore(%arg14 : memref<!tpu.dma_semaphore, #tpu.memory_space<semaphore_mem>>) src(%dma_wait3A_355 : memref<16x512xi32, #tpu.memory_space<vmem>>) dst(%dma_wait3A_360 : memref<10240x512xi32, #tpu.memory_space<hbm>>)
    %add3A_361 = arith.constant 64 : i32
    %add3A_362 = arith.addi %mul3A_2, %add3A_361 : i32
    %dma_start3A_363 = arith.constant 0 : i32
    %dma_start3A_364 = arith.constant 0 : i32
    %dma_start3A_365 = arith.constant 0 : i32
    %dma_start3A_366 = arith.constant 0 : i32
    %dma_start3A_367 = tpu.memref_slice %arg9[%dma_start3A_363, %dma_start3A_365, %dma_start3A_366] : memref<2x16x512xi32, #tpu.memory_space<vmem>> -> memref<1x16x512xi32, #tpu.memory_space<vmem>>
    %dma_start3A_368 = tpu.memref_squeeze %dma_start3A_367 : memref<1x16x512xi32, #tpu.memory_space<vmem>> -> memref<16x512xi32, #tpu.memory_space<vmem>>
    %dma_start3A_369 = arith.constant 0 : i32
    %dma_start3A_370 = tpu.memref_slice %arg4[%add3A_362, %dma_start3A_369] : memref<4096x512xi32, #tpu.memory_space<hbm>> -> memref<16x512xi32, #tpu.memory_space<hbm>>
    %dma_start3A_371 = tpu.memref_slice %arg11[%dma_start3A_364] : memref<2x!tpu.dma_semaphore, #tpu.memory_space<semaphore_mem>> -> memref<1x!tpu.dma_semaphore, #tpu.memory_space<semaphore_mem>>
    %dma_start3A_372 = tpu.memref_squeeze %dma_start3A_371 : memref<1x!tpu.dma_semaphore, #tpu.memory_space<semaphore_mem>> -> memref<!tpu.dma_semaphore, #tpu.memory_space<semaphore_mem>>
    %dma_start3A_373 = arith.constant 0 : i32
    %dma_start3A_374 = arith.constant 0 : i32
    %dma_start3A_375 = tpu.memref_slice %arg9[%dma_start3A_363, %dma_start3A_373, %dma_start3A_374] : memref<2x16x512xi32, #tpu.memory_space<vmem>> -> memref<1x16x512xi32, #tpu.memory_space<vmem>>
    %dma_start3A_376 = tpu.memref_squeeze %dma_start3A_375 : memref<1x16x512xi32, #tpu.memory_space<vmem>> -> memref<16x512xi32, #tpu.memory_space<vmem>>
    %dma_start3A_377 = arith.constant 0 : i32
    %dma_start3A_378 = tpu.memref_slice %arg4[%add3A_362, %dma_start3A_377] : memref<4096x512xi32, #tpu.memory_space<hbm>> -> memref<16x512xi32, #tpu.memory_space<hbm>>
    tpu.enqueue_dma source(%dma_start3A_378 : memref<16x512xi32, #tpu.memory_space<hbm>>) target(%dma_start3A_376 : memref<16x512xi32, #tpu.memory_space<vmem>>) target_semaphore(%dma_start3A_372 : memref<!tpu.dma_semaphore, #tpu.memory_space<semaphore_mem>>)
    %add3A_379 = arith.constant 64 : i32
    %add3A_380 = arith.addi %mul3A_2, %add3A_379 : i32
    %dma_start3A_381 = arith.constant 0 : i32
    %dma_start3A_382 = arith.constant 0 : i32
    %dma_start3A_383 = arith.constant 0 : i32
    %dma_start3A_384 = arith.constant 0 : i32
    %dma_start3A_385 = tpu.memref_slice %arg10[%dma_start3A_381, %dma_start3A_383, %dma_start3A_384] : memref<2x16x512xi32, #tpu.memory_space<vmem>> -> memref<1x16x512xi32, #tpu.memory_space<vmem>>
    %dma_start3A_386 = tpu.memref_squeeze %dma_start3A_385 : memref<1x16x512xi32, #tpu.memory_space<vmem>> -> memref<16x512xi32, #tpu.memory_space<vmem>>
    %dma_start3A_387 = arith.constant 0 : i32
    %dma_start3A_388 = tpu.memref_slice %arg5[%add3A_380, %dma_start3A_387] : memref<4096x512xi32, #tpu.memory_space<hbm>> -> memref<16x512xi32, #tpu.memory_space<hbm>>
    %dma_start3A_389 = tpu.memref_slice %arg12[%dma_start3A_382] : memref<2x!tpu.dma_semaphore, #tpu.memory_space<semaphore_mem>> -> memref<1x!tpu.dma_semaphore, #tpu.memory_space<semaphore_mem>>
    %dma_start3A_390 = tpu.memref_squeeze %dma_start3A_389 : memref<1x!tpu.dma_semaphore, #tpu.memory_space<semaphore_mem>> -> memref<!tpu.dma_semaphore, #tpu.memory_space<semaphore_mem>>
    %dma_start3A_391 = arith.constant 0 : i32
    %dma_start3A_392 = arith.constant 0 : i32
    %dma_start3A_393 = tpu.memref_slice %arg10[%dma_start3A_381, %dma_start3A_391, %dma_start3A_392] : memref<2x16x512xi32, #tpu.memory_space<vmem>> -> memref<1x16x512xi32, #tpu.memory_space<vmem>>
    %dma_start3A_394 = tpu.memref_squeeze %dma_start3A_393 : memref<1x16x512xi32, #tpu.memory_space<vmem>> -> memref<16x512xi32, #tpu.memory_space<vmem>>
    %dma_start3A_395 = arith.constant 0 : i32
    %dma_start3A_396 = tpu.memref_slice %arg5[%add3A_380, %dma_start3A_395] : memref<4096x512xi32, #tpu.memory_space<hbm>> -> memref<16x512xi32, #tpu.memory_space<hbm>>
    tpu.enqueue_dma source(%dma_start3A_396 : memref<16x512xi32, #tpu.memory_space<hbm>>) target(%dma_start3A_394 : memref<16x512xi32, #tpu.memory_space<vmem>>) target_semaphore(%dma_start3A_390 : memref<!tpu.dma_semaphore, #tpu.memory_space<semaphore_mem>>)
    %dma_wait3A_397 = arith.constant 1 : i32
    %dma_wait3A_398 = arith.constant 1 : i32
    %dma_wait3A_399 = arith.constant 0 : i32
    %dma_wait3A_400 = arith.constant 0 : i32
    %dma_wait3A_401 = tpu.memref_slice %arg9[%dma_wait3A_397, %dma_wait3A_399, %dma_wait3A_400] : memref<2x16x512xi32, #tpu.memory_space<vmem>> -> memref<1x16x512xi32, #tpu.memory_space<vmem>>
    %dma_wait3A_402 = tpu.memref_squeeze %dma_wait3A_401 : memref<1x16x512xi32, #tpu.memory_space<vmem>> -> memref<16x512xi32, #tpu.memory_space<vmem>>
    %dma_wait3A_403 = arith.constant 0 : i32
    %dma_wait3A_404 = tpu.memref_slice %arg4[%add3A_254, %dma_wait3A_403] : memref<4096x512xi32, #tpu.memory_space<hbm>> -> memref<16x512xi32, #tpu.memory_space<hbm>>
    %dma_wait3A_405 = tpu.memref_slice %arg11[%dma_wait3A_398] : memref<2x!tpu.dma_semaphore, #tpu.memory_space<semaphore_mem>> -> memref<1x!tpu.dma_semaphore, #tpu.memory_space<semaphore_mem>>
    %dma_wait3A_406 = tpu.memref_squeeze %dma_wait3A_405 : memref<1x!tpu.dma_semaphore, #tpu.memory_space<semaphore_mem>> -> memref<!tpu.dma_semaphore, #tpu.memory_space<semaphore_mem>>
    %dma_wait3A_407 = arith.constant 0 : i32
    %dma_wait3A_408 = arith.constant 0 : i32
    %dma_wait3A_409 = tpu.memref_slice %arg9[%dma_wait3A_397, %dma_wait3A_407, %dma_wait3A_408] : memref<2x16x512xi32, #tpu.memory_space<vmem>> -> memref<1x16x512xi32, #tpu.memory_space<vmem>>
    %dma_wait3A_410 = tpu.memref_squeeze %dma_wait3A_409 : memref<1x16x512xi32, #tpu.memory_space<vmem>> -> memref<16x512xi32, #tpu.memory_space<vmem>>
    %dma_wait3A_411 = arith.constant 0 : i32
    %dma_wait3A_412 = tpu.memref_slice %arg4[%add3A_254, %dma_wait3A_411] : memref<4096x512xi32, #tpu.memory_space<hbm>> -> memref<16x512xi32, #tpu.memory_space<hbm>>
    tpu.wait_dma2 semaphore(%dma_wait3A_406 : memref<!tpu.dma_semaphore, #tpu.memory_space<semaphore_mem>>) src(%dma_wait3A_412 : memref<16x512xi32, #tpu.memory_space<hbm>>) dst(%dma_wait3A_410 : memref<16x512xi32, #tpu.memory_space<vmem>>)
    %dma_wait3A_413 = arith.constant 1 : i32
    %dma_wait3A_414 = arith.constant 1 : i32
    %dma_wait3A_415 = arith.constant 0 : i32
    %dma_wait3A_416 = arith.constant 0 : i32
    %dma_wait3A_417 = tpu.memref_slice %arg10[%dma_wait3A_413, %dma_wait3A_415, %dma_wait3A_416] : memref<2x16x512xi32, #tpu.memory_space<vmem>> -> memref<1x16x512xi32, #tpu.memory_space<vmem>>
    %dma_wait3A_418 = tpu.memref_squeeze %dma_wait3A_417 : memref<1x16x512xi32, #tpu.memory_space<vmem>> -> memref<16x512xi32, #tpu.memory_space<vmem>>
    %dma_wait3A_419 = arith.constant 0 : i32
    %dma_wait3A_420 = tpu.memref_slice %arg5[%add3A_272, %dma_wait3A_419] : memref<4096x512xi32, #tpu.memory_space<hbm>> -> memref<16x512xi32, #tpu.memory_space<hbm>>
    %dma_wait3A_421 = tpu.memref_slice %arg12[%dma_wait3A_414] : memref<2x!tpu.dma_semaphore, #tpu.memory_space<semaphore_mem>> -> memref<1x!tpu.dma_semaphore, #tpu.memory_space<semaphore_mem>>
    %dma_wait3A_422 = tpu.memref_squeeze %dma_wait3A_421 : memref<1x!tpu.dma_semaphore, #tpu.memory_space<semaphore_mem>> -> memref<!tpu.dma_semaphore, #tpu.memory_space<semaphore_mem>>
    %dma_wait3A_423 = arith.constant 0 : i32
    %dma_wait3A_424 = arith.constant 0 : i32
    %dma_wait3A_425 = tpu.memref_slice %arg10[%dma_wait3A_413, %dma_wait3A_423, %dma_wait3A_424] : memref<2x16x512xi32, #tpu.memory_space<vmem>> -> memref<1x16x512xi32, #tpu.memory_space<vmem>>
    %dma_wait3A_426 = tpu.memref_squeeze %dma_wait3A_425 : memref<1x16x512xi32, #tpu.memory_space<vmem>> -> memref<16x512xi32, #tpu.memory_space<vmem>>
    %dma_wait3A_427 = arith.constant 0 : i32
    %dma_wait3A_428 = tpu.memref_slice %arg5[%add3A_272, %dma_wait3A_427] : memref<4096x512xi32, #tpu.memory_space<hbm>> -> memref<16x512xi32, #tpu.memory_space<hbm>>
    tpu.wait_dma2 semaphore(%dma_wait3A_422 : memref<!tpu.dma_semaphore, #tpu.memory_space<semaphore_mem>>) src(%dma_wait3A_428 : memref<16x512xi32, #tpu.memory_space<hbm>>) dst(%dma_wait3A_426 : memref<16x512xi32, #tpu.memory_space<vmem>>)
    %dma_start3A_429 = arith.constant 1 : i32
    %dma_start3A_430 = arith.constant 0 : i32
    %dma_start3A_431 = arith.constant 0 : i32
    %dma_start3A_432 = tpu.memref_slice %arg9[%dma_start3A_429, %dma_start3A_430, %dma_start3A_431] : memref<2x16x512xi32, #tpu.memory_space<vmem>> -> memref<1x16x512xi32, #tpu.memory_space<vmem>>
    %dma_start3A_433 = tpu.memref_squeeze %dma_start3A_432 : memref<1x16x512xi32, #tpu.memory_space<vmem>> -> memref<16x512xi32, #tpu.memory_space<vmem>>
    %dma_start3A_434 = arith.constant 48 : i32
    %dma_start3A_435 = tpu.memref_slice %arg7[%dma_start3A_434] : memref<128xi32, #tpu.memory_space<vmem>> -> memref<16xi32, #tpu.memory_space<vmem>>
    %dma_start3A_436 = arith.constant 0 : i32
    %dma_start3A_437 = arith.constant 0 : i32
    %dma_start3A_438 = tpu.memref_slice %arg6[%dma_start3A_436, %dma_start3A_437] : memref<10240x512xi32, #tpu.memory_space<hbm>> -> memref<10240x512xi32, #tpu.memory_space<hbm>>
    tpu.enqueue_indirect_dma source(%dma_start3A_433 : memref<16x512xi32, #tpu.memory_space<vmem>>) target(%dma_start3A_438 : memref<10240x512xi32, #tpu.memory_space<hbm>>) offsets(%dma_start3A_435 : memref<16xi32, #tpu.memory_space<vmem>>) semaphore(%arg13 : memref<!tpu.dma_semaphore, #tpu.memory_space<semaphore_mem>>)
    %dma_start3A_439 = arith.constant 1 : i32
    %dma_start3A_440 = arith.constant 0 : i32
    %dma_start3A_441 = arith.constant 0 : i32
    %dma_start3A_442 = tpu.memref_slice %arg10[%dma_start3A_439, %dma_start3A_440, %dma_start3A_441] : memref<2x16x512xi32, #tpu.memory_space<vmem>> -> memref<1x16x512xi32, #tpu.memory_space<vmem>>
    %dma_start3A_443 = tpu.memref_squeeze %dma_start3A_442 : memref<1x16x512xi32, #tpu.memory_space<vmem>> -> memref<16x512xi32, #tpu.memory_space<vmem>>
    %dma_start3A_444 = arith.constant 48 : i32
    %dma_start3A_445 = tpu.memref_slice %arg8[%dma_start3A_444] : memref<128xi32, #tpu.memory_space<vmem>> -> memref<16xi32, #tpu.memory_space<vmem>>
    %dma_start3A_446 = arith.constant 0 : i32
    %dma_start3A_447 = arith.constant 0 : i32
    %dma_start3A_448 = tpu.memref_slice %arg6[%dma_start3A_446, %dma_start3A_447] : memref<10240x512xi32, #tpu.memory_space<hbm>> -> memref<10240x512xi32, #tpu.memory_space<hbm>>
    tpu.enqueue_indirect_dma source(%dma_start3A_443 : memref<16x512xi32, #tpu.memory_space<vmem>>) target(%dma_start3A_448 : memref<10240x512xi32, #tpu.memory_space<hbm>>) offsets(%dma_start3A_445 : memref<16xi32, #tpu.memory_space<vmem>>) semaphore(%arg14 : memref<!tpu.dma_semaphore, #tpu.memory_space<semaphore_mem>>)
    %dma_wait3A_449 = arith.constant 1 : i32
    %dma_wait3A_450 = arith.constant 0 : i32
    %dma_wait3A_451 = arith.constant 0 : i32
    %dma_wait3A_452 = tpu.memref_slice %arg9[%dma_wait3A_449, %dma_wait3A_450, %dma_wait3A_451] : memref<2x16x512xi32, #tpu.memory_space<vmem>> -> memref<1x16x512xi32, #tpu.memory_space<vmem>>
    %dma_wait3A_453 = tpu.memref_squeeze %dma_wait3A_452 : memref<1x16x512xi32, #tpu.memory_space<vmem>> -> memref<16x512xi32, #tpu.memory_space<vmem>>
    %dma_wait3A_454 = arith.constant 48 : i32
    %dma_wait3A_455 = tpu.memref_slice %arg7[%dma_wait3A_454] : memref<128xi32, #tpu.memory_space<vmem>> -> memref<16xi32, #tpu.memory_space<vmem>>
    %dma_wait3A_456 = arith.constant 0 : i32
    %dma_wait3A_457 = arith.constant 0 : i32
    %dma_wait3A_458 = tpu.memref_slice %arg6[%dma_wait3A_456, %dma_wait3A_457] : memref<10240x512xi32, #tpu.memory_space<hbm>> -> memref<10240x512xi32, #tpu.memory_space<hbm>>
    tpu.wait_indirect_dma semaphore(%arg13 : memref<!tpu.dma_semaphore, #tpu.memory_space<semaphore_mem>>) src(%dma_wait3A_453 : memref<16x512xi32, #tpu.memory_space<vmem>>) dst(%dma_wait3A_458 : memref<10240x512xi32, #tpu.memory_space<hbm>>)
    %dma_wait3A_459 = arith.constant 1 : i32
    %dma_wait3A_460 = arith.constant 0 : i32
    %dma_wait3A_461 = arith.constant 0 : i32
    %dma_wait3A_462 = tpu.memref_slice %arg10[%dma_wait3A_459, %dma_wait3A_460, %dma_wait3A_461] : memref<2x16x512xi32, #tpu.memory_space<vmem>> -> memref<1x16x512xi32, #tpu.memory_space<vmem>>
    %dma_wait3A_463 = tpu.memref_squeeze %dma_wait3A_462 : memref<1x16x512xi32, #tpu.memory_space<vmem>> -> memref<16x512xi32, #tpu.memory_space<vmem>>
    %dma_wait3A_464 = arith.constant 48 : i32
    %dma_wait3A_465 = tpu.memref_slice %arg8[%dma_wait3A_464] : memref<128xi32, #tpu.memory_space<vmem>> -> memref<16xi32, #tpu.memory_space<vmem>>
    %dma_wait3A_466 = arith.constant 0 : i32
    %dma_wait3A_467 = arith.constant 0 : i32
    %dma_wait3A_468 = tpu.memref_slice %arg6[%dma_wait3A_466, %dma_wait3A_467] : memref<10240x512xi32, #tpu.memory_space<hbm>> -> memref<10240x512xi32, #tpu.memory_space<hbm>>
    tpu.wait_indirect_dma semaphore(%arg14 : memref<!tpu.dma_semaphore, #tpu.memory_space<semaphore_mem>>) src(%dma_wait3A_463 : memref<16x512xi32, #tpu.memory_space<vmem>>) dst(%dma_wait3A_468 : memref<10240x512xi32, #tpu.memory_space<hbm>>)
    %add3A_469 = arith.constant 80 : i32
    %add3A_470 = arith.addi %mul3A_2, %add3A_469 : i32
    %dma_start3A_471 = arith.constant 1 : i32
    %dma_start3A_472 = arith.constant 1 : i32
    %dma_start3A_473 = arith.constant 0 : i32
    %dma_start3A_474 = arith.constant 0 : i32
    %dma_start3A_475 = tpu.memref_slice %arg9[%dma_start3A_471, %dma_start3A_473, %dma_start3A_474] : memref<2x16x512xi32, #tpu.memory_space<vmem>> -> memref<1x16x512xi32, #tpu.memory_space<vmem>>
    %dma_start3A_476 = tpu.memref_squeeze %dma_start3A_475 : memref<1x16x512xi32, #tpu.memory_space<vmem>> -> memref<16x512xi32, #tpu.memory_space<vmem>>
    %dma_start3A_477 = arith.constant 0 : i32
    %dma_start3A_478 = tpu.memref_slice %arg4[%add3A_470, %dma_start3A_477] : memref<4096x512xi32, #tpu.memory_space<hbm>> -> memref<16x512xi32, #tpu.memory_space<hbm>>
    %dma_start3A_479 = tpu.memref_slice %arg11[%dma_start3A_472] : memref<2x!tpu.dma_semaphore, #tpu.memory_space<semaphore_mem>> -> memref<1x!tpu.dma_semaphore, #tpu.memory_space<semaphore_mem>>
    %dma_start3A_480 = tpu.memref_squeeze %dma_start3A_479 : memref<1x!tpu.dma_semaphore, #tpu.memory_space<semaphore_mem>> -> memref<!tpu.dma_semaphore, #tpu.memory_space<semaphore_mem>>
    %dma_start3A_481 = arith.constant 0 : i32
    %dma_start3A_482 = arith.constant 0 : i32
    %dma_start3A_483 = tpu.memref_slice %arg9[%dma_start3A_471, %dma_start3A_481, %dma_start3A_482] : memref<2x16x512xi32, #tpu.memory_space<vmem>> -> memref<1x16x512xi32, #tpu.memory_space<vmem>>
    %dma_start3A_484 = tpu.memref_squeeze %dma_start3A_483 : memref<1x16x512xi32, #tpu.memory_space<vmem>> -> memref<16x512xi32, #tpu.memory_space<vmem>>
    %dma_start3A_485 = arith.constant 0 : i32
    %dma_start3A_486 = tpu.memref_slice %arg4[%add3A_470, %dma_start3A_485] : memref<4096x512xi32, #tpu.memory_space<hbm>> -> memref<16x512xi32, #tpu.memory_space<hbm>>
    tpu.enqueue_dma source(%dma_start3A_486 : memref<16x512xi32, #tpu.memory_space<hbm>>) target(%dma_start3A_484 : memref<16x512xi32, #tpu.memory_space<vmem>>) target_semaphore(%dma_start3A_480 : memref<!tpu.dma_semaphore, #tpu.memory_space<semaphore_mem>>)
    %add3A_487 = arith.constant 80 : i32
    %add3A_488 = arith.addi %mul3A_2, %add3A_487 : i32
    %dma_start3A_489 = arith.constant 1 : i32
    %dma_start3A_490 = arith.constant 1 : i32
    %dma_start3A_491 = arith.constant 0 : i32
    %dma_start3A_492 = arith.constant 0 : i32
    %dma_start3A_493 = tpu.memref_slice %arg10[%dma_start3A_489, %dma_start3A_491, %dma_start3A_492] : memref<2x16x512xi32, #tpu.memory_space<vmem>> -> memref<1x16x512xi32, #tpu.memory_space<vmem>>
    %dma_start3A_494 = tpu.memref_squeeze %dma_start3A_493 : memref<1x16x512xi32, #tpu.memory_space<vmem>> -> memref<16x512xi32, #tpu.memory_space<vmem>>
    %dma_start3A_495 = arith.constant 0 : i32
    %dma_start3A_496 = tpu.memref_slice %arg5[%add3A_488, %dma_start3A_495] : memref<4096x512xi32, #tpu.memory_space<hbm>> -> memref<16x512xi32, #tpu.memory_space<hbm>>
    %dma_start3A_497 = tpu.memref_slice %arg12[%dma_start3A_490] : memref<2x!tpu.dma_semaphore, #tpu.memory_space<semaphore_mem>> -> memref<1x!tpu.dma_semaphore, #tpu.memory_space<semaphore_mem>>
    %dma_start3A_498 = tpu.memref_squeeze %dma_start3A_497 : memref<1x!tpu.dma_semaphore, #tpu.memory_space<semaphore_mem>> -> memref<!tpu.dma_semaphore, #tpu.memory_space<semaphore_mem>>
    %dma_start3A_499 = arith.constant 0 : i32
    %dma_start3A_500 = arith.constant 0 : i32
    %dma_start3A_501 = tpu.memref_slice %arg10[%dma_start3A_489, %dma_start3A_499, %dma_start3A_500] : memref<2x16x512xi32, #tpu.memory_space<vmem>> -> memref<1x16x512xi32, #tpu.memory_space<vmem>>
    %dma_start3A_502 = tpu.memref_squeeze %dma_start3A_501 : memref<1x16x512xi32, #tpu.memory_space<vmem>> -> memref<16x512xi32, #tpu.memory_space<vmem>>
    %dma_start3A_503 = arith.constant 0 : i32
    %dma_start3A_504 = tpu.memref_slice %arg5[%add3A_488, %dma_start3A_503] : memref<4096x512xi32, #tpu.memory_space<hbm>> -> memref<16x512xi32, #tpu.memory_space<hbm>>
    tpu.enqueue_dma source(%dma_start3A_504 : memref<16x512xi32, #tpu.memory_space<hbm>>) target(%dma_start3A_502 : memref<16x512xi32, #tpu.memory_space<vmem>>) target_semaphore(%dma_start3A_498 : memref<!tpu.dma_semaphore, #tpu.memory_space<semaphore_mem>>)
    %dma_wait3A_505 = arith.constant 0 : i32
    %dma_wait3A_506 = arith.constant 0 : i32
    %dma_wait3A_507 = arith.constant 0 : i32
    %dma_wait3A_508 = arith.constant 0 : i32
    %dma_wait3A_509 = tpu.memref_slice %arg9[%dma_wait3A_505, %dma_wait3A_507, %dma_wait3A_508] : memref<2x16x512xi32, #tpu.memory_space<vmem>> -> memref<1x16x512xi32, #tpu.memory_space<vmem>>
    %dma_wait3A_510 = tpu.memref_squeeze %dma_wait3A_509 : memref<1x16x512xi32, #tpu.memory_space<vmem>> -> memref<16x512xi32, #tpu.memory_space<vmem>>
    %dma_wait3A_511 = arith.constant 0 : i32
    %dma_wait3A_512 = tpu.memref_slice %arg4[%add3A_362, %dma_wait3A_511] : memref<4096x512xi32, #tpu.memory_space<hbm>> -> memref<16x512xi32, #tpu.memory_space<hbm>>
    %dma_wait3A_513 = tpu.memref_slice %arg11[%dma_wait3A_506] : memref<2x!tpu.dma_semaphore, #tpu.memory_space<semaphore_mem>> -> memref<1x!tpu.dma_semaphore, #tpu.memory_space<semaphore_mem>>
    %dma_wait3A_514 = tpu.memref_squeeze %dma_wait3A_513 : memref<1x!tpu.dma_semaphore, #tpu.memory_space<semaphore_mem>> -> memref<!tpu.dma_semaphore, #tpu.memory_space<semaphore_mem>>
    %dma_wait3A_515 = arith.constant 0 : i32
    %dma_wait3A_516 = arith.constant 0 : i32
    %dma_wait3A_517 = tpu.memref_slice %arg9[%dma_wait3A_505, %dma_wait3A_515, %dma_wait3A_516] : memref<2x16x512xi32, #tpu.memory_space<vmem>> -> memref<1x16x512xi32, #tpu.memory_space<vmem>>
    %dma_wait3A_518 = tpu.memref_squeeze %dma_wait3A_517 : memref<1x16x512xi32, #tpu.memory_space<vmem>> -> memref<16x512xi32, #tpu.memory_space<vmem>>
    %dma_wait3A_519 = arith.constant 0 : i32
    %dma_wait3A_520 = tpu.memref_slice %arg4[%add3A_362, %dma_wait3A_519] : memref<4096x512xi32, #tpu.memory_space<hbm>> -> memref<16x512xi32, #tpu.memory_space<hbm>>
    tpu.wait_dma2 semaphore(%dma_wait3A_514 : memref<!tpu.dma_semaphore, #tpu.memory_space<semaphore_mem>>) src(%dma_wait3A_520 : memref<16x512xi32, #tpu.memory_space<hbm>>) dst(%dma_wait3A_518 : memref<16x512xi32, #tpu.memory_space<vmem>>)
    %dma_wait3A_521 = arith.constant 0 : i32
    %dma_wait3A_522 = arith.constant 0 : i32
    %dma_wait3A_523 = arith.constant 0 : i32
    %dma_wait3A_524 = arith.constant 0 : i32
    %dma_wait3A_525 = tpu.memref_slice %arg10[%dma_wait3A_521, %dma_wait3A_523, %dma_wait3A_524] : memref<2x16x512xi32, #tpu.memory_space<vmem>> -> memref<1x16x512xi32, #tpu.memory_space<vmem>>
    %dma_wait3A_526 = tpu.memref_squeeze %dma_wait3A_525 : memref<1x16x512xi32, #tpu.memory_space<vmem>> -> memref<16x512xi32, #tpu.memory_space<vmem>>
    %dma_wait3A_527 = arith.constant 0 : i32
    %dma_wait3A_528 = tpu.memref_slice %arg5[%add3A_380, %dma_wait3A_527] : memref<4096x512xi32, #tpu.memory_space<hbm>> -> memref<16x512xi32, #tpu.memory_space<hbm>>
    %dma_wait3A_529 = tpu.memref_slice %arg12[%dma_wait3A_522] : memref<2x!tpu.dma_semaphore, #tpu.memory_space<semaphore_mem>> -> memref<1x!tpu.dma_semaphore, #tpu.memory_space<semaphore_mem>>
    %dma_wait3A_530 = tpu.memref_squeeze %dma_wait3A_529 : memref<1x!tpu.dma_semaphore, #tpu.memory_space<semaphore_mem>> -> memref<!tpu.dma_semaphore, #tpu.memory_space<semaphore_mem>>
    %dma_wait3A_531 = arith.constant 0 : i32
    %dma_wait3A_532 = arith.constant 0 : i32
    %dma_wait3A_533 = tpu.memref_slice %arg10[%dma_wait3A_521, %dma_wait3A_531, %dma_wait3A_532] : memref<2x16x512xi32, #tpu.memory_space<vmem>> -> memref<1x16x512xi32, #tpu.memory_space<vmem>>
    %dma_wait3A_534 = tpu.memref_squeeze %dma_wait3A_533 : memref<1x16x512xi32, #tpu.memory_space<vmem>> -> memref<16x512xi32, #tpu.memory_space<vmem>>
    %dma_wait3A_535 = arith.constant 0 : i32
    %dma_wait3A_536 = tpu.memref_slice %arg5[%add3A_380, %dma_wait3A_535] : memref<4096x512xi32, #tpu.memory_space<hbm>> -> memref<16x512xi32, #tpu.memory_space<hbm>>
    tpu.wait_dma2 semaphore(%dma_wait3A_530 : memref<!tpu.dma_semaphore, #tpu.memory_space<semaphore_mem>>) src(%dma_wait3A_536 : memref<16x512xi32, #tpu.memory_space<hbm>>) dst(%dma_wait3A_534 : memref<16x512xi32, #tpu.memory_space<vmem>>)
    %dma_start3A_537 = arith.constant 0 : i32
    %dma_start3A_538 = arith.constant 0 : i32
    %dma_start3A_539 = arith.constant 0 : i32
    %dma_start3A_540 = tpu.memref_slice %arg9[%dma_start3A_537, %dma_start3A_538, %dma_start3A_539] : memref<2x16x512xi32, #tpu.memory_space<vmem>> -> memref<1x16x512xi32, #tpu.memory_space<vmem>>
    %dma_start3A_541 = tpu.memref_squeeze %dma_start3A_540 : memref<1x16x512xi32, #tpu.memory_space<vmem>> -> memref<16x512xi32, #tpu.memory_space<vmem>>
    %dma_start3A_542 = arith.constant 64 : i32
    %dma_start3A_543 = tpu.memref_slice %arg7[%dma_start3A_542] : memref<128xi32, #tpu.memory_space<vmem>> -> memref<16xi32, #tpu.memory_space<vmem>>
    %dma_start3A_544 = arith.constant 0 : i32
    %dma_start3A_545 = arith.constant 0 : i32
    %dma_start3A_546 = tpu.memref_slice %arg6[%dma_start3A_544, %dma_start3A_545] : memref<10240x512xi32, #tpu.memory_space<hbm>> -> memref<10240x512xi32, #tpu.memory_space<hbm>>
    tpu.enqueue_indirect_dma source(%dma_start3A_541 : memref<16x512xi32, #tpu.memory_space<vmem>>) target(%dma_start3A_546 : memref<10240x512xi32, #tpu.memory_space<hbm>>) offsets(%dma_start3A_543 : memref<16xi32, #tpu.memory_space<vmem>>) semaphore(%arg13 : memref<!tpu.dma_semaphore, #tpu.memory_space<semaphore_mem>>)
    %dma_start3A_547 = arith.constant 0 : i32
    %dma_start3A_548 = arith.constant 0 : i32
    %dma_start3A_549 = arith.constant 0 : i32
    %dma_start3A_550 = tpu.memref_slice %arg10[%dma_start3A_547, %dma_start3A_548, %dma_start3A_549] : memref<2x16x512xi32, #tpu.memory_space<vmem>> -> memref<1x16x512xi32, #tpu.memory_space<vmem>>
    %dma_start3A_551 = tpu.memref_squeeze %dma_start3A_550 : memref<1x16x512xi32, #tpu.memory_space<vmem>> -> memref<16x512xi32, #tpu.memory_space<vmem>>
    %dma_start3A_552 = arith.constant 64 : i32
    %dma_start3A_553 = tpu.memref_slice %arg8[%dma_start3A_552] : memref<128xi32, #tpu.memory_space<vmem>> -> memref<16xi32, #tpu.memory_space<vmem>>
    %dma_start3A_554 = arith.constant 0 : i32
    %dma_start3A_555 = arith.constant 0 : i32
    %dma_start3A_556 = tpu.memref_slice %arg6[%dma_start3A_554, %dma_start3A_555] : memref<10240x512xi32, #tpu.memory_space<hbm>> -> memref<10240x512xi32, #tpu.memory_space<hbm>>
    tpu.enqueue_indirect_dma source(%dma_start3A_551 : memref<16x512xi32, #tpu.memory_space<vmem>>) target(%dma_start3A_556 : memref<10240x512xi32, #tpu.memory_space<hbm>>) offsets(%dma_start3A_553 : memref<16xi32, #tpu.memory_space<vmem>>) semaphore(%arg14 : memref<!tpu.dma_semaphore, #tpu.memory_space<semaphore_mem>>)
    %dma_wait3A_557 = arith.constant 0 : i32
    %dma_wait3A_558 = arith.constant 0 : i32
    %dma_wait3A_559 = arith.constant 0 : i32
    %dma_wait3A_560 = tpu.memref_slice %arg9[%dma_wait3A_557, %dma_wait3A_558, %dma_wait3A_559] : memref<2x16x512xi32, #tpu.memory_space<vmem>> -> memref<1x16x512xi32, #tpu.memory_space<vmem>>
    %dma_wait3A_561 = tpu.memref_squeeze %dma_wait3A_560 : memref<1x16x512xi32, #tpu.memory_space<vmem>> -> memref<16x512xi32, #tpu.memory_space<vmem>>
    %dma_wait3A_562 = arith.constant 64 : i32
    %dma_wait3A_563 = tpu.memref_slice %arg7[%dma_wait3A_562] : memref<128xi32, #tpu.memory_space<vmem>> -> memref<16xi32, #tpu.memory_space<vmem>>
    %dma_wait3A_564 = arith.constant 0 : i32
    %dma_wait3A_565 = arith.constant 0 : i32
    %dma_wait3A_566 = tpu.memref_slice %arg6[%dma_wait3A_564, %dma_wait3A_565] : memref<10240x512xi32, #tpu.memory_space<hbm>> -> memref<10240x512xi32, #tpu.memory_space<hbm>>
    tpu.wait_indirect_dma semaphore(%arg13 : memref<!tpu.dma_semaphore, #tpu.memory_space<semaphore_mem>>) src(%dma_wait3A_561 : memref<16x512xi32, #tpu.memory_space<vmem>>) dst(%dma_wait3A_566 : memref<10240x512xi32, #tpu.memory_space<hbm>>)
    %dma_wait3A_567 = arith.constant 0 : i32
    %dma_wait3A_568 = arith.constant 0 : i32
    %dma_wait3A_569 = arith.constant 0 : i32
    %dma_wait3A_570 = tpu.memref_slice %arg10[%dma_wait3A_567, %dma_wait3A_568, %dma_wait3A_569] : memref<2x16x512xi32, #tpu.memory_space<vmem>> -> memref<1x16x512xi32, #tpu.memory_space<vmem>>
    %dma_wait3A_571 = tpu.memref_squeeze %dma_wait3A_570 : memref<1x16x512xi32, #tpu.memory_space<vmem>> -> memref<16x512xi32, #tpu.memory_space<vmem>>
    %dma_wait3A_572 = arith.constant 64 : i32
    %dma_wait3A_573 = tpu.memref_slice %arg8[%dma_wait3A_572] : memref<128xi32, #tpu.memory_space<vmem>> -> memref<16xi32, #tpu.memory_space<vmem>>
    %dma_wait3A_574 = arith.constant 0 : i32
    %dma_wait3A_575 = arith.constant 0 : i32
    %dma_wait3A_576 = tpu.memref_slice %arg6[%dma_wait3A_574, %dma_wait3A_575] : memref<10240x512xi32, #tpu.memory_space<hbm>> -> memref<10240x512xi32, #tpu.memory_space<hbm>>
    tpu.wait_indirect_dma semaphore(%arg14 : memref<!tpu.dma_semaphore, #tpu.memory_space<semaphore_mem>>) src(%dma_wait3A_571 : memref<16x512xi32, #tpu.memory_space<vmem>>) dst(%dma_wait3A_576 : memref<10240x512xi32, #tpu.memory_space<hbm>>)
    %add3A_577 = arith.constant 96 : i32
    %add3A_578 = arith.addi %mul3A_2, %add3A_577 : i32
    %dma_start3A_579 = arith.constant 0 : i32
    %dma_start3A_580 = arith.constant 0 : i32
    %dma_start3A_581 = arith.constant 0 : i32
    %dma_start3A_582 = arith.constant 0 : i32
    %dma_start3A_583 = tpu.memref_slice %arg9[%dma_start3A_579, %dma_start3A_581, %dma_start3A_582] : memref<2x16x512xi32, #tpu.memory_space<vmem>> -> memref<1x16x512xi32, #tpu.memory_space<vmem>>
    %dma_start3A_584 = tpu.memref_squeeze %dma_start3A_583 : memref<1x16x512xi32, #tpu.memory_space<vmem>> -> memref<16x512xi32, #tpu.memory_space<vmem>>
    %dma_start3A_585 = arith.constant 0 : i32
    %dma_start3A_586 = tpu.memref_slice %arg4[%add3A_578, %dma_start3A_585] : memref<4096x512xi32, #tpu.memory_space<hbm>> -> memref<16x512xi32, #tpu.memory_space<hbm>>
    %dma_start3A_587 = tpu.memref_slice %arg11[%dma_start3A_580] : memref<2x!tpu.dma_semaphore, #tpu.memory_space<semaphore_mem>> -> memref<1x!tpu.dma_semaphore, #tpu.memory_space<semaphore_mem>>
    %dma_start3A_588 = tpu.memref_squeeze %dma_start3A_587 : memref<1x!tpu.dma_semaphore, #tpu.memory_space<semaphore_mem>> -> memref<!tpu.dma_semaphore, #tpu.memory_space<semaphore_mem>>
    %dma_start3A_589 = arith.constant 0 : i32
    %dma_start3A_590 = arith.constant 0 : i32
    %dma_start3A_591 = tpu.memref_slice %arg9[%dma_start3A_579, %dma_start3A_589, %dma_start3A_590] : memref<2x16x512xi32, #tpu.memory_space<vmem>> -> memref<1x16x512xi32, #tpu.memory_space<vmem>>
    %dma_start3A_592 = tpu.memref_squeeze %dma_start3A_591 : memref<1x16x512xi32, #tpu.memory_space<vmem>> -> memref<16x512xi32, #tpu.memory_space<vmem>>
    %dma_start3A_593 = arith.constant 0 : i32
    %dma_start3A_594 = tpu.memref_slice %arg4[%add3A_578, %dma_start3A_593] : memref<4096x512xi32, #tpu.memory_space<hbm>> -> memref<16x512xi32, #tpu.memory_space<hbm>>
    tpu.enqueue_dma source(%dma_start3A_594 : memref<16x512xi32, #tpu.memory_space<hbm>>) target(%dma_start3A_592 : memref<16x512xi32, #tpu.memory_space<vmem>>) target_semaphore(%dma_start3A_588 : memref<!tpu.dma_semaphore, #tpu.memory_space<semaphore_mem>>)
    %add3A_595 = arith.constant 96 : i32
    %add3A_596 = arith.addi %mul3A_2, %add3A_595 : i32
    %dma_start3A_597 = arith.constant 0 : i32
    %dma_start3A_598 = arith.constant 0 : i32
    %dma_start3A_599 = arith.constant 0 : i32
    %dma_start3A_600 = arith.constant 0 : i32
    %dma_start3A_601 = tpu.memref_slice %arg10[%dma_start3A_597, %dma_start3A_599, %dma_start3A_600] : memref<2x16x512xi32, #tpu.memory_space<vmem>> -> memref<1x16x512xi32, #tpu.memory_space<vmem>>
    %dma_start3A_602 = tpu.memref_squeeze %dma_start3A_601 : memref<1x16x512xi32, #tpu.memory_space<vmem>> -> memref<16x512xi32, #tpu.memory_space<vmem>>
    %dma_start3A_603 = arith.constant 0 : i32
    %dma_start3A_604 = tpu.memref_slice %arg5[%add3A_596, %dma_start3A_603] : memref<4096x512xi32, #tpu.memory_space<hbm>> -> memref<16x512xi32, #tpu.memory_space<hbm>>
    %dma_start3A_605 = tpu.memref_slice %arg12[%dma_start3A_598] : memref<2x!tpu.dma_semaphore, #tpu.memory_space<semaphore_mem>> -> memref<1x!tpu.dma_semaphore, #tpu.memory_space<semaphore_mem>>
    %dma_start3A_606 = tpu.memref_squeeze %dma_start3A_605 : memref<1x!tpu.dma_semaphore, #tpu.memory_space<semaphore_mem>> -> memref<!tpu.dma_semaphore, #tpu.memory_space<semaphore_mem>>
    %dma_start3A_607 = arith.constant 0 : i32
    %dma_start3A_608 = arith.constant 0 : i32
    %dma_start3A_609 = tpu.memref_slice %arg10[%dma_start3A_597, %dma_start3A_607, %dma_start3A_608] : memref<2x16x512xi32, #tpu.memory_space<vmem>> -> memref<1x16x512xi32, #tpu.memory_space<vmem>>
    %dma_start3A_610 = tpu.memref_squeeze %dma_start3A_609 : memref<1x16x512xi32, #tpu.memory_space<vmem>> -> memref<16x512xi32, #tpu.memory_space<vmem>>
    %dma_start3A_611 = arith.constant 0 : i32
    %dma_start3A_612 = tpu.memref_slice %arg5[%add3A_596, %dma_start3A_611] : memref<4096x512xi32, #tpu.memory_space<hbm>> -> memref<16x512xi32, #tpu.memory_space<hbm>>
    tpu.enqueue_dma source(%dma_start3A_612 : memref<16x512xi32, #tpu.memory_space<hbm>>) target(%dma_start3A_610 : memref<16x512xi32, #tpu.memory_space<vmem>>) target_semaphore(%dma_start3A_606 : memref<!tpu.dma_semaphore, #tpu.memory_space<semaphore_mem>>)
    %dma_wait3A_613 = arith.constant 1 : i32
    %dma_wait3A_614 = arith.constant 1 : i32
    %dma_wait3A_615 = arith.constant 0 : i32
    %dma_wait3A_616 = arith.constant 0 : i32
    %dma_wait3A_617 = tpu.memref_slice %arg9[%dma_wait3A_613, %dma_wait3A_615, %dma_wait3A_616] : memref<2x16x512xi32, #tpu.memory_space<vmem>> -> memref<1x16x512xi32, #tpu.memory_space<vmem>>
    %dma_wait3A_618 = tpu.memref_squeeze %dma_wait3A_617 : memref<1x16x512xi32, #tpu.memory_space<vmem>> -> memref<16x512xi32, #tpu.memory_space<vmem>>
    %dma_wait3A_619 = arith.constant 0 : i32
    %dma_wait3A_620 = tpu.memref_slice %arg4[%add3A_470, %dma_wait3A_619] : memref<4096x512xi32, #tpu.memory_space<hbm>> -> memref<16x512xi32, #tpu.memory_space<hbm>>
    %dma_wait3A_621 = tpu.memref_slice %arg11[%dma_wait3A_614] : memref<2x!tpu.dma_semaphore, #tpu.memory_space<semaphore_mem>> -> memref<1x!tpu.dma_semaphore, #tpu.memory_space<semaphore_mem>>
    %dma_wait3A_622 = tpu.memref_squeeze %dma_wait3A_621 : memref<1x!tpu.dma_semaphore, #tpu.memory_space<semaphore_mem>> -> memref<!tpu.dma_semaphore, #tpu.memory_space<semaphore_mem>>
    %dma_wait3A_623 = arith.constant 0 : i32
    %dma_wait3A_624 = arith.constant 0 : i32
    %dma_wait3A_625 = tpu.memref_slice %arg9[%dma_wait3A_613, %dma_wait3A_623, %dma_wait3A_624] : memref<2x16x512xi32, #tpu.memory_space<vmem>> -> memref<1x16x512xi32, #tpu.memory_space<vmem>>
    %dma_wait3A_626 = tpu.memref_squeeze %dma_wait3A_625 : memref<1x16x512xi32, #tpu.memory_space<vmem>> -> memref<16x512xi32, #tpu.memory_space<vmem>>
    %dma_wait3A_627 = arith.constant 0 : i32
    %dma_wait3A_628 = tpu.memref_slice %arg4[%add3A_470, %dma_wait3A_627] : memref<4096x512xi32, #tpu.memory_space<hbm>> -> memref<16x512xi32, #tpu.memory_space<hbm>>
    tpu.wait_dma2 semaphore(%dma_wait3A_622 : memref<!tpu.dma_semaphore, #tpu.memory_space<semaphore_mem>>) src(%dma_wait3A_628 : memref<16x512xi32, #tpu.memory_space<hbm>>) dst(%dma_wait3A_626 : memref<16x512xi32, #tpu.memory_space<vmem>>)
    %dma_wait3A_629 = arith.constant 1 : i32
    %dma_wait3A_630 = arith.constant 1 : i32
    %dma_wait3A_631 = arith.constant 0 : i32
    %dma_wait3A_632 = arith.constant 0 : i32
    %dma_wait3A_633 = tpu.memref_slice %arg10[%dma_wait3A_629, %dma_wait3A_631, %dma_wait3A_632] : memref<2x16x512xi32, #tpu.memory_space<vmem>> -> memref<1x16x512xi32, #tpu.memory_space<vmem>>
    %dma_wait3A_634 = tpu.memref_squeeze %dma_wait3A_633 : memref<1x16x512xi32, #tpu.memory_space<vmem>> -> memref<16x512xi32, #tpu.memory_space<vmem>>
    %dma_wait3A_635 = arith.constant 0 : i32
    %dma_wait3A_636 = tpu.memref_slice %arg5[%add3A_488, %dma_wait3A_635] : memref<4096x512xi32, #tpu.memory_space<hbm>> -> memref<16x512xi32, #tpu.memory_space<hbm>>
    %dma_wait3A_637 = tpu.memref_slice %arg12[%dma_wait3A_630] : memref<2x!tpu.dma_semaphore, #tpu.memory_space<semaphore_mem>> -> memref<1x!tpu.dma_semaphore, #tpu.memory_space<semaphore_mem>>
    %dma_wait3A_638 = tpu.memref_squeeze %dma_wait3A_637 : memref<1x!tpu.dma_semaphore, #tpu.memory_space<semaphore_mem>> -> memref<!tpu.dma_semaphore, #tpu.memory_space<semaphore_mem>>
    %dma_wait3A_639 = arith.constant 0 : i32
    %dma_wait3A_640 = arith.constant 0 : i32
    %dma_wait3A_641 = tpu.memref_slice %arg10[%dma_wait3A_629, %dma_wait3A_639, %dma_wait3A_640] : memref<2x16x512xi32, #tpu.memory_space<vmem>> -> memref<1x16x512xi32, #tpu.memory_space<vmem>>
    %dma_wait3A_642 = tpu.memref_squeeze %dma_wait3A_641 : memref<1x16x512xi32, #tpu.memory_space<vmem>> -> memref<16x512xi32, #tpu.memory_space<vmem>>
    %dma_wait3A_643 = arith.constant 0 : i32
    %dma_wait3A_644 = tpu.memref_slice %arg5[%add3A_488, %dma_wait3A_643] : memref<4096x512xi32, #tpu.memory_space<hbm>> -> memref<16x512xi32, #tpu.memory_space<hbm>>
    tpu.wait_dma2 semaphore(%dma_wait3A_638 : memref<!tpu.dma_semaphore, #tpu.memory_space<semaphore_mem>>) src(%dma_wait3A_644 : memref<16x512xi32, #tpu.memory_space<hbm>>) dst(%dma_wait3A_642 : memref<16x512xi32, #tpu.memory_space<vmem>>)
    %dma_start3A_645 = arith.constant 1 : i32
    %dma_start3A_646 = arith.constant 0 : i32
    %dma_start3A_647 = arith.constant 0 : i32
    %dma_start3A_648 = tpu.memref_slice %arg9[%dma_start3A_645, %dma_start3A_646, %dma_start3A_647] : memref<2x16x512xi32, #tpu.memory_space<vmem>> -> memref<1x16x512xi32, #tpu.memory_space<vmem>>
    %dma_start3A_649 = tpu.memref_squeeze %dma_start3A_648 : memref<1x16x512xi32, #tpu.memory_space<vmem>> -> memref<16x512xi32, #tpu.memory_space<vmem>>
    %dma_start3A_650 = arith.constant 80 : i32
    %dma_start3A_651 = tpu.memref_slice %arg7[%dma_start3A_650] : memref<128xi32, #tpu.memory_space<vmem>> -> memref<16xi32, #tpu.memory_space<vmem>>
    %dma_start3A_652 = arith.constant 0 : i32
    %dma_start3A_653 = arith.constant 0 : i32
    %dma_start3A_654 = tpu.memref_slice %arg6[%dma_start3A_652, %dma_start3A_653] : memref<10240x512xi32, #tpu.memory_space<hbm>> -> memref<10240x512xi32, #tpu.memory_space<hbm>>
    tpu.enqueue_indirect_dma source(%dma_start3A_649 : memref<16x512xi32, #tpu.memory_space<vmem>>) target(%dma_start3A_654 : memref<10240x512xi32, #tpu.memory_space<hbm>>) offsets(%dma_start3A_651 : memref<16xi32, #tpu.memory_space<vmem>>) semaphore(%arg13 : memref<!tpu.dma_semaphore, #tpu.memory_space<semaphore_mem>>)
    %dma_start3A_655 = arith.constant 1 : i32
    %dma_start3A_656 = arith.constant 0 : i32
    %dma_start3A_657 = arith.constant 0 : i32
    %dma_start3A_658 = tpu.memref_slice %arg10[%dma_start3A_655, %dma_start3A_656, %dma_start3A_657] : memref<2x16x512xi32, #tpu.memory_space<vmem>> -> memref<1x16x512xi32, #tpu.memory_space<vmem>>
    %dma_start3A_659 = tpu.memref_squeeze %dma_start3A_658 : memref<1x16x512xi32, #tpu.memory_space<vmem>> -> memref<16x512xi32, #tpu.memory_space<vmem>>
    %dma_start3A_660 = arith.constant 80 : i32
    %dma_start3A_661 = tpu.memref_slice %arg8[%dma_start3A_660] : memref<128xi32, #tpu.memory_space<vmem>> -> memref<16xi32, #tpu.memory_space<vmem>>
    %dma_start3A_662 = arith.constant 0 : i32
    %dma_start3A_663 = arith.constant 0 : i32
    %dma_start3A_664 = tpu.memref_slice %arg6[%dma_start3A_662, %dma_start3A_663] : memref<10240x512xi32, #tpu.memory_space<hbm>> -> memref<10240x512xi32, #tpu.memory_space<hbm>>
    tpu.enqueue_indirect_dma source(%dma_start3A_659 : memref<16x512xi32, #tpu.memory_space<vmem>>) target(%dma_start3A_664 : memref<10240x512xi32, #tpu.memory_space<hbm>>) offsets(%dma_start3A_661 : memref<16xi32, #tpu.memory_space<vmem>>) semaphore(%arg14 : memref<!tpu.dma_semaphore, #tpu.memory_space<semaphore_mem>>)
    %dma_wait3A_665 = arith.constant 1 : i32
    %dma_wait3A_666 = arith.constant 0 : i32
    %dma_wait3A_667 = arith.constant 0 : i32
    %dma_wait3A_668 = tpu.memref_slice %arg9[%dma_wait3A_665, %dma_wait3A_666, %dma_wait3A_667] : memref<2x16x512xi32, #tpu.memory_space<vmem>> -> memref<1x16x512xi32, #tpu.memory_space<vmem>>
    %dma_wait3A_669 = tpu.memref_squeeze %dma_wait3A_668 : memref<1x16x512xi32, #tpu.memory_space<vmem>> -> memref<16x512xi32, #tpu.memory_space<vmem>>
    %dma_wait3A_670 = arith.constant 80 : i32
    %dma_wait3A_671 = tpu.memref_slice %arg7[%dma_wait3A_670] : memref<128xi32, #tpu.memory_space<vmem>> -> memref<16xi32, #tpu.memory_space<vmem>>
    %dma_wait3A_672 = arith.constant 0 : i32
    %dma_wait3A_673 = arith.constant 0 : i32
    %dma_wait3A_674 = tpu.memref_slice %arg6[%dma_wait3A_672, %dma_wait3A_673] : memref<10240x512xi32, #tpu.memory_space<hbm>> -> memref<10240x512xi32, #tpu.memory_space<hbm>>
    tpu.wait_indirect_dma semaphore(%arg13 : memref<!tpu.dma_semaphore, #tpu.memory_space<semaphore_mem>>) src(%dma_wait3A_669 : memref<16x512xi32, #tpu.memory_space<vmem>>) dst(%dma_wait3A_674 : memref<10240x512xi32, #tpu.memory_space<hbm>>)
    %dma_wait3A_675 = arith.constant 1 : i32
    %dma_wait3A_676 = arith.constant 0 : i32
    %dma_wait3A_677 = arith.constant 0 : i32
    %dma_wait3A_678 = tpu.memref_slice %arg10[%dma_wait3A_675, %dma_wait3A_676, %dma_wait3A_677] : memref<2x16x512xi32, #tpu.memory_space<vmem>> -> memref<1x16x512xi32, #tpu.memory_space<vmem>>
    %dma_wait3A_679 = tpu.memref_squeeze %dma_wait3A_678 : memref<1x16x512xi32, #tpu.memory_space<vmem>> -> memref<16x512xi32, #tpu.memory_space<vmem>>
    %dma_wait3A_680 = arith.constant 80 : i32
    %dma_wait3A_681 = tpu.memref_slice %arg8[%dma_wait3A_680] : memref<128xi32, #tpu.memory_space<vmem>> -> memref<16xi32, #tpu.memory_space<vmem>>
    %dma_wait3A_682 = arith.constant 0 : i32
    %dma_wait3A_683 = arith.constant 0 : i32
    %dma_wait3A_684 = tpu.memref_slice %arg6[%dma_wait3A_682, %dma_wait3A_683] : memref<10240x512xi32, #tpu.memory_space<hbm>> -> memref<10240x512xi32, #tpu.memory_space<hbm>>
    tpu.wait_indirect_dma semaphore(%arg14 : memref<!tpu.dma_semaphore, #tpu.memory_space<semaphore_mem>>) src(%dma_wait3A_679 : memref<16x512xi32, #tpu.memory_space<vmem>>) dst(%dma_wait3A_684 : memref<10240x512xi32, #tpu.memory_space<hbm>>)
    %add3A_685 = arith.constant 112 : i32
    %add3A_686 = arith.addi %mul3A_2, %add3A_685 : i32
    %dma_start3A_687 = arith.constant 1 : i32
    %dma_start3A_688 = arith.constant 1 : i32
    %dma_start3A_689 = arith.constant 0 : i32
    %dma_start3A_690 = arith.constant 0 : i32
    %dma_start3A_691 = tpu.memref_slice %arg9[%dma_start3A_687, %dma_start3A_689, %dma_start3A_690] : memref<2x16x512xi32, #tpu.memory_space<vmem>> -> memref<1x16x512xi32, #tpu.memory_space<vmem>>
    %dma_start3A_692 = tpu.memref_squeeze %dma_start3A_691 : memref<1x16x512xi32, #tpu.memory_space<vmem>> -> memref<16x512xi32, #tpu.memory_space<vmem>>
    %dma_start3A_693 = arith.constant 0 : i32
    %dma_start3A_694 = tpu.memref_slice %arg4[%add3A_686, %dma_start3A_693] : memref<4096x512xi32, #tpu.memory_space<hbm>> -> memref<16x512xi32, #tpu.memory_space<hbm>>
    %dma_start3A_695 = tpu.memref_slice %arg11[%dma_start3A_688] : memref<2x!tpu.dma_semaphore, #tpu.memory_space<semaphore_mem>> -> memref<1x!tpu.dma_semaphore, #tpu.memory_space<semaphore_mem>>
    %dma_start3A_696 = tpu.memref_squeeze %dma_start3A_695 : memref<1x!tpu.dma_semaphore, #tpu.memory_space<semaphore_mem>> -> memref<!tpu.dma_semaphore, #tpu.memory_space<semaphore_mem>>
    %dma_start3A_697 = arith.constant 0 : i32
    %dma_start3A_698 = arith.constant 0 : i32
    %dma_start3A_699 = tpu.memref_slice %arg9[%dma_start3A_687, %dma_start3A_697, %dma_start3A_698] : memref<2x16x512xi32, #tpu.memory_space<vmem>> -> memref<1x16x512xi32, #tpu.memory_space<vmem>>
    %dma_start3A_700 = tpu.memref_squeeze %dma_start3A_699 : memref<1x16x512xi32, #tpu.memory_space<vmem>> -> memref<16x512xi32, #tpu.memory_space<vmem>>
    %dma_start3A_701 = arith.constant 0 : i32
    %dma_start3A_702 = tpu.memref_slice %arg4[%add3A_686, %dma_start3A_701] : memref<4096x512xi32, #tpu.memory_space<hbm>> -> memref<16x512xi32, #tpu.memory_space<hbm>>
    tpu.enqueue_dma source(%dma_start3A_702 : memref<16x512xi32, #tpu.memory_space<hbm>>) target(%dma_start3A_700 : memref<16x512xi32, #tpu.memory_space<vmem>>) target_semaphore(%dma_start3A_696 : memref<!tpu.dma_semaphore, #tpu.memory_space<semaphore_mem>>)
    %add3A_703 = arith.constant 112 : i32
    %add3A_704 = arith.addi %mul3A_2, %add3A_703 : i32
    %dma_start3A_705 = arith.constant 1 : i32
    %dma_start3A_706 = arith.constant 1 : i32
    %dma_start3A_707 = arith.constant 0 : i32
    %dma_start3A_708 = arith.constant 0 : i32
    %dma_start3A_709 = tpu.memref_slice %arg10[%dma_start3A_705, %dma_start3A_707, %dma_start3A_708] : memref<2x16x512xi32, #tpu.memory_space<vmem>> -> memref<1x16x512xi32, #tpu.memory_space<vmem>>
    %dma_start3A_710 = tpu.memref_squeeze %dma_start3A_709 : memref<1x16x512xi32, #tpu.memory_space<vmem>> -> memref<16x512xi32, #tpu.memory_space<vmem>>
    %dma_start3A_711 = arith.constant 0 : i32
    %dma_start3A_712 = tpu.memref_slice %arg5[%add3A_704, %dma_start3A_711] : memref<4096x512xi32, #tpu.memory_space<hbm>> -> memref<16x512xi32, #tpu.memory_space<hbm>>
    %dma_start3A_713 = tpu.memref_slice %arg12[%dma_start3A_706] : memref<2x!tpu.dma_semaphore, #tpu.memory_space<semaphore_mem>> -> memref<1x!tpu.dma_semaphore, #tpu.memory_space<semaphore_mem>>
    %dma_start3A_714 = tpu.memref_squeeze %dma_start3A_713 : memref<1x!tpu.dma_semaphore, #tpu.memory_space<semaphore_mem>> -> memref<!tpu.dma_semaphore, #tpu.memory_space<semaphore_mem>>
    %dma_start3A_715 = arith.constant 0 : i32
    %dma_start3A_716 = arith.constant 0 : i32
    %dma_start3A_717 = tpu.memref_slice %arg10[%dma_start3A_705, %dma_start3A_715, %dma_start3A_716] : memref<2x16x512xi32, #tpu.memory_space<vmem>> -> memref<1x16x512xi32, #tpu.memory_space<vmem>>
    %dma_start3A_718 = tpu.memref_squeeze %dma_start3A_717 : memref<1x16x512xi32, #tpu.memory_space<vmem>> -> memref<16x512xi32, #tpu.memory_space<vmem>>
    %dma_start3A_719 = arith.constant 0 : i32
    %dma_start3A_720 = tpu.memref_slice %arg5[%add3A_704, %dma_start3A_719] : memref<4096x512xi32, #tpu.memory_space<hbm>> -> memref<16x512xi32, #tpu.memory_space<hbm>>
    tpu.enqueue_dma source(%dma_start3A_720 : memref<16x512xi32, #tpu.memory_space<hbm>>) target(%dma_start3A_718 : memref<16x512xi32, #tpu.memory_space<vmem>>) target_semaphore(%dma_start3A_714 : memref<!tpu.dma_semaphore, #tpu.memory_space<semaphore_mem>>)
    %dma_wait3A_721 = arith.constant 0 : i32
    %dma_wait3A_722 = arith.constant 0 : i32
    %dma_wait3A_723 = arith.constant 0 : i32
    %dma_wait3A_724 = arith.constant 0 : i32
    %dma_wait3A_725 = tpu.memref_slice %arg9[%dma_wait3A_721, %dma_wait3A_723, %dma_wait3A_724] : memref<2x16x512xi32, #tpu.memory_space<vmem>> -> memref<1x16x512xi32, #tpu.memory_space<vmem>>
    %dma_wait3A_726 = tpu.memref_squeeze %dma_wait3A_725 : memref<1x16x512xi32, #tpu.memory_space<vmem>> -> memref<16x512xi32, #tpu.memory_space<vmem>>
    %dma_wait3A_727 = arith.constant 0 : i32
    %dma_wait3A_728 = tpu.memref_slice %arg4[%add3A_578, %dma_wait3A_727] : memref<4096x512xi32, #tpu.memory_space<hbm>> -> memref<16x512xi32, #tpu.memory_space<hbm>>
    %dma_wait3A_729 = tpu.memref_slice %arg11[%dma_wait3A_722] : memref<2x!tpu.dma_semaphore, #tpu.memory_space<semaphore_mem>> -> memref<1x!tpu.dma_semaphore, #tpu.memory_space<semaphore_mem>>
    %dma_wait3A_730 = tpu.memref_squeeze %dma_wait3A_729 : memref<1x!tpu.dma_semaphore, #tpu.memory_space<semaphore_mem>> -> memref<!tpu.dma_semaphore, #tpu.memory_space<semaphore_mem>>
    %dma_wait3A_731 = arith.constant 0 : i32
    %dma_wait3A_732 = arith.constant 0 : i32
    %dma_wait3A_733 = tpu.memref_slice %arg9[%dma_wait3A_721, %dma_wait3A_731, %dma_wait3A_732] : memref<2x16x512xi32, #tpu.memory_space<vmem>> -> memref<1x16x512xi32, #tpu.memory_space<vmem>>
    %dma_wait3A_734 = tpu.memref_squeeze %dma_wait3A_733 : memref<1x16x512xi32, #tpu.memory_space<vmem>> -> memref<16x512xi32, #tpu.memory_space<vmem>>
    %dma_wait3A_735 = arith.constant 0 : i32
    %dma_wait3A_736 = tpu.memref_slice %arg4[%add3A_578, %dma_wait3A_735] : memref<4096x512xi32, #tpu.memory_space<hbm>> -> memref<16x512xi32, #tpu.memory_space<hbm>>
    tpu.wait_dma2 semaphore(%dma_wait3A_730 : memref<!tpu.dma_semaphore, #tpu.memory_space<semaphore_mem>>) src(%dma_wait3A_736 : memref<16x512xi32, #tpu.memory_space<hbm>>) dst(%dma_wait3A_734 : memref<16x512xi32, #tpu.memory_space<vmem>>)
    %dma_wait3A_737 = arith.constant 0 : i32
    %dma_wait3A_738 = arith.constant 0 : i32
    %dma_wait3A_739 = arith.constant 0 : i32
    %dma_wait3A_740 = arith.constant 0 : i32
    %dma_wait3A_741 = tpu.memref_slice %arg10[%dma_wait3A_737, %dma_wait3A_739, %dma_wait3A_740] : memref<2x16x512xi32, #tpu.memory_space<vmem>> -> memref<1x16x512xi32, #tpu.memory_space<vmem>>
    %dma_wait3A_742 = tpu.memref_squeeze %dma_wait3A_741 : memref<1x16x512xi32, #tpu.memory_space<vmem>> -> memref<16x512xi32, #tpu.memory_space<vmem>>
    %dma_wait3A_743 = arith.constant 0 : i32
    %dma_wait3A_744 = tpu.memref_slice %arg5[%add3A_596, %dma_wait3A_743] : memref<4096x512xi32, #tpu.memory_space<hbm>> -> memref<16x512xi32, #tpu.memory_space<hbm>>
    %dma_wait3A_745 = tpu.memref_slice %arg12[%dma_wait3A_738] : memref<2x!tpu.dma_semaphore, #tpu.memory_space<semaphore_mem>> -> memref<1x!tpu.dma_semaphore, #tpu.memory_space<semaphore_mem>>
    %dma_wait3A_746 = tpu.memref_squeeze %dma_wait3A_745 : memref<1x!tpu.dma_semaphore, #tpu.memory_space<semaphore_mem>> -> memref<!tpu.dma_semaphore, #tpu.memory_space<semaphore_mem>>
    %dma_wait3A_747 = arith.constant 0 : i32
    %dma_wait3A_748 = arith.constant 0 : i32
    %dma_wait3A_749 = tpu.memref_slice %arg10[%dma_wait3A_737, %dma_wait3A_747, %dma_wait3A_748] : memref<2x16x512xi32, #tpu.memory_space<vmem>> -> memref<1x16x512xi32, #tpu.memory_space<vmem>>
    %dma_wait3A_750 = tpu.memref_squeeze %dma_wait3A_749 : memref<1x16x512xi32, #tpu.memory_space<vmem>> -> memref<16x512xi32, #tpu.memory_space<vmem>>
    %dma_wait3A_751 = arith.constant 0 : i32
    %dma_wait3A_752 = tpu.memref_slice %arg5[%add3A_596, %dma_wait3A_751] : memref<4096x512xi32, #tpu.memory_space<hbm>> -> memref<16x512xi32, #tpu.memory_space<hbm>>
    tpu.wait_dma2 semaphore(%dma_wait3A_746 : memref<!tpu.dma_semaphore, #tpu.memory_space<semaphore_mem>>) src(%dma_wait3A_752 : memref<16x512xi32, #tpu.memory_space<hbm>>) dst(%dma_wait3A_750 : memref<16x512xi32, #tpu.memory_space<vmem>>)
    %dma_start3A_753 = arith.constant 0 : i32
    %dma_start3A_754 = arith.constant 0 : i32
    %dma_start3A_755 = arith.constant 0 : i32
    %dma_start3A_756 = tpu.memref_slice %arg9[%dma_start3A_753, %dma_start3A_754, %dma_start3A_755] : memref<2x16x512xi32, #tpu.memory_space<vmem>> -> memref<1x16x512xi32, #tpu.memory_space<vmem>>
    %dma_start3A_757 = tpu.memref_squeeze %dma_start3A_756 : memref<1x16x512xi32, #tpu.memory_space<vmem>> -> memref<16x512xi32, #tpu.memory_space<vmem>>
    %dma_start3A_758 = arith.constant 96 : i32
    %dma_start3A_759 = tpu.memref_slice %arg7[%dma_start3A_758] : memref<128xi32, #tpu.memory_space<vmem>> -> memref<16xi32, #tpu.memory_space<vmem>>
    %dma_start3A_760 = arith.constant 0 : i32
    %dma_start3A_761 = arith.constant 0 : i32
    %dma_start3A_762 = tpu.memref_slice %arg6[%dma_start3A_760, %dma_start3A_761] : memref<10240x512xi32, #tpu.memory_space<hbm>> -> memref<10240x512xi32, #tpu.memory_space<hbm>>
    tpu.enqueue_indirect_dma source(%dma_start3A_757 : memref<16x512xi32, #tpu.memory_space<vmem>>) target(%dma_start3A_762 : memref<10240x512xi32, #tpu.memory_space<hbm>>) offsets(%dma_start3A_759 : memref<16xi32, #tpu.memory_space<vmem>>) semaphore(%arg13 : memref<!tpu.dma_semaphore, #tpu.memory_space<semaphore_mem>>)
    %dma_start3A_763 = arith.constant 0 : i32
    %dma_start3A_764 = arith.constant 0 : i32
    %dma_start3A_765 = arith.constant 0 : i32
    %dma_start3A_766 = tpu.memref_slice %arg10[%dma_start3A_763, %dma_start3A_764, %dma_start3A_765] : memref<2x16x512xi32, #tpu.memory_space<vmem>> -> memref<1x16x512xi32, #tpu.memory_space<vmem>>
    %dma_start3A_767 = tpu.memref_squeeze %dma_start3A_766 : memref<1x16x512xi32, #tpu.memory_space<vmem>> -> memref<16x512xi32, #tpu.memory_space<vmem>>
    %dma_start3A_768 = arith.constant 96 : i32
    %dma_start3A_769 = tpu.memref_slice %arg8[%dma_start3A_768] : memref<128xi32, #tpu.memory_space<vmem>> -> memref<16xi32, #tpu.memory_space<vmem>>
    %dma_start3A_770 = arith.constant 0 : i32
    %dma_start3A_771 = arith.constant 0 : i32
    %dma_start3A_772 = tpu.memref_slice %arg6[%dma_start3A_770, %dma_start3A_771] : memref<10240x512xi32, #tpu.memory_space<hbm>> -> memref<10240x512xi32, #tpu.memory_space<hbm>>
    tpu.enqueue_indirect_dma source(%dma_start3A_767 : memref<16x512xi32, #tpu.memory_space<vmem>>) target(%dma_start3A_772 : memref<10240x512xi32, #tpu.memory_space<hbm>>) offsets(%dma_start3A_769 : memref<16xi32, #tpu.memory_space<vmem>>) semaphore(%arg14 : memref<!tpu.dma_semaphore, #tpu.memory_space<semaphore_mem>>)
    %dma_wait3A_773 = arith.constant 0 : i32
    %dma_wait3A_774 = arith.constant 0 : i32
    %dma_wait3A_775 = arith.constant 0 : i32
    %dma_wait3A_776 = tpu.memref_slice %arg9[%dma_wait3A_773, %dma_wait3A_774, %dma_wait3A_775] : memref<2x16x512xi32, #tpu.memory_space<vmem>> -> memref<1x16x512xi32, #tpu.memory_space<vmem>>
    %dma_wait3A_777 = tpu.memref_squeeze %dma_wait3A_776 : memref<1x16x512xi32, #tpu.memory_space<vmem>> -> memref<16x512xi32, #tpu.memory_space<vmem>>
    %dma_wait3A_778 = arith.constant 96 : i32
    %dma_wait3A_779 = tpu.memref_slice %arg7[%dma_wait3A_778] : memref<128xi32, #tpu.memory_space<vmem>> -> memref<16xi32, #tpu.memory_space<vmem>>
    %dma_wait3A_780 = arith.constant 0 : i32
    %dma_wait3A_781 = arith.constant 0 : i32
    %dma_wait3A_782 = tpu.memref_slice %arg6[%dma_wait3A_780, %dma_wait3A_781] : memref<10240x512xi32, #tpu.memory_space<hbm>> -> memref<10240x512xi32, #tpu.memory_space<hbm>>
    tpu.wait_indirect_dma semaphore(%arg13 : memref<!tpu.dma_semaphore, #tpu.memory_space<semaphore_mem>>) src(%dma_wait3A_777 : memref<16x512xi32, #tpu.memory_space<vmem>>) dst(%dma_wait3A_782 : memref<10240x512xi32, #tpu.memory_space<hbm>>)
    %dma_wait3A_783 = arith.constant 0 : i32
    %dma_wait3A_784 = arith.constant 0 : i32
    %dma_wait3A_785 = arith.constant 0 : i32
    %dma_wait3A_786 = tpu.memref_slice %arg10[%dma_wait3A_783, %dma_wait3A_784, %dma_wait3A_785] : memref<2x16x512xi32, #tpu.memory_space<vmem>> -> memref<1x16x512xi32, #tpu.memory_space<vmem>>
    %dma_wait3A_787 = tpu.memref_squeeze %dma_wait3A_786 : memref<1x16x512xi32, #tpu.memory_space<vmem>> -> memref<16x512xi32, #tpu.memory_space<vmem>>
    %dma_wait3A_788 = arith.constant 96 : i32
    %dma_wait3A_789 = tpu.memref_slice %arg8[%dma_wait3A_788] : memref<128xi32, #tpu.memory_space<vmem>> -> memref<16xi32, #tpu.memory_space<vmem>>
    %dma_wait3A_790 = arith.constant 0 : i32
    %dma_wait3A_791 = arith.constant 0 : i32
    %dma_wait3A_792 = tpu.memref_slice %arg6[%dma_wait3A_790, %dma_wait3A_791] : memref<10240x512xi32, #tpu.memory_space<hbm>> -> memref<10240x512xi32, #tpu.memory_space<hbm>>
    tpu.wait_indirect_dma semaphore(%arg14 : memref<!tpu.dma_semaphore, #tpu.memory_space<semaphore_mem>>) src(%dma_wait3A_787 : memref<16x512xi32, #tpu.memory_space<vmem>>) dst(%dma_wait3A_792 : memref<10240x512xi32, #tpu.memory_space<hbm>>)
    %dma_wait3A_793 = arith.constant 1 : i32
    %dma_wait3A_794 = arith.constant 1 : i32
    %dma_wait3A_795 = arith.constant 0 : i32
    %dma_wait3A_796 = arith.constant 0 : i32
    %dma_wait3A_797 = tpu.memref_slice %arg9[%dma_wait3A_793, %dma_wait3A_795, %dma_wait3A_796] : memref<2x16x512xi32, #tpu.memory_space<vmem>> -> memref<1x16x512xi32, #tpu.memory_space<vmem>>
    %dma_wait3A_798 = tpu.memref_squeeze %dma_wait3A_797 : memref<1x16x512xi32, #tpu.memory_space<vmem>> -> memref<16x512xi32, #tpu.memory_space<vmem>>
    %dma_wait3A_799 = arith.constant 0 : i32
    %dma_wait3A_800 = tpu.memref_slice %arg4[%add3A_686, %dma_wait3A_799] : memref<4096x512xi32, #tpu.memory_space<hbm>> -> memref<16x512xi32, #tpu.memory_space<hbm>>
    %dma_wait3A_801 = tpu.memref_slice %arg11[%dma_wait3A_794] : memref<2x!tpu.dma_semaphore, #tpu.memory_space<semaphore_mem>> -> memref<1x!tpu.dma_semaphore, #tpu.memory_space<semaphore_mem>>
    %dma_wait3A_802 = tpu.memref_squeeze %dma_wait3A_801 : memref<1x!tpu.dma_semaphore, #tpu.memory_space<semaphore_mem>> -> memref<!tpu.dma_semaphore, #tpu.memory_space<semaphore_mem>>
    %dma_wait3A_803 = arith.constant 0 : i32
    %dma_wait3A_804 = arith.constant 0 : i32
    %dma_wait3A_805 = tpu.memref_slice %arg9[%dma_wait3A_793, %dma_wait3A_803, %dma_wait3A_804] : memref<2x16x512xi32, #tpu.memory_space<vmem>> -> memref<1x16x512xi32, #tpu.memory_space<vmem>>
    %dma_wait3A_806 = tpu.memref_squeeze %dma_wait3A_805 : memref<1x16x512xi32, #tpu.memory_space<vmem>> -> memref<16x512xi32, #tpu.memory_space<vmem>>
    %dma_wait3A_807 = arith.constant 0 : i32
    %dma_wait3A_808 = tpu.memref_slice %arg4[%add3A_686, %dma_wait3A_807] : memref<4096x512xi32, #tpu.memory_space<hbm>> -> memref<16x512xi32, #tpu.memory_space<hbm>>
    tpu.wait_dma2 semaphore(%dma_wait3A_802 : memref<!tpu.dma_semaphore, #tpu.memory_space<semaphore_mem>>) src(%dma_wait3A_808 : memref<16x512xi32, #tpu.memory_space<hbm>>) dst(%dma_wait3A_806 : memref<16x512xi32, #tpu.memory_space<vmem>>)
    %dma_wait3A_809 = arith.constant 1 : i32
    %dma_wait3A_810 = arith.constant 1 : i32
    %dma_wait3A_811 = arith.constant 0 : i32
    %dma_wait3A_812 = arith.constant 0 : i32
    %dma_wait3A_813 = tpu.memref_slice %arg10[%dma_wait3A_809, %dma_wait3A_811, %dma_wait3A_812] : memref<2x16x512xi32, #tpu.memory_space<vmem>> -> memref<1x16x512xi32, #tpu.memory_space<vmem>>
    %dma_wait3A_814 = tpu.memref_squeeze %dma_wait3A_813 : memref<1x16x512xi32, #tpu.memory_space<vmem>> -> memref<16x512xi32, #tpu.memory_space<vmem>>
    %dma_wait3A_815 = arith.constant 0 : i32
    %dma_wait3A_816 = tpu.memref_slice %arg5[%add3A_704, %dma_wait3A_815] : memref<4096x512xi32, #tpu.memory_space<hbm>> -> memref<16x512xi32, #tpu.memory_space<hbm>>
    %dma_wait3A_817 = tpu.memref_slice %arg12[%dma_wait3A_810] : memref<2x!tpu.dma_semaphore, #tpu.memory_space<semaphore_mem>> -> memref<1x!tpu.dma_semaphore, #tpu.memory_space<semaphore_mem>>
    %dma_wait3A_818 = tpu.memref_squeeze %dma_wait3A_817 : memref<1x!tpu.dma_semaphore, #tpu.memory_space<semaphore_mem>> -> memref<!tpu.dma_semaphore, #tpu.memory_space<semaphore_mem>>
    %dma_wait3A_819 = arith.constant 0 : i32
    %dma_wait3A_820 = arith.constant 0 : i32
    %dma_wait3A_821 = tpu.memref_slice %arg10[%dma_wait3A_809, %dma_wait3A_819, %dma_wait3A_820] : memref<2x16x512xi32, #tpu.memory_space<vmem>> -> memref<1x16x512xi32, #tpu.memory_space<vmem>>
    %dma_wait3A_822 = tpu.memref_squeeze %dma_wait3A_821 : memref<1x16x512xi32, #tpu.memory_space<vmem>> -> memref<16x512xi32, #tpu.memory_space<vmem>>
    %dma_wait3A_823 = arith.constant 0 : i32
    %dma_wait3A_824 = tpu.memref_slice %arg5[%add3A_704, %dma_wait3A_823] : memref<4096x512xi32, #tpu.memory_space<hbm>> -> memref<16x512xi32, #tpu.memory_space<hbm>>
    tpu.wait_dma2 semaphore(%dma_wait3A_818 : memref<!tpu.dma_semaphore, #tpu.memory_space<semaphore_mem>>) src(%dma_wait3A_824 : memref<16x512xi32, #tpu.memory_space<hbm>>) dst(%dma_wait3A_822 : memref<16x512xi32, #tpu.memory_space<vmem>>)
    %dma_start3A_825 = arith.constant 1 : i32
    %dma_start3A_826 = arith.constant 0 : i32
    %dma_start3A_827 = arith.constant 0 : i32
    %dma_start3A_828 = tpu.memref_slice %arg9[%dma_start3A_825, %dma_start3A_826, %dma_start3A_827] : memref<2x16x512xi32, #tpu.memory_space<vmem>> -> memref<1x16x512xi32, #tpu.memory_space<vmem>>
    %dma_start3A_829 = tpu.memref_squeeze %dma_start3A_828 : memref<1x16x512xi32, #tpu.memory_space<vmem>> -> memref<16x512xi32, #tpu.memory_space<vmem>>
    %dma_start3A_830 = arith.constant 112 : i32
    %dma_start3A_831 = tpu.memref_slice %arg7[%dma_start3A_830] : memref<128xi32, #tpu.memory_space<vmem>> -> memref<16xi32, #tpu.memory_space<vmem>>
    %dma_start3A_832 = arith.constant 0 : i32
    %dma_start3A_833 = arith.constant 0 : i32
    %dma_start3A_834 = tpu.memref_slice %arg6[%dma_start3A_832, %dma_start3A_833] : memref<10240x512xi32, #tpu.memory_space<hbm>> -> memref<10240x512xi32, #tpu.memory_space<hbm>>
    tpu.enqueue_indirect_dma source(%dma_start3A_829 : memref<16x512xi32, #tpu.memory_space<vmem>>) target(%dma_start3A_834 : memref<10240x512xi32, #tpu.memory_space<hbm>>) offsets(%dma_start3A_831 : memref<16xi32, #tpu.memory_space<vmem>>) semaphore(%arg13 : memref<!tpu.dma_semaphore, #tpu.memory_space<semaphore_mem>>)
    %dma_start3A_835 = arith.constant 1 : i32
    %dma_start3A_836 = arith.constant 0 : i32
    %dma_start3A_837 = arith.constant 0 : i32
    %dma_start3A_838 = tpu.memref_slice %arg10[%dma_start3A_835, %dma_start3A_836, %dma_start3A_837] : memref<2x16x512xi32, #tpu.memory_space<vmem>> -> memref<1x16x512xi32, #tpu.memory_space<vmem>>
    %dma_start3A_839 = tpu.memref_squeeze %dma_start3A_838 : memref<1x16x512xi32, #tpu.memory_space<vmem>> -> memref<16x512xi32, #tpu.memory_space<vmem>>
    %dma_start3A_840 = arith.constant 112 : i32
    %dma_start3A_841 = tpu.memref_slice %arg8[%dma_start3A_840] : memref<128xi32, #tpu.memory_space<vmem>> -> memref<16xi32, #tpu.memory_space<vmem>>
    %dma_start3A_842 = arith.constant 0 : i32
    %dma_start3A_843 = arith.constant 0 : i32
    %dma_start3A_844 = tpu.memref_slice %arg6[%dma_start3A_842, %dma_start3A_843] : memref<10240x512xi32, #tpu.memory_space<hbm>> -> memref<10240x512xi32, #tpu.memory_space<hbm>>
    tpu.enqueue_indirect_dma source(%dma_start3A_839 : memref<16x512xi32, #tpu.memory_space<vmem>>) target(%dma_start3A_844 : memref<10240x512xi32, #tpu.memory_space<hbm>>) offsets(%dma_start3A_841 : memref<16xi32, #tpu.memory_space<vmem>>) semaphore(%arg14 : memref<!tpu.dma_semaphore, #tpu.memory_space<semaphore_mem>>)
    %dma_wait3A_845 = arith.constant 1 : i32
    %dma_wait3A_846 = arith.constant 0 : i32
    %dma_wait3A_847 = arith.constant 0 : i32
    %dma_wait3A_848 = tpu.memref_slice %arg9[%dma_wait3A_845, %dma_wait3A_846, %dma_wait3A_847] : memref<2x16x512xi32, #tpu.memory_space<vmem>> -> memref<1x16x512xi32, #tpu.memory_space<vmem>>
    %dma_wait3A_849 = tpu.memref_squeeze %dma_wait3A_848 : memref<1x16x512xi32, #tpu.memory_space<vmem>> -> memref<16x512xi32, #tpu.memory_space<vmem>>
    %dma_wait3A_850 = arith.constant 112 : i32
    %dma_wait3A_851 = tpu.memref_slice %arg7[%dma_wait3A_850] : memref<128xi32, #tpu.memory_space<vmem>> -> memref<16xi32, #tpu.memory_space<vmem>>
    %dma_wait3A_852 = arith.constant 0 : i32
    %dma_wait3A_853 = arith.constant 0 : i32
    %dma_wait3A_854 = tpu.memref_slice %arg6[%dma_wait3A_852, %dma_wait3A_853] : memref<10240x512xi32, #tpu.memory_space<hbm>> -> memref<10240x512xi32, #tpu.memory_space<hbm>>
    tpu.wait_indirect_dma semaphore(%arg13 : memref<!tpu.dma_semaphore, #tpu.memory_space<semaphore_mem>>) src(%dma_wait3A_849 : memref<16x512xi32, #tpu.memory_space<vmem>>) dst(%dma_wait3A_854 : memref<10240x512xi32, #tpu.memory_space<hbm>>)
    %dma_wait3A_855 = arith.constant 1 : i32
    %dma_wait3A_856 = arith.constant 0 : i32
    %dma_wait3A_857 = arith.constant 0 : i32
    %dma_wait3A_858 = tpu.memref_slice %arg10[%dma_wait3A_855, %dma_wait3A_856, %dma_wait3A_857] : memref<2x16x512xi32, #tpu.memory_space<vmem>> -> memref<1x16x512xi32, #tpu.memory_space<vmem>>
    %dma_wait3A_859 = tpu.memref_squeeze %dma_wait3A_858 : memref<1x16x512xi32, #tpu.memory_space<vmem>> -> memref<16x512xi32, #tpu.memory_space<vmem>>
    %dma_wait3A_860 = arith.constant 112 : i32
    %dma_wait3A_861 = tpu.memref_slice %arg8[%dma_wait3A_860] : memref<128xi32, #tpu.memory_space<vmem>> -> memref<16xi32, #tpu.memory_space<vmem>>
    %dma_wait3A_862 = arith.constant 0 : i32
    %dma_wait3A_863 = arith.constant 0 : i32
    %dma_wait3A_864 = tpu.memref_slice %arg6[%dma_wait3A_862, %dma_wait3A_863] : memref<10240x512xi32, #tpu.memory_space<hbm>> -> memref<10240x512xi32, #tpu.memory_space<hbm>>
    tpu.wait_indirect_dma semaphore(%arg14 : memref<!tpu.dma_semaphore, #tpu.memory_space<semaphore_mem>>) src(%dma_wait3A_859 : memref<16x512xi32, #tpu.memory_space<vmem>>) dst(%dma_wait3A_864 : memref<10240x512xi32, #tpu.memory_space<hbm>>)
    return
  }
}

module attributes {stable_mosaic.version = 14 : i64} {
  func.func @_pos_kernel(%arg0: memref<4096x2xi32, #tpu.memory_space<vmem>>, %arg1: memref<4096x2xi32, #tpu.memory_space<vmem>>, %arg2: memref<1x16xi32, #tpu.memory_space<vmem>>, %arg3: memref<4096x2xi32, #tpu.memory_space<vmem>>, %arg4: memref<4096x1xi32, #tpu.memory_space<vmem>>, %arg5: memref<4096x1xi32, #tpu.memory_space<vmem>>) attributes {dimension_semantics = [], scalar_prefetch = 0 : i64, scratch_operands = 0 : i64, tpu.core_type = #tpu.core_type<tc>} {
    %iota3A = tpu.iota {dimensions = array<i32: 1>} : vector<1x16xi32>
    %get3A = arith.constant 0 : index
    %get3A_0 = arith.constant 0 : index
    %get3A_1 = vector.load %arg0[%get3A, %get3A_0] : memref<4096x2xi32, #tpu.memory_space<vmem>>, vector<4096x2xi32>
    %broadcast_in_dim3A = arith.constant 0 : i32
    %broadcast_in_dim3A_2 = vector.broadcast %broadcast_in_dim3A : i32 to vector<4096x2xi32>
    %get3A_3 = arith.constant 0 : index
    %get3A_4 = arith.constant 0 : index
    %get3A_5 = vector.load %arg2[%get3A_3, %get3A_4] : memref<1x16xi32, #tpu.memory_space<vmem>>, vector<1x16xi32>
    %eq3A = arith.constant 0 : i32
    %eq3A_6 = vector.broadcast %eq3A : i32 to vector<1x16xi32>
    %eq3A_7 = arith.cmpi eq, %iota3A, %eq3A_6 : vector<1x16xi32>
    %jit3A = arith.constant 0 : i32
    %broadcast_in_dim3A_8 = vector.broadcast %jit3A : i32 to vector<1x16xi32>
    %select_n3A = arith.select %eq3A_7, %get3A_5, %broadcast_in_dim3A_8 : vector<1x16xi1>, vector<1x16xi32>
    %reduce_sum3A = vector.shape_cast %select_n3A : vector<1x16xi32> to vector<1x1x16xi32>
    %reduce_sum3A_9 = arith.constant dense<0> : vector<1xi32>
    %reduce_sum3A_10 = vector.multi_reduction <add>, %reduce_sum3A, %reduce_sum3A_9 [1, 2] : vector<1x1x16xi32> to vector<1xi32>
    %reduce_sum3A_11 = vector.shape_cast %reduce_sum3A_10 : vector<1xi32> to vector<1x1x1xi32>
    %reduce_sum3A_12 = vector.extract %reduce_sum3A_11[0, 0, 0] : i32 from vector<1x1x1xi32>
    %eq3A_13 = arith.constant 0 : i32
    %eq3A_14 = vector.broadcast %eq3A_13 : i32 to vector<4096x2xi32>
    %eq3A_15 = arith.cmpi eq, %get3A_1, %eq3A_14 : vector<4096x2xi32>
    %jit3A_16 = arith.constant 0 : i32
    %broadcast_in_dim3A_17 = vector.broadcast %reduce_sum3A_12 : i32 to vector<4096x2xi32>
    %broadcast_in_dim3A_18 = vector.broadcast %jit3A_16 : i32 to vector<4096x2xi32>
    %select_n3A_19 = arith.select %eq3A_15, %broadcast_in_dim3A_17, %broadcast_in_dim3A_18 : vector<4096x2xi1>, vector<4096x2xi32>
    %add3A = arith.addi %broadcast_in_dim3A_2, %select_n3A_19 : vector<4096x2xi32>
    %eq3A_20 = arith.constant 1 : i32
    %eq3A_21 = vector.broadcast %eq3A_20 : i32 to vector<1x16xi32>
    %eq3A_22 = arith.cmpi eq, %iota3A, %eq3A_21 : vector<1x16xi32>
    %jit3A_23 = arith.constant 0 : i32
    %broadcast_in_dim3A_24 = vector.broadcast %jit3A_23 : i32 to vector<1x16xi32>
    %select_n3A_25 = arith.select %eq3A_22, %get3A_5, %broadcast_in_dim3A_24 : vector<1x16xi1>, vector<1x16xi32>
    %reduce_sum3A_26 = vector.shape_cast %select_n3A_25 : vector<1x16xi32> to vector<1x1x16xi32>
    %reduce_sum3A_27 = arith.constant dense<0> : vector<1xi32>
    %reduce_sum3A_28 = vector.multi_reduction <add>, %reduce_sum3A_26, %reduce_sum3A_27 [1, 2] : vector<1x1x16xi32> to vector<1xi32>
    %reduce_sum3A_29 = vector.shape_cast %reduce_sum3A_28 : vector<1xi32> to vector<1x1x1xi32>
    %reduce_sum3A_30 = vector.extract %reduce_sum3A_29[0, 0, 0] : i32 from vector<1x1x1xi32>
    %eq3A_31 = arith.constant 1 : i32
    %eq3A_32 = vector.broadcast %eq3A_31 : i32 to vector<4096x2xi32>
    %eq3A_33 = arith.cmpi eq, %get3A_1, %eq3A_32 : vector<4096x2xi32>
    %jit3A_34 = arith.constant 0 : i32
    %broadcast_in_dim3A_35 = vector.broadcast %reduce_sum3A_30 : i32 to vector<4096x2xi32>
    %broadcast_in_dim3A_36 = vector.broadcast %jit3A_34 : i32 to vector<4096x2xi32>
    %select_n3A_37 = arith.select %eq3A_33, %broadcast_in_dim3A_35, %broadcast_in_dim3A_36 : vector<4096x2xi1>, vector<4096x2xi32>
    %add3A_38 = arith.addi %add3A, %select_n3A_37 : vector<4096x2xi32>
    %eq3A_39 = arith.constant 2 : i32
    %eq3A_40 = vector.broadcast %eq3A_39 : i32 to vector<1x16xi32>
    %eq3A_41 = arith.cmpi eq, %iota3A, %eq3A_40 : vector<1x16xi32>
    %jit3A_42 = arith.constant 0 : i32
    %broadcast_in_dim3A_43 = vector.broadcast %jit3A_42 : i32 to vector<1x16xi32>
    %select_n3A_44 = arith.select %eq3A_41, %get3A_5, %broadcast_in_dim3A_43 : vector<1x16xi1>, vector<1x16xi32>
    %reduce_sum3A_45 = vector.shape_cast %select_n3A_44 : vector<1x16xi32> to vector<1x1x16xi32>
    %reduce_sum3A_46 = arith.constant dense<0> : vector<1xi32>
    %reduce_sum3A_47 = vector.multi_reduction <add>, %reduce_sum3A_45, %reduce_sum3A_46 [1, 2] : vector<1x1x16xi32> to vector<1xi32>
    %reduce_sum3A_48 = vector.shape_cast %reduce_sum3A_47 : vector<1xi32> to vector<1x1x1xi32>
    %reduce_sum3A_49 = vector.extract %reduce_sum3A_48[0, 0, 0] : i32 from vector<1x1x1xi32>
    %eq3A_50 = arith.constant 2 : i32
    %eq3A_51 = vector.broadcast %eq3A_50 : i32 to vector<4096x2xi32>
    %eq3A_52 = arith.cmpi eq, %get3A_1, %eq3A_51 : vector<4096x2xi32>
    %jit3A_53 = arith.constant 0 : i32
    %broadcast_in_dim3A_54 = vector.broadcast %reduce_sum3A_49 : i32 to vector<4096x2xi32>
    %broadcast_in_dim3A_55 = vector.broadcast %jit3A_53 : i32 to vector<4096x2xi32>
    %select_n3A_56 = arith.select %eq3A_52, %broadcast_in_dim3A_54, %broadcast_in_dim3A_55 : vector<4096x2xi1>, vector<4096x2xi32>
    %add3A_57 = arith.addi %add3A_38, %select_n3A_56 : vector<4096x2xi32>
    %eq3A_58 = arith.constant 3 : i32
    %eq3A_59 = vector.broadcast %eq3A_58 : i32 to vector<1x16xi32>
    %eq3A_60 = arith.cmpi eq, %iota3A, %eq3A_59 : vector<1x16xi32>
    %jit3A_61 = arith.constant 0 : i32
    %broadcast_in_dim3A_62 = vector.broadcast %jit3A_61 : i32 to vector<1x16xi32>
    %select_n3A_63 = arith.select %eq3A_60, %get3A_5, %broadcast_in_dim3A_62 : vector<1x16xi1>, vector<1x16xi32>
    %reduce_sum3A_64 = vector.shape_cast %select_n3A_63 : vector<1x16xi32> to vector<1x1x16xi32>
    %reduce_sum3A_65 = arith.constant dense<0> : vector<1xi32>
    %reduce_sum3A_66 = vector.multi_reduction <add>, %reduce_sum3A_64, %reduce_sum3A_65 [1, 2] : vector<1x1x16xi32> to vector<1xi32>
    %reduce_sum3A_67 = vector.shape_cast %reduce_sum3A_66 : vector<1xi32> to vector<1x1x1xi32>
    %reduce_sum3A_68 = vector.extract %reduce_sum3A_67[0, 0, 0] : i32 from vector<1x1x1xi32>
    %eq3A_69 = arith.constant 3 : i32
    %eq3A_70 = vector.broadcast %eq3A_69 : i32 to vector<4096x2xi32>
    %eq3A_71 = arith.cmpi eq, %get3A_1, %eq3A_70 : vector<4096x2xi32>
    %jit3A_72 = arith.constant 0 : i32
    %broadcast_in_dim3A_73 = vector.broadcast %reduce_sum3A_68 : i32 to vector<4096x2xi32>
    %broadcast_in_dim3A_74 = vector.broadcast %jit3A_72 : i32 to vector<4096x2xi32>
    %select_n3A_75 = arith.select %eq3A_71, %broadcast_in_dim3A_73, %broadcast_in_dim3A_74 : vector<4096x2xi1>, vector<4096x2xi32>
    %add3A_76 = arith.addi %add3A_57, %select_n3A_75 : vector<4096x2xi32>
    %eq3A_77 = arith.constant 4 : i32
    %eq3A_78 = vector.broadcast %eq3A_77 : i32 to vector<1x16xi32>
    %eq3A_79 = arith.cmpi eq, %iota3A, %eq3A_78 : vector<1x16xi32>
    %jit3A_80 = arith.constant 0 : i32
    %broadcast_in_dim3A_81 = vector.broadcast %jit3A_80 : i32 to vector<1x16xi32>
    %select_n3A_82 = arith.select %eq3A_79, %get3A_5, %broadcast_in_dim3A_81 : vector<1x16xi1>, vector<1x16xi32>
    %reduce_sum3A_83 = vector.shape_cast %select_n3A_82 : vector<1x16xi32> to vector<1x1x16xi32>
    %reduce_sum3A_84 = arith.constant dense<0> : vector<1xi32>
    %reduce_sum3A_85 = vector.multi_reduction <add>, %reduce_sum3A_83, %reduce_sum3A_84 [1, 2] : vector<1x1x16xi32> to vector<1xi32>
    %reduce_sum3A_86 = vector.shape_cast %reduce_sum3A_85 : vector<1xi32> to vector<1x1x1xi32>
    %reduce_sum3A_87 = vector.extract %reduce_sum3A_86[0, 0, 0] : i32 from vector<1x1x1xi32>
    %eq3A_88 = arith.constant 4 : i32
    %eq3A_89 = vector.broadcast %eq3A_88 : i32 to vector<4096x2xi32>
    %eq3A_90 = arith.cmpi eq, %get3A_1, %eq3A_89 : vector<4096x2xi32>
    %jit3A_91 = arith.constant 0 : i32
    %broadcast_in_dim3A_92 = vector.broadcast %reduce_sum3A_87 : i32 to vector<4096x2xi32>
    %broadcast_in_dim3A_93 = vector.broadcast %jit3A_91 : i32 to vector<4096x2xi32>
    %select_n3A_94 = arith.select %eq3A_90, %broadcast_in_dim3A_92, %broadcast_in_dim3A_93 : vector<4096x2xi1>, vector<4096x2xi32>
    %add3A_95 = arith.addi %add3A_76, %select_n3A_94 : vector<4096x2xi32>
    %eq3A_96 = arith.constant 5 : i32
    %eq3A_97 = vector.broadcast %eq3A_96 : i32 to vector<1x16xi32>
    %eq3A_98 = arith.cmpi eq, %iota3A, %eq3A_97 : vector<1x16xi32>
    %jit3A_99 = arith.constant 0 : i32
    %broadcast_in_dim3A_100 = vector.broadcast %jit3A_99 : i32 to vector<1x16xi32>
    %select_n3A_101 = arith.select %eq3A_98, %get3A_5, %broadcast_in_dim3A_100 : vector<1x16xi1>, vector<1x16xi32>
    %reduce_sum3A_102 = vector.shape_cast %select_n3A_101 : vector<1x16xi32> to vector<1x1x16xi32>
    %reduce_sum3A_103 = arith.constant dense<0> : vector<1xi32>
    %reduce_sum3A_104 = vector.multi_reduction <add>, %reduce_sum3A_102, %reduce_sum3A_103 [1, 2] : vector<1x1x16xi32> to vector<1xi32>
    %reduce_sum3A_105 = vector.shape_cast %reduce_sum3A_104 : vector<1xi32> to vector<1x1x1xi32>
    %reduce_sum3A_106 = vector.extract %reduce_sum3A_105[0, 0, 0] : i32 from vector<1x1x1xi32>
    %eq3A_107 = arith.constant 5 : i32
    %eq3A_108 = vector.broadcast %eq3A_107 : i32 to vector<4096x2xi32>
    %eq3A_109 = arith.cmpi eq, %get3A_1, %eq3A_108 : vector<4096x2xi32>
    %jit3A_110 = arith.constant 0 : i32
    %broadcast_in_dim3A_111 = vector.broadcast %reduce_sum3A_106 : i32 to vector<4096x2xi32>
    %broadcast_in_dim3A_112 = vector.broadcast %jit3A_110 : i32 to vector<4096x2xi32>
    %select_n3A_113 = arith.select %eq3A_109, %broadcast_in_dim3A_111, %broadcast_in_dim3A_112 : vector<4096x2xi1>, vector<4096x2xi32>
    %add3A_114 = arith.addi %add3A_95, %select_n3A_113 : vector<4096x2xi32>
    %eq3A_115 = arith.constant 6 : i32
    %eq3A_116 = vector.broadcast %eq3A_115 : i32 to vector<1x16xi32>
    %eq3A_117 = arith.cmpi eq, %iota3A, %eq3A_116 : vector<1x16xi32>
    %jit3A_118 = arith.constant 0 : i32
    %broadcast_in_dim3A_119 = vector.broadcast %jit3A_118 : i32 to vector<1x16xi32>
    %select_n3A_120 = arith.select %eq3A_117, %get3A_5, %broadcast_in_dim3A_119 : vector<1x16xi1>, vector<1x16xi32>
    %reduce_sum3A_121 = vector.shape_cast %select_n3A_120 : vector<1x16xi32> to vector<1x1x16xi32>
    %reduce_sum3A_122 = arith.constant dense<0> : vector<1xi32>
    %reduce_sum3A_123 = vector.multi_reduction <add>, %reduce_sum3A_121, %reduce_sum3A_122 [1, 2] : vector<1x1x16xi32> to vector<1xi32>
    %reduce_sum3A_124 = vector.shape_cast %reduce_sum3A_123 : vector<1xi32> to vector<1x1x1xi32>
    %reduce_sum3A_125 = vector.extract %reduce_sum3A_124[0, 0, 0] : i32 from vector<1x1x1xi32>
    %eq3A_126 = arith.constant 6 : i32
    %eq3A_127 = vector.broadcast %eq3A_126 : i32 to vector<4096x2xi32>
    %eq3A_128 = arith.cmpi eq, %get3A_1, %eq3A_127 : vector<4096x2xi32>
    %jit3A_129 = arith.constant 0 : i32
    %broadcast_in_dim3A_130 = vector.broadcast %reduce_sum3A_125 : i32 to vector<4096x2xi32>
    %broadcast_in_dim3A_131 = vector.broadcast %jit3A_129 : i32 to vector<4096x2xi32>
    %select_n3A_132 = arith.select %eq3A_128, %broadcast_in_dim3A_130, %broadcast_in_dim3A_131 : vector<4096x2xi1>, vector<4096x2xi32>
    %add3A_133 = arith.addi %add3A_114, %select_n3A_132 : vector<4096x2xi32>
    %eq3A_134 = arith.constant 7 : i32
    %eq3A_135 = vector.broadcast %eq3A_134 : i32 to vector<1x16xi32>
    %eq3A_136 = arith.cmpi eq, %iota3A, %eq3A_135 : vector<1x16xi32>
    %jit3A_137 = arith.constant 0 : i32
    %broadcast_in_dim3A_138 = vector.broadcast %jit3A_137 : i32 to vector<1x16xi32>
    %select_n3A_139 = arith.select %eq3A_136, %get3A_5, %broadcast_in_dim3A_138 : vector<1x16xi1>, vector<1x16xi32>
    %reduce_sum3A_140 = vector.shape_cast %select_n3A_139 : vector<1x16xi32> to vector<1x1x16xi32>
    %reduce_sum3A_141 = arith.constant dense<0> : vector<1xi32>
    %reduce_sum3A_142 = vector.multi_reduction <add>, %reduce_sum3A_140, %reduce_sum3A_141 [1, 2] : vector<1x1x16xi32> to vector<1xi32>
    %reduce_sum3A_143 = vector.shape_cast %reduce_sum3A_142 : vector<1xi32> to vector<1x1x1xi32>
    %reduce_sum3A_144 = vector.extract %reduce_sum3A_143[0, 0, 0] : i32 from vector<1x1x1xi32>
    %eq3A_145 = arith.constant 7 : i32
    %eq3A_146 = vector.broadcast %eq3A_145 : i32 to vector<4096x2xi32>
    %eq3A_147 = arith.cmpi eq, %get3A_1, %eq3A_146 : vector<4096x2xi32>
    %jit3A_148 = arith.constant 0 : i32
    %broadcast_in_dim3A_149 = vector.broadcast %reduce_sum3A_144 : i32 to vector<4096x2xi32>
    %broadcast_in_dim3A_150 = vector.broadcast %jit3A_148 : i32 to vector<4096x2xi32>
    %select_n3A_151 = arith.select %eq3A_147, %broadcast_in_dim3A_149, %broadcast_in_dim3A_150 : vector<4096x2xi1>, vector<4096x2xi32>
    %add3A_152 = arith.addi %add3A_133, %select_n3A_151 : vector<4096x2xi32>
    %get3A_153 = arith.constant 0 : index
    %get3A_154 = arith.constant 0 : index
    %get3A_155 = vector.load %arg1[%get3A_153, %get3A_154] : memref<4096x2xi32, #tpu.memory_space<vmem>>, vector<4096x2xi32>
    %add3A_156 = arith.addi %add3A_152, %get3A_155 : vector<4096x2xi32>
    %swap3A = arith.constant 0 : index
    %swap3A_157 = arith.constant 0 : index
    %swap3A_158 = vector.load %arg3[%swap3A, %swap3A_157] : memref<4096x2xi32, #tpu.memory_space<vmem>>, vector<4096x2xi32>
    tpu.vector_store %arg3[%swap3A, %swap3A_157], %add3A_156 {strides = array<i32>} : memref<4096x2xi32, #tpu.memory_space<vmem>>, vector<4096x2xi32>,
    %slice3A = vector.extract_strided_slice %add3A_156 {offsets = [0, 0], sizes = [4096, 1], strides = [1, 1]} : vector<4096x2xi32> to vector<4096x1xi32>
    %swap3A_159 = arith.constant 0 : index
    %swap3A_160 = arith.constant 0 : index
    %swap3A_161 = vector.load %arg4[%swap3A_159, %swap3A_160] : memref<4096x1xi32, #tpu.memory_space<vmem>>, vector<4096x1xi32>
    tpu.vector_store %arg4[%swap3A_159, %swap3A_160], %slice3A {strides = array<i32>} : memref<4096x1xi32, #tpu.memory_space<vmem>>, vector<4096x1xi32>,
    %slice3A_162 = vector.extract_strided_slice %add3A_156 {offsets = [0, 1], sizes = [4096, 1], strides = [1, 1]} : vector<4096x2xi32> to vector<4096x1xi32>
    %swap3A_163 = arith.constant 0 : index
    %swap3A_164 = arith.constant 0 : index
    %swap3A_165 = vector.load %arg5[%swap3A_163, %swap3A_164] : memref<4096x1xi32, #tpu.memory_space<vmem>>, vector<4096x1xi32>
    tpu.vector_store %arg5[%swap3A_163, %swap3A_164], %slice3A_162 {strides = array<i32>} : memref<4096x1xi32, #tpu.memory_space<vmem>>, vector<4096x1xi32>,
    return
  }
}

module attributes {stable_mosaic.version = 14 : i64} {
  func.func @_gate_kernel(%arg0: i32, %arg1: memref<2x128xf32, #tpu.memory_space<vmem>>, %arg2: memref<8x1152xf32, #tpu.memory_space<vmem>>, %arg3: memref<1x8xf32, #tpu.memory_space<vmem>>, %arg4: memref<512x1024xf32, #tpu.memory_space<vmem>>, %arg5: memref<512x2xi32, #tpu.memory_space<vmem>>, %arg6: memref<512x2xf32, #tpu.memory_space<vmem>>, %arg7: memref<512x2xi32, #tpu.memory_space<vmem>>, %arg8: memref<1x16xi32, #tpu.memory_space<vmem>>, %arg9: memref<1x64xi32, #tpu.memory_space<vmem>>, %arg10: memref<1x64xi32, #tpu.memory_space<vmem>>, %arg11: memref<512x512xi32, #tpu.memory_space<vmem>>, %arg12: memref<512x512xi32, #tpu.memory_space<vmem>>, %arg13: memref<1x1xf32, #tpu.memory_space<smem>>, %arg14: memref<1x8xf32, #tpu.memory_space<vmem>>) attributes {dimension_semantics = [#tpu.dimension_semantics<arbitrary>], iteration_bounds = array<i64: 8>, scalar_prefetch = 0 : i64, scratch_operands = 1 : i64, tpu.core_type = #tpu.core_type<tc>, window_params = [{pipeline_mode = #tpu.pipeline_mode<synchronous>, transform_indices = @transform_0, window_bounds = array<i64: 2, 128>}, {pipeline_mode = #tpu.pipeline_mode<synchronous>, transform_indices = @transform_1, window_bounds = array<i64: 8, 1152>}, {pipeline_mode = #tpu.pipeline_mode<synchronous>, transform_indices = @transform_2, window_bounds = array<i64: 1, 8>}, {transform_indices = @transform_3, window_bounds = array<i64: 512, 1024>}, {transform_indices = @transform_4, window_bounds = array<i64: 512, 2>}, {transform_indices = @transform_5, window_bounds = array<i64: 512, 2>}, {transform_indices = @transform_6, window_bounds = array<i64: 512, 2>}, {pipeline_mode = #tpu.pipeline_mode<synchronous>, transform_indices = @transform_7, window_bounds = array<i64: 1, 16>}, {pipeline_mode = #tpu.pipeline_mode<synchronous>, transform_indices = @transform_8, window_bounds = array<i64: 1, 64>}, {pipeline_mode = #tpu.pipeline_mode<synchronous>, transform_indices = @transform_9, window_bounds = array<i64: 1, 64>}, {transform_indices = @transform_10, window_bounds = array<i64: 512, 512>}, {transform_indices = @transform_11, window_bounds = array<i64: 512, 512>}, {transform_indices = @transform_12, window_bounds = array<i64: 1, 1>}]} {
    %eq3A = arith.constant 0 : i32
    %eq3A_0 = arith.cmpi eq, %arg0, %eq3A : i32
    %convert_element_type3A = arith.extui %eq3A_0 : i1 to i32
    %cond3A = arith.constant 0 : i32
    %cond3A_1 = arith.cmpi ne, %convert_element_type3A, %cond3A : i32
    scf.if %cond3A_1 {
      %broadcast_in_dim3A_203 = arith.constant 0.000000e+00 : f32
      %broadcast_in_dim3A_204 = vector.broadcast %broadcast_in_dim3A_203 : f32 to vector<1x8xf32>
      %swap3A_205 = arith.constant 0 : index
      %swap3A_206 = arith.constant 0 : index
      %swap3A_207 = vector.load %arg14[%swap3A_205, %swap3A_206] : memref<1x8xf32, #tpu.memory_space<vmem>>, vector<1x8xf32>
      tpu.vector_store %arg14[%swap3A_205, %swap3A_206], %broadcast_in_dim3A_204 {strides = array<i32>} : memref<1x8xf32, #tpu.memory_space<vmem>>, vector<1x8xf32>,
      %swap3A_208 = arith.constant 0.000000e+00 : f32
      %swap3A_209 = arith.constant 0 : index
      %swap3A_210 = arith.constant 0 : index
      %swap3A_211 = memref.load %arg13[%swap3A_209, %swap3A_210] : memref<1x1xf32, #tpu.memory_space<smem>>
      memref.store %swap3A_208, %arg13[%swap3A_209, %swap3A_210] : memref<1x1xf32, #tpu.memory_space<smem>>
    } else {
    }
    %get3A = arith.constant 0 : index
    %get3A_2 = arith.constant 0 : index
    %get3A_3 = vector.load %arg4[%get3A, %get3A_2] : memref<512x1024xf32, #tpu.memory_space<vmem>>, vector<512x1024xf32>
    %convert_element_type3A_4 = arith.truncf %get3A_3 : vector<512x1024xf32> to vector<512x1024xbf16>
    %get3A_5 = arith.constant 0 : index
    %get3A_6 = arith.constant 0 : index
    %get3A_7 = vector.load %arg2[%get3A_5, %get3A_6] : memref<8x1152xf32, #tpu.memory_space<vmem>>, vector<8x1152xf32>
    %slice3A = vector.extract_strided_slice %get3A_7 {offsets = [0, 0], sizes = [8, 1024], strides = [1, 1]} : vector<8x1152xf32> to vector<8x1024xf32>
    %convert_element_type3A_8 = arith.truncf %slice3A : vector<8x1024xf32> to vector<8x1024xbf16>
    %slice3A_9 = vector.extract_strided_slice %get3A_7 {offsets = [0, 1024], sizes = [8, 128], strides = [1, 1]} : vector<8x1152xf32> to vector<8x128xf32>
    %convert_element_type3A_10 = arith.truncf %slice3A_9 : vector<8x128xf32> to vector<8x128xbf16>
    %mul3A = arith.constant 512 : i32
    %mul3A_11 = arith.muli %arg0, %mul3A : i32
    %jit3A = arith.constant 2048 : i32
    %div3A = arith.divsi %mul3A_11, %jit3A : i32
    %sign3A = arith.constant 0 : i32
    %sign3A_12 = arith.cmpi sgt, %mul3A_11, %sign3A : i32
    %sign3A_13 = arith.extui %sign3A_12 : i1 to i32
    %sign3A_14 = arith.constant 0 : i32
    %sign3A_15 = arith.cmpi slt, %mul3A_11, %sign3A_14 : i32
    %sign3A_16 = arith.extui %sign3A_15 : i1 to i32
    %sign3A_17 = arith.subi %sign3A_13, %sign3A_16 : i32
    %sign3A_18 = arith.constant 0 : i32
    %sign3A_19 = arith.cmpi sgt, %jit3A, %sign3A_18 : i32
    %sign3A_20 = arith.extui %sign3A_19 : i1 to i32
    %sign3A_21 = arith.constant 0 : i32
    %sign3A_22 = arith.cmpi slt, %jit3A, %sign3A_21 : i32
    %sign3A_23 = arith.extui %sign3A_22 : i1 to i32
    %sign3A_24 = arith.subi %sign3A_20, %sign3A_23 : i32
    %ne3A = arith.cmpi ne, %sign3A_17, %sign3A_24 : i32
    %rem3A = arith.remsi %mul3A_11, %jit3A : i32
    %ne3A_25 = arith.constant 0 : i32
    %ne3A_26 = arith.cmpi ne, %rem3A, %ne3A_25 : i32
    %and3A = arith.andi %ne3A, %ne3A_26 : i1
    %sub3A = arith.constant 1 : i32
    %sub3A_27 = arith.subi %div3A, %sub3A : i32
    %select_n3A = arith.select %and3A, %sub3A_27, %div3A : i32
    %get3A_28 = arith.index_cast %select_n3A : i32 to index
    %get3A_29 = arith.constant 0 : index
    %get3A_30 = vector.load %arg1[%get3A_28, %get3A_29] : memref<2x128xf32, #tpu.memory_space<vmem>>, vector<1x128xf32>
    %convert_element_type3A_31 = arith.truncf %get3A_30 : vector<1x128xf32> to vector<1x128xbf16>
    %dot_general3A = arith.constant dense<0.000000e+00> : vector<512x8xf32>
    %dot_general3A_32 = tpu.matmul %convert_element_type3A_4, %convert_element_type3A_8, %dot_general3A {dimension_numbers = #tpu.dot_dimension_numbers<[1], [1], [0], [0], [0, 0, 1, 0], [], []>, transpose_lhs_hint = false} : vector<512x1024xbf16>, vector<8x1024xbf16>, vector<512x8xf32> -> vector<512x8xf32>
    %dot_general3A_33 = arith.constant dense<0.000000e+00> : vector<1x8xf32>
    %dot_general3A_34 = tpu.matmul %convert_element_type3A_31, %convert_element_type3A_10, %dot_general3A_33 {dimension_numbers = #tpu.dot_dimension_numbers<[1], [1], [0], [0], [0, 0, 1, 0], [], []>, transpose_lhs_hint = false} : vector<1x128xbf16>, vector<8x128xbf16>, vector<1x8xf32> -> vector<1x8xf32>
    %add3A = vector.broadcast %dot_general3A_34 : vector<1x8xf32> to vector<512x8xf32>
    %add3A_35 = arith.addf %dot_general3A_32, %add3A : vector<512x8xf32>
    %get3A_36 = arith.constant 0 : index
    %get3A_37 = arith.constant 0 : index
    %get3A_38 = vector.load %arg3[%get3A_36, %get3A_37] : memref<1x8xf32, #tpu.memory_space<vmem>>, vector<1x8xf32>
    %add3A_39 = vector.broadcast %get3A_38 : vector<1x8xf32> to vector<512x8xf32>
    %add3A_40 = arith.addf %add3A_35, %add3A_39 : vector<512x8xf32>
    %reduce_max3A = arith.constant dense<0xFF800000> : vector<512xf32>
    %reduce_max3A_41 = vector.multi_reduction <maximumf>, %add3A_40, %reduce_max3A [1] : vector<512x8xf32> to vector<512xf32>
    %broadcast_in_dim3A = vector.shape_cast %reduce_max3A_41 : vector<512xf32> to vector<512x1xf32>
    %sub3A_42 = vector.broadcast %broadcast_in_dim3A : vector<512x1xf32> to vector<512x8xf32>
    %sub3A_43 = arith.subf %add3A_40, %sub3A_42 : vector<512x8xf32>
    %exp3A = math.exp %sub3A_43 : vector<512x8xf32>
    %reduce_sum3A = arith.constant dense<0.000000e+00> : vector<512xf32>
    %reduce_sum3A_44 = vector.multi_reduction <add>, %exp3A, %reduce_sum3A [1] : vector<512x8xf32> to vector<512xf32>
    %broadcast_in_dim3A_45 = vector.shape_cast %reduce_sum3A_44 : vector<512xf32> to vector<512x1xf32>
    %div3A_46 = vector.broadcast %broadcast_in_dim3A_45 : vector<512x1xf32> to vector<512x8xf32>
    %div3A_47 = arith.divf %exp3A, %div3A_46 : vector<512x8xf32>
    %iota3A = tpu.iota {dimensions = array<i32: 1>} : vector<512x8xi32>
    %reduce_max3A_48 = arith.constant dense<0xFF800000> : vector<512xf32>
    %reduce_max3A_49 = vector.multi_reduction <maximumf>, %div3A_47, %reduce_max3A_48 [1] : vector<512x8xf32> to vector<512xf32>
    %broadcast_in_dim3A_50 = vector.shape_cast %reduce_max3A_49 : vector<512xf32> to vector<512x1xf32>
    %eq3A_51 = vector.broadcast %broadcast_in_dim3A_50 : vector<512x1xf32> to vector<512x8xf32>
    %eq3A_52 = arith.cmpf oeq, %div3A_47, %eq3A_51 : vector<512x8xf32>
    %jit3A_53 = arith.constant 8 : i32
    %broadcast_in_dim3A_54 = vector.broadcast %jit3A_53 : i32 to vector<512x8xi32>
    %select_n3A_55 = arith.select %eq3A_52, %iota3A, %broadcast_in_dim3A_54 : vector<512x8xi1>, vector<512x8xi32>
    %reduce_min3A = arith.constant dense<2147483647> : vector<512xi32>
    %reduce_min3A_56 = vector.multi_reduction <minsi>, %select_n3A_55, %reduce_min3A [1] : vector<512x8xi32> to vector<512xi32>
    %broadcast_in_dim3A_57 = vector.shape_cast %reduce_min3A_56 : vector<512xi32> to vector<512x1xi32>
    %eq3A_58 = vector.broadcast %broadcast_in_dim3A_57 : vector<512x1xi32> to vector<512x8xi32>
    %eq3A_59 = arith.cmpi eq, %iota3A, %eq3A_58 : vector<512x8xi32>
    %jit3A_60 = arith.constant 0xFF800000 : f32
    %broadcast_in_dim3A_61 = vector.broadcast %jit3A_60 : f32 to vector<512x8xf32>
    %select_n3A_62 = arith.select %eq3A_59, %broadcast_in_dim3A_61, %div3A_47 : vector<512x8xi1>, vector<512x8xf32>
    %reduce_max3A_63 = arith.constant dense<0xFF800000> : vector<512xf32>
    %reduce_max3A_64 = vector.multi_reduction <maximumf>, %select_n3A_62, %reduce_max3A_63 [1] : vector<512x8xf32> to vector<512xf32>
    %broadcast_in_dim3A_65 = vector.shape_cast %reduce_max3A_64 : vector<512xf32> to vector<512x1xf32>
    %eq3A_66 = vector.broadcast %broadcast_in_dim3A_65 : vector<512x1xf32> to vector<512x8xf32>
    %eq3A_67 = arith.cmpf oeq, %select_n3A_62, %eq3A_66 : vector<512x8xf32>
    %jit3A_68 = arith.constant 8 : i32
    %broadcast_in_dim3A_69 = vector.broadcast %jit3A_68 : i32 to vector<512x8xi32>
    %select_n3A_70 = arith.select %eq3A_67, %iota3A, %broadcast_in_dim3A_69 : vector<512x8xi1>, vector<512x8xi32>
    %reduce_min3A_71 = arith.constant dense<2147483647> : vector<512xi32>
    %reduce_min3A_72 = vector.multi_reduction <minsi>, %select_n3A_70, %reduce_min3A_71 [1] : vector<512x8xi32> to vector<512xi32>
    %broadcast_in_dim3A_73 = vector.shape_cast %reduce_min3A_72 : vector<512xi32> to vector<512x1xi32>
    %add3A_74 = arith.addf %broadcast_in_dim3A_50, %broadcast_in_dim3A_65 : vector<512x1xf32>
    %div3A_75 = arith.divf %broadcast_in_dim3A_50, %add3A_74 : vector<512x1xf32>
    %div3A_76 = arith.divf %broadcast_in_dim3A_65, %add3A_74 : vector<512x1xf32>
    %get3A_77 = arith.constant 0 : index
    %get3A_78 = arith.constant 0 : index
    %get3A_79 = memref.load %arg13[%get3A_77, %get3A_78] : memref<1x1xf32, #tpu.memory_space<smem>>
    %add3A_80 = arith.constant 1.000000e-10 : f32
    %add3A_81 = vector.broadcast %add3A_80 : f32 to vector<512x8xf32>
    %add3A_82 = arith.addf %div3A_47, %add3A_81 : vector<512x8xf32>
    %log3A = math.log %add3A_82 : vector<512x8xf32>
    %mul3A_83 = arith.mulf %div3A_47, %log3A : vector<512x8xf32>
    %reduce_sum3A_84 = vector.shape_cast %mul3A_83 : vector<512x8xf32> to vector<1x512x8xf32>
    %reduce_sum3A_85 = arith.constant dense<0.000000e+00> : vector<1xf32>
    %reduce_sum3A_86 = vector.multi_reduction <add>, %reduce_sum3A_84, %reduce_sum3A_85 [1, 2] : vector<1x512x8xf32> to vector<1xf32>
    %reduce_sum3A_87 = vector.shape_cast %reduce_sum3A_86 : vector<1xf32> to vector<1x1x1xf32>
    %reduce_sum3A_88 = vector.extract %reduce_sum3A_87[0, 0, 0] : f32 from vector<1x1x1xf32>
    %add3A_89 = arith.addf %get3A_79, %reduce_sum3A_88 : f32
    %swap3A = arith.constant 0 : index
    %swap3A_90 = arith.constant 0 : index
    %swap3A_91 = memref.load %arg13[%swap3A, %swap3A_90] : memref<1x1xf32, #tpu.memory_space<smem>>
    memref.store %add3A_89, %arg13[%swap3A, %swap3A_90] : memref<1x1xf32, #tpu.memory_space<smem>>
    %eq3A_92 = vector.broadcast %broadcast_in_dim3A_57 : vector<512x1xi32> to vector<512x8xi32>
    %eq3A_93 = arith.cmpi eq, %iota3A, %eq3A_92 : vector<512x8xi32>
    %convert_element_type3A_94 = arith.extui %eq3A_93 : vector<512x8xi1> to vector<512x8xi32>
    %convert_element_type3A_95 = arith.sitofp %convert_element_type3A_94 : vector<512x8xi32> to vector<512x8xf32>
    %convert_element_type3A_96 = arith.truncf %convert_element_type3A_95 : vector<512x8xf32> to vector<512x8xbf16>
    %eq3A_97 = vector.broadcast %broadcast_in_dim3A_73 : vector<512x1xi32> to vector<512x8xi32>
    %eq3A_98 = arith.cmpi eq, %iota3A, %eq3A_97 : vector<512x8xi32>
    %convert_element_type3A_99 = arith.extui %eq3A_98 : vector<512x8xi1> to vector<512x8xi32>
    %convert_element_type3A_100 = arith.sitofp %convert_element_type3A_99 : vector<512x8xi32> to vector<512x8xf32>
    %convert_element_type3A_101 = arith.truncf %convert_element_type3A_100 : vector<512x8xf32> to vector<512x8xbf16>
    %iota3A_102 = tpu.iota {dimensions = array<i32: 0>} : vector<512x512xi32>
    %iota3A_103 = tpu.iota {dimensions = array<i32: 1>} : vector<512x512xi32>
    %lt3A = arith.cmpi slt, %iota3A_103, %iota3A_102 : vector<512x512xi32>
    %convert_element_type3A_104 = arith.extui %lt3A : vector<512x512xi1> to vector<512x512xi32>
    %convert_element_type3A_105 = arith.sitofp %convert_element_type3A_104 : vector<512x512xi32> to vector<512x512xf32>
    %convert_element_type3A_106 = arith.truncf %convert_element_type3A_105 : vector<512x512xf32> to vector<512x512xbf16>
    %add3A_107 = arith.addf %convert_element_type3A_96, %convert_element_type3A_101 : vector<512x8xbf16>
    %dot_general3A_108 = arith.constant dense<0.000000e+00> : vector<512x8xf32>
    %dot_general3A_109 = tpu.matmul %convert_element_type3A_106, %add3A_107, %dot_general3A_108 {dimension_numbers = #tpu.dot_dimension_numbers<[1], [0], [0], [1], [0, 0, 1, 1], [], []>, transpose_lhs_hint = false} : vector<512x512xbf16>, vector<512x8xbf16>, vector<512x8xf32> -> vector<512x8xf32>
    %get3A_110 = arith.constant 0 : index
    %get3A_111 = arith.constant 0 : index
    %get3A_112 = vector.load %arg14[%get3A_110, %get3A_111] : memref<1x8xf32, #tpu.memory_space<vmem>>, vector<1x8xf32>
    %add3A_113 = vector.broadcast %get3A_112 : vector<1x8xf32> to vector<512x8xf32>
    %add3A_114 = arith.addf %add3A_113, %dot_general3A_109 : vector<512x8xf32>
    %eq3A_115 = vector.broadcast %broadcast_in_dim3A_57 : vector<512x1xi32> to vector<512x8xi32>
    %eq3A_116 = arith.cmpi eq, %iota3A, %eq3A_115 : vector<512x8xi32>
    %jit3A_117 = arith.constant 0.000000e+00 : f32
    %broadcast_in_dim3A_118 = vector.broadcast %jit3A_117 : f32 to vector<512x8xf32>
    %select_n3A_119 = arith.select %eq3A_116, %add3A_114, %broadcast_in_dim3A_118 : vector<512x8xi1>, vector<512x8xf32>
    %reduce_sum3A_120 = arith.constant dense<0.000000e+00> : vector<512xf32>
    %reduce_sum3A_121 = vector.multi_reduction <add>, %select_n3A_119, %reduce_sum3A_120 [1] : vector<512x8xf32> to vector<512xf32>
    %broadcast_in_dim3A_122 = vector.shape_cast %reduce_sum3A_121 : vector<512xf32> to vector<512x1xf32>
    %eq3A_123 = vector.broadcast %broadcast_in_dim3A_73 : vector<512x1xi32> to vector<512x8xi32>
    %eq3A_124 = arith.cmpi eq, %iota3A, %eq3A_123 : vector<512x8xi32>
    %jit3A_125 = arith.constant 0.000000e+00 : f32
    %broadcast_in_dim3A_126 = vector.broadcast %jit3A_125 : f32 to vector<512x8xf32>
    %select_n3A_127 = arith.select %eq3A_124, %add3A_114, %broadcast_in_dim3A_126 : vector<512x8xi1>, vector<512x8xf32>
    %reduce_sum3A_128 = arith.constant dense<0.000000e+00> : vector<512xf32>
    %reduce_sum3A_129 = vector.multi_reduction <add>, %select_n3A_127, %reduce_sum3A_128 [1] : vector<512x8xf32> to vector<512xf32>
    %broadcast_in_dim3A_130 = vector.shape_cast %reduce_sum3A_129 : vector<512xf32> to vector<512x1xf32>
    %get3A_131 = arith.constant 0 : index
    %get3A_132 = arith.constant 0 : index
    %get3A_133 = vector.load %arg14[%get3A_131, %get3A_132] : memref<1x8xf32, #tpu.memory_space<vmem>>, vector<1x8xf32>
    %add3A_134 = arith.addf %convert_element_type3A_96, %convert_element_type3A_101 : vector<512x8xbf16>
    %convert_element_type3A_135 = arith.extf %add3A_134 : vector<512x8xbf16> to vector<512x8xf32>
    %reduce_sum3A_136 = arith.constant dense<0.000000e+00> : vector<8xf32>
    %reduce_sum3A_137 = vector.multi_reduction <add>, %convert_element_type3A_135, %reduce_sum3A_136 [0] : vector<512x8xf32> to vector<8xf32>
    %broadcast_in_dim3A_138 = vector.shape_cast %reduce_sum3A_137 : vector<8xf32> to vector<1x8xf32>
    %convert_element_type3A_139 = arith.truncf %broadcast_in_dim3A_138 : vector<1x8xf32> to vector<1x8xbf16>
    %convert_element_type3A_140 = arith.extf %convert_element_type3A_139 : vector<1x8xbf16> to vector<1x8xf32>
    %add3A_141 = arith.addf %get3A_133, %convert_element_type3A_140 : vector<1x8xf32>
    %swap3A_142 = arith.constant 0 : index
    %swap3A_143 = arith.constant 0 : index
    %swap3A_144 = vector.load %arg14[%swap3A_142, %swap3A_143] : memref<1x8xf32, #tpu.memory_space<vmem>>, vector<1x8xf32>
    tpu.vector_store %arg14[%swap3A_142, %swap3A_143], %add3A_141 {strides = array<i32>} : memref<1x8xf32, #tpu.memory_space<vmem>>, vector<1x8xf32>,
    %concatenate3A = tpu.concatenate %broadcast_in_dim3A_57, %broadcast_in_dim3A_73 in 1 : vector<512x1xi32>, vector<512x1xi32> -> vector<512x2xi32>
    %swap3A_145 = arith.constant 0 : index
    %swap3A_146 = arith.constant 0 : index
    %swap3A_147 = vector.load %arg5[%swap3A_145, %swap3A_146] : memref<512x2xi32, #tpu.memory_space<vmem>>, vector<512x2xi32>
    tpu.vector_store %arg5[%swap3A_145, %swap3A_146], %concatenate3A {strides = array<i32>} : memref<512x2xi32, #tpu.memory_space<vmem>>, vector<512x2xi32>,
    %concatenate3A_148 = tpu.concatenate %div3A_75, %div3A_76 in 1 : vector<512x1xf32>, vector<512x1xf32> -> vector<512x2xf32>
    %swap3A_149 = arith.constant 0 : index
    %swap3A_150 = arith.constant 0 : index
    %swap3A_151 = vector.load %arg6[%swap3A_149, %swap3A_150] : memref<512x2xf32, #tpu.memory_space<vmem>>, vector<512x2xf32>
    tpu.vector_store %arg6[%swap3A_149, %swap3A_150], %concatenate3A_148 {strides = array<i32>} : memref<512x2xf32, #tpu.memory_space<vmem>>, vector<512x2xf32>,
    %concatenate3A_152 = tpu.concatenate %broadcast_in_dim3A_122, %broadcast_in_dim3A_130 in 1 : vector<512x1xf32>, vector<512x1xf32> -> vector<512x2xf32>
    %convert_element_type3A_153 = arith.fptosi %concatenate3A_152 : vector<512x2xf32> to vector<512x2xi32>
    %swap3A_154 = arith.constant 0 : index
    %swap3A_155 = arith.constant 0 : index
    %swap3A_156 = vector.load %arg7[%swap3A_154, %swap3A_155] : memref<512x2xi32, #tpu.memory_space<vmem>>, vector<512x2xi32>
    tpu.vector_store %arg7[%swap3A_154, %swap3A_155], %convert_element_type3A_153 {strides = array<i32>} : memref<512x2xi32, #tpu.memory_space<vmem>>, vector<512x2xi32>,
    %slice3A_157 = vector.extract_strided_slice %get3A_3 {offsets = [0, 0], sizes = [512, 512], strides = [1, 1]} : vector<512x1024xf32> to vector<512x512xf32>
    %mul3A_158 = vector.broadcast %div3A_75 : vector<512x1xf32> to vector<512x512xf32>
    %mul3A_159 = arith.mulf %slice3A_157, %mul3A_158 : vector<512x512xf32>
    %slice3A_160 = vector.extract_strided_slice %get3A_3 {offsets = [0, 512], sizes = [512, 512], strides = [1, 1]} : vector<512x1024xf32> to vector<512x512xf32>
    %mul3A_161 = vector.broadcast %div3A_75 : vector<512x1xf32> to vector<512x512xf32>
    %mul3A_162 = arith.mulf %slice3A_160, %mul3A_161 : vector<512x512xf32>
    %convert_element_type3A_163 = arith.truncf %mul3A_159 : vector<512x512xf32> to vector<512x512xbf16>
    %convert_element_type3A_164 = arith.extf %convert_element_type3A_163 : vector<512x512xbf16> to vector<512x512xf32>
    %bitcast_convert_type3A = tpu.bitcast %convert_element_type3A_164 : vector<512x512xf32> -> vector<512x512xi32>
    %shift_right_logical3A = arith.constant 16 : i32
    %shift_right_logical3A_165 = vector.broadcast %shift_right_logical3A : i32 to vector<512x512xi32>
    %shift_right_logical3A_166 = arith.shrui %bitcast_convert_type3A, %shift_right_logical3A_165 : vector<512x512xi32>
    %convert_element_type3A_167 = arith.truncf %mul3A_162 : vector<512x512xf32> to vector<512x512xbf16>
    %convert_element_type3A_168 = arith.extf %convert_element_type3A_167 : vector<512x512xbf16> to vector<512x512xf32>
    %bitcast_convert_type3A_169 = tpu.bitcast %convert_element_type3A_168 : vector<512x512xf32> -> vector<512x512xi32>
    %and3A_170 = arith.constant -65536 : i32
    %and3A_171 = vector.broadcast %and3A_170 : i32 to vector<512x512xi32>
    %and3A_172 = arith.andi %bitcast_convert_type3A_169, %and3A_171 : vector<512x512xi32>
    %or3A = arith.ori %and3A_172, %shift_right_logical3A_166 : vector<512x512xi32>
    %swap3A_173 = arith.constant 0 : index
    %swap3A_174 = arith.constant 0 : index
    %swap3A_175 = vector.load %arg11[%swap3A_173, %swap3A_174] : memref<512x512xi32, #tpu.memory_space<vmem>>, vector<512x512xi32>
    tpu.vector_store %arg11[%swap3A_173, %swap3A_174], %or3A {strides = array<i32>} : memref<512x512xi32, #tpu.memory_space<vmem>>, vector<512x512xi32>,
    %slice3A_176 = vector.extract_strided_slice %get3A_3 {offsets = [0, 0], sizes = [512, 512], strides = [1, 1]} : vector<512x1024xf32> to vector<512x512xf32>
    %mul3A_177 = vector.broadcast %div3A_76 : vector<512x1xf32> to vector<512x512xf32>
    %mul3A_178 = arith.mulf %slice3A_176, %mul3A_177 : vector<512x512xf32>
    %slice3A_179 = vector.extract_strided_slice %get3A_3 {offsets = [0, 512], sizes = [512, 512], strides = [1, 1]} : vector<512x1024xf32> to vector<512x512xf32>
    %mul3A_180 = vector.broadcast %div3A_76 : vector<512x1xf32> to vector<512x512xf32>
    %mul3A_181 = arith.mulf %slice3A_179, %mul3A_180 : vector<512x512xf32>
    %convert_element_type3A_182 = arith.truncf %mul3A_178 : vector<512x512xf32> to vector<512x512xbf16>
    %convert_element_type3A_183 = arith.extf %convert_element_type3A_182 : vector<512x512xbf16> to vector<512x512xf32>
    %bitcast_convert_type3A_184 = tpu.bitcast %convert_element_type3A_183 : vector<512x512xf32> -> vector<512x512xi32>
    %shift_right_logical3A_185 = arith.constant 16 : i32
    %shift_right_logical3A_186 = vector.broadcast %shift_right_logical3A_185 : i32 to vector<512x512xi32>
    %shift_right_logical3A_187 = arith.shrui %bitcast_convert_type3A_184, %shift_right_logical3A_186 : vector<512x512xi32>
    %convert_element_type3A_188 = arith.truncf %mul3A_181 : vector<512x512xf32> to vector<512x512xbf16>
    %convert_element_type3A_189 = arith.extf %convert_element_type3A_188 : vector<512x512xbf16> to vector<512x512xf32>
    %bitcast_convert_type3A_190 = tpu.bitcast %convert_element_type3A_189 : vector<512x512xf32> -> vector<512x512xi32>
    %and3A_191 = arith.constant -65536 : i32
    %and3A_192 = vector.broadcast %and3A_191 : i32 to vector<512x512xi32>
    %and3A_193 = arith.andi %bitcast_convert_type3A_190, %and3A_192 : vector<512x512xi32>
    %or3A_194 = arith.ori %and3A_193, %shift_right_logical3A_187 : vector<512x512xi32>
    %swap3A_195 = arith.constant 0 : index
    %swap3A_196 = arith.constant 0 : index
    %swap3A_197 = vector.load %arg12[%swap3A_195, %swap3A_196] : memref<512x512xi32, #tpu.memory_space<vmem>>, vector<512x512xi32>
    tpu.vector_store %arg12[%swap3A_195, %swap3A_196], %or3A_194 {strides = array<i32>} : memref<512x512xi32, #tpu.memory_space<vmem>>, vector<512x512xi32>,
    %eq3A_198 = arith.constant 7 : i32
    %eq3A_199 = arith.cmpi eq, %arg0, %eq3A_198 : i32
    %convert_element_type3A_200 = arith.extui %eq3A_199 : i1 to i32
    %cond3A_201 = arith.constant 0 : i32
    %cond3A_202 = arith.cmpi ne, %convert_element_type3A_200, %cond3A_201 : i32
    scf.if %cond3A_202 {
      %get3A_203 = arith.constant 0 : index
      %get3A_204 = arith.constant 0 : index
      %get3A_205 = memref.load %arg13[%get3A_203, %get3A_204] : memref<1x1xf32, #tpu.memory_space<smem>>
      %mul3A_206 = arith.constant -2.44140625E-4 : f32
      %mul3A_207 = arith.mulf %get3A_205, %mul3A_206 : f32
      %swap3A_208 = arith.constant 0 : index
      %swap3A_209 = arith.constant 0 : index
      %swap3A_210 = memref.load %arg13[%swap3A_208, %swap3A_209] : memref<1x1xf32, #tpu.memory_space<smem>>
      memref.store %mul3A_207, %arg13[%swap3A_208, %swap3A_209] : memref<1x1xf32, #tpu.memory_space<smem>>
      %get3A_211 = arith.constant 0 : index
      %get3A_212 = arith.constant 0 : index
      %get3A_213 = vector.load %arg14[%get3A_211, %get3A_212] : memref<1x8xf32, #tpu.memory_space<vmem>>, vector<1x8xf32>
      %iota3A_214 = tpu.iota {dimensions = array<i32: 1>} : vector<1x8xi32>
      %iota3A_215 = tpu.iota {dimensions = array<i32: 1>} : vector<1x64xi32>
      %convert_element_type3A_216 = arith.sitofp %iota3A_215 : vector<1x64xi32> to vector<1x64xf32>
      %broadcast_in_dim3A_217 = arith.constant -1.000000e+00 : f32
      %broadcast_in_dim3A_218 = vector.broadcast %broadcast_in_dim3A_217 : f32 to vector<1x64xf32>
      %broadcast_in_dim3A_219 = arith.constant 0.000000e+00 : f32
      %broadcast_in_dim3A_220 = vector.broadcast %broadcast_in_dim3A_219 : f32 to vector<1x64xf32>
      %broadcast_in_dim3A_221 = arith.constant 0.000000e+00 : f32
      %broadcast_in_dim3A_222 = vector.broadcast %broadcast_in_dim3A_221 : f32 to vector<1x8xf32>
      %eq3A_223 = arith.constant 0 : i32
      %eq3A_224 = vector.broadcast %eq3A_223 : i32 to vector<1x8xi32>
      %eq3A_225 = arith.cmpi eq, %iota3A_214, %eq3A_224 : vector<1x8xi32>
      %jit3A_226 = arith.constant 0.000000e+00 : f32
      %broadcast_in_dim3A_227 = vector.broadcast %jit3A_226 : f32 to vector<1x8xf32>
      %select_n3A_228 = arith.select %eq3A_225, %get3A_213, %broadcast_in_dim3A_227 : vector<1x8xi1>, vector<1x8xf32>
      %reduce_sum3A_229 = vector.shape_cast %select_n3A_228 : vector<1x8xf32> to vector<1x1x8xf32>
      %reduce_sum3A_230 = arith.constant dense<0.000000e+00> : vector<1xf32>
      %reduce_sum3A_231 = vector.multi_reduction <add>, %reduce_sum3A_229, %reduce_sum3A_230 [1, 2] : vector<1x1x8xf32> to vector<1xf32>
      %reduce_sum3A_232 = vector.shape_cast %reduce_sum3A_231 : vector<1xf32> to vector<1x1x1xf32>
      %reduce_sum3A_233 = vector.extract %reduce_sum3A_232[0, 0, 0] : f32 from vector<1x1x1xf32>
      %add3A_234 = arith.constant 2.550000e+02 : f32
      %add3A_235 = arith.addf %reduce_sum3A_233, %add3A_234 : f32
      %div3A_236 = arith.constant 2.560000e+02 : f32
      %div3A_237 = arith.divf %add3A_235, %div3A_236 : f32
      %floor3A = math.floor %div3A_237 : f32
      %mul3A_238 = arith.constant 2.560000e+02 : f32
      %mul3A_239 = arith.mulf %floor3A, %mul3A_238 : f32
      %eq3A_240 = arith.constant 0 : i32
      %eq3A_241 = vector.broadcast %eq3A_240 : i32 to vector<1x8xi32>
      %eq3A_242 = arith.cmpi eq, %iota3A_214, %eq3A_241 : vector<1x8xi32>
      %jit3A_243 = arith.constant 0.000000e+00 : f32
      %jit3A_244 = arith.constant 0.000000e+00 : f32
      %broadcast_in_dim3A_245 = vector.broadcast %jit3A_243 : f32 to vector<1x8xf32>
      %broadcast_in_dim3A_246 = vector.broadcast %jit3A_244 : f32 to vector<1x8xf32>
      %select_n3A_247 = arith.select %eq3A_242, %broadcast_in_dim3A_245, %broadcast_in_dim3A_246 : vector<1x8xi1>, vector<1x8xf32>
      %add3A_248 = arith.addf %broadcast_in_dim3A_222, %select_n3A_247 : vector<1x8xf32>
      %div3A_249 = arith.constant 0.000000e+00 : f32
      %div3A_250 = arith.constant 2.560000e+02 : f32
      %div3A_251 = arith.divf %div3A_249, %div3A_250 : f32
      %ge3A = vector.broadcast %div3A_251 : f32 to vector<1x64xf32>
      %ge3A_252 = arith.cmpf oge, %convert_element_type3A_216, %ge3A : vector<1x64xf32>
      %convert_element_type3A_253 = arith.extui %ge3A_252 : vector<1x64xi1> to vector<1x64xi32>
      %convert_element_type3A_254 = arith.sitofp %convert_element_type3A_253 : vector<1x64xi32> to vector<1x64xf32>
      %add3A_255 = arith.addf %broadcast_in_dim3A_218, %convert_element_type3A_254 : vector<1x64xf32>
      %eq3A_256 = arith.constant 0.000000e+00 : f32
      %eq3A_257 = vector.broadcast %eq3A_256 : f32 to vector<1x64xf32>
      %eq3A_258 = arith.cmpf oeq, %add3A_255, %eq3A_257 : vector<1x64xf32>
      %sub3A_259 = vector.broadcast %div3A_251 : f32 to vector<1x64xf32>
      %sub3A_260 = arith.subf %convert_element_type3A_216, %sub3A_259 : vector<1x64xf32>
      %mul3A_261 = arith.constant 2.560000e+02 : f32
      %mul3A_262 = vector.broadcast %mul3A_261 : f32 to vector<1x64xf32>
      %mul3A_263 = arith.mulf %sub3A_260, %mul3A_262 : vector<1x64xf32>
      %sub3A_264 = vector.broadcast %reduce_sum3A_233 : f32 to vector<1x64xf32>
      %sub3A_265 = arith.subf %sub3A_264, %mul3A_263 : vector<1x64xf32>
      %jit3A_266 = arith.constant 0.000000e+00 : f32
      %jit3A_267 = arith.constant 2.560000e+02 : f32
      %max3A = vector.broadcast %jit3A_266 : f32 to vector<1x64xf32>
      %max3A_268 = arith.maximumf %max3A, %sub3A_265 : vector<1x64xf32>
      %min3A = vector.broadcast %jit3A_267 : f32 to vector<1x64xf32>
      %min3A_269 = arith.minimumf %min3A, %max3A_268 : vector<1x64xf32>
      %jit3A_270 = arith.constant 0.000000e+00 : f32
      %broadcast_in_dim3A_271 = vector.broadcast %jit3A_270 : f32 to vector<1x64xf32>
      %select_n3A_272 = arith.select %eq3A_258, %min3A_269, %broadcast_in_dim3A_271 : vector<1x64xi1>, vector<1x64xf32>
      %add3A_273 = arith.addf %broadcast_in_dim3A_220, %select_n3A_272 : vector<1x64xf32>
      %add3A_274 = arith.constant 0.000000e+00 : f32
      %add3A_275 = arith.addf %add3A_274, %mul3A_239 : f32
      %eq3A_276 = arith.constant 1 : i32
      %eq3A_277 = vector.broadcast %eq3A_276 : i32 to vector<1x8xi32>
      %eq3A_278 = arith.cmpi eq, %iota3A_214, %eq3A_277 : vector<1x8xi32>
      %jit3A_279 = arith.constant 0.000000e+00 : f32
      %broadcast_in_dim3A_280 = vector.broadcast %jit3A_279 : f32 to vector<1x8xf32>
      %select_n3A_281 = arith.select %eq3A_278, %get3A_213, %broadcast_in_dim3A_280 : vector<1x8xi1>, vector<1x8xf32>
      %reduce_sum3A_282 = vector.shape_cast %select_n3A_281 : vector<1x8xf32> to vector<1x1x8xf32>
      %reduce_sum3A_283 = arith.constant dense<0.000000e+00> : vector<1xf32>
      %reduce_sum3A_284 = vector.multi_reduction <add>, %reduce_sum3A_282, %reduce_sum3A_283 [1, 2] : vector<1x1x8xf32> to vector<1xf32>
      %reduce_sum3A_285 = vector.shape_cast %reduce_sum3A_284 : vector<1xf32> to vector<1x1x1xf32>
      %reduce_sum3A_286 = vector.extract %reduce_sum3A_285[0, 0, 0] : f32 from vector<1x1x1xf32>
      %add3A_287 = arith.constant 2.550000e+02 : f32
      %add3A_288 = arith.addf %reduce_sum3A_286, %add3A_287 : f32
      %div3A_289 = arith.constant 2.560000e+02 : f32
      %div3A_290 = arith.divf %add3A_288, %div3A_289 : f32
      %floor3A_291 = math.floor %div3A_290 : f32
      %mul3A_292 = arith.constant 2.560000e+02 : f32
      %mul3A_293 = arith.mulf %floor3A_291, %mul3A_292 : f32
      %eq3A_294 = arith.constant 1 : i32
      %eq3A_295 = vector.broadcast %eq3A_294 : i32 to vector<1x8xi32>
      %eq3A_296 = arith.cmpi eq, %iota3A_214, %eq3A_295 : vector<1x8xi32>
      %jit3A_297 = arith.constant 0.000000e+00 : f32
      %broadcast_in_dim3A_298 = vector.broadcast %add3A_275 : f32 to vector<1x8xf32>
      %broadcast_in_dim3A_299 = vector.broadcast %jit3A_297 : f32 to vector<1x8xf32>
      %select_n3A_300 = arith.select %eq3A_296, %broadcast_in_dim3A_298, %broadcast_in_dim3A_299 : vector<1x8xi1>, vector<1x8xf32>
      %add3A_301 = arith.addf %add3A_248, %select_n3A_300 : vector<1x8xf32>
      %div3A_302 = arith.constant 2.560000e+02 : f32
      %div3A_303 = arith.divf %add3A_275, %div3A_302 : f32
      %ge3A_304 = vector.broadcast %div3A_303 : f32 to vector<1x64xf32>
      %ge3A_305 = arith.cmpf oge, %convert_element_type3A_216, %ge3A_304 : vector<1x64xf32>
      %convert_element_type3A_306 = arith.extui %ge3A_305 : vector<1x64xi1> to vector<1x64xi32>
      %convert_element_type3A_307 = arith.sitofp %convert_element_type3A_306 : vector<1x64xi32> to vector<1x64xf32>
      %add3A_308 = arith.addf %add3A_255, %convert_element_type3A_307 : vector<1x64xf32>
      %eq3A_309 = arith.constant 1.000000e+00 : f32
      %eq3A_310 = vector.broadcast %eq3A_309 : f32 to vector<1x64xf32>
      %eq3A_311 = arith.cmpf oeq, %add3A_308, %eq3A_310 : vector<1x64xf32>
      %sub3A_312 = vector.broadcast %div3A_303 : f32 to vector<1x64xf32>
      %sub3A_313 = arith.subf %convert_element_type3A_216, %sub3A_312 : vector<1x64xf32>
      %mul3A_314 = arith.constant 2.560000e+02 : f32
      %mul3A_315 = vector.broadcast %mul3A_314 : f32 to vector<1x64xf32>
      %mul3A_316 = arith.mulf %sub3A_313, %mul3A_315 : vector<1x64xf32>
      %sub3A_317 = vector.broadcast %reduce_sum3A_286 : f32 to vector<1x64xf32>
      %sub3A_318 = arith.subf %sub3A_317, %mul3A_316 : vector<1x64xf32>
      %jit3A_319 = arith.constant 0.000000e+00 : f32
      %jit3A_320 = arith.constant 2.560000e+02 : f32
      %max3A_321 = vector.broadcast %jit3A_319 : f32 to vector<1x64xf32>
      %max3A_322 = arith.maximumf %max3A_321, %sub3A_318 : vector<1x64xf32>
      %min3A_323 = vector.broadcast %jit3A_320 : f32 to vector<1x64xf32>
      %min3A_324 = arith.minimumf %min3A_323, %max3A_322 : vector<1x64xf32>
      %jit3A_325 = arith.constant 0.000000e+00 : f32
      %broadcast_in_dim3A_326 = vector.broadcast %jit3A_325 : f32 to vector<1x64xf32>
      %select_n3A_327 = arith.select %eq3A_311, %min3A_324, %broadcast_in_dim3A_326 : vector<1x64xi1>, vector<1x64xf32>
      %add3A_328 = arith.addf %add3A_273, %select_n3A_327 : vector<1x64xf32>
      %add3A_329 = arith.addf %add3A_275, %mul3A_293 : f32
      %eq3A_330 = arith.constant 2 : i32
      %eq3A_331 = vector.broadcast %eq3A_330 : i32 to vector<1x8xi32>
      %eq3A_332 = arith.cmpi eq, %iota3A_214, %eq3A_331 : vector<1x8xi32>
      %jit3A_333 = arith.constant 0.000000e+00 : f32
      %broadcast_in_dim3A_334 = vector.broadcast %jit3A_333 : f32 to vector<1x8xf32>
      %select_n3A_335 = arith.select %eq3A_332, %get3A_213, %broadcast_in_dim3A_334 : vector<1x8xi1>, vector<1x8xf32>
      %reduce_sum3A_336 = vector.shape_cast %select_n3A_335 : vector<1x8xf32> to vector<1x1x8xf32>
      %reduce_sum3A_337 = arith.constant dense<0.000000e+00> : vector<1xf32>
      %reduce_sum3A_338 = vector.multi_reduction <add>, %reduce_sum3A_336, %reduce_sum3A_337 [1, 2] : vector<1x1x8xf32> to vector<1xf32>
      %reduce_sum3A_339 = vector.shape_cast %reduce_sum3A_338 : vector<1xf32> to vector<1x1x1xf32>
      %reduce_sum3A_340 = vector.extract %reduce_sum3A_339[0, 0, 0] : f32 from vector<1x1x1xf32>
      %add3A_341 = arith.constant 2.550000e+02 : f32
      %add3A_342 = arith.addf %reduce_sum3A_340, %add3A_341 : f32
      %div3A_343 = arith.constant 2.560000e+02 : f32
      %div3A_344 = arith.divf %add3A_342, %div3A_343 : f32
      %floor3A_345 = math.floor %div3A_344 : f32
      %mul3A_346 = arith.constant 2.560000e+02 : f32
      %mul3A_347 = arith.mulf %floor3A_345, %mul3A_346 : f32
      %eq3A_348 = arith.constant 2 : i32
      %eq3A_349 = vector.broadcast %eq3A_348 : i32 to vector<1x8xi32>
      %eq3A_350 = arith.cmpi eq, %iota3A_214, %eq3A_349 : vector<1x8xi32>
      %jit3A_351 = arith.constant 0.000000e+00 : f32
      %broadcast_in_dim3A_352 = vector.broadcast %add3A_329 : f32 to vector<1x8xf32>
      %broadcast_in_dim3A_353 = vector.broadcast %jit3A_351 : f32 to vector<1x8xf32>
      %select_n3A_354 = arith.select %eq3A_350, %broadcast_in_dim3A_352, %broadcast_in_dim3A_353 : vector<1x8xi1>, vector<1x8xf32>
      %add3A_355 = arith.addf %add3A_301, %select_n3A_354 : vector<1x8xf32>
      %div3A_356 = arith.constant 2.560000e+02 : f32
      %div3A_357 = arith.divf %add3A_329, %div3A_356 : f32
      %ge3A_358 = vector.broadcast %div3A_357 : f32 to vector<1x64xf32>
      %ge3A_359 = arith.cmpf oge, %convert_element_type3A_216, %ge3A_358 : vector<1x64xf32>
      %convert_element_type3A_360 = arith.extui %ge3A_359 : vector<1x64xi1> to vector<1x64xi32>
      %convert_element_type3A_361 = arith.sitofp %convert_element_type3A_360 : vector<1x64xi32> to vector<1x64xf32>
      %add3A_362 = arith.addf %add3A_308, %convert_element_type3A_361 : vector<1x64xf32>
      %eq3A_363 = arith.constant 2.000000e+00 : f32
      %eq3A_364 = vector.broadcast %eq3A_363 : f32 to vector<1x64xf32>
      %eq3A_365 = arith.cmpf oeq, %add3A_362, %eq3A_364 : vector<1x64xf32>
      %sub3A_366 = vector.broadcast %div3A_357 : f32 to vector<1x64xf32>
      %sub3A_367 = arith.subf %convert_element_type3A_216, %sub3A_366 : vector<1x64xf32>
      %mul3A_368 = arith.constant 2.560000e+02 : f32
      %mul3A_369 = vector.broadcast %mul3A_368 : f32 to vector<1x64xf32>
      %mul3A_370 = arith.mulf %sub3A_367, %mul3A_369 : vector<1x64xf32>
      %sub3A_371 = vector.broadcast %reduce_sum3A_340 : f32 to vector<1x64xf32>
      %sub3A_372 = arith.subf %sub3A_371, %mul3A_370 : vector<1x64xf32>
      %jit3A_373 = arith.constant 0.000000e+00 : f32
      %jit3A_374 = arith.constant 2.560000e+02 : f32
      %max3A_375 = vector.broadcast %jit3A_373 : f32 to vector<1x64xf32>
      %max3A_376 = arith.maximumf %max3A_375, %sub3A_372 : vector<1x64xf32>
      %min3A_377 = vector.broadcast %jit3A_374 : f32 to vector<1x64xf32>
      %min3A_378 = arith.minimumf %min3A_377, %max3A_376 : vector<1x64xf32>
      %jit3A_379 = arith.constant 0.000000e+00 : f32
      %broadcast_in_dim3A_380 = vector.broadcast %jit3A_379 : f32 to vector<1x64xf32>
      %select_n3A_381 = arith.select %eq3A_365, %min3A_378, %broadcast_in_dim3A_380 : vector<1x64xi1>, vector<1x64xf32>
      %add3A_382 = arith.addf %add3A_328, %select_n3A_381 : vector<1x64xf32>
      %add3A_383 = arith.addf %add3A_329, %mul3A_347 : f32
      %eq3A_384 = arith.constant 3 : i32
      %eq3A_385 = vector.broadcast %eq3A_384 : i32 to vector<1x8xi32>
      %eq3A_386 = arith.cmpi eq, %iota3A_214, %eq3A_385 : vector<1x8xi32>
      %jit3A_387 = arith.constant 0.000000e+00 : f32
      %broadcast_in_dim3A_388 = vector.broadcast %jit3A_387 : f32 to vector<1x8xf32>
      %select_n3A_389 = arith.select %eq3A_386, %get3A_213, %broadcast_in_dim3A_388 : vector<1x8xi1>, vector<1x8xf32>
      %reduce_sum3A_390 = vector.shape_cast %select_n3A_389 : vector<1x8xf32> to vector<1x1x8xf32>
      %reduce_sum3A_391 = arith.constant dense<0.000000e+00> : vector<1xf32>
      %reduce_sum3A_392 = vector.multi_reduction <add>, %reduce_sum3A_390, %reduce_sum3A_391 [1, 2] : vector<1x1x8xf32> to vector<1xf32>
      %reduce_sum3A_393 = vector.shape_cast %reduce_sum3A_392 : vector<1xf32> to vector<1x1x1xf32>
      %reduce_sum3A_394 = vector.extract %reduce_sum3A_393[0, 0, 0] : f32 from vector<1x1x1xf32>
      %add3A_395 = arith.constant 2.550000e+02 : f32
      %add3A_396 = arith.addf %reduce_sum3A_394, %add3A_395 : f32
      %div3A_397 = arith.constant 2.560000e+02 : f32
      %div3A_398 = arith.divf %add3A_396, %div3A_397 : f32
      %floor3A_399 = math.floor %div3A_398 : f32
      %mul3A_400 = arith.constant 2.560000e+02 : f32
      %mul3A_401 = arith.mulf %floor3A_399, %mul3A_400 : f32
      %eq3A_402 = arith.constant 3 : i32
      %eq3A_403 = vector.broadcast %eq3A_402 : i32 to vector<1x8xi32>
      %eq3A_404 = arith.cmpi eq, %iota3A_214, %eq3A_403 : vector<1x8xi32>
      %jit3A_405 = arith.constant 0.000000e+00 : f32
      %broadcast_in_dim3A_406 = vector.broadcast %add3A_383 : f32 to vector<1x8xf32>
      %broadcast_in_dim3A_407 = vector.broadcast %jit3A_405 : f32 to vector<1x8xf32>
      %select_n3A_408 = arith.select %eq3A_404, %broadcast_in_dim3A_406, %broadcast_in_dim3A_407 : vector<1x8xi1>, vector<1x8xf32>
      %add3A_409 = arith.addf %add3A_355, %select_n3A_408 : vector<1x8xf32>
      %div3A_410 = arith.constant 2.560000e+02 : f32
      %div3A_411 = arith.divf %add3A_383, %div3A_410 : f32
      %ge3A_412 = vector.broadcast %div3A_411 : f32 to vector<1x64xf32>
      %ge3A_413 = arith.cmpf oge, %convert_element_type3A_216, %ge3A_412 : vector<1x64xf32>
      %convert_element_type3A_414 = arith.extui %ge3A_413 : vector<1x64xi1> to vector<1x64xi32>
      %convert_element_type3A_415 = arith.sitofp %convert_element_type3A_414 : vector<1x64xi32> to vector<1x64xf32>
      %add3A_416 = arith.addf %add3A_362, %convert_element_type3A_415 : vector<1x64xf32>
      %eq3A_417 = arith.constant 3.000000e+00 : f32
      %eq3A_418 = vector.broadcast %eq3A_417 : f32 to vector<1x64xf32>
      %eq3A_419 = arith.cmpf oeq, %add3A_416, %eq3A_418 : vector<1x64xf32>
      %sub3A_420 = vector.broadcast %div3A_411 : f32 to vector<1x64xf32>
      %sub3A_421 = arith.subf %convert_element_type3A_216, %sub3A_420 : vector<1x64xf32>
      %mul3A_422 = arith.constant 2.560000e+02 : f32
      %mul3A_423 = vector.broadcast %mul3A_422 : f32 to vector<1x64xf32>
      %mul3A_424 = arith.mulf %sub3A_421, %mul3A_423 : vector<1x64xf32>
      %sub3A_425 = vector.broadcast %reduce_sum3A_394 : f32 to vector<1x64xf32>
      %sub3A_426 = arith.subf %sub3A_425, %mul3A_424 : vector<1x64xf32>
      %jit3A_427 = arith.constant 0.000000e+00 : f32
      %jit3A_428 = arith.constant 2.560000e+02 : f32
      %max3A_429 = vector.broadcast %jit3A_427 : f32 to vector<1x64xf32>
      %max3A_430 = arith.maximumf %max3A_429, %sub3A_426 : vector<1x64xf32>
      %min3A_431 = vector.broadcast %jit3A_428 : f32 to vector<1x64xf32>
      %min3A_432 = arith.minimumf %min3A_431, %max3A_430 : vector<1x64xf32>
      %jit3A_433 = arith.constant 0.000000e+00 : f32
      %broadcast_in_dim3A_434 = vector.broadcast %jit3A_433 : f32 to vector<1x64xf32>
      %select_n3A_435 = arith.select %eq3A_419, %min3A_432, %broadcast_in_dim3A_434 : vector<1x64xi1>, vector<1x64xf32>
      %add3A_436 = arith.addf %add3A_382, %select_n3A_435 : vector<1x64xf32>
      %add3A_437 = arith.addf %add3A_383, %mul3A_401 : f32
      %eq3A_438 = arith.constant 4 : i32
      %eq3A_439 = vector.broadcast %eq3A_438 : i32 to vector<1x8xi32>
      %eq3A_440 = arith.cmpi eq, %iota3A_214, %eq3A_439 : vector<1x8xi32>
      %jit3A_441 = arith.constant 0.000000e+00 : f32
      %broadcast_in_dim3A_442 = vector.broadcast %jit3A_441 : f32 to vector<1x8xf32>
      %select_n3A_443 = arith.select %eq3A_440, %get3A_213, %broadcast_in_dim3A_442 : vector<1x8xi1>, vector<1x8xf32>
      %reduce_sum3A_444 = vector.shape_cast %select_n3A_443 : vector<1x8xf32> to vector<1x1x8xf32>
      %reduce_sum3A_445 = arith.constant dense<0.000000e+00> : vector<1xf32>
      %reduce_sum3A_446 = vector.multi_reduction <add>, %reduce_sum3A_444, %reduce_sum3A_445 [1, 2] : vector<1x1x8xf32> to vector<1xf32>
      %reduce_sum3A_447 = vector.shape_cast %reduce_sum3A_446 : vector<1xf32> to vector<1x1x1xf32>
      %reduce_sum3A_448 = vector.extract %reduce_sum3A_447[0, 0, 0] : f32 from vector<1x1x1xf32>
      %add3A_449 = arith.constant 2.550000e+02 : f32
      %add3A_450 = arith.addf %reduce_sum3A_448, %add3A_449 : f32
      %div3A_451 = arith.constant 2.560000e+02 : f32
      %div3A_452 = arith.divf %add3A_450, %div3A_451 : f32
      %floor3A_453 = math.floor %div3A_452 : f32
      %mul3A_454 = arith.constant 2.560000e+02 : f32
      %mul3A_455 = arith.mulf %floor3A_453, %mul3A_454 : f32
      %eq3A_456 = arith.constant 4 : i32
      %eq3A_457 = vector.broadcast %eq3A_456 : i32 to vector<1x8xi32>
      %eq3A_458 = arith.cmpi eq, %iota3A_214, %eq3A_457 : vector<1x8xi32>
      %jit3A_459 = arith.constant 0.000000e+00 : f32
      %broadcast_in_dim3A_460 = vector.broadcast %add3A_437 : f32 to vector<1x8xf32>
      %broadcast_in_dim3A_461 = vector.broadcast %jit3A_459 : f32 to vector<1x8xf32>
      %select_n3A_462 = arith.select %eq3A_458, %broadcast_in_dim3A_460, %broadcast_in_dim3A_461 : vector<1x8xi1>, vector<1x8xf32>
      %add3A_463 = arith.addf %add3A_409, %select_n3A_462 : vector<1x8xf32>
      %div3A_464 = arith.constant 2.560000e+02 : f32
      %div3A_465 = arith.divf %add3A_437, %div3A_464 : f32
      %ge3A_466 = vector.broadcast %div3A_465 : f32 to vector<1x64xf32>
      %ge3A_467 = arith.cmpf oge, %convert_element_type3A_216, %ge3A_466 : vector<1x64xf32>
      %convert_element_type3A_468 = arith.extui %ge3A_467 : vector<1x64xi1> to vector<1x64xi32>
      %convert_element_type3A_469 = arith.sitofp %convert_element_type3A_468 : vector<1x64xi32> to vector<1x64xf32>
      %add3A_470 = arith.addf %add3A_416, %convert_element_type3A_469 : vector<1x64xf32>
      %eq3A_471 = arith.constant 4.000000e+00 : f32
      %eq3A_472 = vector.broadcast %eq3A_471 : f32 to vector<1x64xf32>
      %eq3A_473 = arith.cmpf oeq, %add3A_470, %eq3A_472 : vector<1x64xf32>
      %sub3A_474 = vector.broadcast %div3A_465 : f32 to vector<1x64xf32>
      %sub3A_475 = arith.subf %convert_element_type3A_216, %sub3A_474 : vector<1x64xf32>
      %mul3A_476 = arith.constant 2.560000e+02 : f32
      %mul3A_477 = vector.broadcast %mul3A_476 : f32 to vector<1x64xf32>
      %mul3A_478 = arith.mulf %sub3A_475, %mul3A_477 : vector<1x64xf32>
      %sub3A_479 = vector.broadcast %reduce_sum3A_448 : f32 to vector<1x64xf32>
      %sub3A_480 = arith.subf %sub3A_479, %mul3A_478 : vector<1x64xf32>
      %jit3A_481 = arith.constant 0.000000e+00 : f32
      %jit3A_482 = arith.constant 2.560000e+02 : f32
      %max3A_483 = vector.broadcast %jit3A_481 : f32 to vector<1x64xf32>
      %max3A_484 = arith.maximumf %max3A_483, %sub3A_480 : vector<1x64xf32>
      %min3A_485 = vector.broadcast %jit3A_482 : f32 to vector<1x64xf32>
      %min3A_486 = arith.minimumf %min3A_485, %max3A_484 : vector<1x64xf32>
      %jit3A_487 = arith.constant 0.000000e+00 : f32
      %broadcast_in_dim3A_488 = vector.broadcast %jit3A_487 : f32 to vector<1x64xf32>
      %select_n3A_489 = arith.select %eq3A_473, %min3A_486, %broadcast_in_dim3A_488 : vector<1x64xi1>, vector<1x64xf32>
      %add3A_490 = arith.addf %add3A_436, %select_n3A_489 : vector<1x64xf32>
      %add3A_491 = arith.addf %add3A_437, %mul3A_455 : f32
      %eq3A_492 = arith.constant 5 : i32
      %eq3A_493 = vector.broadcast %eq3A_492 : i32 to vector<1x8xi32>
      %eq3A_494 = arith.cmpi eq, %iota3A_214, %eq3A_493 : vector<1x8xi32>
      %jit3A_495 = arith.constant 0.000000e+00 : f32
      %broadcast_in_dim3A_496 = vector.broadcast %jit3A_495 : f32 to vector<1x8xf32>
      %select_n3A_497 = arith.select %eq3A_494, %get3A_213, %broadcast_in_dim3A_496 : vector<1x8xi1>, vector<1x8xf32>
      %reduce_sum3A_498 = vector.shape_cast %select_n3A_497 : vector<1x8xf32> to vector<1x1x8xf32>
      %reduce_sum3A_499 = arith.constant dense<0.000000e+00> : vector<1xf32>
      %reduce_sum3A_500 = vector.multi_reduction <add>, %reduce_sum3A_498, %reduce_sum3A_499 [1, 2] : vector<1x1x8xf32> to vector<1xf32>
      %reduce_sum3A_501 = vector.shape_cast %reduce_sum3A_500 : vector<1xf32> to vector<1x1x1xf32>
      %reduce_sum3A_502 = vector.extract %reduce_sum3A_501[0, 0, 0] : f32 from vector<1x1x1xf32>
      %add3A_503 = arith.constant 2.550000e+02 : f32
      %add3A_504 = arith.addf %reduce_sum3A_502, %add3A_503 : f32
      %div3A_505 = arith.constant 2.560000e+02 : f32
      %div3A_506 = arith.divf %add3A_504, %div3A_505 : f32
      %floor3A_507 = math.floor %div3A_506 : f32
      %mul3A_508 = arith.constant 2.560000e+02 : f32
      %mul3A_509 = arith.mulf %floor3A_507, %mul3A_508 : f32
      %eq3A_510 = arith.constant 5 : i32
      %eq3A_511 = vector.broadcast %eq3A_510 : i32 to vector<1x8xi32>
      %eq3A_512 = arith.cmpi eq, %iota3A_214, %eq3A_511 : vector<1x8xi32>
      %jit3A_513 = arith.constant 0.000000e+00 : f32
      %broadcast_in_dim3A_514 = vector.broadcast %add3A_491 : f32 to vector<1x8xf32>
      %broadcast_in_dim3A_515 = vector.broadcast %jit3A_513 : f32 to vector<1x8xf32>
      %select_n3A_516 = arith.select %eq3A_512, %broadcast_in_dim3A_514, %broadcast_in_dim3A_515 : vector<1x8xi1>, vector<1x8xf32>
      %add3A_517 = arith.addf %add3A_463, %select_n3A_516 : vector<1x8xf32>
      %div3A_518 = arith.constant 2.560000e+02 : f32
      %div3A_519 = arith.divf %add3A_491, %div3A_518 : f32
      %ge3A_520 = vector.broadcast %div3A_519 : f32 to vector<1x64xf32>
      %ge3A_521 = arith.cmpf oge, %convert_element_type3A_216, %ge3A_520 : vector<1x64xf32>
      %convert_element_type3A_522 = arith.extui %ge3A_521 : vector<1x64xi1> to vector<1x64xi32>
      %convert_element_type3A_523 = arith.sitofp %convert_element_type3A_522 : vector<1x64xi32> to vector<1x64xf32>
      %add3A_524 = arith.addf %add3A_470, %convert_element_type3A_523 : vector<1x64xf32>
      %eq3A_525 = arith.constant 5.000000e+00 : f32
      %eq3A_526 = vector.broadcast %eq3A_525 : f32 to vector<1x64xf32>
      %eq3A_527 = arith.cmpf oeq, %add3A_524, %eq3A_526 : vector<1x64xf32>
      %sub3A_528 = vector.broadcast %div3A_519 : f32 to vector<1x64xf32>
      %sub3A_529 = arith.subf %convert_element_type3A_216, %sub3A_528 : vector<1x64xf32>
      %mul3A_530 = arith.constant 2.560000e+02 : f32
      %mul3A_531 = vector.broadcast %mul3A_530 : f32 to vector<1x64xf32>
      %mul3A_532 = arith.mulf %sub3A_529, %mul3A_531 : vector<1x64xf32>
      %sub3A_533 = vector.broadcast %reduce_sum3A_502 : f32 to vector<1x64xf32>
      %sub3A_534 = arith.subf %sub3A_533, %mul3A_532 : vector<1x64xf32>
      %jit3A_535 = arith.constant 0.000000e+00 : f32
      %jit3A_536 = arith.constant 2.560000e+02 : f32
      %max3A_537 = vector.broadcast %jit3A_535 : f32 to vector<1x64xf32>
      %max3A_538 = arith.maximumf %max3A_537, %sub3A_534 : vector<1x64xf32>
      %min3A_539 = vector.broadcast %jit3A_536 : f32 to vector<1x64xf32>
      %min3A_540 = arith.minimumf %min3A_539, %max3A_538 : vector<1x64xf32>
      %jit3A_541 = arith.constant 0.000000e+00 : f32
      %broadcast_in_dim3A_542 = vector.broadcast %jit3A_541 : f32 to vector<1x64xf32>
      %select_n3A_543 = arith.select %eq3A_527, %min3A_540, %broadcast_in_dim3A_542 : vector<1x64xi1>, vector<1x64xf32>
      %add3A_544 = arith.addf %add3A_490, %select_n3A_543 : vector<1x64xf32>
      %add3A_545 = arith.addf %add3A_491, %mul3A_509 : f32
      %eq3A_546 = arith.constant 6 : i32
      %eq3A_547 = vector.broadcast %eq3A_546 : i32 to vector<1x8xi32>
      %eq3A_548 = arith.cmpi eq, %iota3A_214, %eq3A_547 : vector<1x8xi32>
      %jit3A_549 = arith.constant 0.000000e+00 : f32
      %broadcast_in_dim3A_550 = vector.broadcast %jit3A_549 : f32 to vector<1x8xf32>
      %select_n3A_551 = arith.select %eq3A_548, %get3A_213, %broadcast_in_dim3A_550 : vector<1x8xi1>, vector<1x8xf32>
      %reduce_sum3A_552 = vector.shape_cast %select_n3A_551 : vector<1x8xf32> to vector<1x1x8xf32>
      %reduce_sum3A_553 = arith.constant dense<0.000000e+00> : vector<1xf32>
      %reduce_sum3A_554 = vector.multi_reduction <add>, %reduce_sum3A_552, %reduce_sum3A_553 [1, 2] : vector<1x1x8xf32> to vector<1xf32>
      %reduce_sum3A_555 = vector.shape_cast %reduce_sum3A_554 : vector<1xf32> to vector<1x1x1xf32>
      %reduce_sum3A_556 = vector.extract %reduce_sum3A_555[0, 0, 0] : f32 from vector<1x1x1xf32>
      %add3A_557 = arith.constant 2.550000e+02 : f32
      %add3A_558 = arith.addf %reduce_sum3A_556, %add3A_557 : f32
      %div3A_559 = arith.constant 2.560000e+02 : f32
      %div3A_560 = arith.divf %add3A_558, %div3A_559 : f32
      %floor3A_561 = math.floor %div3A_560 : f32
      %mul3A_562 = arith.constant 2.560000e+02 : f32
      %mul3A_563 = arith.mulf %floor3A_561, %mul3A_562 : f32
      %eq3A_564 = arith.constant 6 : i32
      %eq3A_565 = vector.broadcast %eq3A_564 : i32 to vector<1x8xi32>
      %eq3A_566 = arith.cmpi eq, %iota3A_214, %eq3A_565 : vector<1x8xi32>
      %jit3A_567 = arith.constant 0.000000e+00 : f32
      %broadcast_in_dim3A_568 = vector.broadcast %add3A_545 : f32 to vector<1x8xf32>
      %broadcast_in_dim3A_569 = vector.broadcast %jit3A_567 : f32 to vector<1x8xf32>
      %select_n3A_570 = arith.select %eq3A_566, %broadcast_in_dim3A_568, %broadcast_in_dim3A_569 : vector<1x8xi1>, vector<1x8xf32>
      %add3A_571 = arith.addf %add3A_517, %select_n3A_570 : vector<1x8xf32>
      %div3A_572 = arith.constant 2.560000e+02 : f32
      %div3A_573 = arith.divf %add3A_545, %div3A_572 : f32
      %ge3A_574 = vector.broadcast %div3A_573 : f32 to vector<1x64xf32>
      %ge3A_575 = arith.cmpf oge, %convert_element_type3A_216, %ge3A_574 : vector<1x64xf32>
      %convert_element_type3A_576 = arith.extui %ge3A_575 : vector<1x64xi1> to vector<1x64xi32>
      %convert_element_type3A_577 = arith.sitofp %convert_element_type3A_576 : vector<1x64xi32> to vector<1x64xf32>
      %add3A_578 = arith.addf %add3A_524, %convert_element_type3A_577 : vector<1x64xf32>
      %eq3A_579 = arith.constant 6.000000e+00 : f32
      %eq3A_580 = vector.broadcast %eq3A_579 : f32 to vector<1x64xf32>
      %eq3A_581 = arith.cmpf oeq, %add3A_578, %eq3A_580 : vector<1x64xf32>
      %sub3A_582 = vector.broadcast %div3A_573 : f32 to vector<1x64xf32>
      %sub3A_583 = arith.subf %convert_element_type3A_216, %sub3A_582 : vector<1x64xf32>
      %mul3A_584 = arith.constant 2.560000e+02 : f32
      %mul3A_585 = vector.broadcast %mul3A_584 : f32 to vector<1x64xf32>
      %mul3A_586 = arith.mulf %sub3A_583, %mul3A_585 : vector<1x64xf32>
      %sub3A_587 = vector.broadcast %reduce_sum3A_556 : f32 to vector<1x64xf32>
      %sub3A_588 = arith.subf %sub3A_587, %mul3A_586 : vector<1x64xf32>
      %jit3A_589 = arith.constant 0.000000e+00 : f32
      %jit3A_590 = arith.constant 2.560000e+02 : f32
      %max3A_591 = vector.broadcast %jit3A_589 : f32 to vector<1x64xf32>
      %max3A_592 = arith.maximumf %max3A_591, %sub3A_588 : vector<1x64xf32>
      %min3A_593 = vector.broadcast %jit3A_590 : f32 to vector<1x64xf32>
      %min3A_594 = arith.minimumf %min3A_593, %max3A_592 : vector<1x64xf32>
      %jit3A_595 = arith.constant 0.000000e+00 : f32
      %broadcast_in_dim3A_596 = vector.broadcast %jit3A_595 : f32 to vector<1x64xf32>
      %select_n3A_597 = arith.select %eq3A_581, %min3A_594, %broadcast_in_dim3A_596 : vector<1x64xi1>, vector<1x64xf32>
      %add3A_598 = arith.addf %add3A_544, %select_n3A_597 : vector<1x64xf32>
      %add3A_599 = arith.addf %add3A_545, %mul3A_563 : f32
      %eq3A_600 = arith.constant 7 : i32
      %eq3A_601 = vector.broadcast %eq3A_600 : i32 to vector<1x8xi32>
      %eq3A_602 = arith.cmpi eq, %iota3A_214, %eq3A_601 : vector<1x8xi32>
      %jit3A_603 = arith.constant 0.000000e+00 : f32
      %broadcast_in_dim3A_604 = vector.broadcast %jit3A_603 : f32 to vector<1x8xf32>
      %select_n3A_605 = arith.select %eq3A_602, %get3A_213, %broadcast_in_dim3A_604 : vector<1x8xi1>, vector<1x8xf32>
      %reduce_sum3A_606 = vector.shape_cast %select_n3A_605 : vector<1x8xf32> to vector<1x1x8xf32>
      %reduce_sum3A_607 = arith.constant dense<0.000000e+00> : vector<1xf32>
      %reduce_sum3A_608 = vector.multi_reduction <add>, %reduce_sum3A_606, %reduce_sum3A_607 [1, 2] : vector<1x1x8xf32> to vector<1xf32>
      %reduce_sum3A_609 = vector.shape_cast %reduce_sum3A_608 : vector<1xf32> to vector<1x1x1xf32>
      %reduce_sum3A_610 = vector.extract %reduce_sum3A_609[0, 0, 0] : f32 from vector<1x1x1xf32>
      %eq3A_611 = arith.constant 7 : i32
      %eq3A_612 = vector.broadcast %eq3A_611 : i32 to vector<1x8xi32>
      %eq3A_613 = arith.cmpi eq, %iota3A_214, %eq3A_612 : vector<1x8xi32>
      %jit3A_614 = arith.constant 0.000000e+00 : f32
      %broadcast_in_dim3A_615 = vector.broadcast %add3A_599 : f32 to vector<1x8xf32>
      %broadcast_in_dim3A_616 = vector.broadcast %jit3A_614 : f32 to vector<1x8xf32>
      %select_n3A_617 = arith.select %eq3A_613, %broadcast_in_dim3A_615, %broadcast_in_dim3A_616 : vector<1x8xi1>, vector<1x8xf32>
      %add3A_618 = arith.addf %add3A_571, %select_n3A_617 : vector<1x8xf32>
      %div3A_619 = arith.constant 2.560000e+02 : f32
      %div3A_620 = arith.divf %add3A_599, %div3A_619 : f32
      %ge3A_621 = vector.broadcast %div3A_620 : f32 to vector<1x64xf32>
      %ge3A_622 = arith.cmpf oge, %convert_element_type3A_216, %ge3A_621 : vector<1x64xf32>
      %convert_element_type3A_623 = arith.extui %ge3A_622 : vector<1x64xi1> to vector<1x64xi32>
      %convert_element_type3A_624 = arith.sitofp %convert_element_type3A_623 : vector<1x64xi32> to vector<1x64xf32>
      %add3A_625 = arith.addf %add3A_578, %convert_element_type3A_624 : vector<1x64xf32>
      %eq3A_626 = arith.constant 7.000000e+00 : f32
      %eq3A_627 = vector.broadcast %eq3A_626 : f32 to vector<1x64xf32>
      %eq3A_628 = arith.cmpf oeq, %add3A_625, %eq3A_627 : vector<1x64xf32>
      %sub3A_629 = vector.broadcast %div3A_620 : f32 to vector<1x64xf32>
      %sub3A_630 = arith.subf %convert_element_type3A_216, %sub3A_629 : vector<1x64xf32>
      %mul3A_631 = arith.constant 2.560000e+02 : f32
      %mul3A_632 = vector.broadcast %mul3A_631 : f32 to vector<1x64xf32>
      %mul3A_633 = arith.mulf %sub3A_630, %mul3A_632 : vector<1x64xf32>
      %sub3A_634 = vector.broadcast %reduce_sum3A_610 : f32 to vector<1x64xf32>
      %sub3A_635 = arith.subf %sub3A_634, %mul3A_633 : vector<1x64xf32>
      %jit3A_636 = arith.constant 0.000000e+00 : f32
      %jit3A_637 = arith.constant 2.560000e+02 : f32
      %max3A_638 = vector.broadcast %jit3A_636 : f32 to vector<1x64xf32>
      %max3A_639 = arith.maximumf %max3A_638, %sub3A_635 : vector<1x64xf32>
      %min3A_640 = vector.broadcast %jit3A_637 : f32 to vector<1x64xf32>
      %min3A_641 = arith.minimumf %min3A_640, %max3A_639 : vector<1x64xf32>
      %jit3A_642 = arith.constant 0.000000e+00 : f32
      %broadcast_in_dim3A_643 = vector.broadcast %jit3A_642 : f32 to vector<1x64xf32>
      %select_n3A_644 = arith.select %eq3A_628, %min3A_641, %broadcast_in_dim3A_643 : vector<1x64xi1>, vector<1x64xf32>
      %add3A_645 = arith.addf %add3A_598, %select_n3A_644 : vector<1x64xf32>
      %broadcast_in_dim3A_646 = arith.constant 0.000000e+00 : f32
      %broadcast_in_dim3A_647 = vector.broadcast %broadcast_in_dim3A_646 : f32 to vector<1x8xf32>
      %concatenate3A_648 = tpu.concatenate %add3A_618, %broadcast_in_dim3A_647 in 1 : vector<1x8xf32>, vector<1x8xf32> -> vector<1x16xf32>
      %convert_element_type3A_649 = arith.fptosi %concatenate3A_648 : vector<1x16xf32> to vector<1x16xi32>
      %swap3A_650 = arith.constant 0 : index
      %swap3A_651 = arith.constant 0 : index
      %swap3A_652 = vector.load %arg8[%swap3A_650, %swap3A_651] : memref<1x16xi32, #tpu.memory_space<vmem>>, vector<1x16xi32>
      tpu.vector_store %arg8[%swap3A_650, %swap3A_651], %convert_element_type3A_649 {strides = array<i32>} : memref<1x16xi32, #tpu.memory_space<vmem>>, vector<1x16xi32>,
      %jit3A_653 = arith.constant 0.000000e+00 : f32
      %jit3A_654 = arith.constant 7.000000e+00 : f32
      %max3A_655 = vector.broadcast %jit3A_653 : f32 to vector<1x64xf32>
      %max3A_656 = arith.maximumf %max3A_655, %add3A_625 : vector<1x64xf32>
      %min3A_657 = vector.broadcast %jit3A_654 : f32 to vector<1x64xf32>
      %min3A_658 = arith.minimumf %min3A_657, %max3A_656 : vector<1x64xf32>
      %convert_element_type3A_659 = arith.fptosi %min3A_658 : vector<1x64xf32> to vector<1x64xi32>
      %swap3A_660 = arith.constant 0 : index
      %swap3A_661 = arith.constant 0 : index
      %swap3A_662 = vector.load %arg9[%swap3A_660, %swap3A_661] : memref<1x64xi32, #tpu.memory_space<vmem>>, vector<1x64xi32>
      tpu.vector_store %arg9[%swap3A_660, %swap3A_661], %convert_element_type3A_659 {strides = array<i32>} : memref<1x64xi32, #tpu.memory_space<vmem>>, vector<1x64xi32>,
      %convert_element_type3A_663 = arith.fptosi %add3A_645 : vector<1x64xf32> to vector<1x64xi32>
      %swap3A_664 = arith.constant 0 : index
      %swap3A_665 = arith.constant 0 : index
      %swap3A_666 = vector.load %arg10[%swap3A_664, %swap3A_665] : memref<1x64xi32, #tpu.memory_space<vmem>>, vector<1x64xi32>
      tpu.vector_store %arg10[%swap3A_664, %swap3A_665], %convert_element_type3A_663 {strides = array<i32>} : memref<1x64xi32, #tpu.memory_space<vmem>>, vector<1x64xi32>,
    } else {
    }
    return
  }
  func.func @transform_0(%arg0: i32) -> (i32, i32) {
    %c0_i32 = arith.constant 0 : i32
    %c0_i32_0 = arith.constant 0 : i32
    %c0_i32_1 = arith.constant 0 : i32
    return %c0_i32, %c0_i32_0 : i32, i32
  }
  func.func @transform_1(%arg0: i32) -> (i32, i32) {
    %c0_i32 = arith.constant 0 : i32
    %c0_i32_0 = arith.constant 0 : i32
    %c0_i32_1 = arith.constant 0 : i32
    return %c0_i32, %c0_i32_0 : i32, i32
  }
  func.func @transform_2(%arg0: i32) -> (i32, i32) {
    %c0_i32 = arith.constant 0 : i32
    %c0_i32_0 = arith.constant 0 : i32
    %c0_i32_1 = arith.constant 0 : i32
    return %c0_i32, %c0_i32_0 : i32, i32
  }
  func.func @transform_3(%arg0: i32) -> (i32, i32) {
    %c0_i32 = arith.constant 0 : i32
    %c0_i32_0 = arith.constant 0 : i32
    return %arg0, %c0_i32 : i32, i32
  }
  func.func @transform_4(%arg0: i32) -> (i32, i32) {
    %c0_i32 = arith.constant 0 : i32
    %c0_i32_0 = arith.constant 0 : i32
    return %arg0, %c0_i32 : i32, i32
  }
  func.func @transform_5(%arg0: i32) -> (i32, i32) {
    %c0_i32 = arith.constant 0 : i32
    %c0_i32_0 = arith.constant 0 : i32
    return %arg0, %c0_i32 : i32, i32
  }
  func.func @transform_6(%arg0: i32) -> (i32, i32) {
    %c0_i32 = arith.constant 0 : i32
    %c0_i32_0 = arith.constant 0 : i32
    return %arg0, %c0_i32 : i32, i32
  }
  func.func @transform_7(%arg0: i32) -> (i32, i32) {
    %c0_i32 = arith.constant 0 : i32
    %c0_i32_0 = arith.constant 0 : i32
    %c0_i32_1 = arith.constant 0 : i32
    return %c0_i32, %c0_i32_0 : i32, i32
  }
  func.func @transform_8(%arg0: i32) -> (i32, i32) {
    %c0_i32 = arith.constant 0 : i32
    %c0_i32_0 = arith.constant 0 : i32
    %c0_i32_1 = arith.constant 0 : i32
    return %c0_i32, %c0_i32_0 : i32, i32
  }
  func.func @transform_9(%arg0: i32) -> (i32, i32) {
    %c0_i32 = arith.constant 0 : i32
    %c0_i32_0 = arith.constant 0 : i32
    %c0_i32_1 = arith.constant 0 : i32
    return %c0_i32, %c0_i32_0 : i32, i32
  }
  func.func @transform_10(%arg0: i32) -> (i32, i32) {
    %c0_i32 = arith.constant 0 : i32
    %c0_i32_0 = arith.constant 0 : i32
    return %arg0, %c0_i32 : i32, i32
  }
  func.func @transform_11(%arg0: i32) -> (i32, i32) {
    %c0_i32 = arith.constant 0 : i32
    %c0_i32_0 = arith.constant 0 : i32
    return %arg0, %c0_i32 : i32, i32
  }
  func.func @transform_12(%arg0: i32) -> (i32, i32) {
    %c0_i32 = arith.constant 0 : i32
    %c0_i32_0 = arith.constant 0 : i32
    %c0_i32_1 = arith.constant 0 : i32
    return %c0_i32, %c0_i32_0 : i32, i32
  }
}

module attributes {stable_mosaic.version = 14 : i64} {
  func.func @_expert_kernel(%arg0: i32, %arg1: memref<40xi32, #tpu.memory_space<smem>>, %arg2: memref<256x512xi32, #tpu.memory_space<vmem>>, %arg3: memref<1x1024x1024xf32, #tpu.memory_space<vmem>>, %arg4: memref<256x512xi32, #tpu.memory_space<vmem>>) attributes {dimension_semantics = [#tpu.dimension_semantics<arbitrary>], iteration_bounds = array<i64: 40>, scalar_prefetch = 1 : i64, scratch_operands = 0 : i64, tpu.core_type = #tpu.core_type<tc>, window_params = [{transform_indices = @transform_0, window_bounds = array<i64: 256, 512>}, {transform_indices = @transform_1, window_bounds = array<i64: 1, 1024, 1024>}, {transform_indices = @transform_2, window_bounds = array<i64: 256, 512>}]} {
    %get3A = arith.constant 0 : index
    %get3A_0 = arith.constant 0 : index
    %get3A_1 = vector.load %arg2[%get3A, %get3A_0] : memref<256x512xi32, #tpu.memory_space<vmem>>, vector<256x512xi32>
    %shift_left3A = arith.constant 16 : i32
    %shift_left3A_2 = vector.broadcast %shift_left3A : i32 to vector<256x512xi32>
    %shift_left3A_3 = arith.shli %get3A_1, %shift_left3A_2 : vector<256x512xi32>
    %bitcast_convert_type3A = tpu.bitcast %shift_left3A_3 : vector<256x512xi32> -> vector<256x512xf32>
    %and3A = arith.constant -65536 : i32
    %and3A_4 = vector.broadcast %and3A : i32 to vector<256x512xi32>
    %and3A_5 = arith.andi %get3A_1, %and3A_4 : vector<256x512xi32>
    %bitcast_convert_type3A_6 = tpu.bitcast %and3A_5 : vector<256x512xi32> -> vector<256x512xf32>
    %concatenate3A = tpu.concatenate %bitcast_convert_type3A, %bitcast_convert_type3A_6 in 1 : vector<256x512xf32>, vector<256x512xf32> -> vector<256x1024xf32>
    %convert_element_type3A = arith.truncf %concatenate3A : vector<256x1024xf32> to vector<256x1024xbf16>
    %get3A_7 = arith.constant 0 : index
    %get3A_8 = arith.constant 0 : index
    %get3A_9 = arith.constant 0 : index
    %get3A_10 = vector.load %arg3[%get3A_7, %get3A_8, %get3A_9] : memref<1x1024x1024xf32, #tpu.memory_space<vmem>>, vector<1x1024x1024xf32>
    %get3A_11 = vector.shape_cast %get3A_10 : vector<1x1024x1024xf32> to vector<1024x1024xf32>
    %convert_element_type3A_12 = arith.truncf %get3A_11 : vector<1024x1024xf32> to vector<1024x1024xbf16>
    %dot_general3A = arith.constant dense<0.000000e+00> : vector<256x1024xf32>
    %dot_general3A_13 = tpu.matmul %convert_element_type3A, %convert_element_type3A_12, %dot_general3A {dimension_numbers = #tpu.dot_dimension_numbers<[1], [1], [0], [0], [0, 0, 1, 0], [], []>, transpose_lhs_hint = false} : vector<256x1024xbf16>, vector<1024x1024xbf16>, vector<256x1024xf32> -> vector<256x1024xf32>
    %slice3A = vector.extract_strided_slice %dot_general3A_13 {offsets = [0, 0], sizes = [256, 512], strides = [1, 1]} : vector<256x1024xf32> to vector<256x512xf32>
    %slice3A_14 = vector.extract_strided_slice %dot_general3A_13 {offsets = [0, 512], sizes = [256, 512], strides = [1, 1]} : vector<256x1024xf32> to vector<256x512xf32>
    %convert_element_type3A_15 = arith.truncf %slice3A : vector<256x512xf32> to vector<256x512xbf16>
    %convert_element_type3A_16 = arith.extf %convert_element_type3A_15 : vector<256x512xbf16> to vector<256x512xf32>
    %bitcast_convert_type3A_17 = tpu.bitcast %convert_element_type3A_16 : vector<256x512xf32> -> vector<256x512xi32>
    %shift_right_logical3A = arith.constant 16 : i32
    %shift_right_logical3A_18 = vector.broadcast %shift_right_logical3A : i32 to vector<256x512xi32>
    %shift_right_logical3A_19 = arith.shrui %bitcast_convert_type3A_17, %shift_right_logical3A_18 : vector<256x512xi32>
    %convert_element_type3A_20 = arith.truncf %slice3A_14 : vector<256x512xf32> to vector<256x512xbf16>
    %convert_element_type3A_21 = arith.extf %convert_element_type3A_20 : vector<256x512xbf16> to vector<256x512xf32>
    %bitcast_convert_type3A_22 = tpu.bitcast %convert_element_type3A_21 : vector<256x512xf32> -> vector<256x512xi32>
    %and3A_23 = arith.constant -65536 : i32
    %and3A_24 = vector.broadcast %and3A_23 : i32 to vector<256x512xi32>
    %and3A_25 = arith.andi %bitcast_convert_type3A_22, %and3A_24 : vector<256x512xi32>
    %or3A = arith.ori %and3A_25, %shift_right_logical3A_19 : vector<256x512xi32>
    %swap3A = arith.constant 0 : index
    %swap3A_26 = arith.constant 0 : index
    %swap3A_27 = vector.load %arg4[%swap3A, %swap3A_26] : memref<256x512xi32, #tpu.memory_space<vmem>>, vector<256x512xi32>
    tpu.vector_store %arg4[%swap3A, %swap3A_26], %or3A {strides = array<i32>} : memref<256x512xi32, #tpu.memory_space<vmem>>, vector<256x512xi32>,
    return
  }
  func.func @transform_0(%arg0: i32, %arg1: memref<40xi32, #tpu.memory_space<smem>>) -> (i32, i32) {
    %c0_i32 = arith.constant 0 : i32
    %c0_i32_0 = arith.constant 0 : i32
    return %arg0, %c0_i32 : i32, i32
  }
  func.func @transform_1(%arg0: i32, %arg1: memref<40xi32, #tpu.memory_space<smem>>) -> (i32, i32, i32) {
    %get3A = arith.index_cast %arg0 : i32 to index
    %get3A_0 = memref.load %arg1[%get3A] : memref<40xi32, #tpu.memory_space<smem>>
    %c0_i32 = arith.constant 0 : i32
    %c0_i32_1 = arith.constant 0 : i32
    %c0_i32_2 = arith.constant 0 : i32
    return %get3A_0, %c0_i32, %c0_i32_1 : i32, i32, i32
  }
  func.func @transform_2(%arg0: i32, %arg1: memref<40xi32, #tpu.memory_space<smem>>) -> (i32, i32) {
    %c0_i32 = arith.constant 0 : i32
    %c0_i32_0 = arith.constant 0 : i32
    return %arg0, %c0_i32 : i32, i32
  }
}

module attributes {stable_mosaic.version = 14 : i64} {
  func.func @_pairsum_kernel(%arg0: i32, %arg1: memref<512x1024xi32, #tpu.memory_space<vmem>>, %arg2: memref<512x2xi32, #tpu.memory_space<vmem>>, %arg3: memref<512x2xf32, #tpu.memory_space<vmem>>, %arg4: memref<8x1024xf32, #tpu.memory_space<vmem>>, %arg5: memref<512x1024xf32, #tpu.memory_space<vmem>>) attributes {dimension_semantics = [#tpu.dimension_semantics<arbitrary>], iteration_bounds = array<i64: 8>, scalar_prefetch = 0 : i64, scratch_operands = 0 : i64, tpu.core_type = #tpu.core_type<tc>, window_params = [{transform_indices = @transform_0, window_bounds = array<i64: 512, 1024>}, {transform_indices = @transform_1, window_bounds = array<i64: 512, 2>}, {transform_indices = @transform_2, window_bounds = array<i64: 512, 2>}, {pipeline_mode = #tpu.pipeline_mode<synchronous>, transform_indices = @transform_3, window_bounds = array<i64: 8, 1024>}, {transform_indices = @transform_4, window_bounds = array<i64: 512, 1024>}]} {
    %get3A = arith.constant 0 : index
    %get3A_0 = arith.constant 0 : index
    %get3A_1 = vector.load %arg1[%get3A, %get3A_0] : memref<512x1024xi32, #tpu.memory_space<vmem>>, vector<512x1024xi32>
    %slice3A = vector.extract_strided_slice %get3A_1 {offsets = [0, 0], sizes = [512, 512], strides = [1, 1]} : vector<512x1024xi32> to vector<512x512xi32>
    %shift_left3A = arith.constant 16 : i32
    %shift_left3A_2 = vector.broadcast %shift_left3A : i32 to vector<512x512xi32>
    %shift_left3A_3 = arith.shli %slice3A, %shift_left3A_2 : vector<512x512xi32>
    %bitcast_convert_type3A = tpu.bitcast %shift_left3A_3 : vector<512x512xi32> -> vector<512x512xf32>
    %and3A = arith.constant -65536 : i32
    %and3A_4 = vector.broadcast %and3A : i32 to vector<512x512xi32>
    %and3A_5 = arith.andi %slice3A, %and3A_4 : vector<512x512xi32>
    %bitcast_convert_type3A_6 = tpu.bitcast %and3A_5 : vector<512x512xi32> -> vector<512x512xf32>
    %slice3A_7 = vector.extract_strided_slice %get3A_1 {offsets = [0, 512], sizes = [512, 512], strides = [1, 1]} : vector<512x1024xi32> to vector<512x512xi32>
    %shift_left3A_8 = arith.constant 16 : i32
    %shift_left3A_9 = vector.broadcast %shift_left3A_8 : i32 to vector<512x512xi32>
    %shift_left3A_10 = arith.shli %slice3A_7, %shift_left3A_9 : vector<512x512xi32>
    %bitcast_convert_type3A_11 = tpu.bitcast %shift_left3A_10 : vector<512x512xi32> -> vector<512x512xf32>
    %and3A_12 = arith.constant -65536 : i32
    %and3A_13 = vector.broadcast %and3A_12 : i32 to vector<512x512xi32>
    %and3A_14 = arith.andi %slice3A_7, %and3A_13 : vector<512x512xi32>
    %bitcast_convert_type3A_15 = tpu.bitcast %and3A_14 : vector<512x512xi32> -> vector<512x512xf32>
    %add3A = arith.addf %bitcast_convert_type3A, %bitcast_convert_type3A_11 : vector<512x512xf32>
    %add3A_16 = arith.addf %bitcast_convert_type3A_6, %bitcast_convert_type3A_15 : vector<512x512xf32>
    %get3A_17 = arith.constant 0 : index
    %get3A_18 = arith.constant 0 : index
    %get3A_19 = vector.load %arg2[%get3A_17, %get3A_18] : memref<512x2xi32, #tpu.memory_space<vmem>>, vector<512x2xi32>
    %get3A_20 = arith.constant 0 : index
    %get3A_21 = arith.constant 0 : index
    %get3A_22 = vector.load %arg3[%get3A_20, %get3A_21] : memref<512x2xf32, #tpu.memory_space<vmem>>, vector<512x2xf32>
    %slice3A_23 = vector.extract_strided_slice %get3A_19 {offsets = [0, 0], sizes = [512, 1], strides = [1, 1]} : vector<512x2xi32> to vector<512x1xi32>
    %slice3A_24 = vector.extract_strided_slice %get3A_19 {offsets = [0, 1], sizes = [512, 1], strides = [1, 1]} : vector<512x2xi32> to vector<512x1xi32>
    %slice3A_25 = vector.extract_strided_slice %get3A_22 {offsets = [0, 0], sizes = [512, 1], strides = [1, 1]} : vector<512x2xf32> to vector<512x1xf32>
    %slice3A_26 = vector.extract_strided_slice %get3A_22 {offsets = [0, 1], sizes = [512, 1], strides = [1, 1]} : vector<512x2xf32> to vector<512x1xf32>
    %iota3A = tpu.iota {dimensions = array<i32: 1>} : vector<512x8xi32>
    %eq3A = vector.broadcast %slice3A_23 : vector<512x1xi32> to vector<512x8xi32>
    %eq3A_27 = arith.cmpi eq, %iota3A, %eq3A : vector<512x8xi32>
    %jit3A = arith.constant 0.000000e+00 : f32
    %broadcast_in_dim3A = vector.shape_cast %slice3A_25 : vector<512x1xf32> to vector<512x1xf32>
    %broadcast_in_dim3A_28 = vector.broadcast %broadcast_in_dim3A : vector<512x1xf32> to vector<512x8xf32>
    %broadcast_in_dim3A_29 = vector.broadcast %jit3A : f32 to vector<512x8xf32>
    %select_n3A = arith.select %eq3A_27, %broadcast_in_dim3A_28, %broadcast_in_dim3A_29 : vector<512x8xi1>, vector<512x8xf32>
    %eq3A_30 = vector.broadcast %slice3A_24 : vector<512x1xi32> to vector<512x8xi32>
    %eq3A_31 = arith.cmpi eq, %iota3A, %eq3A_30 : vector<512x8xi32>
    %jit3A_32 = arith.constant 0.000000e+00 : f32
    %broadcast_in_dim3A_33 = vector.shape_cast %slice3A_26 : vector<512x1xf32> to vector<512x1xf32>
    %broadcast_in_dim3A_34 = vector.broadcast %broadcast_in_dim3A_33 : vector<512x1xf32> to vector<512x8xf32>
    %broadcast_in_dim3A_35 = vector.broadcast %jit3A_32 : f32 to vector<512x8xf32>
    %select_n3A_36 = arith.select %eq3A_31, %broadcast_in_dim3A_34, %broadcast_in_dim3A_35 : vector<512x8xi1>, vector<512x8xf32>
    %add3A_37 = arith.addf %select_n3A, %select_n3A_36 : vector<512x8xf32>
    %get3A_38 = arith.constant 0 : index
    %get3A_39 = arith.constant 0 : index
    %get3A_40 = vector.load %arg4[%get3A_38, %get3A_39] : memref<8x1024xf32, #tpu.memory_space<vmem>>, vector<8x1024xf32>
    %dot_general3A = arith.constant dense<0.000000e+00> : vector<512x1024xf32>
    %dot_general3A_41 = tpu.matmul %add3A_37, %get3A_40, %dot_general3A {dimension_numbers = #tpu.dot_dimension_numbers<[1], [0], [0], [1], [0, 0, 1, 1], [], []>, transpose_lhs_hint = false} : vector<512x8xf32>, vector<8x1024xf32>, vector<512x1024xf32> -> vector<512x1024xf32>
    %slice3A_42 = vector.extract_strided_slice %dot_general3A_41 {offsets = [0, 0], sizes = [512, 512], strides = [1, 1]} : vector<512x1024xf32> to vector<512x512xf32>
    %add3A_43 = arith.addf %add3A, %slice3A_42 : vector<512x512xf32>
    %slice3A_44 = vector.extract_strided_slice %dot_general3A_41 {offsets = [0, 512], sizes = [512, 512], strides = [1, 1]} : vector<512x1024xf32> to vector<512x512xf32>
    %add3A_45 = arith.addf %add3A_16, %slice3A_44 : vector<512x512xf32>
    %concatenate3A = tpu.concatenate %add3A_43, %add3A_45 in 1 : vector<512x512xf32>, vector<512x512xf32> -> vector<512x1024xf32>
    %swap3A = arith.constant 0 : index
    %swap3A_46 = arith.constant 0 : index
    %swap3A_47 = vector.load %arg5[%swap3A, %swap3A_46] : memref<512x1024xf32, #tpu.memory_space<vmem>>, vector<512x1024xf32>
    tpu.vector_store %arg5[%swap3A, %swap3A_46], %concatenate3A {strides = array<i32>} : memref<512x1024xf32, #tpu.memory_space<vmem>>, vector<512x1024xf32>,
    return
  }
  func.func @transform_0(%arg0: i32) -> (i32, i32) {
    %c0_i32 = arith.constant 0 : i32
    %c0_i32_0 = arith.constant 0 : i32
    return %arg0, %c0_i32 : i32, i32
  }
  func.func @transform_1(%arg0: i32) -> (i32, i32) {
    %c0_i32 = arith.constant 0 : i32
    %c0_i32_0 = arith.constant 0 : i32
    return %arg0, %c0_i32 : i32, i32
  }
  func.func @transform_2(%arg0: i32) -> (i32, i32) {
    %c0_i32 = arith.constant 0 : i32
    %c0_i32_0 = arith.constant 0 : i32
    return %arg0, %c0_i32 : i32, i32
  }
  func.func @transform_3(%arg0: i32) -> (i32, i32) {
    %c0_i32 = arith.constant 0 : i32
    %c0_i32_0 = arith.constant 0 : i32
    %c0_i32_1 = arith.constant 0 : i32
    return %c0_i32, %c0_i32_0 : i32, i32
  }
  func.func @transform_4(%arg0: i32) -> (i32, i32) {
    %c0_i32 = arith.constant 0 : i32
    %c0_i32_0 = arith.constant 0 : i32
    return %arg0, %c0_i32 : i32, i32
  }
}

</mosaic_0001>

<sc_bundles>
// kernel: kernel.11.cloned.1.call-start
scs
__scs_entry_jumppad:
0x0: {  	(pc) =	sbr.rel $0x88, $3  }
0x1: {  	(tag) =	ssettag $0x0;
	lr =	simm.s32 $0x1  }
0x2: {  	[smem:$0x3F9B] =	sst lr;
	_ =	strace $0xD0000000  }
0x3: {  	_ = 	snop  }
0x4: {  	_ = 	snop  }
0x5: {  	_ = 	snop  }
0x6: {  	_ = 	snop  }
0x7: {  	_ = 	snop  }
__scs_overlays_trampoline_lowered:
0x8: {  	[smem:$0x3FAA] =	sst s0  }
0x9: {  	[smem:$0x3FAB] =	sst s1  }
0xa: {  	[smem:$0x3FAC] =	sst s2  }
0xb: {  	[smem:$0x3FAD] =	sst s3  }
0xc: {  	[smem:$0x3FAE] =	sst s4  }
0xd: {  	[smem:$0x3FAF] =	sst s5  }
0xe: {  	[smem:$0x3FB0] =	sst s6  }
0xf: {  	[smem:$0x3FB1] =	sst s7  }
0x10: {  	[smem:$0x3FB2] =	sst s8  }
0x11: {  	[smem:$0x3FB3] =	sst s9;
	s0 =	simm.s32 @!p0 $0x0  }
0x12: {  	s1 =	sld [smem:$0x3F99];
	s0 =	simm.s32 @p0 $0x1  }
0x13: {  	[smem:$0x3FB4] =	sst s0;
	s0 =	simm.s32 @!p1 $0x0  }
0x14: {  	s2 =	sld [smem:$0x3F98];
	s0 =	simm.s32 @p1 $0x1  }
0x15: {  	[smem:$0x3FB5] =	sst s0;
	s0 =	simm.s32 @!p2 $0x0  }
0x16: {  	s3 =	sld [smem:$0x3FDB];
	s0 =	simm.s32 @p2 $0x1  }
0x17: {  	s4 =	simm.s32 $0x1BF5;
	[smem:$0x3FB7] =	sst s0  }
0x18: {  	s0 =	sld [smem:$0x3F9A];
	_ =	swait.ge [sflag:s4], $0x0  }
0x19: {  	s7 =	sld [smem:$0x3F9B]  }
0x1a: {  	s8 =	sadd.s32 $0xFFFFE003, lr  }
0x1b: {  	s9 =	sadd.s32 $0xFFFFFEF7, lr;
	s5 =	simm.s32 $0xFFFFFFFF;
	p2 =	slt.u32 s8, $0xFFFFF086  }
0x1c: {  	p1 =	slt.u32 s9, $0xF7A;
	s5 =	simm.s32 @!p2 $0x0  }
0x1d: {  	s5 =	simm.s32 @p1 $0x1;
	p0 =	seq.s32 s7, s2  }
0x1e: {  	s7 =	smul.u32 @!p0 $0xF7A, s2;
	p2 =	seq.s32 @!p0 s5, $0x0  }
0x1f: {  	s9 =	smul.u32 $0xF7A, s1;
	s8 =	simm.s32 @!p0 $0x1BF5;
	p2 =	por !p2, p0  }
0x20: {  	[sflag:s8] =	ssyncset.s32 @!p0 $0xFFFFF086;
	s6 =	sadd.s32 @!p0 s3, s7;
	s7 =	simm.s32 @!p0 $0x108  }
0x21: {  	s3 =	sadd.s32 s3, s9;
	s6 =	sadd.s32 @!p0 $0x88, s6;
	s7 =	simm.s32 @p2 $0x1082  }
0x22: {  	[simem:s7], [sflag:s8] =	dma.local @!p0 [hbm:s6], $0xF7A  }
0x23: {  	s9 =	sor.u32 $0xD0000000, s2;
	s6 =	simm.s32 $0x108;
	_ =	swait.ge @!p0 [sflag:s8], $0x0  }
0x24: {  	s3 =	sadd.s32 $0x88, s3;
	s6 =	simm.s32 @!p1 $0x1082;
	[sflag:s4] =	ssyncset.s32 $0xFFFFF086  }
0x25: {  	[simem:s6], [sflag:s4] =	dma.local [hbm:s3], $0xF7A  }
0x26: {  	[smem:$0x3F9B] =	sst s1;
	(tag) =	ssettag s2;
	_ =	strace s9  }
0x27: {  	s1 =	sld [smem:$0x3FAB]  }
0x28: {  	s2 =	sld [smem:$0x3FAC]  }
0x29: {  	s4 =	sld [smem:$0x3FAE]  }
0x2a: {  	p0 =	seq.s32 s5, $0x0;
	s5 =	sld [smem:$0x3FAF]  }
0x2b: {  	s6 =	sld [smem:$0x3FB0]  }
0x2c: {  	s7 =	sld [smem:$0x3FB1]  }
0x2d: {  	s3 =	simm.s32 $0x108;
	s8 =	sld [smem:$0x3FB2]  }
0x2e: {  	s3 =	simm.s32 @!p0 $0x1082;
	s9 =	sld [smem:$0x3FB3]  }
0x2f: {  	lr =	sadd.s32 s0, s3;
	s0 =	sld [smem:$0x3FAA]  }
0x30: {  	s3 =	sld [smem:$0x3FAD]  }
0x31: {  	[smem:$0x3FB6] =	sst s10  }
0x32: {  	s10 =	sld [smem:$0x3FB4];
	_ =	sdelay $0x3  }
0x33: {  	p0 =	seq.s32 s10, $0x1;
	s10 =	sld [smem:$0x3FB6];
	_ =	sdelay $0x3  }
0x34: {  	[smem:$0x3FB6] =	sst s10  }
0x35: {  	s10 =	sld [smem:$0x3FB5];
	_ =	sdelay $0x3  }
0x36: {  	p1 =	seq.s32 s10, $0x1;
	s10 =	sld [smem:$0x3FB6];
	_ =	sdelay $0x3  }
0x37: {  	[smem:$0x3FB6] =	sst s10  }
0x38: {  	s10 =	sld [smem:$0x3FB7]  }
0x39: {  	_ = 	snop;
	(pc) =	sbr.ind lr, $3  }
0x3a: {  	_ = 	snop  }
0x3b: {  	_ = 	snop  }
0x3c: {  	p2 =	seq.s32 s10, $0x1;
	s10 =	sld [smem:$0x3FB6]  }
0x3d: {  	_ =	shalt  }
0x3e: {  	_ =	shalt  }
0x3f: {  	_ =	shalt  }
0x40: {  	_ =	shalt  }
0x41: {  	_ =	shalt  }
0x42: {  	_ =	shalt  }
0x43: {  	_ =	shalt  }
0x44: {  	_ =	shalt  }
0x45: {  	_ =	shalt  }
0x46: {  	_ =	shalt  }
0x47: {  	_ =	shalt  }
0x48: {  	_ =	shalt  }
0x49: {  	_ =	shalt  }
0x4a: {  	_ =	shalt  }
0x4b: {  	_ =	shalt  }
0x4c: {  	_ =	shalt  }
0x4d: {  	_ =	shalt  }
0x4e: {  	_ =	shalt  }
0x4f: {  	_ =	shalt  }
0x50: {  	_ =	shalt  }
0x51: {  	_ =	shalt  }
0x52: {  	_ =	shalt  }
0x53: {  	_ =	shalt  }
0x54: {  	_ =	shalt  }
0x55: {  	_ =	shalt  }
0x56: {  	_ =	shalt  }
0x57: {  	_ =	shalt  }
0x58: {  	_ =	shalt  }
0x59: {  	_ =	shalt  }
0x5a: {  	_ =	shalt  }
0x5b: {  	_ =	shalt  }
0x5c: {  	_ =	shalt  }
0x5d: {  	_ =	shalt  }
0x5e: {  	_ =	shalt  }
0x5f: {  	_ =	shalt  }
0x60: {  	_ =	shalt  }
0x61: {  	_ =	shalt  }
0x62: {  	_ =	shalt  }
0x63: {  	_ =	shalt  }
0x64: {  	_ =	shalt  }
0x65: {  	_ =	shalt  }
0x66: {  	_ =	shalt  }
0x67: {  	_ =	shalt  }
0x68: {  	_ =	shalt  }
0x69: {  	_ =	shalt  }
0x6a: {  	_ =	shalt  }
0x6b: {  	_ =	shalt  }
0x6c: {  	_ =	shalt  }
0x6d: {  	_ =	shalt  }
0x6e: {  	_ =	shalt  }
0x6f: {  	_ =	shalt  }
0x70: {  	_ =	shalt  }
0x71: {  	_ =	shalt  }
0x72: {  	_ =	shalt  }
0x73: {  	_ =	shalt  }
0x74: {  	_ =	shalt  }
0x75: {  	_ =	shalt  }
0x76: {  	_ =	shalt  }
0x77: {  	_ =	shalt  }
0x78: {  	_ =	shalt  }
0x79: {  	_ =	shalt  }
0x7a: {  	_ =	shalt  }
0x7b: {  	_ =	shalt  }
0x7c: {  	_ =	shalt  }
0x7d: {  	_ =	shalt  }
0x7e: {  	_ =	shalt  }
0x7f: {  	_ =	shalt  }
0x80: {  	_ =	shalt  }
0x81: {  	_ =	shalt  }
0x82: {  	_ =	shalt  }
0x83: {  	_ =	shalt  }
0x84: {  	_ =	shalt  }
0x85: {  	_ =	shalt  }
0x86: {  	_ =	shalt  }
0x87: {  	_ =	shalt  }
.Lfunc_end0:
.L_simem_size_0:
called_computation.1_lowered:
.L_overlay_start_0:
0x88: {  	s2 =	sld [smem:$0x3FD9]  }
0x89: {  	s3 =	sld [smem:$0x3FFE];
	_ =	sdelay $0x1  }
0x8a: {  	s1 =	srdreg.scid  }
0x8b: {  	s0 =	sand.u32 $0x1, s1  }
0x8c: {  	s14 =	sshll.u32 s0, $0xA;
	s2 =	sadd.s32 s3, s2  }
0x8d: {  	s2 =	sadd.s32 s2, s14  }
0x8e: {  	[smem:$0x3FC2] =	sst s2  }
0x8f: {  	_ = 	snop  }
0x90: {  	s2 =	sld [smem:$0x3FD0];
	_ =	sdelay $0x2  }
0x91: {  	s15 =	simm.s32 $0xA;
	s4 =	simm.s32 $0x10  }
0x92: {  	[smem:s4], [sflag:s15] =	dma.local [hbm:s2], $0x1  }
0x93: {  	_ =	swait.eq [sflag:s15], $0x1  }
0x94: {  	[sflag:s15] =	ssyncset.done $0x0  }
0x95: {  	[sflag:s15] =	ssyncadd.s32 $0xFFFFFFFF  }
0x96: {  	s16 =	sld [smem:$0x10];
	(tm) =	ssettm $0x1  }
0x97: {  	s17 =	sld [smem:$0x3FFB];
	_ =	sdelay $0x3  }
0x98: {  	_ =	strace s17  }
0x99: {  	s3 =	sld [smem:$0x3FFC];
	_ =	sdelay $0x3  }
0x9a: {  	_ =	strace s3  }
0x9b: {  	s3 =	sld [smem:$0x3FFD];
	_ =	sdelay $0x3  }
0x9c: {  	_ =	strace s3  }
0x9d: {  	_ =	strace $0x8FFFFFFF  }
0x9e: {  	s18 =	sld [smem:$0x3FDB];
	_ =	sdelay $0x1  }
0x9f: {  	s19 =	simm.s32 $_scs_section_size  }
0xa0: {  	s5 =	simm.s32 $_size__tile_overlayer_lowered;
	s6 =	simm.s32 $_tile_overlayer_lowered  }
0xa1: {  	s22 =	simm.s32 $0x1BFF;
	s21 =	sshll.u32 s6, $0x1;
	s3 =	sadd.s32 s19, s18  }
0xa2: {  	s7 =	simm.s32 $0x0;
	s20 =	sshll.u32 s5, $0x1;
	s5 =	sadd.s32 s21, s3  }
0xa3: {  	[timem:s7], [sflag:s22] =	dma.local [hbm:s5], s20  }
0xa4: {  	_ =	swait.ge [sflag:s22], s20  }
0xa5: {  	s4 =	ssub.s32 $0x0, s20;
	[sflag:s22] =	ssyncset.done $0x0  }
0xa6: {  	[sflag:s22] =	ssyncadd.s32 s4;
	_ =	sdelay $0x1  }
0xa7: {  	s23 =	simm.s32 $0x1B8B  }
0xa8: {  	_ =	swait.ge [sflag:s23], $0x1  }
0xa9: {  	[sflag:s23] =	ssyncset.done $0x0  }
0xaa: {  	s25 =	simm.s32 $0x1B8E;
	s24 =	sld [smem:$0x3FFE];
	[sflag:s23] =	ssyncadd.s32 $0xFFFFFFFF  }
0xab: {  	s26 =	simm.s32 $execute0_lowered;
	[smem:$0x3FD2] =	sst s25  }
0xac: {  	s5 =	sshll.u32 s26, $0x1;
	_ =	strace $0x80000049;
	[dreg:$0x1] =	wrdreg $0xFFFFFFFF  }
0xad: {  	s28 =	simm.s32 $_size_execute0_lowered;
	s3 =	sadd.s32 s3, s5;
	[dreg:$0x0] =	wrdreg $0x0  }
0xae: {  	s5 =	sshll.u32 s28, $0x1;
	[dreg:$0x2] =	wrdreg s3  }
0xaf: {  	[dreg:$0x3] =	wrdreg s5  }
0xb0: {  	[dreg:$0x4] =	wrdreg $0xC0  }
0xb1: {  	_ =	task [dreg:s7], $0x5FFFF  }
0xb2: {  	[dreg:$0x1] =	wrdreg $0xFFFFFFFF  }
0xb3: {  	[dreg:$0x0] =	wrdreg $0x60  }
0xb4: {  	[dreg:$0x2] =	wrdreg s24  }
0xb5: {  	[dreg:$0x3] =	wrdreg s16  }
0xb6: {  	[dreg:$0x4] =	wrdreg $0x9  }
0xb7: {  	_ =	task.clear_ibuf [dreg:s7], $0x5FFFF;
	_ =	strace $0x90000049  }
0xb8: {  	s29 =	simm.s32 $0x9;
	_ =	strace $0x8000004B  }
0xb9: {  	_ =	swait.ge [sflag:s29], $0x1  }
0xba: {  	[sflag:s29] =	ssyncadd.s32 $0xFFFFFFFF  }
0xbb: {  	_ =	strace $0x9000004B  }
0xbc: {  	_ =	sfence  }
0xbd: {  	s30 =	sld [smem:$0x0];
	_ =	sdelay $0x2  }
0xbe: {  	s31 =	sshll.u32 s1, $0xD;
	s1 =	sshrl.u32 s1, $0x2  }
0xbf: {  	s3 =	sand.u32 $0x4000, s31;
	s1 =	sadd.s32 s1, s30  }
0xc0: {  	s0 =	sor.u32 s3, s0;
	s1 =	sshll.u32 s1, $0x11  }
0xc1: {  	s0 =	sor.u32 s1, s0  }
0xc2: {  	s0 =	sadd.s32 $0x8F2B, s0  }
0xc3: {  	[sflag:s0] =	ssyncadd.remote.s32 $0x1  }
0xc4: {  	_ =	sfence.sel $0xFFFF  }
0xc5: {  	[dreg:$0x0] =	wrdreg $0xFFFFFFFF;
	(pc) =	sbr.abs _section_cstart, $3  }
0xc6: {  	[dreg:$0x1] =	wrdreg $0xFFFFFFFF  }
0xc7: {  	_ =	task.clear_ibuf [dreg:s7], $0x2FFFF;
	_ =	strace $0x9FFFFFFF  }
0xc8: {  	(tm) =	ssettm $0x7FFFFFFF  }
0xc9: {  	_ =	shalt  }
tec
execute0_lowered:
.L_overlay_start_1:
0x0: {  	(tag) =	ssettag $0x1  }
0x1: {  	s0 =	srdreg.scid;
	s1 =	rddreg [dreg:$0x0]  }
0x2: {  	s2 =	stileid.u32;
	s4 =	rddreg [dreg:$0x1];
	s7 =	simm.s32 $0x5  }
0x3: {  	s28 =	simm.s32 $0x3100;
	s29 =	simm.s32 $0x3900;
	s30 =	simm.s32 $0x4900  }
0x4: {  	s31 =	simm.s32 $0x5100;
	s10 =	simm.s32 $0x6900;
	s11 =	simm.s32 $0x7100  }
0x5: {  	s12 =	simm.s32 $0x7900;
	s14 =	simm.s32 $0x9100;
	s0 =	sand.u32 $0x1, s0  }
0x6: {  	s15 =	simm.s32 $0x9900;
	s2 =	sshll.u32 s2, $0x9;
	s3 =	sshll.u32 s0, $0x8  }
0x7: {  	s16 =	simm.s32 $0xA100;
	s17 =	simm.s32 $0xA900;
	s3 =	sor.u32 s3, s2  }
0x8: {  	s2 =	simm.s32 $0x0;
	s5 =	sshrl.u32 s3, $0x3;
	s3 =	sshll.u32 s3, $0x6  }
0x9: {  	[smem:$0x7FF] =	sst s2;
	s5 =	sadd.s32 s5, s1;
	s3 =	sadd.s32 s4, s3  }
0xa: {  	_ =	strace $0x8000004A;
	s5 =	sadd.s32 $0xE1200, s5;
	[dreg:$0xb] =	wrdreg s3  }
0xb: {  	s18 =	simm.s32 $0xB100;
	s4 =	sadd.s32 $0x800, s3;
	[dreg:$0x3] =	wrdreg s5  }
0xc: {  	s19 =	simm.s32 $0xB900;
	s21 =	sadd.s32 $0x1000, s3;
	[dreg:$0x4] =	wrdreg s4  }
0xd: {  	s20 =	simm.s32 $0xC100;
	s22 =	sadd.s32 $0x1800, s3;
	[dreg:$0x5] =	wrdreg s21  }
0xe: {  	s0 =	ssub.s32 $0x2, s0;
	s23 =	sadd.s32 $0x2000, s3;
	[dreg:$0x6] =	wrdreg s22  }
0xf: {  	s6 =	sshrl.u32 s0, $0x1;
	s24 =	sadd.s32 $0x2800, s3;
	[dreg:$0x7] =	wrdreg s23  }
0x10: {  	s0 =	ssub.s32 s0, s6;
	s25 =	sadd.s32 $0x3000, s3;
	[dreg:$0x8] =	wrdreg s24  }
0x11: {  	s13 =	smax.u32 s0, $0x1;
	s26 =	sadd.s32 $0x3800, s3;
	[dreg:$0x9] =	wrdreg s25  }
0x12: {  	v2 =	vlaneseq.u32;
	s4 =	sadd.s32 $0xE00, s1;
	s5 =	sadd.s32 $0xF00, s1;
	[dreg:$0xa] =	wrdreg s26  }
0x13: {  	vm0 =	vmmov $0xffff;
	v1 =	vshrl.u32 v2, $0x3;
	s22 =	simm.s32 $0x1100;
	s23 =	simm.s32 $0x1900;
	s25 =	simm.s32 $0x2100  }
0x14: {  	v0 =	vand.u32 $0x7, v2;
	v2 =	vor.u32 $0x8, v2;
	v1 =	vmul.u32 $0x8, v1;
	s26 =	simm.s32 $0x2900;
	s24 =	simm.s32 $0x4100;
	s1 =	simm.s32 $0x8100  }
.LBB2_1:
0x15: {  	s21 =	rddreg [dreg:$0x3]  }
0x16: {  	[tilespmem:s2], [sflag:$0x5] =	stream.linear.gather [hbm4b:s21+s2], $0x100, $0x38;
	[tilespmem:$0x10100] =	vst v63  }
0x17: {  	_ =	swait.ge [sflag:s7], $0x100  }
0x18: {  	[sflag:s7] =	ssyncset.done $0x0  }
0x19: {  	[sflag:s7] =	ssyncadd.s32 $0xFFFFFF00  }
0x1a: {  	v3 =	vld [tilespmem:$0x0]  }
0x1b: {  	v4 =	vld [tilespmem:$0x10]  }
0x1c: {  	v5 =	vld [tilespmem:$0x20]  }
0x1d: {  	v6 =	vld [tilespmem:$0x30]  }
0x1e: {  	v7 =	vld [tilespmem:$0x40]  }
0x1f: {  	v8 =	vld [tilespmem:$0x50];
	vm1 =	vgt.s32 v3, $0x0  }
0x20: {  	v9 =	vld [tilespmem:$0x60];
	v3 =	vnsel vm1, $0x0, v3;
	vm1 =	vgt.s32 v4, $0x0  }
0x21: {  	v10 =	vld [tilespmem:$0x70];
	v3 =	vmin.u32 v3, $0x27FF;
	v4 =	vnsel vm1, $0x0, v4;
	vm1 =	vgt.s32 v5, $0x0  }
0x22: {  	v11 =	vld [tilespmem:$0x80];
	v4 =	vmin.u32 v4, $0x27FF;
	v5 =	vnsel vm1, $0x0, v5;
	vm1 =	vgt.s32 v6, $0x0  }
0x23: {  	v36 =	vshll.u32 v3, $0x2;
	v6 =	vnsel vm1, $0x0, v6;
	vm1 =	vgt.s32 v7, $0x0  }
0x24: {  	v12 =	vld [tilespmem:$0x90];
	[tilespmem:$0x0] =	vst v3;
	v3 =	vand.u32 $0x7, v3;
	v7 =	vnsel vm1, $0x0, v7;
	vm1 =	vgt.s32 v8, $0x0  }
0x25: {  	v24 =	vld [tilespmem:$0xA0];
	v5 =	vmin.u32 v5, $0x27FF;
	[tilespmem:$0x10] =	vst v4;
	v23 =	vnsel vm1, $0x0, v8;
	vm1 =	vgt.s32 v9, $0x0  }
0x26: {  	v27 =	vld [tilespmem:$0xB0];
	v6 =	vmin.u32 v6, $0x27FF;
	[tilespmem:$0x20] =	vst v5;
	v26 =	vnsel vm1, $0x0, v9;
	vm1 =	vgt.s32 v10, $0x0  }
0x27: {  	v30 =	vld [tilespmem:$0xC0];
	v22 =	vmin.u32 v7, $0x27FF;
	[tilespmem:$0x30] =	vst v6;
	v29 =	vnsel vm1, $0x0, v10;
	vm1 =	vgt.s32 v11, $0x0  }
0x28: {  	v25 =	vmin.u32 v23, $0x27FF;
	[tilespmem:$0x40] =	vst v22;
	v28 =	vmin.u32 v26, $0x27FF;
	v32 =	vnsel vm1, $0x0, v11  }
0x29: {  	v35 =	vld [tilespmem:$0xD0];
	[tilespmem:$0x50] =	vst v25;
	v31 =	vmin.u32 v29, $0x27FF;
	vm1 =	vgt.s32 v12, $0x0;
	v33 =	vmin.u32 v32, $0x27FF  }
0x2a: {  	v37 =	vld [tilespmem:$0xE0];
	[tilespmem:$0x60] =	vst v28;
	v34 =	vnsel vm1, $0x0, v12;
	vm1 =	vgt.s32 v24, $0x0;
	v12 =	vand.u32 $0xFFE0, v36  }
0x2b: {  	v39 =	vld [tilespmem:$0xF0];
	[tilespmem:$0x70] =	vst v31;
	v38 =	vnsel vm1, $0x0, v24;
	vm1 =	vgt.s32 v27, $0x0;
	v3 =	vor.u32 v3, v12  }
0x2c: {  	[tilespmem:$0x80] =	vst v33;
	v40 =	vmin.u32 v34, $0x27FF;
	v41 =	vnsel vm1, $0x0, v27;
	vm1 =	vgt.s32 v30, $0x0  }
0x2d: {  	[tilespmem:$0x90] =	vst v40;
	v4 =	vmin.u32 v38, $0x27FF;
	v43 =	vperm.xlane v3, v0;
	v42 =	vnsel vm1, $0x0, v30  }
0x2e: {  	[tilespmem:$0xA0] =	vst v4;
	v44 =	vmin.u32 v41, $0x27FF;
	vm1 =	vgt.s32 v35, $0x0;
	v5 =	vmin.u32 v42, $0x27FF  }
0x2f: {  	[tilespmem:$0xB0] =	vst v44;
	v45 =	vnsel vm1, $0x0, v35;
	vm1 =	vgt.s32 v37, $0x0;
	v46 =	vadd.s32 v1, v43  }
0x30: {  	[tilespmem:$0xC0] =	vst v5;
	v4 =	vmin.u32 v45, $0x27FF;
	v47 =	vnsel vm1, $0x0, v37;
	vm1 =	vgt.s32 v39, $0x0  }
0x31: {  	v3 =	vperm.xlane v3, v2;
	[tilespmem:$0xD0] =	vst v4;
	v48 =	vnsel vm1, $0x0, v39;
	v5 =	vmin.u32 v47, $0x27FF  }
0x32: {  	[tilespmem:$0xE0] =	vst v5;
	v4 =	vmin.u32 v48, $0x27FF  }
0x33: {  	s0 =	simm.s32 $0x100;
	v3 =	vadd.s32 v1, v3;
	[tilespmem:$0xF0] =	vst v4  }
0x34: {  	[tilespmem:s0], [sflag:$0x1] =	stream.indirect_vreg.gather [hbm4b:s4+s2], $0x80, v46, vm0, $0xb8;
	[tilespmem:$0x10100] =	vst v63  }
0x35: {  	s21 =	simm.s32 $0x900  }
0x36: {  	[tilespmem:s21], [sflag:$0x1] =	stream.indirect_vreg.gather [hbm4b:s5+s2], $0x80, v46, vm0, $0xb8;
	[tilespmem:$0x10100] =	vst v63  }
0x37: {  	_ = 	snop  }
0x38: {  	[tilespmem:s22], [sflag:$0x1] =	stream.indirect_vreg.gather [hbm4b:s4+s2], $0x80, v3, vm0, $0xb8;
	[tilespmem:$0x10100] =	vst v63  }
0x39: {  	_ = 	snop  }
0x3a: {  	[tilespmem:s23], [sflag:$0x1] =	stream.indirect_vreg.gather [hbm4b:s5+s2], $0x80, v3, vm0, $0xb8;
	[tilespmem:$0x10100] =	vst v63  }
0x3b: {  	v3 =	vld [tilespmem:$0x10];
	_ =	sdelay $0x4  }
0x3c: {  	v49 =	vshll.u32 v3, $0x2  }
0x3d: {  	v3 =	vand.u32 $0x7, v3;
	v4 =	vand.u32 $0xFFFFFFE0, v49  }
0x3e: {  	v3 =	vor.u32 v3, v4  }
0x3f: {  	v4 =	vperm.xlane v3, v0;
	_ =	sdelay $0x1  }
0x40: {  	v4 =	vadd.s32 v1, v4;
	_ =	sdelay $0x1  }
0x41: {  	v3 =	vperm.xlane v3, v2;
	_ =	sdelay $0x1  }
0x42: {  	v3 =	vadd.s32 v1, v3  }
0x43: {  	[tilespmem:s25], [sflag:$0x1] =	stream.indirect_vreg.gather [hbm4b:s4+s2], $0x80, v4, vm0, $0xb8;
	[tilespmem:$0x10100] =	vst v63  }
0x44: {  	_ = 	snop  }
0x45: {  	[tilespmem:s26], [sflag:$0x1] =	stream.indirect_vreg.gather [hbm4b:s5+s2], $0x80, v4, vm0, $0xb8;
	[tilespmem:$0x10100] =	vst v63  }
0x46: {  	_ = 	snop  }
0x47: {  	[tilespmem:s28], [sflag:$0x1] =	stream.indirect_vreg.gather [hbm4b:s4+s2], $0x80, v3, vm0, $0xb8;
	[tilespmem:$0x10100] =	vst v63  }
0x48: {  	_ = 	snop  }
0x49: {  	[tilespmem:s29], [sflag:$0x1] =	stream.indirect_vreg.gather [hbm4b:s5+s2], $0x80, v3, vm0, $0xb8;
	[tilespmem:$0x10100] =	vst v63  }
0x4a: {  	v3 =	vld [tilespmem:$0x20];
	_ =	sdelay $0x4  }
0x4b: {  	v50 =	vshll.u32 v3, $0x2  }
0x4c: {  	v3 =	vand.u32 $0x7, v3;
	v4 =	vand.u32 $0xFFFFFFE0, v50  }
0x4d: {  	v3 =	vor.u32 v3, v4  }
0x4e: {  	v4 =	vperm.xlane v3, v0;
	_ =	sdelay $0x1  }
0x4f: {  	v4 =	vadd.s32 v1, v4;
	_ =	sdelay $0x1  }
0x50: {  	v3 =	vperm.xlane v3, v2;
	_ =	sdelay $0x1  }
0x51: {  	v3 =	vadd.s32 v1, v3  }
0x52: {  	[tilespmem:s24], [sflag:$0x2] =	stream.indirect_vreg.gather [hbm4b:s4+s2], $0x80, v4, vm0, $0xb8;
	[tilespmem:$0x10100] =	vst v63  }
0x53: {  	_ = 	snop  }
0x54: {  	[tilespmem:s30], [sflag:$0x2] =	stream.indirect_vreg.gather [hbm4b:s5+s2], $0x80, v4, vm0, $0xb8;
	[tilespmem:$0x10100] =	vst v63  }
0x55: {  	_ = 	snop  }
0x56: {  	[tilespmem:s31], [sflag:$0x2] =	stream.indirect_vreg.gather [hbm4b:s4+s2], $0x80, v3, vm0, $0xb8;
	[tilespmem:$0x10100] =	vst v63  }
0x57: {  	s3 =	simm.s32 $0x5900  }
0x58: {  	[tilespmem:s3], [sflag:$0x2] =	stream.indirect_vreg.gather [hbm4b:s5+s2], $0x80, v3, vm0, $0xb8;
	[tilespmem:$0x10100] =	vst v63  }
0x59: {  	v3 =	vld [tilespmem:$0x30];
	_ =	sdelay $0x4  }
0x5a: {  	v51 =	vshll.u32 v3, $0x2  }
0x5b: {  	v3 =	vand.u32 $0x7, v3;
	v4 =	vand.u32 $0xFFFFFFE0, v51  }
0x5c: {  	v3 =	vor.u32 v3, v4  }
0x5d: {  	v4 =	vperm.xlane v3, v0;
	_ =	sdelay $0x1  }
0x5e: {  	v4 =	vadd.s32 v1, v4;
	_ =	sdelay $0x1  }
0x5f: {  	v3 =	vperm.xlane v3, v2;
	_ =	sdelay $0x1  }
0x60: {  	s9 =	simm.s32 $0x6100;
	v3 =	vadd.s32 v1, v3  }
0x61: {  	[tilespmem:s9], [sflag:$0x2] =	stream.indirect_vreg.gather [hbm4b:s4+s2], $0x80, v4, vm0, $0xb8;
	[tilespmem:$0x10100] =	vst v63  }
0x62: {  	_ = 	snop  }
0x63: {  	[tilespmem:s10], [sflag:$0x2] =	stream.indirect_vreg.gather [hbm4b:s5+s2], $0x80, v4, vm0, $0xb8;
	[tilespmem:$0x10100] =	vst v63  }
0x64: {  	_ = 	snop  }
0x65: {  	[tilespmem:s11], [sflag:$0x2] =	stream.indirect_vreg.gather [hbm4b:s4+s2], $0x80, v3, vm0, $0xb8;
	[tilespmem:$0x10100] =	vst v63  }
0x66: {  	_ = 	snop  }
0x67: {  	[tilespmem:s12], [sflag:$0x2] =	stream.indirect_vreg.gather [hbm4b:s5+s2], $0x80, v3, vm0, $0xb8;
	[tilespmem:$0x10100] =	vst v63  }
0x68: {  	v3 =	vld [tilespmem:$0x40];
	_ =	sdelay $0x4  }
0x69: {  	v52 =	vshll.u32 v3, $0x2  }
0x6a: {  	v3 =	vand.u32 $0x7, v3;
	v4 =	vand.u32 $0xFFFFFFE0, v52  }
0x6b: {  	v3 =	vor.u32 v3, v4  }
0x6c: {  	v4 =	vperm.xlane v3, v0;
	_ =	sdelay $0x1  }
0x6d: {  	v4 =	vadd.s32 v1, v4;
	_ =	sdelay $0x1  }
0x6e: {  	v3 =	vperm.xlane v3, v2;
	_ =	sdelay $0x1  }
0x6f: {  	v3 =	vadd.s32 v1, v3  }
0x70: {  	[tilespmem:s1], [sflag:$0x3] =	stream.indirect_vreg.gather [hbm4b:s4+s2], $0x80, v4, vm0, $0xb8;
	[tilespmem:$0x10100] =	vst v63  }
0x71: {  	s6 =	simm.s32 $0x8900  }
0x72: {  	[tilespmem:s6], [sflag:$0x3] =	stream.indirect_vreg.gather [hbm4b:s5+s2], $0x80, v4, vm0, $0xb8;
	[tilespmem:$0x10100] =	vst v63  }
0x73: {  	_ = 	snop  }
0x74: {  	[tilespmem:s14], [sflag:$0x3] =	stream.indirect_vreg.gather [hbm4b:s4+s2], $0x80, v3, vm0, $0xb8;
	[tilespmem:$0x10100] =	vst v63  }
0x75: {  	_ = 	snop  }
0x76: {  	[tilespmem:s15], [sflag:$0x3] =	stream.indirect_vreg.gather [hbm4b:s5+s2], $0x80, v3, vm0, $0xb8;
	[tilespmem:$0x10100] =	vst v63  }
0x77: {  	v3 =	vld [tilespmem:$0x50];
	_ =	sdelay $0x4  }
0x78: {  	v53 =	vshll.u32 v3, $0x2  }
0x79: {  	v3 =	vand.u32 $0x7, v3;
	v4 =	vand.u32 $0xFFFFFFE0, v53  }
0x7a: {  	v3 =	vor.u32 v3, v4  }
0x7b: {  	v4 =	vperm.xlane v3, v0;
	_ =	sdelay $0x1  }
0x7c: {  	v4 =	vadd.s32 v1, v4;
	_ =	sdelay $0x1  }
0x7d: {  	v3 =	vperm.xlane v3, v2;
	_ =	sdelay $0x1  }
0x7e: {  	v3 =	vadd.s32 v1, v3  }
0x7f: {  	[tilespmem:s16], [sflag:$0x3] =	stream.indirect_vreg.gather [hbm4b:s4+s2], $0x80, v4, vm0, $0xb8;
	[tilespmem:$0x10100] =	vst v63  }
0x80: {  	_ = 	snop  }
0x81: {  	[tilespmem:s17], [sflag:$0x3] =	stream.indirect_vreg.gather [hbm4b:s5+s2], $0x80, v4, vm0, $0xb8;
	[tilespmem:$0x10100] =	vst v63  }
0x82: {  	_ = 	snop  }
0x83: {  	[tilespmem:s18], [sflag:$0x3] =	stream.indirect_vreg.gather [hbm4b:s4+s2], $0x80, v3, vm0, $0xb8;
	[tilespmem:$0x10100] =	vst v63  }
0x84: {  	_ = 	snop  }
0x85: {  	[tilespmem:s19], [sflag:$0x3] =	stream.indirect_vreg.gather [hbm4b:s5+s2], $0x80, v3, vm0, $0xb8;
	[tilespmem:$0x10100] =	vst v63  }
0x86: {  	v3 =	vld [tilespmem:$0x60];
	_ =	sdelay $0x4  }
0x87: {  	v54 =	vshll.u32 v3, $0x2  }
0x88: {  	v3 =	vand.u32 $0x7, v3;
	v4 =	vand.u32 $0xFFFFFFE0, v54  }
0x89: {  	v3 =	vor.u32 v3, v4  }
0x8a: {  	v4 =	vperm.xlane v3, v0;
	_ =	sdelay $0x1  }
0x8b: {  	v4 =	vadd.s32 v1, v4;
	_ =	sdelay $0x1  }
0x8c: {  	v3 =	vperm.xlane v3, v2;
	_ =	sdelay $0x1  }
0x8d: {  	v3 =	vadd.s32 v1, v3  }
0x8e: {  	[tilespmem:s20], [sflag:$0x4] =	stream.indirect_vreg.gather [hbm4b:s4+s2], $0x80, v4, vm0, $0xb8;
	[tilespmem:$0x10100] =	vst v63  }
0x8f: {  	s8 =	simm.s32 $0xC900  }
0x90: {  	[tilespmem:s8], [sflag:$0x4] =	stream.indirect_vreg.gather [hbm4b:s5+s2], $0x80, v4, vm0, $0xb8;
	[tilespmem:$0x10100] =	vst v63  }
0x91: {  	s6 =	simm.s32 $0xD100  }
0x92: {  	[tilespmem:s6], [sflag:$0x4] =	stream.indirect_vreg.gather [hbm4b:s4+s2], $0x80, v3, vm0, $0xb8;
	[tilespmem:$0x10100] =	vst v63  }
0x93: {  	s8 =	simm.s32 $0xD900  }
0x94: {  	[tilespmem:s8], [sflag:$0x4] =	stream.indirect_vreg.gather [hbm4b:s5+s2], $0x80, v3, vm0, $0xb8;
	[tilespmem:$0x10100] =	vst v63  }
0x95: {  	v3 =	vld [tilespmem:$0x70];
	_ =	sdelay $0x4  }
0x96: {  	v55 =	vshll.u32 v3, $0x2  }
0x97: {  	v3 =	vand.u32 $0x7, v3;
	v4 =	vand.u32 $0xFFFFFFE0, v55  }
0x98: {  	v3 =	vor.u32 v3, v4  }
0x99: {  	v4 =	vperm.xlane v3, v0;
	_ =	sdelay $0x1  }
0x9a: {  	v4 =	vadd.s32 v1, v4;
	_ =	sdelay $0x1  }
0x9b: {  	v3 =	vperm.xlane v3, v2;
	_ =	sdelay $0x1  }
0x9c: {  	s6 =	simm.s32 $0xE100;
	v3 =	vadd.s32 v1, v3  }
0x9d: {  	[tilespmem:s6], [sflag:$0x4] =	stream.indirect_vreg.gather [hbm4b:s4+s2], $0x80, v4, vm0, $0xb8;
	[tilespmem:$0x10100] =	vst v63  }
0x9e: {  	s8 =	simm.s32 $0xE900  }
0x9f: {  	[tilespmem:s8], [sflag:$0x4] =	stream.indirect_vreg.gather [hbm4b:s5+s2], $0x80, v4, vm0, $0xb8;
	[tilespmem:$0x10100] =	vst v63  }
0xa0: {  	s6 =	simm.s32 $0xF100  }
0xa1: {  	[tilespmem:s6], [sflag:$0x4] =	stream.indirect_vreg.gather [hbm4b:s4+s2], $0x80, v3, vm0, $0xb8;
	[tilespmem:$0x10100] =	vst v63  }
0xa2: {  	s0 =	simm.s32 $0x1;
	s8 =	simm.s32 $0xF900  }
0xa3: {  	[tilespmem:s8], [sflag:$0x4] =	stream.indirect_vreg.gather [hbm4b:s5+s2], $0x80, v3, vm0, $0xb8;
	[tilespmem:$0x10100] =	vst v63  }
0xa4: {  	_ =	swait.ge [sflag:s0], $0x4000  }
0xa5: {  	[sflag:s0] =	ssyncset.done $0x0  }
0xa6: {  	s6 =	simm.s32 $0x100;
	s8 =	rddreg [dreg:$0xb];
	[sflag:s0] =	ssyncadd.s32 $0xFFFFC000  }
0xa7: {  	[hbm4b:s8+s2] =	stream.linear.scatter [tilespmem:s6], [sflag:$0x5], $0x4000, $0x38;
	[tilespmem:$0x10100] =	vst v63  }
0xa8: {  	_ =	swait.ge [sflag:s7], $0x4000  }
0xa9: {  	[sflag:s7] =	ssyncset.done $0x0  }
0xaa: {  	[sflag:s7] =	ssyncadd.s32 $0xFFFFC000  }
0xab: {  	v3 =	vld [tilespmem:$0x80];
	_ =	sdelay $0x4  }
0xac: {  	v56 =	vshll.u32 v3, $0x2  }
0xad: {  	v3 =	vand.u32 $0x7, v3;
	v4 =	vand.u32 $0xFFFFFFE0, v56  }
0xae: {  	v3 =	vor.u32 v3, v4  }
0xaf: {  	v4 =	vperm.xlane v3, v0;
	_ =	sdelay $0x1  }
0xb0: {  	v4 =	vadd.s32 v1, v4;
	_ =	sdelay $0x1  }
0xb1: {  	v3 =	vperm.xlane v3, v2;
	_ =	sdelay $0x1  }
0xb2: {  	v3 =	vadd.s32 v1, v3  }
0xb3: {  	[tilespmem:s6], [sflag:$0x1] =	stream.indirect_vreg.gather [hbm4b:s4+s2], $0x80, v4, vm0, $0xb8;
	[tilespmem:$0x10100] =	vst v63  }
0xb4: {  	_ = 	snop  }
0xb5: {  	[tilespmem:s21], [sflag:$0x1] =	stream.indirect_vreg.gather [hbm4b:s5+s2], $0x80, v4, vm0, $0xb8;
	[tilespmem:$0x10100] =	vst v63  }
0xb6: {  	_ = 	snop  }
0xb7: {  	[tilespmem:s22], [sflag:$0x1] =	stream.indirect_vreg.gather [hbm4b:s4+s2], $0x80, v3, vm0, $0xb8;
	[tilespmem:$0x10100] =	vst v63  }
0xb8: {  	_ = 	snop  }
0xb9: {  	[tilespmem:s23], [sflag:$0x1] =	stream.indirect_vreg.gather [hbm4b:s5+s2], $0x80, v3, vm0, $0xb8;
	[tilespmem:$0x10100] =	vst v63  }
0xba: {  	v3 =	vld [tilespmem:$0x90];
	_ =	sdelay $0x4  }
0xbb: {  	v57 =	vshll.u32 v3, $0x2  }
0xbc: {  	v3 =	vand.u32 $0x7, v3;
	v4 =	vand.u32 $0xFFFFFFE0, v57  }
0xbd: {  	v3 =	vor.u32 v3, v4  }
0xbe: {  	v4 =	vperm.xlane v3, v0;
	_ =	sdelay $0x1  }
0xbf: {  	v4 =	vadd.s32 v1, v4;
	_ =	sdelay $0x1  }
0xc0: {  	v3 =	vperm.xlane v3, v2;
	_ =	sdelay $0x1  }
0xc1: {  	v3 =	vadd.s32 v1, v3  }
0xc2: {  	[tilespmem:s25], [sflag:$0x1] =	stream.indirect_vreg.gather [hbm4b:s4+s2], $0x80, v4, vm0, $0xb8;
	[tilespmem:$0x10100] =	vst v63  }
0xc3: {  	_ = 	snop  }
0xc4: {  	[tilespmem:s26], [sflag:$0x1] =	stream.indirect_vreg.gather [hbm4b:s5+s2], $0x80, v4, vm0, $0xb8;
	[tilespmem:$0x10100] =	vst v63  }
0xc5: {  	_ = 	snop  }
0xc6: {  	[tilespmem:s28], [sflag:$0x1] =	stream.indirect_vreg.gather [hbm4b:s4+s2], $0x80, v3, vm0, $0xb8;
	[tilespmem:$0x10100] =	vst v63  }
0xc7: {  	s8 =	simm.s32 $0x2  }
0xc8: {  	[tilespmem:s29], [sflag:$0x1] =	stream.indirect_vreg.gather [hbm4b:s5+s2], $0x80, v3, vm0, $0xb8;
	[tilespmem:$0x10100] =	vst v63  }
0xc9: {  	_ =	swait.ge [sflag:s8], $0x4000  }
0xca: {  	[sflag:s8] =	ssyncset.done $0x0  }
0xcb: {  	s6 =	rddreg [dreg:$0x4];
	[sflag:s8] =	ssyncadd.s32 $0xFFFFC000  }
0xcc: {  	[hbm4b:s6+s2] =	stream.linear.scatter [tilespmem:s24], [sflag:$0x5], $0x4000, $0x38;
	[tilespmem:$0x10100] =	vst v63  }
0xcd: {  	_ =	swait.ge [sflag:s7], $0x4000  }
0xce: {  	[sflag:s7] =	ssyncset.done $0x0  }
0xcf: {  	[sflag:s7] =	ssyncadd.s32 $0xFFFFC000  }
0xd0: {  	v3 =	vld [tilespmem:$0xA0];
	_ =	sdelay $0x4  }
0xd1: {  	v58 =	vshll.u32 v3, $0x2  }
0xd2: {  	v3 =	vand.u32 $0x7, v3;
	v4 =	vand.u32 $0xFFFFFFE0, v58  }
0xd3: {  	v3 =	vor.u32 v3, v4  }
0xd4: {  	v4 =	vperm.xlane v3, v0;
	_ =	sdelay $0x1  }
0xd5: {  	v4 =	vadd.s32 v1, v4;
	_ =	sdelay $0x1  }
0xd6: {  	v3 =	vperm.xlane v3, v2;
	_ =	sdelay $0x1  }
0xd7: {  	v3 =	vadd.s32 v1, v3  }
0xd8: {  	[tilespmem:s24], [sflag:$0x2] =	stream.indirect_vreg.gather [hbm4b:s4+s2], $0x80, v4, vm0, $0xb8;
	[tilespmem:$0x10100] =	vst v63  }
0xd9: {  	_ = 	snop  }
0xda: {  	[tilespmem:s30], [sflag:$0x2] =	stream.indirect_vreg.gather [hbm4b:s5+s2], $0x80, v4, vm0, $0xb8;
	[tilespmem:$0x10100] =	vst v63  }
0xdb: {  	_ = 	snop  }
0xdc: {  	[tilespmem:s31], [sflag:$0x2] =	stream.indirect_vreg.gather [hbm4b:s4+s2], $0x80, v3, vm0, $0xb8;
	[tilespmem:$0x10100] =	vst v63  }
0xdd: {  	_ = 	snop  }
0xde: {  	[tilespmem:s3], [sflag:$0x2] =	stream.indirect_vreg.gather [hbm4b:s5+s2], $0x80, v3, vm0, $0xb8;
	[tilespmem:$0x10100] =	vst v63  }
0xdf: {  	v3 =	vld [tilespmem:$0xB0];
	_ =	sdelay $0x4  }
0xe0: {  	v59 =	vshll.u32 v3, $0x2  }
0xe1: {  	v3 =	vand.u32 $0x7, v3;
	v4 =	vand.u32 $0xFFFFFFE0, v59  }
0xe2: {  	v3 =	vor.u32 v3, v4  }
0xe3: {  	v4 =	vperm.xlane v3, v0;
	_ =	sdelay $0x1  }
0xe4: {  	v4 =	vadd.s32 v1, v4;
	_ =	sdelay $0x1  }
0xe5: {  	v3 =	vperm.xlane v3, v2;
	_ =	sdelay $0x1  }
0xe6: {  	v3 =	vadd.s32 v1, v3  }
0xe7: {  	[tilespmem:s9], [sflag:$0x2] =	stream.indirect_vreg.gather [hbm4b:s4+s2], $0x80, v4, vm0, $0xb8;
	[tilespmem:$0x10100] =	vst v63  }
0xe8: {  	_ = 	snop  }
0xe9: {  	[tilespmem:s10], [sflag:$0x2] =	stream.indirect_vreg.gather [hbm4b:s5+s2], $0x80, v4, vm0, $0xb8;
	[tilespmem:$0x10100] =	vst v63  }
0xea: {  	_ = 	snop  }
0xeb: {  	[tilespmem:s11], [sflag:$0x2] =	stream.indirect_vreg.gather [hbm4b:s4+s2], $0x80, v3, vm0, $0xb8;
	[tilespmem:$0x10100] =	vst v63  }
0xec: {  	s3 =	simm.s32 $0x3  }
0xed: {  	[tilespmem:s12], [sflag:$0x2] =	stream.indirect_vreg.gather [hbm4b:s5+s2], $0x80, v3, vm0, $0xb8;
	[tilespmem:$0x10100] =	vst v63  }
0xee: {  	_ =	swait.ge [sflag:s3], $0x4000  }
0xef: {  	[sflag:s3] =	ssyncset.done $0x0  }
0xf0: {  	s9 =	rddreg [dreg:$0x5];
	[sflag:s3] =	ssyncadd.s32 $0xFFFFC000  }
0xf1: {  	[hbm4b:s9+s2] =	stream.linear.scatter [tilespmem:s1], [sflag:$0x5], $0x4000, $0x38;
	[tilespmem:$0x10100] =	vst v63  }
0xf2: {  	_ =	swait.ge [sflag:s7], $0x4000  }
0xf3: {  	[sflag:s7] =	ssyncset.done $0x0  }
0xf4: {  	[sflag:s7] =	ssyncadd.s32 $0xFFFFC000  }
0xf5: {  	v3 =	vld [tilespmem:$0xC0];
	_ =	sdelay $0x4  }
0xf6: {  	v60 =	vshll.u32 v3, $0x2  }
0xf7: {  	v3 =	vand.u32 $0x7, v3;
	v4 =	vand.u32 $0xFFFFFFE0, v60  }
0xf8: {  	v3 =	vor.u32 v3, v4  }
0xf9: {  	v4 =	vperm.xlane v3, v0;
	_ =	sdelay $0x1  }
0xfa: {  	v4 =	vadd.s32 v1, v4;
	_ =	sdelay $0x1  }
0xfb: {  	v3 =	vperm.xlane v3, v2;
	_ =	sdelay $0x1  }
0xfc: {  	v3 =	vadd.s32 v1, v3  }
0xfd: {  	[tilespmem:s1], [sflag:$0x3] =	stream.indirect_vreg.gather [hbm4b:s4+s2], $0x80, v4, vm0, $0xb8;
	[tilespmem:$0x10100] =	vst v63  }
0xfe: {  	s21 =	simm.s32 $0x8900  }
0xff: {  	[tilespmem:s21], [sflag:$0x3] =	stream.indirect_vreg.gather [hbm4b:s5+s2], $0x80, v4, vm0, $0xb8;
	[tilespmem:$0x10100] =	vst v63  }
0x100: {  	_ = 	snop  }
0x101: {  	[tilespmem:s14], [sflag:$0x3] =	stream.indirect_vreg.gather [hbm4b:s4+s2], $0x80, v3, vm0, $0xb8;
	[tilespmem:$0x10100] =	vst v63  }
0x102: {  	_ = 	snop  }
0x103: {  	[tilespmem:s15], [sflag:$0x3] =	stream.indirect_vreg.gather [hbm4b:s5+s2], $0x80, v3, vm0, $0xb8;
	[tilespmem:$0x10100] =	vst v63  }
0x104: {  	v3 =	vld [tilespmem:$0xD0];
	_ =	sdelay $0x4  }
0x105: {  	v61 =	vshll.u32 v3, $0x2  }
0x106: {  	v3 =	vand.u32 $0x7, v3;
	v4 =	vand.u32 $0xFFFFFFE0, v61  }
0x107: {  	v3 =	vor.u32 v3, v4  }
0x108: {  	v4 =	vperm.xlane v3, v0;
	_ =	sdelay $0x1  }
0x109: {  	v4 =	vadd.s32 v1, v4;
	_ =	sdelay $0x1  }
0x10a: {  	v3 =	vperm.xlane v3, v2;
	_ =	sdelay $0x1  }
0x10b: {  	v3 =	vadd.s32 v1, v3  }
0x10c: {  	[tilespmem:s16], [sflag:$0x3] =	stream.indirect_vreg.gather [hbm4b:s4+s2], $0x80, v4, vm0, $0xb8;
	[tilespmem:$0x10100] =	vst v63  }
0x10d: {  	_ = 	snop  }
0x10e: {  	[tilespmem:s17], [sflag:$0x3] =	stream.indirect_vreg.gather [hbm4b:s5+s2], $0x80, v4, vm0, $0xb8;
	[tilespmem:$0x10100] =	vst v63  }
0x10f: {  	_ = 	snop  }
0x110: {  	[tilespmem:s18], [sflag:$0x3] =	stream.indirect_vreg.gather [hbm4b:s4+s2], $0x80, v3, vm0, $0xb8;
	[tilespmem:$0x10100] =	vst v63  }
0x111: {  	s9 =	simm.s32 $0x4  }
0x112: {  	[tilespmem:s19], [sflag:$0x3] =	stream.indirect_vreg.gather [hbm4b:s5+s2], $0x80, v3, vm0, $0xb8;
	[tilespmem:$0x10100] =	vst v63  }
0x113: {  	_ =	swait.ge [sflag:s9], $0x4000  }
0x114: {  	[sflag:s9] =	ssyncset.done $0x0  }
0x115: {  	s6 =	rddreg [dreg:$0x6];
	[sflag:s9] =	ssyncadd.s32 $0xFFFFC000  }
0x116: {  	[hbm4b:s6+s2] =	stream.linear.scatter [tilespmem:s20], [sflag:$0x5], $0x4000, $0x38;
	[tilespmem:$0x10100] =	vst v63  }
0x117: {  	_ =	swait.ge [sflag:s7], $0x4000  }
0x118: {  	[sflag:s7] =	ssyncset.done $0x0  }
0x119: {  	[sflag:s7] =	ssyncadd.s32 $0xFFFFC000  }
0x11a: {  	v3 =	vld [tilespmem:$0xE0];
	_ =	sdelay $0x4  }
0x11b: {  	v62 =	vshll.u32 v3, $0x2  }
0x11c: {  	v3 =	vand.u32 $0x7, v3;
	v4 =	vand.u32 $0xFFFFFFE0, v62  }
0x11d: {  	v3 =	vor.u32 v3, v4  }
0x11e: {  	v4 =	vperm.xlane v3, v0;
	_ =	sdelay $0x1  }
0x11f: {  	v4 =	vadd.s32 v1, v4;
	_ =	sdelay $0x1  }
0x120: {  	v3 =	vperm.xlane v3, v2;
	_ =	sdelay $0x1  }
0x121: {  	v3 =	vadd.s32 v1, v3  }
0x122: {  	[tilespmem:s20], [sflag:$0x4] =	stream.indirect_vreg.gather [hbm4b:s4+s2], $0x80, v4, vm0, $0xb8;
	[tilespmem:$0x10100] =	vst v63  }
0x123: {  	s21 =	simm.s32 $0xC900  }
0x124: {  	[tilespmem:s21], [sflag:$0x4] =	stream.indirect_vreg.gather [hbm4b:s5+s2], $0x80, v4, vm0, $0xb8;
	[tilespmem:$0x10100] =	vst v63  }
0x125: {  	s21 =	simm.s32 $0xD100  }
0x126: {  	[tilespmem:s21], [sflag:$0x4] =	stream.indirect_vreg.gather [hbm4b:s4+s2], $0x80, v3, vm0, $0xb8;
	[tilespmem:$0x10100] =	vst v63  }
0x127: {  	s21 =	simm.s32 $0xD900  }
0x128: {  	[tilespmem:s21], [sflag:$0x4] =	stream.indirect_vreg.gather [hbm4b:s5+s2], $0x80, v3, vm0, $0xb8;
	[tilespmem:$0x10100] =	vst v63  }
0x129: {  	v3 =	vld [tilespmem:$0xF0];
	_ =	sdelay $0x4  }
0x12a: {  	v63 =	vshll.u32 v3, $0x2  }
0x12b: {  	v3 =	vand.u32 $0x7, v3;
	v4 =	vand.u32 $0xFFFFFFE0, v63  }
0x12c: {  	v3 =	vor.u32 v3, v4  }
0x12d: {  	v4 =	vperm.xlane v3, v0;
	_ =	sdelay $0x1  }
0x12e: {  	v4 =	vadd.s32 v1, v4;
	_ =	sdelay $0x1  }
0x12f: {  	v3 =	vperm.xlane v3, v2;
	_ =	sdelay $0x1  }
0x130: {  	s21 =	simm.s32 $0xE100;
	v3 =	vadd.s32 v1, v3  }
0x131: {  	[tilespmem:s21], [sflag:$0x4] =	stream.indirect_vreg.gather [hbm4b:s4+s2], $0x80, v4, vm0, $0xb8;
	[tilespmem:$0x10100] =	vst v63  }
0x132: {  	s21 =	simm.s32 $0xE900  }
0x133: {  	[tilespmem:s21], [sflag:$0x4] =	stream.indirect_vreg.gather [hbm4b:s5+s2], $0x80, v4, vm0, $0xb8;
	[tilespmem:$0x10100] =	vst v63  }
0x134: {  	s21 =	simm.s32 $0xF100  }
0x135: {  	[tilespmem:s21], [sflag:$0x4] =	stream.indirect_vreg.gather [hbm4b:s4+s2], $0x80, v3, vm0, $0xb8;
	[tilespmem:$0x10100] =	vst v63  }
0x136: {  	s21 =	simm.s32 $0xF900  }
0x137: {  	[tilespmem:s21], [sflag:$0x4] =	stream.indirect_vreg.gather [hbm4b:s5+s2], $0x80, v3, vm0, $0xb8;
	[tilespmem:$0x10100] =	vst v63  }
0x138: {  	_ =	swait.ge [sflag:s0], $0x4000  }
0x139: {  	[sflag:s0] =	ssyncset.done $0x0  }
0x13a: {  	s6 =	simm.s32 $0x100;
	s21 =	rddreg [dreg:$0x7];
	[sflag:s0] =	ssyncadd.s32 $0xFFFFC000  }
0x13b: {  	[hbm4b:s21+s2] =	stream.linear.scatter [tilespmem:s6], [sflag:$0x5], $0x4000, $0x38;
	[tilespmem:$0x10100] =	vst v63  }
0x13c: {  	_ =	swait.ge [sflag:s7], $0x4000  }
0x13d: {  	[sflag:s7] =	ssyncset.done $0x0  }
0x13e: {  	[sflag:s7] =	ssyncadd.s32 $0xFFFFC000  }
0x13f: {  	_ =	swait.ge [sflag:s8], $0x4000  }
0x140: {  	[sflag:s8] =	ssyncset.done $0x0  }
0x141: {  	s0 =	rddreg [dreg:$0x8];
	[sflag:s8] =	ssyncadd.s32 $0xFFFFC000  }
0x142: {  	[hbm4b:s0+s2] =	stream.linear.scatter [tilespmem:s24], [sflag:$0x5], $0x4000, $0x38;
	[tilespmem:$0x10100] =	vst v63  }
0x143: {  	_ =	swait.ge [sflag:s7], $0x4000  }
0x144: {  	[sflag:s7] =	ssyncset.done $0x0  }
0x145: {  	[sflag:s7] =	ssyncadd.s32 $0xFFFFC000  }
0x146: {  	_ =	swait.ge [sflag:s3], $0x4000  }
0x147: {  	[sflag:s3] =	ssyncset.done $0x0  }
0x148: {  	s6 =	rddreg [dreg:$0x9];
	[sflag:s3] =	ssyncadd.s32 $0xFFFFC000  }
0x149: {  	[hbm4b:s6+s2] =	stream.linear.scatter [tilespmem:s1], [sflag:$0x5], $0x4000, $0x38;
	[tilespmem:$0x10100] =	vst v63  }
0x14a: {  	_ =	swait.ge [sflag:s7], $0x4000  }
0x14b: {  	[sflag:s7] =	ssyncset.done $0x0  }
0x14c: {  	[sflag:s7] =	ssyncadd.s32 $0xFFFFC000  }
0x14d: {  	_ =	swait.ge [sflag:s9], $0x4000  }
0x14e: {  	p0 =	sne.s32 s13, $0x1;
	[sflag:s9] =	ssyncset.done $0x0  }
.Ltmp0:
0x14f: {  	s8 =	rddreg [dreg:$0xa];
	[sflag:s9] =	ssyncadd.s32 $0xFFFFC000;
	(pc) =	sbr.rel @p0 .LBB2_1-.Ltmp0, $4  }
0x150: {  	[hbm4b:s8+s2] =	stream.linear.scatter [tilespmem:s20], [sflag:$0x5], $0x4000, $0x38;
	[tilespmem:$0x10100] =	vst v63  }
0x151: {  	_ =	swait.ge [sflag:s7], $0x4000  }
0x152: {  	[sflag:s7] =	ssyncset.done $0x0  }
0x153: {  	s13 =	sadd.s32 $0xFFFFFFFF, s13;
	[sflag:s7] =	ssyncadd.s32 $0xFFFFC000  }
0x154: {  	_ =	sfence.sel $0x180000  }
0x155: {  	[bflag:$0x0] =	sbarrier.arrive $0xFFFF  }
0x156: {  	_ =	strace $0x9000004A  }
0x157: {  	s0 =	stileid.u32;
	[bflag:$0x2] =	sbarrier.arrive $0xFFFF  }
0x158: {  	p0 =	sne.s32 s0, $0x0;
	s0 =	rddreg [dreg:$0x2]  }
0x159: {  	s0 =	sadd.s32 @!p0 $0x100000, s0  }
0x15a: {  	[sflag:s0] =	ssyncadd.tile.s32 @!p0 $0x1;
	_ =	shalt  }
.Lfunc_end2:
_tile_overlayer_lowered:
.L_overlay_start_2:
0x15b: {  	(tag) =	ssettag $0x2  }
0x15c: {  	s0 =	rddreg [dreg:$0x0];
	s2 =	stileid.u32  }
0x15d: {  	s1 =	rddreg [dreg:$0x1];
	p0 =	sne.s32 s2, $0x0  }
0x15e: {  	s3 =	rddreg [dreg:$0x2];
	[bflag:$0x3] =	sbarrier.arrive $0xFFFF;
	s2 =	simm.s32 @!p0 $0x1C05  }
0x15f: {  	[timem:s3], [sflag:s2] =	dma.local @!p0 [hbm:s0], s1  }
0x160: {  	s0 =	simm.s32 @!p0 $0x5  }
0x161: {  	_ =	swait.ge @!p0 [sflag:s0], s1  }
0x162: {  	s1 =	ssub.s32 @!p0 $0x0, s1;
	[sflag:s0] =	ssyncset.done @!p0 $0x0  }
0x163: {  	[sflag:s0] =	ssyncadd.s32 @!p0 s1  }
0x164: {  	[bflag:$0x3] =	sbarrier.arrive $0xFFFF  }
0x165: {  	_ =	shalt  }

// kernel: kernel.8.cloned.1.call-start
scs
__scs_entry_jumppad:
0x0: {  	(pc) =	sbr.rel $0x88, $3  }
0x1: {  	(tag) =	ssettag $0x0;
	lr =	simm.s32 $0x1  }
0x2: {  	[smem:$0x3F9B] =	sst lr;
	_ =	strace $0xD0000000  }
0x3: {  	_ = 	snop  }
0x4: {  	_ = 	snop  }
0x5: {  	_ = 	snop  }
0x6: {  	_ = 	snop  }
0x7: {  	_ = 	snop  }
__scs_overlays_trampoline_lowered:
0x8: {  	[smem:$0x3FAA] =	sst s0  }
0x9: {  	[smem:$0x3FAB] =	sst s1  }
0xa: {  	[smem:$0x3FAC] =	sst s2  }
0xb: {  	[smem:$0x3FAD] =	sst s3  }
0xc: {  	[smem:$0x3FAE] =	sst s4  }
0xd: {  	[smem:$0x3FAF] =	sst s5  }
0xe: {  	[smem:$0x3FB0] =	sst s6  }
0xf: {  	[smem:$0x3FB1] =	sst s7  }
0x10: {  	[smem:$0x3FB2] =	sst s8  }
0x11: {  	[smem:$0x3FB3] =	sst s9;
	s0 =	simm.s32 @!p0 $0x0  }
0x12: {  	s1 =	sld [smem:$0x3F99];
	s0 =	simm.s32 @p0 $0x1  }
0x13: {  	[smem:$0x3FB4] =	sst s0;
	s0 =	simm.s32 @!p1 $0x0  }
0x14: {  	s2 =	sld [smem:$0x3F98];
	s0 =	simm.s32 @p1 $0x1  }
0x15: {  	[smem:$0x3FB5] =	sst s0;
	s0 =	simm.s32 @!p2 $0x0  }
0x16: {  	s3 =	sld [smem:$0x3FDB];
	s0 =	simm.s32 @p2 $0x1  }
0x17: {  	s4 =	simm.s32 $0x1BF5;
	[smem:$0x3FB7] =	sst s0  }
0x18: {  	s0 =	sld [smem:$0x3F9A];
	_ =	swait.ge [sflag:s4], $0x0  }
0x19: {  	s7 =	sld [smem:$0x3F9B]  }
0x1a: {  	s8 =	sadd.s32 $0xFFFFE003, lr  }
0x1b: {  	s9 =	sadd.s32 $0xFFFFFEF7, lr;
	s5 =	simm.s32 $0xFFFFFFFF;
	p2 =	slt.u32 s8, $0xFFFFF086  }
0x1c: {  	p1 =	slt.u32 s9, $0xF7A;
	s5 =	simm.s32 @!p2 $0x0  }
0x1d: {  	s5 =	simm.s32 @p1 $0x1;
	p0 =	seq.s32 s7, s2  }
0x1e: {  	s7 =	smul.u32 @!p0 $0xF7A, s2;
	p2 =	seq.s32 @!p0 s5, $0x0  }
0x1f: {  	s9 =	smul.u32 $0xF7A, s1;
	s8 =	simm.s32 @!p0 $0x1BF5;
	p2 =	por !p2, p0  }
0x20: {  	[sflag:s8] =	ssyncset.s32 @!p0 $0xFFFFF086;
	s6 =	sadd.s32 @!p0 s3, s7;
	s7 =	simm.s32 @!p0 $0x108  }
0x21: {  	s3 =	sadd.s32 s3, s9;
	s6 =	sadd.s32 @!p0 $0x88, s6;
	s7 =	simm.s32 @p2 $0x1082  }
0x22: {  	[simem:s7], [sflag:s8] =	dma.local @!p0 [hbm:s6], $0xF7A  }
0x23: {  	s9 =	sor.u32 $0xD0000000, s2;
	s6 =	simm.s32 $0x108;
	_ =	swait.ge @!p0 [sflag:s8], $0x0  }
0x24: {  	s3 =	sadd.s32 $0x88, s3;
	s6 =	simm.s32 @!p1 $0x1082;
	[sflag:s4] =	ssyncset.s32 $0xFFFFF086  }
0x25: {  	[simem:s6], [sflag:s4] =	dma.local [hbm:s3], $0xF7A  }
0x26: {  	[smem:$0x3F9B] =	sst s1;
	(tag) =	ssettag s2;
	_ =	strace s9  }
0x27: {  	s1 =	sld [smem:$0x3FAB]  }
0x28: {  	s2 =	sld [smem:$0x3FAC]  }
0x29: {  	s4 =	sld [smem:$0x3FAE]  }
0x2a: {  	p0 =	seq.s32 s5, $0x0;
	s5 =	sld [smem:$0x3FAF]  }
0x2b: {  	s6 =	sld [smem:$0x3FB0]  }
0x2c: {  	s7 =	sld [smem:$0x3FB1]  }
0x2d: {  	s3 =	simm.s32 $0x108;
	s8 =	sld [smem:$0x3FB2]  }
0x2e: {  	s3 =	simm.s32 @!p0 $0x1082;
	s9 =	sld [smem:$0x3FB3]  }
0x2f: {  	lr =	sadd.s32 s0, s3;
	s0 =	sld [smem:$0x3FAA]  }
0x30: {  	s3 =	sld [smem:$0x3FAD]  }
0x31: {  	[smem:$0x3FB6] =	sst s10  }
0x32: {  	s10 =	sld [smem:$0x3FB4];
	_ =	sdelay $0x3  }
0x33: {  	p0 =	seq.s32 s10, $0x1;
	s10 =	sld [smem:$0x3FB6];
	_ =	sdelay $0x3  }
0x34: {  	[smem:$0x3FB6] =	sst s10  }
0x35: {  	s10 =	sld [smem:$0x3FB5];
	_ =	sdelay $0x3  }
0x36: {  	p1 =	seq.s32 s10, $0x1;
	s10 =	sld [smem:$0x3FB6];
	_ =	sdelay $0x3  }
0x37: {  	[smem:$0x3FB6] =	sst s10  }
0x38: {  	s10 =	sld [smem:$0x3FB7]  }
0x39: {  	_ = 	snop;
	(pc) =	sbr.ind lr, $3  }
0x3a: {  	_ = 	snop  }
0x3b: {  	_ = 	snop  }
0x3c: {  	p2 =	seq.s32 s10, $0x1;
	s10 =	sld [smem:$0x3FB6]  }
0x3d: {  	_ =	shalt  }
0x3e: {  	_ =	shalt  }
0x3f: {  	_ =	shalt  }
0x40: {  	_ =	shalt  }
0x41: {  	_ =	shalt  }
0x42: {  	_ =	shalt  }
0x43: {  	_ =	shalt  }
0x44: {  	_ =	shalt  }
0x45: {  	_ =	shalt  }
0x46: {  	_ =	shalt  }
0x47: {  	_ =	shalt  }
0x48: {  	_ =	shalt  }
0x49: {  	_ =	shalt  }
0x4a: {  	_ =	shalt  }
0x4b: {  	_ =	shalt  }
0x4c: {  	_ =	shalt  }
0x4d: {  	_ =	shalt  }
0x4e: {  	_ =	shalt  }
0x4f: {  	_ =	shalt  }
0x50: {  	_ =	shalt  }
0x51: {  	_ =	shalt  }
0x52: {  	_ =	shalt  }
0x53: {  	_ =	shalt  }
0x54: {  	_ =	shalt  }
0x55: {  	_ =	shalt  }
0x56: {  	_ =	shalt  }
0x57: {  	_ =	shalt  }
0x58: {  	_ =	shalt  }
0x59: {  	_ =	shalt  }
0x5a: {  	_ =	shalt  }
0x5b: {  	_ =	shalt  }
0x5c: {  	_ =	shalt  }
0x5d: {  	_ =	shalt  }
0x5e: {  	_ =	shalt  }
0x5f: {  	_ =	shalt  }
0x60: {  	_ =	shalt  }
0x61: {  	_ =	shalt  }
0x62: {  	_ =	shalt  }
0x63: {  	_ =	shalt  }
0x64: {  	_ =	shalt  }
0x65: {  	_ =	shalt  }
0x66: {  	_ =	shalt  }
0x67: {  	_ =	shalt  }
0x68: {  	_ =	shalt  }
0x69: {  	_ =	shalt  }
0x6a: {  	_ =	shalt  }
0x6b: {  	_ =	shalt  }
0x6c: {  	_ =	shalt  }
0x6d: {  	_ =	shalt  }
0x6e: {  	_ =	shalt  }
0x6f: {  	_ =	shalt  }
0x70: {  	_ =	shalt  }
0x71: {  	_ =	shalt  }
0x72: {  	_ =	shalt  }
0x73: {  	_ =	shalt  }
0x74: {  	_ =	shalt  }
0x75: {  	_ =	shalt  }
0x76: {  	_ =	shalt  }
0x77: {  	_ =	shalt  }
0x78: {  	_ =	shalt  }
0x79: {  	_ =	shalt  }
0x7a: {  	_ =	shalt  }
0x7b: {  	_ =	shalt  }
0x7c: {  	_ =	shalt  }
0x7d: {  	_ =	shalt  }
0x7e: {  	_ =	shalt  }
0x7f: {  	_ =	shalt  }
0x80: {  	_ =	shalt  }
0x81: {  	_ =	shalt  }
0x82: {  	_ =	shalt  }
0x83: {  	_ =	shalt  }
0x84: {  	_ =	shalt  }
0x85: {  	_ =	shalt  }
0x86: {  	_ =	shalt  }
0x87: {  	_ =	shalt  }
.Lfunc_end0:
.L_simem_size_0:
called_computation_lowered:
.L_overlay_start_0:
0x88: {  	s2 =	sld [smem:$0x3FD9]  }
0x89: {  	s3 =	sld [smem:$0x3FFE];
	_ =	sdelay $0x1  }
0x8a: {  	s1 =	srdreg.scid  }
0x8b: {  	s0 =	sand.u32 $0x1, s1  }
0x8c: {  	s14 =	sshll.u32 s0, $0xA;
	s2 =	sadd.s32 s3, s2  }
0x8d: {  	s2 =	sadd.s32 s2, s14  }
0x8e: {  	[smem:$0x3FC2] =	sst s2  }
0x8f: {  	_ = 	snop  }
0x90: {  	s2 =	sld [smem:$0x3FD0];
	_ =	sdelay $0x2  }
0x91: {  	s15 =	simm.s32 $0xA;
	s4 =	simm.s32 $0x10  }
0x92: {  	[smem:s4], [sflag:s15] =	dma.local [hbm:s2], $0x1  }
0x93: {  	_ =	swait.eq [sflag:s15], $0x1  }
0x94: {  	[sflag:s15] =	ssyncset.done $0x0  }
0x95: {  	[sflag:s15] =	ssyncadd.s32 $0xFFFFFFFF  }
0x96: {  	s16 =	sld [smem:$0x10];
	(tm) =	ssettm $0x1  }
0x97: {  	s17 =	sld [smem:$0x3FFB];
	_ =	sdelay $0x3  }
0x98: {  	_ =	strace s17  }
0x99: {  	s3 =	sld [smem:$0x3FFC];
	_ =	sdelay $0x3  }
0x9a: {  	_ =	strace s3  }
0x9b: {  	s3 =	sld [smem:$0x3FFD];
	_ =	sdelay $0x3  }
0x9c: {  	_ =	strace s3  }
0x9d: {  	_ =	strace $0x8FFFFFFF  }
0x9e: {  	s18 =	sld [smem:$0x3FDB];
	_ =	sdelay $0x1  }
0x9f: {  	s19 =	simm.s32 $_scs_section_size  }
0xa0: {  	s5 =	simm.s32 $_size__tile_overlayer_lowered;
	s6 =	simm.s32 $_tile_overlayer_lowered  }
0xa1: {  	s22 =	simm.s32 $0x1BFF;
	s21 =	sshll.u32 s6, $0x1;
	s3 =	sadd.s32 s19, s18  }
0xa2: {  	s7 =	simm.s32 $0x0;
	s20 =	sshll.u32 s5, $0x1;
	s5 =	sadd.s32 s21, s3  }
0xa3: {  	[timem:s7], [sflag:s22] =	dma.local [hbm:s5], s20  }
0xa4: {  	_ =	swait.ge [sflag:s22], s20  }
0xa5: {  	s4 =	ssub.s32 $0x0, s20;
	[sflag:s22] =	ssyncset.done $0x0  }
0xa6: {  	[sflag:s22] =	ssyncadd.s32 s4;
	_ =	sdelay $0x1  }
0xa7: {  	s23 =	simm.s32 $0x1B8B  }
0xa8: {  	_ =	swait.ge [sflag:s23], $0x1  }
0xa9: {  	[sflag:s23] =	ssyncset.done $0x0  }
0xaa: {  	s25 =	simm.s32 $0x1B8E;
	s24 =	sld [smem:$0x3FFE];
	[sflag:s23] =	ssyncadd.s32 $0xFFFFFFFF  }
0xab: {  	s26 =	simm.s32 $execute0_lowered;
	[smem:$0x3FD2] =	sst s25  }
0xac: {  	s5 =	sshll.u32 s26, $0x1;
	_ =	strace $0x80000046;
	[dreg:$0x1] =	wrdreg $0xFFFFFFFF  }
0xad: {  	s28 =	simm.s32 $_size_execute0_lowered;
	s3 =	sadd.s32 s3, s5;
	[dreg:$0x0] =	wrdreg $0x0  }
0xae: {  	s5 =	sshll.u32 s28, $0x1;
	[dreg:$0x2] =	wrdreg s3  }
0xaf: {  	[dreg:$0x3] =	wrdreg s5  }
0xb0: {  	[dreg:$0x4] =	wrdreg $0xC0  }
0xb1: {  	_ =	task [dreg:s7], $0x5FFFF  }
0xb2: {  	[dreg:$0x1] =	wrdreg $0xFFFFFFFF  }
0xb3: {  	[dreg:$0x0] =	wrdreg $0x60  }
0xb4: {  	[dreg:$0x2] =	wrdreg s24  }
0xb5: {  	[dreg:$0x3] =	wrdreg s16  }
0xb6: {  	[dreg:$0x4] =	wrdreg $0x9  }
0xb7: {  	_ =	task.clear_ibuf [dreg:s7], $0x5FFFF;
	_ =	strace $0x90000046  }
0xb8: {  	s29 =	simm.s32 $0x9;
	_ =	strace $0x80000048  }
0xb9: {  	_ =	swait.ge [sflag:s29], $0x1  }
0xba: {  	[sflag:s29] =	ssyncadd.s32 $0xFFFFFFFF  }
0xbb: {  	_ =	strace $0x90000048  }
0xbc: {  	_ =	sfence  }
0xbd: {  	s30 =	sld [smem:$0x0];
	_ =	sdelay $0x2  }
0xbe: {  	s31 =	sshll.u32 s1, $0xD;
	s1 =	sshrl.u32 s1, $0x2  }
0xbf: {  	s3 =	sand.u32 $0x4000, s31;
	s1 =	sadd.s32 s1, s30  }
0xc0: {  	s0 =	sor.u32 s3, s0;
	s1 =	sshll.u32 s1, $0x11  }
0xc1: {  	s0 =	sor.u32 s1, s0  }
0xc2: {  	s0 =	sadd.s32 $0x8F2B, s0  }
0xc3: {  	[sflag:s0] =	ssyncadd.remote.s32 $0x1  }
0xc4: {  	_ =	sfence.sel $0xFFFF  }
0xc5: {  	[dreg:$0x0] =	wrdreg $0xFFFFFFFF;
	(pc) =	sbr.abs _section_cstart, $3  }
0xc6: {  	[dreg:$0x1] =	wrdreg $0xFFFFFFFF  }
0xc7: {  	_ =	task.clear_ibuf [dreg:s7], $0x2FFFF;
	_ =	strace $0x9FFFFFFF  }
0xc8: {  	(tm) =	ssettm $0x7FFFFFFF  }
0xc9: {  	_ =	shalt  }
tec
execute0_lowered:
.L_overlay_start_1:
0x0: {  	(tag) =	ssettag $0x1  }
0x1: {  	s1 =	srdreg.scid;
	s4 =	rddreg [dreg:$0x0]  }
0x2: {  	s0 =	stileid.u32;
	s6 =	rddreg [dreg:$0x1]  }
0x3: {  	s28 =	simm.s32 $0x3100;
	s29 =	simm.s32 $0x3900;
	s1 =	sand.u32 $0x1, s1  }
0x4: {  	s30 =	simm.s32 $0x6900;
	s2 =	sshll.u32 s0, $0x8;
	s3 =	sshll.u32 s1, $0x7  }
0x5: {  	s31 =	simm.s32 $0x7100;
	s7 =	sadd.s32 $0xE00, s4;
	s3 =	sor.u32 s3, s2  }
0x6: {  	s1 =	ssub.s32 $0x2, s1;
	s2 =	simm.s32 $0x0;
	s5 =	sshrl.u32 s3, $0x3  }
0x7: {  	[smem:$0x7FF] =	sst s2;
	s0 =	sshll.u32 s3, $0x6;
	s5 =	sadd.s32 s5, s4  }
0x8: {  	_ =	strace $0x80000047;
	s3 =	sadd.s32 s7, s0;
	s10 =	sadd.s32 s6, s0  }
0x9: {  	s11 =	sor.u32 $0x400, s0;
	s14 =	sor.u32 $0x800, s0;
	[dreg:$0x5] =	wrdreg s3  }
0xa: {  	s17 =	sor.u32 $0xC00, s0;
	s8 =	sadd.s32 $0x40E00, s5;
	[dreg:$0x6] =	wrdreg s10  }
0xb: {  	s9 =	sor.u32 $0x1000, s0;
	s5 =	sadd.s32 $0x41000, s5;
	[dreg:$0x3] =	wrdreg s8  }
0xc: {  	s21 =	sor.u32 $0x1400, s0;
	s12 =	sadd.s32 s7, s11;
	[dreg:$0x4] =	wrdreg s5  }
0xd: {  	s24 =	sor.u32 $0x1800, s0;
	s13 =	sadd.s32 s6, s11;
	[dreg:$0x7] =	wrdreg s12  }
0xe: {  	s15 =	sadd.s32 s7, s14;
	s16 =	sadd.s32 s6, s14;
	[dreg:$0x8] =	wrdreg s13  }
0xf: {  	s18 =	sadd.s32 s7, s17;
	s3 =	sadd.s32 $0x41200, s4;
	[dreg:$0x9] =	wrdreg s15  }
0x10: {  	s19 =	sadd.s32 s7, s9;
	s20 =	sadd.s32 s6, s9;
	[dreg:$0xa] =	wrdreg s16  }
0x11: {  	s22 =	sadd.s32 s7, s21;
	s23 =	sadd.s32 s6, s21;
	[dreg:$0xb] =	wrdreg s18  }
0x12: {  	s10 =	sshrl.u32 s1, $0x1;
	s25 =	sadd.s32 s7, s24;
	[dreg:$0xd] =	wrdreg s19  }
0x13: {  	s26 =	sadd.s32 s6, s24;
	s4 =	sadd.s32 $0x41300, s4;
	[dreg:$0xe] =	wrdreg s20  }
0x14: {  	s11 =	simm.s32 $0x4100;
	s14 =	simm.s32 $0x1;
	[dreg:$0xf] =	wrdreg s22  }
0x15: {  	s21 =	simm.s32 $0x5900;
	s24 =	simm.s32 $0x2;
	[dreg:$0x10] =	wrdreg s23  }
0x16: {  	s5 =	sadd.s32 s6, s17;
	s1 =	ssub.s32 s1, s10;
	[dreg:$0x11] =	wrdreg s25  }
0x17: {  	[dreg:$0x12] =	wrdreg s26;
	s8 =	sor.u32 $0x1C00, s0;
	s10 =	simm.s32 $0x100  }
0x18: {  	s12 =	simm.s32 $0x2100;
	s13 =	simm.s32 $0x6100;
	s15 =	simm.s32 $0x3  }
0x19: {  	s16 =	simm.s32 $0x900;
	s17 =	simm.s32 $0x1100;
	s18 =	simm.s32 $0x1900  }
0x1a: {  	s19 =	simm.s32 $0x4900;
	s20 =	simm.s32 $0x5100;
	s22 =	simm.s32 $0x5  }
0x1b: {  	v2 =	vlaneseq.u32;
	s23 =	simm.s32 $0x6;
	s25 =	simm.s32 $0x4;
	s26 =	simm.s32 $0x2900  }
0x1c: {  	vm0 =	vmmov $0xffff;
	v1 =	vshrl.u32 v2, $0x3;
	[dreg:$0xc] =	wrdreg s5;
	s5 =	sadd.s32 s7, s8;
	s6 =	sadd.s32 s6, s8  }
0x1d: {  	v0 =	vand.u32 $0x7, v2;
	v2 =	vor.u32 $0x8, v2;
	v1 =	vmul.u32 $0x8, v1;
	s7 =	smax.u32 s1, $0x1;
	s8 =	simm.s32 $0x7;
	s1 =	simm.s32 $0x7900  }
.LBB2_1:
0x1e: {  	s0 =	rddreg [dreg:$0x3]  }
0x1f: {  	[tilespmem:s2], [sflag:$0x7] =	stream.linear.gather [hbm4b:s0+s2], $0x80, $0x38;
	[tilespmem:$0x8100] =	vst v63  }
0x20: {  	_ =	swait.ge [sflag:s8], $0x80  }
0x21: {  	[sflag:s8] =	ssyncset.done $0x0  }
0x22: {  	s9 =	simm.s32 $0x80;
	s0 =	rddreg [dreg:$0x4];
	[sflag:s8] =	ssyncadd.s32 $0xFFFFFF80  }
0x23: {  	[tilespmem:s9], [sflag:$0x7] =	stream.linear.gather [hbm4b:s0+s2], $0x80, $0x38;
	[tilespmem:$0x8100] =	vst v63  }
0x24: {  	_ =	swait.ge [sflag:s8], $0x80  }
0x25: {  	[sflag:s8] =	ssyncset.done $0x0  }
0x26: {  	s0 =	rddreg [dreg:$0x5];
	[sflag:s8] =	ssyncadd.s32 $0xFFFFFF80  }
0x27: {  	[tilespmem:s10], [sflag:$0x1] =	stream.linear.gather [hbm4b:s0+s2], $0x2000, $0x38;
	[tilespmem:$0x8100] =	vst v63  }
0x28: {  	s9 =	rddreg [dreg:$0x6]  }
0x29: {  	[tilespmem:s11], [sflag:$0x3] =	stream.linear.gather [hbm4b:s9+s2], $0x2000, $0x38;
	[tilespmem:$0x8100] =	vst v63  }
0x2a: {  	s0 =	rddreg [dreg:$0x7]  }
0x2b: {  	[tilespmem:s12], [sflag:$0x2] =	stream.linear.gather [hbm4b:s0+s2], $0x2000, $0x38;
	[tilespmem:$0x8100] =	vst v63  }
0x2c: {  	s9 =	rddreg [dreg:$0x8]  }
0x2d: {  	[tilespmem:s13], [sflag:$0x4] =	stream.linear.gather [hbm4b:s9+s2], $0x2000, $0x38;
	[tilespmem:$0x8100] =	vst v63  }
0x2e: {  	_ =	swait.ge [sflag:s14], $0x2000  }
0x2f: {  	[sflag:s14] =	ssyncset.done $0x0  }
0x30: {  	[sflag:s14] =	ssyncadd.s32 $0xFFFFE000  }
0x31: {  	_ =	swait.ge [sflag:s15], $0x2000  }
0x32: {  	[sflag:s15] =	ssyncset.done $0x0  }
0x33: {  	[sflag:s15] =	ssyncadd.s32 $0xFFFFE000  }
0x34: {  	v3 =	vld [tilespmem:$0x0];
	_ =	sdelay $0x4  }
0x35: {  	v4 =	vshll.u32 v3, $0x2  }
0x36: {  	v3 =	vand.u32 $0x7, v3;
	v4 =	vand.u32 $0xFFFFFFE0, v4  }
0x37: {  	v3 =	vor.u32 v3, v4  }
0x38: {  	v4 =	vperm.xlane v3, v0;
	_ =	sdelay $0x1  }
0x39: {  	v4 =	vadd.s32 v1, v4;
	_ =	sdelay $0x1  }
0x3a: {  	v3 =	vperm.xlane v3, v2;
	_ =	sdelay $0x1  }
0x3b: {  	v3 =	vadd.s32 v1, v3  }
0x3c: {  	[hbm4b:s3+s2] =	stream.indirect_vreg.scatter [tilespmem:s10], [sflag:$0x5], $0x80, v4, vm0, $0xb8;
	[tilespmem:$0x8100] =	vst v63  }
0x3d: {  	_ = 	snop  }
0x3e: {  	[hbm4b:s4+s2] =	stream.indirect_vreg.scatter [tilespmem:s16], [sflag:$0x5], $0x80, v4, vm0, $0xb8;
	[tilespmem:$0x8100] =	vst v63  }
0x3f: {  	_ = 	snop  }
0x40: {  	[hbm4b:s3+s2] =	stream.indirect_vreg.scatter [tilespmem:s17], [sflag:$0x5], $0x80, v3, vm0, $0xb8;
	[tilespmem:$0x8100] =	vst v63  }
0x41: {  	_ = 	snop  }
0x42: {  	[hbm4b:s4+s2] =	stream.indirect_vreg.scatter [tilespmem:s18], [sflag:$0x5], $0x80, v3, vm0, $0xb8;
	[tilespmem:$0x8100] =	vst v63  }
0x43: {  	v3 =	vld [tilespmem:$0x80];
	_ =	sdelay $0x4  }
0x44: {  	v49 =	vshll.u32 v3, $0x2  }
0x45: {  	v3 =	vand.u32 $0x7, v3;
	v4 =	vand.u32 $0xFFFFFFE0, v49  }
0x46: {  	v3 =	vor.u32 v3, v4  }
0x47: {  	v4 =	vperm.xlane v3, v0;
	_ =	sdelay $0x1  }
0x48: {  	v4 =	vadd.s32 v1, v4;
	_ =	sdelay $0x1  }
0x49: {  	v3 =	vperm.xlane v3, v2;
	_ =	sdelay $0x1  }
0x4a: {  	v3 =	vadd.s32 v1, v3  }
0x4b: {  	[hbm4b:s3+s2] =	stream.indirect_vreg.scatter [tilespmem:s11], [sflag:$0x6], $0x80, v4, vm0, $0xb8;
	[tilespmem:$0x8100] =	vst v63  }
0x4c: {  	_ = 	snop  }
0x4d: {  	[hbm4b:s4+s2] =	stream.indirect_vreg.scatter [tilespmem:s19], [sflag:$0x6], $0x80, v4, vm0, $0xb8;
	[tilespmem:$0x8100] =	vst v63  }
0x4e: {  	_ = 	snop  }
0x4f: {  	[hbm4b:s3+s2] =	stream.indirect_vreg.scatter [tilespmem:s20], [sflag:$0x6], $0x80, v3, vm0, $0xb8;
	[tilespmem:$0x8100] =	vst v63  }
0x50: {  	_ = 	snop  }
0x51: {  	[hbm4b:s4+s2] =	stream.indirect_vreg.scatter [tilespmem:s21], [sflag:$0x6], $0x80, v3, vm0, $0xb8;
	[tilespmem:$0x8100] =	vst v63  }
0x52: {  	_ =	swait.ge [sflag:s22], $0x2000  }
0x53: {  	[sflag:s22] =	ssyncset.done $0x0  }
0x54: {  	[sflag:s22] =	ssyncadd.s32 $0xFFFFE000  }
0x55: {  	_ =	swait.ge [sflag:s23], $0x2000  }
0x56: {  	[sflag:s23] =	ssyncset.done $0x0  }
0x57: {  	s0 =	rddreg [dreg:$0x9];
	[sflag:s23] =	ssyncadd.s32 $0xFFFFE000  }
0x58: {  	[tilespmem:s10], [sflag:$0x1] =	stream.linear.gather [hbm4b:s0+s2], $0x2000, $0x38;
	[tilespmem:$0x8100] =	vst v63  }
0x59: {  	s9 =	rddreg [dreg:$0xa]  }
0x5a: {  	[tilespmem:s11], [sflag:$0x3] =	stream.linear.gather [hbm4b:s9+s2], $0x2000, $0x38;
	[tilespmem:$0x8100] =	vst v63  }
0x5b: {  	_ =	swait.ge [sflag:s24], $0x2000  }
0x5c: {  	[sflag:s24] =	ssyncset.done $0x0  }
0x5d: {  	[sflag:s24] =	ssyncadd.s32 $0xFFFFE000  }
0x5e: {  	_ =	swait.ge [sflag:s25], $0x2000  }
0x5f: {  	[sflag:s25] =	ssyncset.done $0x0  }
0x60: {  	[sflag:s25] =	ssyncadd.s32 $0xFFFFE000  }
0x61: {  	v3 =	vld [tilespmem:$0x10];
	_ =	sdelay $0x4  }
0x62: {  	v50 =	vshll.u32 v3, $0x2  }
0x63: {  	v3 =	vand.u32 $0x7, v3;
	v4 =	vand.u32 $0xFFFFFFE0, v50  }
0x64: {  	v3 =	vor.u32 v3, v4  }
0x65: {  	v4 =	vperm.xlane v3, v0;
	_ =	sdelay $0x1  }
0x66: {  	v4 =	vadd.s32 v1, v4;
	_ =	sdelay $0x1  }
0x67: {  	v3 =	vperm.xlane v3, v2;
	_ =	sdelay $0x1  }
0x68: {  	v3 =	vadd.s32 v1, v3  }
0x69: {  	[hbm4b:s3+s2] =	stream.indirect_vreg.scatter [tilespmem:s12], [sflag:$0x5], $0x80, v4, vm0, $0xb8;
	[tilespmem:$0x8100] =	vst v63  }
0x6a: {  	_ = 	snop  }
0x6b: {  	[hbm4b:s4+s2] =	stream.indirect_vreg.scatter [tilespmem:s26], [sflag:$0x5], $0x80, v4, vm0, $0xb8;
	[tilespmem:$0x8100] =	vst v63  }
0x6c: {  	_ = 	snop  }
0x6d: {  	[hbm4b:s3+s2] =	stream.indirect_vreg.scatter [tilespmem:s28], [sflag:$0x5], $0x80, v3, vm0, $0xb8;
	[tilespmem:$0x8100] =	vst v63  }
0x6e: {  	_ = 	snop  }
0x6f: {  	[hbm4b:s4+s2] =	stream.indirect_vreg.scatter [tilespmem:s29], [sflag:$0x5], $0x80, v3, vm0, $0xb8;
	[tilespmem:$0x8100] =	vst v63  }
0x70: {  	v3 =	vld [tilespmem:$0x90];
	_ =	sdelay $0x4  }
0x71: {  	v51 =	vshll.u32 v3, $0x2  }
0x72: {  	v3 =	vand.u32 $0x7, v3;
	v4 =	vand.u32 $0xFFFFFFE0, v51  }
0x73: {  	v3 =	vor.u32 v3, v4  }
0x74: {  	v4 =	vperm.xlane v3, v0;
	_ =	sdelay $0x1  }
0x75: {  	v4 =	vadd.s32 v1, v4;
	_ =	sdelay $0x1  }
0x76: {  	v3 =	vperm.xlane v3, v2;
	_ =	sdelay $0x1  }
0x77: {  	v3 =	vadd.s32 v1, v3  }
0x78: {  	[hbm4b:s3+s2] =	stream.indirect_vreg.scatter [tilespmem:s13], [sflag:$0x6], $0x80, v4, vm0, $0xb8;
	[tilespmem:$0x8100] =	vst v63  }
0x79: {  	_ = 	snop  }
0x7a: {  	[hbm4b:s4+s2] =	stream.indirect_vreg.scatter [tilespmem:s30], [sflag:$0x6], $0x80, v4, vm0, $0xb8;
	[tilespmem:$0x8100] =	vst v63  }
0x7b: {  	_ = 	snop  }
0x7c: {  	[hbm4b:s3+s2] =	stream.indirect_vreg.scatter [tilespmem:s31], [sflag:$0x6], $0x80, v3, vm0, $0xb8;
	[tilespmem:$0x8100] =	vst v63  }
0x7d: {  	_ = 	snop  }
0x7e: {  	[hbm4b:s4+s2] =	stream.indirect_vreg.scatter [tilespmem:s1], [sflag:$0x6], $0x80, v3, vm0, $0xb8;
	[tilespmem:$0x8100] =	vst v63  }
0x7f: {  	_ =	swait.ge [sflag:s22], $0x2000  }
0x80: {  	[sflag:s22] =	ssyncset.done $0x0  }
0x81: {  	[sflag:s22] =	ssyncadd.s32 $0xFFFFE000  }
0x82: {  	_ =	swait.ge [sflag:s23], $0x2000  }
0x83: {  	[sflag:s23] =	ssyncset.done $0x0  }
0x84: {  	s0 =	rddreg [dreg:$0xb];
	[sflag:s23] =	ssyncadd.s32 $0xFFFFE000  }
0x85: {  	[tilespmem:s12], [sflag:$0x2] =	stream.linear.gather [hbm4b:s0+s2], $0x2000, $0x38;
	[tilespmem:$0x8100] =	vst v63  }
0x86: {  	s9 =	rddreg [dreg:$0xc]  }
0x87: {  	[tilespmem:s13], [sflag:$0x4] =	stream.linear.gather [hbm4b:s9+s2], $0x2000, $0x38;
	[tilespmem:$0x8100] =	vst v63  }
0x88: {  	_ =	swait.ge [sflag:s14], $0x2000  }
0x89: {  	[sflag:s14] =	ssyncset.done $0x0  }
0x8a: {  	[sflag:s14] =	ssyncadd.s32 $0xFFFFE000  }
0x8b: {  	_ =	swait.ge [sflag:s15], $0x2000  }
0x8c: {  	[sflag:s15] =	ssyncset.done $0x0  }
0x8d: {  	[sflag:s15] =	ssyncadd.s32 $0xFFFFE000  }
0x8e: {  	v3 =	vld [tilespmem:$0x20];
	_ =	sdelay $0x4  }
0x8f: {  	v52 =	vshll.u32 v3, $0x2  }
0x90: {  	v3 =	vand.u32 $0x7, v3;
	v4 =	vand.u32 $0xFFFFFFE0, v52  }
0x91: {  	v3 =	vor.u32 v3, v4  }
0x92: {  	v4 =	vperm.xlane v3, v0;
	_ =	sdelay $0x1  }
0x93: {  	v4 =	vadd.s32 v1, v4;
	_ =	sdelay $0x1  }
0x94: {  	v3 =	vperm.xlane v3, v2;
	_ =	sdelay $0x1  }
0x95: {  	v3 =	vadd.s32 v1, v3  }
0x96: {  	[hbm4b:s3+s2] =	stream.indirect_vreg.scatter [tilespmem:s10], [sflag:$0x5], $0x80, v4, vm0, $0xb8;
	[tilespmem:$0x8100] =	vst v63  }
0x97: {  	_ = 	snop  }
0x98: {  	[hbm4b:s4+s2] =	stream.indirect_vreg.scatter [tilespmem:s16], [sflag:$0x5], $0x80, v4, vm0, $0xb8;
	[tilespmem:$0x8100] =	vst v63  }
0x99: {  	_ = 	snop  }
0x9a: {  	[hbm4b:s3+s2] =	stream.indirect_vreg.scatter [tilespmem:s17], [sflag:$0x5], $0x80, v3, vm0, $0xb8;
	[tilespmem:$0x8100] =	vst v63  }
0x9b: {  	_ = 	snop  }
0x9c: {  	[hbm4b:s4+s2] =	stream.indirect_vreg.scatter [tilespmem:s18], [sflag:$0x5], $0x80, v3, vm0, $0xb8;
	[tilespmem:$0x8100] =	vst v63  }
0x9d: {  	v3 =	vld [tilespmem:$0xA0];
	_ =	sdelay $0x4  }
0x9e: {  	v53 =	vshll.u32 v3, $0x2  }
0x9f: {  	v3 =	vand.u32 $0x7, v3;
	v4 =	vand.u32 $0xFFFFFFE0, v53  }
0xa0: {  	v3 =	vor.u32 v3, v4  }
0xa1: {  	v4 =	vperm.xlane v3, v0;
	_ =	sdelay $0x1  }
0xa2: {  	v4 =	vadd.s32 v1, v4;
	_ =	sdelay $0x1  }
0xa3: {  	v3 =	vperm.xlane v3, v2;
	_ =	sdelay $0x1  }
0xa4: {  	v3 =	vadd.s32 v1, v3  }
0xa5: {  	[hbm4b:s3+s2] =	stream.indirect_vreg.scatter [tilespmem:s11], [sflag:$0x6], $0x80, v4, vm0, $0xb8;
	[tilespmem:$0x8100] =	vst v63  }
0xa6: {  	_ = 	snop  }
0xa7: {  	[hbm4b:s4+s2] =	stream.indirect_vreg.scatter [tilespmem:s19], [sflag:$0x6], $0x80, v4, vm0, $0xb8;
	[tilespmem:$0x8100] =	vst v63  }
0xa8: {  	_ = 	snop  }
0xa9: {  	[hbm4b:s3+s2] =	stream.indirect_vreg.scatter [tilespmem:s20], [sflag:$0x6], $0x80, v3, vm0, $0xb8;
	[tilespmem:$0x8100] =	vst v63  }
0xaa: {  	_ = 	snop  }
0xab: {  	[hbm4b:s4+s2] =	stream.indirect_vreg.scatter [tilespmem:s21], [sflag:$0x6], $0x80, v3, vm0, $0xb8;
	[tilespmem:$0x8100] =	vst v63  }
0xac: {  	_ =	swait.ge [sflag:s22], $0x2000  }
0xad: {  	[sflag:s22] =	ssyncset.done $0x0  }
0xae: {  	[sflag:s22] =	ssyncadd.s32 $0xFFFFE000  }
0xaf: {  	_ =	swait.ge [sflag:s23], $0x2000  }
0xb0: {  	[sflag:s23] =	ssyncset.done $0x0  }
0xb1: {  	s0 =	rddreg [dreg:$0xd];
	[sflag:s23] =	ssyncadd.s32 $0xFFFFE000  }
0xb2: {  	[tilespmem:s10], [sflag:$0x1] =	stream.linear.gather [hbm4b:s0+s2], $0x2000, $0x38;
	[tilespmem:$0x8100] =	vst v63  }
0xb3: {  	s9 =	rddreg [dreg:$0xe]  }
0xb4: {  	[tilespmem:s11], [sflag:$0x3] =	stream.linear.gather [hbm4b:s9+s2], $0x2000, $0x38;
	[tilespmem:$0x8100] =	vst v63  }
0xb5: {  	_ =	swait.ge [sflag:s24], $0x2000  }
0xb6: {  	[sflag:s24] =	ssyncset.done $0x0  }
0xb7: {  	[sflag:s24] =	ssyncadd.s32 $0xFFFFE000  }
0xb8: {  	_ =	swait.ge [sflag:s25], $0x2000  }
0xb9: {  	[sflag:s25] =	ssyncset.done $0x0  }
0xba: {  	[sflag:s25] =	ssyncadd.s32 $0xFFFFE000  }
0xbb: {  	v3 =	vld [tilespmem:$0x30];
	_ =	sdelay $0x4  }
0xbc: {  	v54 =	vshll.u32 v3, $0x2  }
0xbd: {  	v3 =	vand.u32 $0x7, v3;
	v4 =	vand.u32 $0xFFFFFFE0, v54  }
0xbe: {  	v3 =	vor.u32 v3, v4  }
0xbf: {  	v4 =	vperm.xlane v3, v0;
	_ =	sdelay $0x1  }
0xc0: {  	v4 =	vadd.s32 v1, v4;
	_ =	sdelay $0x1  }
0xc1: {  	v3 =	vperm.xlane v3, v2;
	_ =	sdelay $0x1  }
0xc2: {  	v3 =	vadd.s32 v1, v3  }
0xc3: {  	[hbm4b:s3+s2] =	stream.indirect_vreg.scatter [tilespmem:s12], [sflag:$0x5], $0x80, v4, vm0, $0xb8;
	[tilespmem:$0x8100] =	vst v63  }
0xc4: {  	_ = 	snop  }
0xc5: {  	[hbm4b:s4+s2] =	stream.indirect_vreg.scatter [tilespmem:s26], [sflag:$0x5], $0x80, v4, vm0, $0xb8;
	[tilespmem:$0x8100] =	vst v63  }
0xc6: {  	_ = 	snop  }
0xc7: {  	[hbm4b:s3+s2] =	stream.indirect_vreg.scatter [tilespmem:s28], [sflag:$0x5], $0x80, v3, vm0, $0xb8;
	[tilespmem:$0x8100] =	vst v63  }
0xc8: {  	_ = 	snop  }
0xc9: {  	[hbm4b:s4+s2] =	stream.indirect_vreg.scatter [tilespmem:s29], [sflag:$0x5], $0x80, v3, vm0, $0xb8;
	[tilespmem:$0x8100] =	vst v63  }
0xca: {  	v3 =	vld [tilespmem:$0xB0];
	_ =	sdelay $0x4  }
0xcb: {  	v55 =	vshll.u32 v3, $0x2  }
0xcc: {  	v3 =	vand.u32 $0x7, v3;
	v4 =	vand.u32 $0xFFFFFFE0, v55  }
0xcd: {  	v3 =	vor.u32 v3, v4  }
0xce: {  	v4 =	vperm.xlane v3, v0;
	_ =	sdelay $0x1  }
0xcf: {  	v4 =	vadd.s32 v1, v4;
	_ =	sdelay $0x1  }
0xd0: {  	v3 =	vperm.xlane v3, v2;
	_ =	sdelay $0x1  }
0xd1: {  	v3 =	vadd.s32 v1, v3  }
0xd2: {  	[hbm4b:s3+s2] =	stream.indirect_vreg.scatter [tilespmem:s13], [sflag:$0x6], $0x80, v4, vm0, $0xb8;
	[tilespmem:$0x8100] =	vst v63  }
0xd3: {  	_ = 	snop  }
0xd4: {  	[hbm4b:s4+s2] =	stream.indirect_vreg.scatter [tilespmem:s30], [sflag:$0x6], $0x80, v4, vm0, $0xb8;
	[tilespmem:$0x8100] =	vst v63  }
0xd5: {  	_ = 	snop  }
0xd6: {  	[hbm4b:s3+s2] =	stream.indirect_vreg.scatter [tilespmem:s31], [sflag:$0x6], $0x80, v3, vm0, $0xb8;
	[tilespmem:$0x8100] =	vst v63  }
0xd7: {  	_ = 	snop  }
0xd8: {  	[hbm4b:s4+s2] =	stream.indirect_vreg.scatter [tilespmem:s1], [sflag:$0x6], $0x80, v3, vm0, $0xb8;
	[tilespmem:$0x8100] =	vst v63  }
0xd9: {  	_ =	swait.ge [sflag:s22], $0x2000  }
0xda: {  	[sflag:s22] =	ssyncset.done $0x0  }
0xdb: {  	[sflag:s22] =	ssyncadd.s32 $0xFFFFE000  }
0xdc: {  	_ =	swait.ge [sflag:s23], $0x2000  }
0xdd: {  	[sflag:s23] =	ssyncset.done $0x0  }
0xde: {  	s0 =	rddreg [dreg:$0xf];
	[sflag:s23] =	ssyncadd.s32 $0xFFFFE000  }
0xdf: {  	[tilespmem:s12], [sflag:$0x2] =	stream.linear.gather [hbm4b:s0+s2], $0x2000, $0x38;
	[tilespmem:$0x8100] =	vst v63  }
0xe0: {  	s9 =	rddreg [dreg:$0x10]  }
0xe1: {  	[tilespmem:s13], [sflag:$0x4] =	stream.linear.gather [hbm4b:s9+s2], $0x2000, $0x38;
	[tilespmem:$0x8100] =	vst v63  }
0xe2: {  	_ =	swait.ge [sflag:s14], $0x2000  }
0xe3: {  	[sflag:s14] =	ssyncset.done $0x0  }
0xe4: {  	[sflag:s14] =	ssyncadd.s32 $0xFFFFE000  }
0xe5: {  	_ =	swait.ge [sflag:s15], $0x2000  }
0xe6: {  	[sflag:s15] =	ssyncset.done $0x0  }
0xe7: {  	[sflag:s15] =	ssyncadd.s32 $0xFFFFE000  }
0xe8: {  	v3 =	vld [tilespmem:$0x40];
	_ =	sdelay $0x4  }
0xe9: {  	v56 =	vshll.u32 v3, $0x2  }
0xea: {  	v3 =	vand.u32 $0x7, v3;
	v4 =	vand.u32 $0xFFFFFFE0, v56  }
0xeb: {  	v3 =	vor.u32 v3, v4  }
0xec: {  	v4 =	vperm.xlane v3, v0;
	_ =	sdelay $0x1  }
0xed: {  	v4 =	vadd.s32 v1, v4;
	_ =	sdelay $0x1  }
0xee: {  	v3 =	vperm.xlane v3, v2;
	_ =	sdelay $0x1  }
0xef: {  	v3 =	vadd.s32 v1, v3  }
0xf0: {  	[hbm4b:s3+s2] =	stream.indirect_vreg.scatter [tilespmem:s10], [sflag:$0x5], $0x80, v4, vm0, $0xb8;
	[tilespmem:$0x8100] =	vst v63  }
0xf1: {  	_ = 	snop  }
0xf2: {  	[hbm4b:s4+s2] =	stream.indirect_vreg.scatter [tilespmem:s16], [sflag:$0x5], $0x80, v4, vm0, $0xb8;
	[tilespmem:$0x8100] =	vst v63  }
0xf3: {  	_ = 	snop  }
0xf4: {  	[hbm4b:s3+s2] =	stream.indirect_vreg.scatter [tilespmem:s17], [sflag:$0x5], $0x80, v3, vm0, $0xb8;
	[tilespmem:$0x8100] =	vst v63  }
0xf5: {  	_ = 	snop  }
0xf6: {  	[hbm4b:s4+s2] =	stream.indirect_vreg.scatter [tilespmem:s18], [sflag:$0x5], $0x80, v3, vm0, $0xb8;
	[tilespmem:$0x8100] =	vst v63  }
0xf7: {  	v3 =	vld [tilespmem:$0xC0];
	_ =	sdelay $0x4  }
0xf8: {  	v57 =	vshll.u32 v3, $0x2  }
0xf9: {  	v3 =	vand.u32 $0x7, v3;
	v4 =	vand.u32 $0xFFFFFFE0, v57  }
0xfa: {  	v3 =	vor.u32 v3, v4  }
0xfb: {  	v4 =	vperm.xlane v3, v0;
	_ =	sdelay $0x1  }
0xfc: {  	v4 =	vadd.s32 v1, v4;
	_ =	sdelay $0x1  }
0xfd: {  	v3 =	vperm.xlane v3, v2;
	_ =	sdelay $0x1  }
0xfe: {  	v3 =	vadd.s32 v1, v3  }
0xff: {  	[hbm4b:s3+s2] =	stream.indirect_vreg.scatter [tilespmem:s11], [sflag:$0x6], $0x80, v4, vm0, $0xb8;
	[tilespmem:$0x8100] =	vst v63  }
0x100: {  	_ = 	snop  }
0x101: {  	[hbm4b:s4+s2] =	stream.indirect_vreg.scatter [tilespmem:s19], [sflag:$0x6], $0x80, v4, vm0, $0xb8;
	[tilespmem:$0x8100] =	vst v63  }
0x102: {  	_ = 	snop  }
0x103: {  	[hbm4b:s3+s2] =	stream.indirect_vreg.scatter [tilespmem:s20], [sflag:$0x6], $0x80, v3, vm0, $0xb8;
	[tilespmem:$0x8100] =	vst v63  }
0x104: {  	_ = 	snop  }
0x105: {  	[hbm4b:s4+s2] =	stream.indirect_vreg.scatter [tilespmem:s21], [sflag:$0x6], $0x80, v3, vm0, $0xb8;
	[tilespmem:$0x8100] =	vst v63  }
0x106: {  	_ =	swait.ge [sflag:s22], $0x2000  }
0x107: {  	[sflag:s22] =	ssyncset.done $0x0  }
0x108: {  	[sflag:s22] =	ssyncadd.s32 $0xFFFFE000  }
0x109: {  	_ =	swait.ge [sflag:s23], $0x2000  }
0x10a: {  	[sflag:s23] =	ssyncset.done $0x0  }
0x10b: {  	s0 =	rddreg [dreg:$0x11];
	[sflag:s23] =	ssyncadd.s32 $0xFFFFE000  }
0x10c: {  	[tilespmem:s10], [sflag:$0x1] =	stream.linear.gather [hbm4b:s0+s2], $0x2000, $0x38;
	[tilespmem:$0x8100] =	vst v63  }
0x10d: {  	s9 =	rddreg [dreg:$0x12]  }
0x10e: {  	[tilespmem:s11], [sflag:$0x3] =	stream.linear.gather [hbm4b:s9+s2], $0x2000, $0x38;
	[tilespmem:$0x8100] =	vst v63  }
0x10f: {  	_ =	swait.ge [sflag:s24], $0x2000  }
0x110: {  	[sflag:s24] =	ssyncset.done $0x0  }
0x111: {  	[sflag:s24] =	ssyncadd.s32 $0xFFFFE000  }
0x112: {  	_ =	swait.ge [sflag:s25], $0x2000  }
0x113: {  	[sflag:s25] =	ssyncset.done $0x0  }
0x114: {  	[sflag:s25] =	ssyncadd.s32 $0xFFFFE000  }
0x115: {  	v3 =	vld [tilespmem:$0x50];
	_ =	sdelay $0x4  }
0x116: {  	v58 =	vshll.u32 v3, $0x2  }
0x117: {  	v3 =	vand.u32 $0x7, v3;
	v4 =	vand.u32 $0xFFFFFFE0, v58  }
0x118: {  	v3 =	vor.u32 v3, v4  }
0x119: {  	v4 =	vperm.xlane v3, v0;
	_ =	sdelay $0x1  }
0x11a: {  	v4 =	vadd.s32 v1, v4;
	_ =	sdelay $0x1  }
0x11b: {  	v3 =	vperm.xlane v3, v2;
	_ =	sdelay $0x1  }
0x11c: {  	v3 =	vadd.s32 v1, v3  }
0x11d: {  	[hbm4b:s3+s2] =	stream.indirect_vreg.scatter [tilespmem:s12], [sflag:$0x5], $0x80, v4, vm0, $0xb8;
	[tilespmem:$0x8100] =	vst v63  }
0x11e: {  	_ = 	snop  }
0x11f: {  	[hbm4b:s4+s2] =	stream.indirect_vreg.scatter [tilespmem:s26], [sflag:$0x5], $0x80, v4, vm0, $0xb8;
	[tilespmem:$0x8100] =	vst v63  }
0x120: {  	_ = 	snop  }
0x121: {  	[hbm4b:s3+s2] =	stream.indirect_vreg.scatter [tilespmem:s28], [sflag:$0x5], $0x80, v3, vm0, $0xb8;
	[tilespmem:$0x8100] =	vst v63  }
0x122: {  	_ = 	snop  }
0x123: {  	[hbm4b:s4+s2] =	stream.indirect_vreg.scatter [tilespmem:s29], [sflag:$0x5], $0x80, v3, vm0, $0xb8;
	[tilespmem:$0x8100] =	vst v63  }
0x124: {  	v3 =	vld [tilespmem:$0xD0];
	_ =	sdelay $0x4  }
0x125: {  	v59 =	vshll.u32 v3, $0x2  }
0x126: {  	v3 =	vand.u32 $0x7, v3;
	v4 =	vand.u32 $0xFFFFFFE0, v59  }
0x127: {  	v3 =	vor.u32 v3, v4  }
0x128: {  	v4 =	vperm.xlane v3, v0;
	_ =	sdelay $0x1  }
0x129: {  	v4 =	vadd.s32 v1, v4;
	_ =	sdelay $0x1  }
0x12a: {  	v3 =	vperm.xlane v3, v2;
	_ =	sdelay $0x1  }
0x12b: {  	v3 =	vadd.s32 v1, v3  }
0x12c: {  	[hbm4b:s3+s2] =	stream.indirect_vreg.scatter [tilespmem:s13], [sflag:$0x6], $0x80, v4, vm0, $0xb8;
	[tilespmem:$0x8100] =	vst v63  }
0x12d: {  	_ = 	snop  }
0x12e: {  	[hbm4b:s4+s2] =	stream.indirect_vreg.scatter [tilespmem:s30], [sflag:$0x6], $0x80, v4, vm0, $0xb8;
	[tilespmem:$0x8100] =	vst v63  }
0x12f: {  	_ = 	snop  }
0x130: {  	[hbm4b:s3+s2] =	stream.indirect_vreg.scatter [tilespmem:s31], [sflag:$0x6], $0x80, v3, vm0, $0xb8;
	[tilespmem:$0x8100] =	vst v63  }
0x131: {  	_ = 	snop  }
0x132: {  	[hbm4b:s4+s2] =	stream.indirect_vreg.scatter [tilespmem:s1], [sflag:$0x6], $0x80, v3, vm0, $0xb8;
	[tilespmem:$0x8100] =	vst v63  }
0x133: {  	_ =	swait.ge [sflag:s22], $0x2000  }
0x134: {  	[sflag:s22] =	ssyncset.done $0x0  }
0x135: {  	[sflag:s22] =	ssyncadd.s32 $0xFFFFE000  }
0x136: {  	_ =	swait.ge [sflag:s23], $0x2000  }
0x137: {  	[sflag:s23] =	ssyncset.done $0x0  }
0x138: {  	[sflag:s23] =	ssyncadd.s32 $0xFFFFE000  }
0x139: {  	[tilespmem:s12], [sflag:$0x2] =	stream.linear.gather [hbm4b:s5+s2], $0x2000, $0x38;
	[tilespmem:$0x8100] =	vst v63  }
0x13a: {  	_ = 	snop  }
0x13b: {  	[tilespmem:s13], [sflag:$0x4] =	stream.linear.gather [hbm4b:s6+s2], $0x2000, $0x38;
	[tilespmem:$0x8100] =	vst v63  }
0x13c: {  	_ =	swait.ge [sflag:s14], $0x2000  }
0x13d: {  	[sflag:s14] =	ssyncset.done $0x0  }
0x13e: {  	[sflag:s14] =	ssyncadd.s32 $0xFFFFE000  }
0x13f: {  	_ =	swait.ge [sflag:s15], $0x2000  }
0x140: {  	[sflag:s15] =	ssyncset.done $0x0  }
0x141: {  	[sflag:s15] =	ssyncadd.s32 $0xFFFFE000  }
0x142: {  	v3 =	vld [tilespmem:$0x60];
	_ =	sdelay $0x4  }
0x143: {  	v60 =	vshll.u32 v3, $0x2  }
0x144: {  	v3 =	vand.u32 $0x7, v3;
	v4 =	vand.u32 $0xFFFFFFE0, v60  }
0x145: {  	v3 =	vor.u32 v3, v4  }
0x146: {  	v4 =	vperm.xlane v3, v0;
	_ =	sdelay $0x1  }
0x147: {  	v4 =	vadd.s32 v1, v4;
	_ =	sdelay $0x1  }
0x148: {  	v3 =	vperm.xlane v3, v2;
	_ =	sdelay $0x1  }
0x149: {  	v3 =	vadd.s32 v1, v3  }
0x14a: {  	[hbm4b:s3+s2] =	stream.indirect_vreg.scatter [tilespmem:s10], [sflag:$0x5], $0x80, v4, vm0, $0xb8;
	[tilespmem:$0x8100] =	vst v63  }
0x14b: {  	_ = 	snop  }
0x14c: {  	[hbm4b:s4+s2] =	stream.indirect_vreg.scatter [tilespmem:s16], [sflag:$0x5], $0x80, v4, vm0, $0xb8;
	[tilespmem:$0x8100] =	vst v63  }
0x14d: {  	_ = 	snop  }
0x14e: {  	[hbm4b:s3+s2] =	stream.indirect_vreg.scatter [tilespmem:s17], [sflag:$0x5], $0x80, v3, vm0, $0xb8;
	[tilespmem:$0x8100] =	vst v63  }
0x14f: {  	_ = 	snop  }
0x150: {  	[hbm4b:s4+s2] =	stream.indirect_vreg.scatter [tilespmem:s18], [sflag:$0x5], $0x80, v3, vm0, $0xb8;
	[tilespmem:$0x8100] =	vst v63  }
0x151: {  	v3 =	vld [tilespmem:$0xE0];
	_ =	sdelay $0x4  }
0x152: {  	v61 =	vshll.u32 v3, $0x2  }
0x153: {  	v3 =	vand.u32 $0x7, v3;
	v4 =	vand.u32 $0xFFFFFFE0, v61  }
0x154: {  	v3 =	vor.u32 v3, v4  }
0x155: {  	v4 =	vperm.xlane v3, v0;
	_ =	sdelay $0x1  }
0x156: {  	v4 =	vadd.s32 v1, v4;
	_ =	sdelay $0x1  }
0x157: {  	v3 =	vperm.xlane v3, v2;
	_ =	sdelay $0x1  }
0x158: {  	v3 =	vadd.s32 v1, v3  }
0x159: {  	[hbm4b:s3+s2] =	stream.indirect_vreg.scatter [tilespmem:s11], [sflag:$0x6], $0x80, v4, vm0, $0xb8;
	[tilespmem:$0x8100] =	vst v63  }
0x15a: {  	_ = 	snop  }
0x15b: {  	[hbm4b:s4+s2] =	stream.indirect_vreg.scatter [tilespmem:s19], [sflag:$0x6], $0x80, v4, vm0, $0xb8;
	[tilespmem:$0x8100] =	vst v63  }
0x15c: {  	_ = 	snop  }
0x15d: {  	[hbm4b:s3+s2] =	stream.indirect_vreg.scatter [tilespmem:s20], [sflag:$0x6], $0x80, v3, vm0, $0xb8;
	[tilespmem:$0x8100] =	vst v63  }
0x15e: {  	_ = 	snop  }
0x15f: {  	[hbm4b:s4+s2] =	stream.indirect_vreg.scatter [tilespmem:s21], [sflag:$0x6], $0x80, v3, vm0, $0xb8;
	[tilespmem:$0x8100] =	vst v63  }
0x160: {  	_ =	swait.ge [sflag:s22], $0x2000  }
0x161: {  	[sflag:s22] =	ssyncset.done $0x0  }
0x162: {  	[sflag:s22] =	ssyncadd.s32 $0xFFFFE000  }
0x163: {  	_ =	swait.ge [sflag:s23], $0x2000  }
0x164: {  	[sflag:s23] =	ssyncset.done $0x0  }
0x165: {  	[sflag:s23] =	ssyncadd.s32 $0xFFFFE000  }
0x166: {  	_ =	swait.ge [sflag:s24], $0x2000  }
0x167: {  	[sflag:s24] =	ssyncset.done $0x0  }
0x168: {  	[sflag:s24] =	ssyncadd.s32 $0xFFFFE000  }
0x169: {  	_ =	swait.ge [sflag:s25], $0x2000  }
0x16a: {  	[sflag:s25] =	ssyncset.done $0x0  }
0x16b: {  	[sflag:s25] =	ssyncadd.s32 $0xFFFFE000  }
0x16c: {  	v3 =	vld [tilespmem:$0x70];
	_ =	sdelay $0x4  }
0x16d: {  	v62 =	vshll.u32 v3, $0x2  }
0x16e: {  	v3 =	vand.u32 $0x7, v3;
	v4 =	vand.u32 $0xFFFFFFE0, v62  }
0x16f: {  	v3 =	vor.u32 v3, v4  }
0x170: {  	v4 =	vperm.xlane v3, v0;
	_ =	sdelay $0x1  }
0x171: {  	v4 =	vadd.s32 v1, v4;
	_ =	sdelay $0x1  }
0x172: {  	v3 =	vperm.xlane v3, v2;
	_ =	sdelay $0x1  }
0x173: {  	v3 =	vadd.s32 v1, v3  }
0x174: {  	[hbm4b:s3+s2] =	stream.indirect_vreg.scatter [tilespmem:s12], [sflag:$0x5], $0x80, v4, vm0, $0xb8;
	[tilespmem:$0x8100] =	vst v63  }
0x175: {  	_ = 	snop  }
0x176: {  	[hbm4b:s4+s2] =	stream.indirect_vreg.scatter [tilespmem:s26], [sflag:$0x5], $0x80, v4, vm0, $0xb8;
	[tilespmem:$0x8100] =	vst v63  }
0x177: {  	_ = 	snop  }
0x178: {  	[hbm4b:s3+s2] =	stream.indirect_vreg.scatter [tilespmem:s28], [sflag:$0x5], $0x80, v3, vm0, $0xb8;
	[tilespmem:$0x8100] =	vst v63  }
0x179: {  	_ = 	snop  }
0x17a: {  	[hbm4b:s4+s2] =	stream.indirect_vreg.scatter [tilespmem:s29], [sflag:$0x5], $0x80, v3, vm0, $0xb8;
	[tilespmem:$0x8100] =	vst v63  }
0x17b: {  	v3 =	vld [tilespmem:$0xF0];
	_ =	sdelay $0x4  }
0x17c: {  	v63 =	vshll.u32 v3, $0x2  }
0x17d: {  	v3 =	vand.u32 $0x7, v3;
	v4 =	vand.u32 $0xFFFFFFE0, v63  }
0x17e: {  	v3 =	vor.u32 v3, v4  }
0x17f: {  	v4 =	vperm.xlane v3, v0;
	_ =	sdelay $0x1  }
0x180: {  	v4 =	vadd.s32 v1, v4;
	_ =	sdelay $0x1  }
0x181: {  	v3 =	vperm.xlane v3, v2;
	_ =	sdelay $0x1  }
0x182: {  	v3 =	vadd.s32 v1, v3  }
0x183: {  	[hbm4b:s3+s2] =	stream.indirect_vreg.scatter [tilespmem:s13], [sflag:$0x6], $0x80, v4, vm0, $0xb8;
	[tilespmem:$0x8100] =	vst v63  }
0x184: {  	_ = 	snop  }
0x185: {  	[hbm4b:s4+s2] =	stream.indirect_vreg.scatter [tilespmem:s30], [sflag:$0x6], $0x80, v4, vm0, $0xb8;
	[tilespmem:$0x8100] =	vst v63  }
0x186: {  	_ = 	snop  }
0x187: {  	[hbm4b:s3+s2] =	stream.indirect_vreg.scatter [tilespmem:s31], [sflag:$0x6], $0x80, v3, vm0, $0xb8;
	[tilespmem:$0x8100] =	vst v63  }
0x188: {  	_ = 	snop  }
0x189: {  	[hbm4b:s4+s2] =	stream.indirect_vreg.scatter [tilespmem:s1], [sflag:$0x6], $0x80, v3, vm0, $0xb8;
	[tilespmem:$0x8100] =	vst v63  }
0x18a: {  	p0 =	sne.s32 s7, $0x1;
	_ =	swait.ge [sflag:s22], $0x2000  }
.Ltmp0:
0x18b: {  	[sflag:s22] =	ssyncset.done $0x0;
	(pc) =	sbr.rel @p0 .LBB2_1-.Ltmp0, $4  }
0x18c: {  	[sflag:s22] =	ssyncadd.s32 $0xFFFFE000  }
0x18d: {  	_ =	swait.ge [sflag:s23], $0x2000  }
0x18e: {  	[sflag:s23] =	ssyncset.done $0x0  }
0x18f: {  	s7 =	sadd.s32 $0xFFFFFFFF, s7;
	[sflag:s23] =	ssyncadd.s32 $0xFFFFE000  }
0x190: {  	_ =	sfence.sel $0x180000  }
0x191: {  	[bflag:$0x0] =	sbarrier.arrive $0xFFFF  }
0x192: {  	_ =	strace $0x90000047  }
0x193: {  	s0 =	stileid.u32;
	[bflag:$0x2] =	sbarrier.arrive $0xFFFF  }
0x194: {  	p0 =	sne.s32 s0, $0x0;
	s0 =	rddreg [dreg:$0x2]  }
0x195: {  	s0 =	sadd.s32 @!p0 $0x100000, s0  }
0x196: {  	[sflag:s0] =	ssyncadd.tile.s32 @!p0 $0x1;
	_ =	shalt  }
.Lfunc_end2:
_tile_overlayer_lowered:
.L_overlay_start_2:
0x197: {  	(tag) =	ssettag $0x2  }
0x198: {  	s0 =	rddreg [dreg:$0x0];
	s2 =	stileid.u32  }
0x199: {  	s1 =	rddreg [dreg:$0x1];
	p0 =	sne.s32 s2, $0x0  }
0x19a: {  	s3 =	rddreg [dreg:$0x2];
	[bflag:$0x3] =	sbarrier.arrive $0xFFFF;
	s2 =	simm.s32 @!p0 $0x1C07  }
0x19b: {  	[timem:s3], [sflag:s2] =	dma.local @!p0 [hbm:s0], s1  }
0x19c: {  	s0 =	simm.s32 @!p0 $0x7  }
0x19d: {  	_ =	swait.ge @!p0 [sflag:s0], s1  }
0x19e: {  	s1 =	ssub.s32 @!p0 $0x0, s1;
	[sflag:s0] =	ssyncset.done @!p0 $0x0  }
0x19f: {  	[sflag:s0] =	ssyncadd.s32 @!p0 s1  }
0x1a0: {  	[bflag:$0x3] =	sbarrier.arrive $0xFFFF  }
0x1a1: {  	_ =	shalt  }

</sc_bundles>
